<compile_context>
chip_gen: v7x
topology: tpu7x:2x2x1
jax: 0.10.2.dev20260603
libtpu: 0.0.44.dev20260713+nightly
codegen_flags: <defaults>
</compile_context>

<pallas_src>
import functools

import jax
import jax.numpy as jnp
import numpy as np
from jax import lax
from jax.experimental import pallas as pl
from jax.experimental.pallas import tpu as pltpu
from jax.experimental.pallas import tpu_sc as plsc

N = 10000
E = 160000
D = 256

NC = 2
NS = 16
NW = NC * NS

SC = 128
GC = 128
EPW = E // NW

RPS = 624
RPS_LAST = N - RPS * (NS - 1)
CH = D // NC



def _dot(a, b):
    return jnp.dot(a, b, preferred_element_type=jnp.float32)


_HI_MASK = np.int32(-65536)


def _pack_tc(x):
    bl = pltpu.bitcast(x[:, :D // 2], jnp.int32)
    bh = pltpu.bitcast(x[:, D // 2:], jnp.int32)
    tl = bl + 0x7FFF + ((bl >> 16) & 1)
    th = bh + 0x7FFF + ((bh >> 16) & 1)
    return ((tl >> 16) & 0xFFFF) | (th & _HI_MASK)


def _node_enc_body(x, w1, b1, w2, b2, wea, web, nd_o, a_o, b_o):
    h = jax.nn.gelu(_dot(x[...], w1[...]) + b1[...])
    nd = _dot(h, w2[...]) + b2[...]
    nd_o[...] = nd
    a_o[...] = _pack_tc(_dot(nd, wea[...]))
    b_o[...] = _pack_tc(_dot(nd, web[...]))


def _node_net_body(x, m, w1a, w1b, b1, w2, b2, wea, web, nd_o, a_o, b_o):
    h = jax.nn.gelu(_dot(x[...], w1a[...]) + _dot(m[...], w1b[...]) + b1[...])
    nd = _dot(h, w2[...]) + b2[...] + x[...]
    nd_o[...] = nd
    a_o[...] = _pack_tc(_dot(nd, wea[...]))
    b_o[...] = _pack_tc(_dot(nd, web[...]))


def _unpack_sum(a, b):
    lo = (pltpu.bitcast(a << 16, jnp.float32)
          + pltpu.bitcast(b << 16, jnp.float32))
    hi = (pltpu.bitcast(a & _HI_MASK, jnp.float32)
          + pltpu.bitcast(b & _HI_MASK, jnp.float32))
    return jnp.concatenate([lo, hi], axis=1)


def _edge_enc_body(ga, gb, b1, w2, b2, e_o):
    h = jax.nn.gelu(_unpack_sum(ga[...], gb[...]) + b1[...])
    e_o[...] = _dot(h, w2[...]) + b2[...]


def _edge_net_body(ga, gb, e, wc, b1, w2, b2, e_o):
    h = jax.nn.gelu(_unpack_sum(ga[...], gb[...])
                    + _dot(e[...], wc[...]) + b1[...])
    e_o[...] = _dot(h, w2[...]) + b2[...] + e[...]


_RN = 2000
_RE = 4000


def _bs_rows(r):
    return pl.BlockSpec((r, D), lambda i: (i, 0))


def _bs_pack(r):
    return pl.BlockSpec((r, D // 2), lambda i: (i, 0))


def _bs_wslice(k):
    return pl.BlockSpec((D, D), lambda i, _k=k: (_k, 0))


_BS_W = pl.BlockSpec((D, D), lambda i: (0, 0))
_BS_B = pl.BlockSpec((D,), lambda i: (0,))


def _tc_node_encoder(x, w1, b1, w2, b2, we1):
    return pl.pallas_call(
        _node_enc_body,
        grid=(N // _RN,),
        in_specs=[_bs_rows(_RN), _BS_W, _BS_B, _BS_W, _BS_B,
                  _bs_wslice(0), _bs_wslice(1)],
        out_specs=[_bs_rows(_RN), _bs_pack(_RN), _bs_pack(_RN)],
        out_shape=[jax.ShapeDtypeStruct((N, D), jnp.float32),
                   jax.ShapeDtypeStruct((N, D // 2), jnp.int32),
                   jax.ShapeDtypeStruct((N, D // 2), jnp.int32)],
    )(x, w1, b1, w2, b2, we1, we1)


def _tc_node_net(x, m, wn1, b1, w2, b2, we1):
    return pl.pallas_call(
        _node_net_body,
        grid=(N // _RN,),
        in_specs=[_bs_rows(_RN), _bs_rows(_RN), _bs_wslice(0), _bs_wslice(1),
                  _BS_B, _BS_W, _BS_B, _bs_wslice(0), _bs_wslice(1)],
        out_specs=[_bs_rows(_RN), _bs_pack(_RN), _bs_pack(_RN)],
        out_shape=[jax.ShapeDtypeStruct((N, D), jnp.float32),
                   jax.ShapeDtypeStruct((N, D // 2), jnp.int32),
                   jax.ShapeDtypeStruct((N, D // 2), jnp.int32)],
    )(x, m, wn1, wn1, b1, w2, b2, we1, we1)


def _tc_edge_encoder(ga, gb, b1, w2, b2):
    return pl.pallas_call(
        _edge_enc_body,
        grid=(E // _RE,),
        in_specs=[_bs_pack(_RE), _bs_pack(_RE), _BS_B, _BS_W, _BS_B],
        out_specs=_bs_rows(_RE),
        out_shape=jax.ShapeDtypeStruct((E, D), jnp.float32),
    )(ga, gb, b1, w2, b2)


def _tc_edge_net(ga, gb, e, we1, b1, w2, b2):
    return pl.pallas_call(
        _edge_net_body,
        grid=(E // _RE,),
        in_specs=[_bs_pack(_RE), _bs_pack(_RE), _bs_rows(_RE), _bs_wslice(2),
                  _BS_B, _BS_W, _BS_B],
        out_specs=_bs_rows(_RE),
        out_shape=jax.ShapeDtypeStruct((E, D), jnp.float32),
    )(ga, gb, e, we1, b1, w2, b2)



GFULL = EPW // GC
GTAIL = EPW - GFULL * GC
GPAIRS = (GFULL - 2) // 2
GODD = (GFULL - 2) % 2


def _gather2_body(a_hbm, b_hbm, src_hbm, dst_hbm, ga_hbm, gb_hbm,
                  idxa, idxb, ra0, rb0, ra1, rb1, sg0, sg1, sw0, sw1):
    c = lax.axis_index("c")
    s = lax.axis_index("s")
    wid = s * NC + c
    w0 = wid * EPW

    pltpu.sync_copy(src_hbm.at[pl.ds(w0, EPW)], idxa)
    pltpu.sync_copy(dst_hbm.at[pl.ds(w0, EPW)], idxb)

    def fire_g(j, ra, rb, sg):
        off = j * GC
        pltpu.async_copy(a_hbm.at[idxa.at[pl.ds(off, GC)]], ra, sg)
        pltpu.async_copy(b_hbm.at[idxb.at[pl.ds(off, GC)]], rb, sg)

    def wait_g(ra, rb, sg):
        pltpu.make_async_copy(a_hbm.at[pl.ds(0, GC)], ra, sg).wait()
        pltpu.make_async_copy(b_hbm.at[pl.ds(0, GC)], rb, sg).wait()

    def fire_w(j, ra, rb, sw):
        base = w0 + j * GC
        pltpu.async_copy(ra, ga_hbm.at[pl.ds(base, GC)], sw)
        pltpu.async_copy(rb, gb_hbm.at[pl.ds(base, GC)], sw)

    def wait_w(ra, rb, sw):
        pltpu.make_async_copy(ra, ga_hbm.at[pl.ds(0, GC)], sw).wait()
        pltpu.make_async_copy(rb, gb_hbm.at[pl.ds(0, GC)], sw).wait()

    fire_g(0, ra0, rb0, sg0)
    fire_g(1, ra1, rb1, sg1)
    wait_g(ra0, rb0, sg0)
    fire_w(0, ra0, rb0, sw0)
    wait_g(ra1, rb1, sg1)
    fire_w(1, ra1, rb1, sw1)

    def loop(t, carry):
        j0 = 2 + 2 * t
        wait_w(ra0, rb0, sw0)
        fire_g(j0, ra0, rb0, sg0)
        wait_w(ra1, rb1, sw1)
        fire_g(j0 + 1, ra1, rb1, sg1)
        wait_g(ra0, rb0, sg0)
        fire_w(j0, ra0, rb0, sw0)
        wait_g(ra1, rb1, sg1)
        fire_w(j0 + 1, ra1, rb1, sw1)
        return carry

    lax.fori_loop(0, GPAIRS, loop, 0)
    if GODD:
        wait_w(ra0, rb0, sw0)
        fire_g(GFULL - 1, ra0, rb0, sg0)
        wait_g(ra0, rb0, sg0)
        fire_w(GFULL - 1, ra0, rb0, sw0)
    wait_w(ra0, rb0, sw0)
    wait_w(ra1, rb1, sw1)

    toff = GFULL * GC
    tbase = w0 + toff
    pltpu.async_copy(a_hbm.at[idxa.at[pl.ds(toff, GTAIL)]],
                     ra0.at[pl.ds(0, GTAIL)], sg0)
    pltpu.async_copy(b_hbm.at[idxb.at[pl.ds(toff, GTAIL)]],
                     rb0.at[pl.ds(0, GTAIL)], sg0)
    pltpu.make_async_copy(a_hbm.at[pl.ds(0, GTAIL)],
                          ra0.at[pl.ds(0, GTAIL)], sg0).wait()
    pltpu.make_async_copy(b_hbm.at[pl.ds(0, GTAIL)],
                          rb0.at[pl.ds(0, GTAIL)], sg0).wait()
    pltpu.sync_copy(ra0.at[pl.ds(0, GTAIL)], ga_hbm.at[pl.ds(tbase, GTAIL)])
    pltpu.sync_copy(rb0.at[pl.ds(0, GTAIL)], gb_hbm.at[pl.ds(tbase, GTAIL)])


def _sc_gather2(a, b, src, dst):
    f = pl.kernel(
        _gather2_body,
        out_type=[jax.ShapeDtypeStruct((E, D // 2), jnp.int32)] * 2,
        mesh=plsc.VectorSubcoreMesh(core_axis_name="c", subcore_axis_name="s"),
        scratch_types=[
            pltpu.VMEM((EPW,), jnp.int32),
            pltpu.VMEM((EPW,), jnp.int32),
            pltpu.VMEM((GC, D // 2), jnp.int32),
            pltpu.VMEM((GC, D // 2), jnp.int32),
            pltpu.VMEM((GC, D // 2), jnp.int32),
            pltpu.VMEM((GC, D // 2), jnp.int32),
            pltpu.SemaphoreType.DMA,
            pltpu.SemaphoreType.DMA,
            pltpu.SemaphoreType.DMA,
            pltpu.SemaphoreType.DMA,
        ],
    )
    return f(a, b, src, dst)


BASE_CH_S = (E // SC) // NS
EXTRA_S = (E // SC) - BASE_CH_S * NS


def _segsum_body(e_hbm, dst_hbm, zeros_hbm, msg_hbm,
                 idx0, rows0, idx1, rows1, sl0, sl1, ss0, ss1, acc):
    c = lax.axis_index("c")
    s = lax.axis_index("s")

    @pl.when(s < NS - 1)
    def _():
        pltpu.sync_copy(zeros_hbm.at[pl.ds(0, RPS)],
                        acc.at[pl.ds(s * RPS, RPS)])

    @pl.when(s == NS - 1)
    def _():
        pltpu.sync_copy(zeros_hbm, acc.at[pl.ds((NS - 1) * RPS, RPS_LAST)])

    plsc.subcore_barrier()

    def fire_l(j, idx, rows, sl):
        base = (s + NS * j) * SC
        pltpu.async_copy(dst_hbm.at[pl.ds(base, SC)], idx, sl)
        pltpu.async_copy(e_hbm.at[pl.ds(base, SC), pl.ds(c * CH, CH)],
                         rows, sl)

    def wait_l(idx, rows, sl):
        pltpu.make_async_copy(dst_hbm.at[pl.ds(0, SC)], idx, sl).wait()
        pltpu.make_async_copy(e_hbm.at[pl.ds(0, SC), pl.ds(0, CH)],
                              rows, sl).wait()

    def fire_s(idx, rows, ss):
        pltpu.async_copy(rows, acc.at[idx], ss, add=True)

    def wait_s(idx, rows, ss):
        pltpu.make_async_copy(rows, acc.at[idx], ss).wait()

    fire_l(0, idx0, rows0, sl0)
    fire_l(1, idx1, rows1, sl1)
    wait_l(idx0, rows0, sl0)
    fire_s(idx0, rows0, ss0)
    wait_l(idx1, rows1, sl1)
    fire_s(idx1, rows1, ss1)

    def loop(t, carry):
        j0 = 2 + 2 * t
        wait_s(idx0, rows0, ss0)
        fire_l(j0, idx0, rows0, sl0)
        wait_s(idx1, rows1, ss1)
        fire_l(j0 + 1, idx1, rows1, sl1)
        wait_l(idx0, rows0, sl0)
        fire_s(idx0, rows0, ss0)
        wait_l(idx1, rows1, sl1)
        fire_s(idx1, rows1, ss1)
        return carry

    lax.fori_loop(0, (BASE_CH_S - 2) // 2, loop, 0)
    wait_s(idx0, rows0, ss0)
    wait_s(idx1, rows1, ss1)

    @pl.when(s < EXTRA_S)
    def _():
        base = (NS * BASE_CH_S + s) * SC
        pltpu.sync_copy(dst_hbm.at[pl.ds(base, SC)], idx0)
        pltpu.sync_copy(e_hbm.at[pl.ds(base, SC), pl.ds(c * CH, CH)], rows0)
        pltpu.sync_copy(rows0, acc.at[idx0], add=True)

    plsc.subcore_barrier()

    @pl.when(s < NS - 1)
    def _():
        pltpu.sync_copy(acc.at[pl.ds(s * RPS, RPS)],
                        msg_hbm.at[pl.ds(s * RPS, RPS), pl.ds(c * CH, CH)])

    @pl.when(s == NS - 1)
    def _():
        pltpu.sync_copy(
            acc.at[pl.ds((NS - 1) * RPS, RPS_LAST)],
            msg_hbm.at[pl.ds((NS - 1) * RPS, RPS_LAST), pl.ds(c * CH, CH)])


def _sc_segsum(edges, dst, zeros):
    f = pl.kernel(
        _segsum_body,
        out_type=jax.ShapeDtypeStruct((N, D), jnp.float32),
        mesh=plsc.VectorSubcoreMesh(core_axis_name="c", subcore_axis_name="s"),
        scratch_types=[
            pltpu.VMEM((SC,), jnp.int32),
            pltpu.VMEM((SC, CH), jnp.float32),
            pltpu.VMEM((SC,), jnp.int32),
            pltpu.VMEM((SC, CH), jnp.float32),
            pltpu.SemaphoreType.DMA,
            pltpu.SemaphoreType.DMA,
            pltpu.SemaphoreType.DMA,
            pltpu.SemaphoreType.DMA,
            pltpu.VMEM_SHARED((N, CH), jnp.float32),
        ],
    )
    return f(edges, dst, zeros)



def kernel(node_attr, graph, params):
    src = graph[0].astype(jnp.int32)
    dst = graph[1].astype(jnp.int32)

    enc = params["node_encoder"]
    ee = params["edge_encoder"]

    nodes, a, b = _tc_node_encoder(node_attr, enc[0]["W"], enc[0]["b"],
                                   enc[1]["W"], enc[1]["b"], ee[0]["W"])
    ga, gb = _sc_gather2(a, b, src, dst)
    edges = _tc_edge_encoder(ga, gb, ee[0]["b"], ee[1]["W"], ee[1]["b"])

    zeros = jnp.zeros((RPS_LAST, CH), jnp.float32)
    for cell in params["cells"]:
        nw, ew = cell["node_network"], cell["edge_network"]

        msg = _sc_segsum(edges, dst, zeros)
        nodes, a, b = _tc_node_net(nodes, msg, nw[0]["W"], nw[0]["b"],
                                   nw[1]["W"], nw[1]["b"], ew[0]["W"])
        ga, gb = _sc_gather2(a, b, src, dst)
        edges = _tc_edge_net(ga, gb, edges, ew[0]["W"], ew[0]["b"],
                             ew[1]["W"], ew[1]["b"])

    return (nodes, edges)

# --- scband reference (transcript-rebuilt; emitter-appended) ---
"""Pipeline reference for scband-interaction-gnnblock-50886772523148 (READ-ONLY COPY).

The authoritative reference and input builder live on the scoring server;
editing this copy changes nothing except your own understanding.
"""

import jax, jax.numpy as jnp
import numpy as np

N_NODES = 10000
N_EDGES = 160000
D_FEAT = 256
D_MODEL = 256
N_NODE_LAYERS = 2
N_EDGE_LAYERS = 2
N_ITER = 2

def _glorot(key, fan_in, fan_out):
    lim = np.sqrt(6.0 / (fan_in + fan_out))
    return jax.random.uniform(key, (fan_in, fan_out), jnp.float32, -lim, lim)

def _mlp_params(key, in_dim, sizes):
    params = []
    d = in_dim
    for s in sizes:
        key, kw = jax.random.split(key)
        params.append({"W": _glorot(kw, d, s), "b": jnp.zeros((s,), jnp.float32)})
        d = s
    return params

def _mlp(params, x):
    n = len(params)
    for i, p in enumerate(params):
        x = x @ p["W"] + p["b"]
        if i < n - 1:
            x = jax.nn.gelu(x)
    return x

def setup_inputs(seed: int = 0):
    key = jax.random.key(seed)
    kx, ke, kp = jax.random.split(key, 3)
    node_attr = jax.random.normal(kx, (N_NODES, D_FEAT), jnp.float32)
    graph = jax.random.randint(ke, (2, N_EDGES), 0, N_NODES)
    ks = jax.random.split(kp, 2 + 2 * N_ITER)
    params = {
        "node_encoder": _mlp_params(ks[0], D_FEAT, [D_MODEL] * N_NODE_LAYERS),
        "edge_encoder": _mlp_params(ks[1], 2 * D_MODEL, [D_MODEL] * N_EDGE_LAYERS),
        "cells": [
            {
                "node_network": _mlp_params(ks[2 + 2 * i], 2 * D_MODEL, [D_MODEL] * N_NODE_LAYERS),
                "edge_network": _mlp_params(ks[3 + 2 * i], 3 * D_MODEL, [D_MODEL] * N_EDGE_LAYERS),
            }
            for i in range(N_ITER)
        ],
    }
    return {"node_attr": node_attr, "graph": graph, "params": params}

def reference(node_attr, graph, params):
    src = graph[0]
    dst = graph[1]
    nodes = _mlp(params["node_encoder"], node_attr)
    edges = _mlp(params["edge_encoder"], jnp.concatenate([nodes[src], nodes[dst]], axis=1))
    for cell in params["cells"]:
        msg = jax.ops.segment_sum(edges, dst, num_segments=N_NODES)
        nodes = _mlp(cell["node_network"], jnp.concatenate([nodes, msg], axis=1)) + nodes
        edges = _mlp(cell["edge_network"], jnp.concatenate([nodes[src], nodes[dst], edges], axis=1)) + edges
    return (nodes, edges)

if __name__ == "__main__":
    import jax
    _d = setup_inputs()
    print(jax.jit(kernel)(*tuple(_d.values())))

</pallas_src>

<mosaic_0001>
#map = affine_map<(d0, d1) -> (0, 0)>
#map1 = affine_map<(d0, d1) -> (0)>
module attributes {stable_mosaic.version = 14 : i64} {
  func.func @_gather2_body(%arg0: i32, %arg1: i32, %arg2: memref<10000x128xi32, #tpu.memory_space<hbm>>, %arg3: memref<10000x128xi32, #tpu.memory_space<hbm>>, %arg4: memref<160000xi32, #tpu.memory_space<hbm>>, %arg5: memref<160000xi32, #tpu.memory_space<hbm>>, %arg6: memref<160000x128xi32, #tpu.memory_space<hbm>>, %arg7: memref<160000x128xi32, #tpu.memory_space<hbm>>, %arg8: memref<5000xi32, #tpu.memory_space<vmem>>, %arg9: memref<5000xi32, #tpu.memory_space<vmem>>, %arg10: memref<128x128xi32, #tpu.memory_space<vmem>>, %arg11: memref<128x128xi32, #tpu.memory_space<vmem>>, %arg12: memref<128x128xi32, #tpu.memory_space<vmem>>, %arg13: memref<128x128xi32, #tpu.memory_space<vmem>>, %arg14: memref<!tpu.dma_semaphore, #tpu.memory_space<semaphore_mem>>, %arg15: memref<!tpu.dma_semaphore, #tpu.memory_space<semaphore_mem>>, %arg16: memref<!tpu.dma_semaphore, #tpu.memory_space<semaphore_mem>>, %arg17: memref<!tpu.dma_semaphore, #tpu.memory_space<semaphore_mem>>) attributes {dimension_semantics = [#tpu.dimension_semantics<core_parallel>, #tpu.dimension_semantics<subcore_parallel>], iteration_bounds = array<i64: 2, 16>, scalar_prefetch = 0 : i64, scratch_operands = 10 : i64, tpu.core_type = #tpu.core_type<sc_vector_subcore>, window_params = [{transform_indices = #map}, {transform_indices = #map}, {transform_indices = #map1}, {transform_indices = #map1}, {transform_indices = #map}, {transform_indices = #map}]} {
    %mul3A = arith.constant 2 : i32
    %mul3A_0 = arith.muli %arg1, %mul3A : i32
    %add3A = arith.addi %mul3A_0, %arg0 : i32
    %mul3A_1 = arith.constant 5000 : i32
    %mul3A_2 = arith.muli %add3A, %mul3A_1 : i32
    "tpu.region"() ({
      %run_scoped3A = tpu.sem_alloc : memref<!tpu.dma_semaphore, #tpu.memory_space<semaphore_mem>>
      %dma_start3A_180 = tpu.memref_slice %arg4[%mul3A_2] : memref<160000xi32, #tpu.memory_space<hbm>> -> memref<5000xi32, #tpu.memory_space<hbm>>
      %dma_start3A_181 = tpu.memref_slice %arg4[%mul3A_2] : memref<160000xi32, #tpu.memory_space<hbm>> -> memref<5000xi32, #tpu.memory_space<hbm>>
      tpu.enqueue_dma source(%dma_start3A_181 : memref<5000xi32, #tpu.memory_space<hbm>>) target(%arg8 : memref<5000xi32, #tpu.memory_space<vmem>>) target_semaphore(%run_scoped3A : memref<!tpu.dma_semaphore, #tpu.memory_space<semaphore_mem>>)
      %dma_wait3A_182 = tpu.memref_slice %arg4[%mul3A_2] : memref<160000xi32, #tpu.memory_space<hbm>> -> memref<5000xi32, #tpu.memory_space<hbm>>
      %dma_wait3A_183 = tpu.memref_slice %arg4[%mul3A_2] : memref<160000xi32, #tpu.memory_space<hbm>> -> memref<5000xi32, #tpu.memory_space<hbm>>
      tpu.wait_dma2 semaphore(%run_scoped3A : memref<!tpu.dma_semaphore, #tpu.memory_space<semaphore_mem>>) src(%dma_wait3A_183 : memref<5000xi32, #tpu.memory_space<hbm>>) dst(%arg8 : memref<5000xi32, #tpu.memory_space<vmem>>)
      tpu.yield
    }) : () -> ()
    "tpu.region"() ({
      %run_scoped3A = tpu.sem_alloc : memref<!tpu.dma_semaphore, #tpu.memory_space<semaphore_mem>>
      %dma_start3A_180 = tpu.memref_slice %arg5[%mul3A_2] : memref<160000xi32, #tpu.memory_space<hbm>> -> memref<5000xi32, #tpu.memory_space<hbm>>
      %dma_start3A_181 = tpu.memref_slice %arg5[%mul3A_2] : memref<160000xi32, #tpu.memory_space<hbm>> -> memref<5000xi32, #tpu.memory_space<hbm>>
      tpu.enqueue_dma source(%dma_start3A_181 : memref<5000xi32, #tpu.memory_space<hbm>>) target(%arg9 : memref<5000xi32, #tpu.memory_space<vmem>>) target_semaphore(%run_scoped3A : memref<!tpu.dma_semaphore, #tpu.memory_space<semaphore_mem>>)
      %dma_wait3A_182 = tpu.memref_slice %arg5[%mul3A_2] : memref<160000xi32, #tpu.memory_space<hbm>> -> memref<5000xi32, #tpu.memory_space<hbm>>
      %dma_wait3A_183 = tpu.memref_slice %arg5[%mul3A_2] : memref<160000xi32, #tpu.memory_space<hbm>> -> memref<5000xi32, #tpu.memory_space<hbm>>
      tpu.wait_dma2 semaphore(%run_scoped3A : memref<!tpu.dma_semaphore, #tpu.memory_space<semaphore_mem>>) src(%dma_wait3A_183 : memref<5000xi32, #tpu.memory_space<hbm>>) dst(%arg9 : memref<5000xi32, #tpu.memory_space<vmem>>)
      tpu.yield
    }) : () -> ()
    %dma_start3A = arith.constant 0 : i32
    %dma_start3A_3 = tpu.memref_slice %arg8[%dma_start3A] : memref<5000xi32, #tpu.memory_space<vmem>> -> memref<128xi32, #tpu.memory_space<vmem>>
    %dma_start3A_4 = arith.constant 0 : i32
    %dma_start3A_5 = arith.constant 0 : i32
    %dma_start3A_6 = tpu.memref_slice %arg2[%dma_start3A_4, %dma_start3A_5] : memref<10000x128xi32, #tpu.memory_space<hbm>> -> memref<10000x128xi32, #tpu.memory_space<hbm>>
    tpu.enqueue_indirect_dma source(%dma_start3A_6 : memref<10000x128xi32, #tpu.memory_space<hbm>>) target(%arg10 : memref<128x128xi32, #tpu.memory_space<vmem>>) offsets(%dma_start3A_3 : memref<128xi32, #tpu.memory_space<vmem>>) semaphore(%arg14 : memref<!tpu.dma_semaphore, #tpu.memory_space<semaphore_mem>>)
    %dma_start3A_7 = arith.constant 0 : i32
    %dma_start3A_8 = tpu.memref_slice %arg9[%dma_start3A_7] : memref<5000xi32, #tpu.memory_space<vmem>> -> memref<128xi32, #tpu.memory_space<vmem>>
    %dma_start3A_9 = arith.constant 0 : i32
    %dma_start3A_10 = arith.constant 0 : i32
    %dma_start3A_11 = tpu.memref_slice %arg3[%dma_start3A_9, %dma_start3A_10] : memref<10000x128xi32, #tpu.memory_space<hbm>> -> memref<10000x128xi32, #tpu.memory_space<hbm>>
    tpu.enqueue_indirect_dma source(%dma_start3A_11 : memref<10000x128xi32, #tpu.memory_space<hbm>>) target(%arg11 : memref<128x128xi32, #tpu.memory_space<vmem>>) offsets(%dma_start3A_8 : memref<128xi32, #tpu.memory_space<vmem>>) semaphore(%arg14 : memref<!tpu.dma_semaphore, #tpu.memory_space<semaphore_mem>>)
    %dma_start3A_12 = arith.constant 128 : i32
    %dma_start3A_13 = tpu.memref_slice %arg8[%dma_start3A_12] : memref<5000xi32, #tpu.memory_space<vmem>> -> memref<128xi32, #tpu.memory_space<vmem>>
    %dma_start3A_14 = arith.constant 0 : i32
    %dma_start3A_15 = arith.constant 0 : i32
    %dma_start3A_16 = tpu.memref_slice %arg2[%dma_start3A_14, %dma_start3A_15] : memref<10000x128xi32, #tpu.memory_space<hbm>> -> memref<10000x128xi32, #tpu.memory_space<hbm>>
    tpu.enqueue_indirect_dma source(%dma_start3A_16 : memref<10000x128xi32, #tpu.memory_space<hbm>>) target(%arg12 : memref<128x128xi32, #tpu.memory_space<vmem>>) offsets(%dma_start3A_13 : memref<128xi32, #tpu.memory_space<vmem>>) semaphore(%arg15 : memref<!tpu.dma_semaphore, #tpu.memory_space<semaphore_mem>>)
    %dma_start3A_17 = arith.constant 128 : i32
    %dma_start3A_18 = tpu.memref_slice %arg9[%dma_start3A_17] : memref<5000xi32, #tpu.memory_space<vmem>> -> memref<128xi32, #tpu.memory_space<vmem>>
    %dma_start3A_19 = arith.constant 0 : i32
    %dma_start3A_20 = arith.constant 0 : i32
    %dma_start3A_21 = tpu.memref_slice %arg3[%dma_start3A_19, %dma_start3A_20] : memref<10000x128xi32, #tpu.memory_space<hbm>> -> memref<10000x128xi32, #tpu.memory_space<hbm>>
    tpu.enqueue_indirect_dma source(%dma_start3A_21 : memref<10000x128xi32, #tpu.memory_space<hbm>>) target(%arg13 : memref<128x128xi32, #tpu.memory_space<vmem>>) offsets(%dma_start3A_18 : memref<128xi32, #tpu.memory_space<vmem>>) semaphore(%arg15 : memref<!tpu.dma_semaphore, #tpu.memory_space<semaphore_mem>>)
    %dma_wait3A = arith.constant 0 : i32
    %dma_wait3A_22 = arith.constant 0 : i32
    %dma_wait3A_23 = tpu.memref_slice %arg2[%dma_wait3A, %dma_wait3A_22] : memref<10000x128xi32, #tpu.memory_space<hbm>> -> memref<128x128xi32, #tpu.memory_space<hbm>>
    %dma_wait3A_24 = arith.constant 0 : i32
    %dma_wait3A_25 = arith.constant 0 : i32
    %dma_wait3A_26 = tpu.memref_slice %arg2[%dma_wait3A_24, %dma_wait3A_25] : memref<10000x128xi32, #tpu.memory_space<hbm>> -> memref<128x128xi32, #tpu.memory_space<hbm>>
    tpu.wait_dma2 semaphore(%arg14 : memref<!tpu.dma_semaphore, #tpu.memory_space<semaphore_mem>>) src(%dma_wait3A_26 : memref<128x128xi32, #tpu.memory_space<hbm>>) dst(%arg10 : memref<128x128xi32, #tpu.memory_space<vmem>>)
    %dma_wait3A_27 = arith.constant 0 : i32
    %dma_wait3A_28 = arith.constant 0 : i32
    %dma_wait3A_29 = tpu.memref_slice %arg3[%dma_wait3A_27, %dma_wait3A_28] : memref<10000x128xi32, #tpu.memory_space<hbm>> -> memref<128x128xi32, #tpu.memory_space<hbm>>
    %dma_wait3A_30 = arith.constant 0 : i32
    %dma_wait3A_31 = arith.constant 0 : i32
    %dma_wait3A_32 = tpu.memref_slice %arg3[%dma_wait3A_30, %dma_wait3A_31] : memref<10000x128xi32, #tpu.memory_space<hbm>> -> memref<128x128xi32, #tpu.memory_space<hbm>>
    tpu.wait_dma2 semaphore(%arg14 : memref<!tpu.dma_semaphore, #tpu.memory_space<semaphore_mem>>) src(%dma_wait3A_32 : memref<128x128xi32, #tpu.memory_space<hbm>>) dst(%arg11 : memref<128x128xi32, #tpu.memory_space<vmem>>)
    %add3A_33 = arith.constant 0 : i32
    %add3A_34 = arith.addi %mul3A_2, %add3A_33 : i32
    %dma_start3A_35 = arith.constant 0 : i32
    %dma_start3A_36 = tpu.memref_slice %arg6[%add3A_34, %dma_start3A_35] : memref<160000x128xi32, #tpu.memory_space<hbm>> -> memref<128x128xi32, #tpu.memory_space<hbm>>
    %dma_start3A_37 = arith.constant 0 : i32
    %dma_start3A_38 = tpu.memref_slice %arg6[%add3A_34, %dma_start3A_37] : memref<160000x128xi32, #tpu.memory_space<hbm>> -> memref<128x128xi32, #tpu.memory_space<hbm>>
    tpu.enqueue_dma source(%arg10 : memref<128x128xi32, #tpu.memory_space<vmem>>) target(%dma_start3A_38 : memref<128x128xi32, #tpu.memory_space<hbm>>) target_semaphore(%arg16 : memref<!tpu.dma_semaphore, #tpu.memory_space<semaphore_mem>>)
    %dma_start3A_39 = arith.constant 0 : i32
    %dma_start3A_40 = tpu.memref_slice %arg7[%add3A_34, %dma_start3A_39] : memref<160000x128xi32, #tpu.memory_space<hbm>> -> memref<128x128xi32, #tpu.memory_space<hbm>>
    %dma_start3A_41 = arith.constant 0 : i32
    %dma_start3A_42 = tpu.memref_slice %arg7[%add3A_34, %dma_start3A_41] : memref<160000x128xi32, #tpu.memory_space<hbm>> -> memref<128x128xi32, #tpu.memory_space<hbm>>
    tpu.enqueue_dma source(%arg11 : memref<128x128xi32, #tpu.memory_space<vmem>>) target(%dma_start3A_42 : memref<128x128xi32, #tpu.memory_space<hbm>>) target_semaphore(%arg16 : memref<!tpu.dma_semaphore, #tpu.memory_space<semaphore_mem>>)
    %dma_wait3A_43 = arith.constant 0 : i32
    %dma_wait3A_44 = arith.constant 0 : i32
    %dma_wait3A_45 = tpu.memref_slice %arg2[%dma_wait3A_43, %dma_wait3A_44] : memref<10000x128xi32, #tpu.memory_space<hbm>> -> memref<128x128xi32, #tpu.memory_space<hbm>>
    %dma_wait3A_46 = arith.constant 0 : i32
    %dma_wait3A_47 = arith.constant 0 : i32
    %dma_wait3A_48 = tpu.memref_slice %arg2[%dma_wait3A_46, %dma_wait3A_47] : memref<10000x128xi32, #tpu.memory_space<hbm>> -> memref<128x128xi32, #tpu.memory_space<hbm>>
    tpu.wait_dma2 semaphore(%arg15 : memref<!tpu.dma_semaphore, #tpu.memory_space<semaphore_mem>>) src(%dma_wait3A_48 : memref<128x128xi32, #tpu.memory_space<hbm>>) dst(%arg12 : memref<128x128xi32, #tpu.memory_space<vmem>>)
    %dma_wait3A_49 = arith.constant 0 : i32
    %dma_wait3A_50 = arith.constant 0 : i32
    %dma_wait3A_51 = tpu.memref_slice %arg3[%dma_wait3A_49, %dma_wait3A_50] : memref<10000x128xi32, #tpu.memory_space<hbm>> -> memref<128x128xi32, #tpu.memory_space<hbm>>
    %dma_wait3A_52 = arith.constant 0 : i32
    %dma_wait3A_53 = arith.constant 0 : i32
    %dma_wait3A_54 = tpu.memref_slice %arg3[%dma_wait3A_52, %dma_wait3A_53] : memref<10000x128xi32, #tpu.memory_space<hbm>> -> memref<128x128xi32, #tpu.memory_space<hbm>>
    tpu.wait_dma2 semaphore(%arg15 : memref<!tpu.dma_semaphore, #tpu.memory_space<semaphore_mem>>) src(%dma_wait3A_54 : memref<128x128xi32, #tpu.memory_space<hbm>>) dst(%arg13 : memref<128x128xi32, #tpu.memory_space<vmem>>)
    %add3A_55 = arith.constant 128 : i32
    %add3A_56 = arith.addi %mul3A_2, %add3A_55 : i32
    %dma_start3A_57 = arith.constant 0 : i32
    %dma_start3A_58 = tpu.memref_slice %arg6[%add3A_56, %dma_start3A_57] : memref<160000x128xi32, #tpu.memory_space<hbm>> -> memref<128x128xi32, #tpu.memory_space<hbm>>
    %dma_start3A_59 = arith.constant 0 : i32
    %dma_start3A_60 = tpu.memref_slice %arg6[%add3A_56, %dma_start3A_59] : memref<160000x128xi32, #tpu.memory_space<hbm>> -> memref<128x128xi32, #tpu.memory_space<hbm>>
    tpu.enqueue_dma source(%arg12 : memref<128x128xi32, #tpu.memory_space<vmem>>) target(%dma_start3A_60 : memref<128x128xi32, #tpu.memory_space<hbm>>) target_semaphore(%arg17 : memref<!tpu.dma_semaphore, #tpu.memory_space<semaphore_mem>>)
    %dma_start3A_61 = arith.constant 0 : i32
    %dma_start3A_62 = tpu.memref_slice %arg7[%add3A_56, %dma_start3A_61] : memref<160000x128xi32, #tpu.memory_space<hbm>> -> memref<128x128xi32, #tpu.memory_space<hbm>>
    %dma_start3A_63 = arith.constant 0 : i32
    %dma_start3A_64 = tpu.memref_slice %arg7[%add3A_56, %dma_start3A_63] : memref<160000x128xi32, #tpu.memory_space<hbm>> -> memref<128x128xi32, #tpu.memory_space<hbm>>
    tpu.enqueue_dma source(%arg13 : memref<128x128xi32, #tpu.memory_space<vmem>>) target(%dma_start3A_64 : memref<128x128xi32, #tpu.memory_space<hbm>>) target_semaphore(%arg17 : memref<!tpu.dma_semaphore, #tpu.memory_space<semaphore_mem>>)
    %scan3A = arith.constant 0 : i32
    %scan3A_65 = arith.constant 0 : i32
    %scan3A_66 = arith.constant 18 : i32
    %scan3A_67 = arith.addi %scan3A_65, %scan3A_66 : i32
    %scan3A_68 = arith.constant 1 : i32
    scf.for %scan3A_180 = %scan3A_65 to %scan3A_67 step %scan3A_68  : i32 {
      %mul3A_181 = arith.constant 2 : i32
      %mul3A_182 = arith.muli %mul3A_181, %scan3A_180 : i32
      %add3A_183 = arith.constant 2 : i32
      %add3A_184 = arith.addi %add3A_183, %mul3A_182 : i32
      %dma_wait3A_185 = arith.constant 0 : i32
      %dma_wait3A_186 = arith.constant 0 : i32
      %dma_wait3A_187 = tpu.memref_slice %arg6[%dma_wait3A_185, %dma_wait3A_186] : memref<160000x128xi32, #tpu.memory_space<hbm>> -> memref<128x128xi32, #tpu.memory_space<hbm>>
      %dma_wait3A_188 = arith.constant 0 : i32
      %dma_wait3A_189 = arith.constant 0 : i32
      %dma_wait3A_190 = tpu.memref_slice %arg6[%dma_wait3A_188, %dma_wait3A_189] : memref<160000x128xi32, #tpu.memory_space<hbm>> -> memref<128x128xi32, #tpu.memory_space<hbm>>
      tpu.wait_dma2 semaphore(%arg16 : memref<!tpu.dma_semaphore, #tpu.memory_space<semaphore_mem>>) src(%arg10 : memref<128x128xi32, #tpu.memory_space<vmem>>) dst(%dma_wait3A_190 : memref<128x128xi32, #tpu.memory_space<hbm>>)
      %dma_wait3A_191 = arith.constant 0 : i32
      %dma_wait3A_192 = arith.constant 0 : i32
      %dma_wait3A_193 = tpu.memref_slice %arg7[%dma_wait3A_191, %dma_wait3A_192] : memref<160000x128xi32, #tpu.memory_space<hbm>> -> memref<128x128xi32, #tpu.memory_space<hbm>>
      %dma_wait3A_194 = arith.constant 0 : i32
      %dma_wait3A_195 = arith.constant 0 : i32
      %dma_wait3A_196 = tpu.memref_slice %arg7[%dma_wait3A_194, %dma_wait3A_195] : memref<160000x128xi32, #tpu.memory_space<hbm>> -> memref<128x128xi32, #tpu.memory_space<hbm>>
      tpu.wait_dma2 semaphore(%arg16 : memref<!tpu.dma_semaphore, #tpu.memory_space<semaphore_mem>>) src(%arg11 : memref<128x128xi32, #tpu.memory_space<vmem>>) dst(%dma_wait3A_196 : memref<128x128xi32, #tpu.memory_space<hbm>>)
      %mul3A_197 = arith.constant 128 : i32
      %mul3A_198 = arith.muli %add3A_184, %mul3A_197 : i32
      %dma_start3A_199 = tpu.memref_slice %arg8[%mul3A_198] : memref<5000xi32, #tpu.memory_space<vmem>> -> memref<128xi32, #tpu.memory_space<vmem>>
      %dma_start3A_200 = arith.constant 0 : i32
      %dma_start3A_201 = arith.constant 0 : i32
      %dma_start3A_202 = tpu.memref_slice %arg2[%dma_start3A_200, %dma_start3A_201] : memref<10000x128xi32, #tpu.memory_space<hbm>> -> memref<10000x128xi32, #tpu.memory_space<hbm>>
      tpu.enqueue_indirect_dma source(%dma_start3A_202 : memref<10000x128xi32, #tpu.memory_space<hbm>>) target(%arg10 : memref<128x128xi32, #tpu.memory_space<vmem>>) offsets(%dma_start3A_199 : memref<128xi32, #tpu.memory_space<vmem>>) semaphore(%arg14 : memref<!tpu.dma_semaphore, #tpu.memory_space<semaphore_mem>>)
      %dma_start3A_203 = tpu.memref_slice %arg9[%mul3A_198] : memref<5000xi32, #tpu.memory_space<vmem>> -> memref<128xi32, #tpu.memory_space<vmem>>
      %dma_start3A_204 = arith.constant 0 : i32
      %dma_start3A_205 = arith.constant 0 : i32
      %dma_start3A_206 = tpu.memref_slice %arg3[%dma_start3A_204, %dma_start3A_205] : memref<10000x128xi32, #tpu.memory_space<hbm>> -> memref<10000x128xi32, #tpu.memory_space<hbm>>
      tpu.enqueue_indirect_dma source(%dma_start3A_206 : memref<10000x128xi32, #tpu.memory_space<hbm>>) target(%arg11 : memref<128x128xi32, #tpu.memory_space<vmem>>) offsets(%dma_start3A_203 : memref<128xi32, #tpu.memory_space<vmem>>) semaphore(%arg14 : memref<!tpu.dma_semaphore, #tpu.memory_space<semaphore_mem>>)
      %dma_wait3A_207 = arith.constant 0 : i32
      %dma_wait3A_208 = arith.constant 0 : i32
      %dma_wait3A_209 = tpu.memref_slice %arg6[%dma_wait3A_207, %dma_wait3A_208] : memref<160000x128xi32, #tpu.memory_space<hbm>> -> memref<128x128xi32, #tpu.memory_space<hbm>>
      %dma_wait3A_210 = arith.constant 0 : i32
      %dma_wait3A_211 = arith.constant 0 : i32
      %dma_wait3A_212 = tpu.memref_slice %arg6[%dma_wait3A_210, %dma_wait3A_211] : memref<160000x128xi32, #tpu.memory_space<hbm>> -> memref<128x128xi32, #tpu.memory_space<hbm>>
      tpu.wait_dma2 semaphore(%arg17 : memref<!tpu.dma_semaphore, #tpu.memory_space<semaphore_mem>>) src(%arg12 : memref<128x128xi32, #tpu.memory_space<vmem>>) dst(%dma_wait3A_212 : memref<128x128xi32, #tpu.memory_space<hbm>>)
      %dma_wait3A_213 = arith.constant 0 : i32
      %dma_wait3A_214 = arith.constant 0 : i32
      %dma_wait3A_215 = tpu.memref_slice %arg7[%dma_wait3A_213, %dma_wait3A_214] : memref<160000x128xi32, #tpu.memory_space<hbm>> -> memref<128x128xi32, #tpu.memory_space<hbm>>
      %dma_wait3A_216 = arith.constant 0 : i32
      %dma_wait3A_217 = arith.constant 0 : i32
      %dma_wait3A_218 = tpu.memref_slice %arg7[%dma_wait3A_216, %dma_wait3A_217] : memref<160000x128xi32, #tpu.memory_space<hbm>> -> memref<128x128xi32, #tpu.memory_space<hbm>>
      tpu.wait_dma2 semaphore(%arg17 : memref<!tpu.dma_semaphore, #tpu.memory_space<semaphore_mem>>) src(%arg13 : memref<128x128xi32, #tpu.memory_space<vmem>>) dst(%dma_wait3A_218 : memref<128x128xi32, #tpu.memory_space<hbm>>)
      %add3A_219 = arith.constant 1 : i32
      %add3A_220 = arith.addi %add3A_184, %add3A_219 : i32
      %mul3A_221 = arith.constant 128 : i32
      %mul3A_222 = arith.muli %add3A_220, %mul3A_221 : i32
      %dma_start3A_223 = tpu.memref_slice %arg8[%mul3A_222] : memref<5000xi32, #tpu.memory_space<vmem>> -> memref<128xi32, #tpu.memory_space<vmem>>
      %dma_start3A_224 = arith.constant 0 : i32
      %dma_start3A_225 = arith.constant 0 : i32
      %dma_start3A_226 = tpu.memref_slice %arg2[%dma_start3A_224, %dma_start3A_225] : memref<10000x128xi32, #tpu.memory_space<hbm>> -> memref<10000x128xi32, #tpu.memory_space<hbm>>
      tpu.enqueue_indirect_dma source(%dma_start3A_226 : memref<10000x128xi32, #tpu.memory_space<hbm>>) target(%arg12 : memref<128x128xi32, #tpu.memory_space<vmem>>) offsets(%dma_start3A_223 : memref<128xi32, #tpu.memory_space<vmem>>) semaphore(%arg15 : memref<!tpu.dma_semaphore, #tpu.memory_space<semaphore_mem>>)
      %dma_start3A_227 = tpu.memref_slice %arg9[%mul3A_222] : memref<5000xi32, #tpu.memory_space<vmem>> -> memref<128xi32, #tpu.memory_space<vmem>>
      %dma_start3A_228 = arith.constant 0 : i32
      %dma_start3A_229 = arith.constant 0 : i32
      %dma_start3A_230 = tpu.memref_slice %arg3[%dma_start3A_228, %dma_start3A_229] : memref<10000x128xi32, #tpu.memory_space<hbm>> -> memref<10000x128xi32, #tpu.memory_space<hbm>>
      tpu.enqueue_indirect_dma source(%dma_start3A_230 : memref<10000x128xi32, #tpu.memory_space<hbm>>) target(%arg13 : memref<128x128xi32, #tpu.memory_space<vmem>>) offsets(%dma_start3A_227 : memref<128xi32, #tpu.memory_space<vmem>>) semaphore(%arg15 : memref<!tpu.dma_semaphore, #tpu.memory_space<semaphore_mem>>)
      %dma_wait3A_231 = arith.constant 0 : i32
      %dma_wait3A_232 = arith.constant 0 : i32
      %dma_wait3A_233 = tpu.memref_slice %arg2[%dma_wait3A_231, %dma_wait3A_232] : memref<10000x128xi32, #tpu.memory_space<hbm>> -> memref<128x128xi32, #tpu.memory_space<hbm>>
      %dma_wait3A_234 = arith.constant 0 : i32
      %dma_wait3A_235 = arith.constant 0 : i32
      %dma_wait3A_236 = tpu.memref_slice %arg2[%dma_wait3A_234, %dma_wait3A_235] : memref<10000x128xi32, #tpu.memory_space<hbm>> -> memref<128x128xi32, #tpu.memory_space<hbm>>
      tpu.wait_dma2 semaphore(%arg14 : memref<!tpu.dma_semaphore, #tpu.memory_space<semaphore_mem>>) src(%dma_wait3A_236 : memref<128x128xi32, #tpu.memory_space<hbm>>) dst(%arg10 : memref<128x128xi32, #tpu.memory_space<vmem>>)
      %dma_wait3A_237 = arith.constant 0 : i32
      %dma_wait3A_238 = arith.constant 0 : i32
      %dma_wait3A_239 = tpu.memref_slice %arg3[%dma_wait3A_237, %dma_wait3A_238] : memref<10000x128xi32, #tpu.memory_space<hbm>> -> memref<128x128xi32, #tpu.memory_space<hbm>>
      %dma_wait3A_240 = arith.constant 0 : i32
      %dma_wait3A_241 = arith.constant 0 : i32
      %dma_wait3A_242 = tpu.memref_slice %arg3[%dma_wait3A_240, %dma_wait3A_241] : memref<10000x128xi32, #tpu.memory_space<hbm>> -> memref<128x128xi32, #tpu.memory_space<hbm>>
      tpu.wait_dma2 semaphore(%arg14 : memref<!tpu.dma_semaphore, #tpu.memory_space<semaphore_mem>>) src(%dma_wait3A_242 : memref<128x128xi32, #tpu.memory_space<hbm>>) dst(%arg11 : memref<128x128xi32, #tpu.memory_space<vmem>>)
      %mul3A_243 = arith.constant 128 : i32
      %mul3A_244 = arith.muli %add3A_184, %mul3A_243 : i32
      %add3A_245 = arith.addi %mul3A_2, %mul3A_244 : i32
      %dma_start3A_246 = arith.constant 0 : i32
      %dma_start3A_247 = tpu.memref_slice %arg6[%add3A_245, %dma_start3A_246] : memref<160000x128xi32, #tpu.memory_space<hbm>> -> memref<128x128xi32, #tpu.memory_space<hbm>>
      %dma_start3A_248 = arith.constant 0 : i32
      %dma_start3A_249 = tpu.memref_slice %arg6[%add3A_245, %dma_start3A_248] : memref<160000x128xi32, #tpu.memory_space<hbm>> -> memref<128x128xi32, #tpu.memory_space<hbm>>
      tpu.enqueue_dma source(%arg10 : memref<128x128xi32, #tpu.memory_space<vmem>>) target(%dma_start3A_249 : memref<128x128xi32, #tpu.memory_space<hbm>>) target_semaphore(%arg16 : memref<!tpu.dma_semaphore, #tpu.memory_space<semaphore_mem>>)
      %dma_start3A_250 = arith.constant 0 : i32
      %dma_start3A_251 = tpu.memref_slice %arg7[%add3A_245, %dma_start3A_250] : memref<160000x128xi32, #tpu.memory_space<hbm>> -> memref<128x128xi32, #tpu.memory_space<hbm>>
      %dma_start3A_252 = arith.constant 0 : i32
      %dma_start3A_253 = tpu.memref_slice %arg7[%add3A_245, %dma_start3A_252] : memref<160000x128xi32, #tpu.memory_space<hbm>> -> memref<128x128xi32, #tpu.memory_space<hbm>>
      tpu.enqueue_dma source(%arg11 : memref<128x128xi32, #tpu.memory_space<vmem>>) target(%dma_start3A_253 : memref<128x128xi32, #tpu.memory_space<hbm>>) target_semaphore(%arg16 : memref<!tpu.dma_semaphore, #tpu.memory_space<semaphore_mem>>)
      %dma_wait3A_254 = arith.constant 0 : i32
      %dma_wait3A_255 = arith.constant 0 : i32
      %dma_wait3A_256 = tpu.memref_slice %arg2[%dma_wait3A_254, %dma_wait3A_255] : memref<10000x128xi32, #tpu.memory_space<hbm>> -> memref<128x128xi32, #tpu.memory_space<hbm>>
      %dma_wait3A_257 = arith.constant 0 : i32
      %dma_wait3A_258 = arith.constant 0 : i32
      %dma_wait3A_259 = tpu.memref_slice %arg2[%dma_wait3A_257, %dma_wait3A_258] : memref<10000x128xi32, #tpu.memory_space<hbm>> -> memref<128x128xi32, #tpu.memory_space<hbm>>
      tpu.wait_dma2 semaphore(%arg15 : memref<!tpu.dma_semaphore, #tpu.memory_space<semaphore_mem>>) src(%dma_wait3A_259 : memref<128x128xi32, #tpu.memory_space<hbm>>) dst(%arg12 : memref<128x128xi32, #tpu.memory_space<vmem>>)
      %dma_wait3A_260 = arith.constant 0 : i32
      %dma_wait3A_261 = arith.constant 0 : i32
      %dma_wait3A_262 = tpu.memref_slice %arg3[%dma_wait3A_260, %dma_wait3A_261] : memref<10000x128xi32, #tpu.memory_space<hbm>> -> memref<128x128xi32, #tpu.memory_space<hbm>>
      %dma_wait3A_263 = arith.constant 0 : i32
      %dma_wait3A_264 = arith.constant 0 : i32
      %dma_wait3A_265 = tpu.memref_slice %arg3[%dma_wait3A_263, %dma_wait3A_264] : memref<10000x128xi32, #tpu.memory_space<hbm>> -> memref<128x128xi32, #tpu.memory_space<hbm>>
      tpu.wait_dma2 semaphore(%arg15 : memref<!tpu.dma_semaphore, #tpu.memory_space<semaphore_mem>>) src(%dma_wait3A_265 : memref<128x128xi32, #tpu.memory_space<hbm>>) dst(%arg13 : memref<128x128xi32, #tpu.memory_space<vmem>>)
      %add3A_266 = arith.constant 1 : i32
      %add3A_267 = arith.addi %add3A_184, %add3A_266 : i32
      %mul3A_268 = arith.constant 128 : i32
      %mul3A_269 = arith.muli %add3A_267, %mul3A_268 : i32
      %add3A_270 = arith.addi %mul3A_2, %mul3A_269 : i32
      %dma_start3A_271 = arith.constant 0 : i32
      %dma_start3A_272 = tpu.memref_slice %arg6[%add3A_270, %dma_start3A_271] : memref<160000x128xi32, #tpu.memory_space<hbm>> -> memref<128x128xi32, #tpu.memory_space<hbm>>
      %dma_start3A_273 = arith.constant 0 : i32
      %dma_start3A_274 = tpu.memref_slice %arg6[%add3A_270, %dma_start3A_273] : memref<160000x128xi32, #tpu.memory_space<hbm>> -> memref<128x128xi32, #tpu.memory_space<hbm>>
      tpu.enqueue_dma source(%arg12 : memref<128x128xi32, #tpu.memory_space<vmem>>) target(%dma_start3A_274 : memref<128x128xi32, #tpu.memory_space<hbm>>) target_semaphore(%arg17 : memref<!tpu.dma_semaphore, #tpu.memory_space<semaphore_mem>>)
      %dma_start3A_275 = arith.constant 0 : i32
      %dma_start3A_276 = tpu.memref_slice %arg7[%add3A_270, %dma_start3A_275] : memref<160000x128xi32, #tpu.memory_space<hbm>> -> memref<128x128xi32, #tpu.memory_space<hbm>>
      %dma_start3A_277 = arith.constant 0 : i32
      %dma_start3A_278 = tpu.memref_slice %arg7[%add3A_270, %dma_start3A_277] : memref<160000x128xi32, #tpu.memory_space<hbm>> -> memref<128x128xi32, #tpu.memory_space<hbm>>
      tpu.enqueue_dma source(%arg13 : memref<128x128xi32, #tpu.memory_space<vmem>>) target(%dma_start3A_278 : memref<128x128xi32, #tpu.memory_space<hbm>>) target_semaphore(%arg17 : memref<!tpu.dma_semaphore, #tpu.memory_space<semaphore_mem>>)
    }
    %scan3A_69 = arith.constant 18 : i32
    %dma_wait3A_70 = arith.constant 0 : i32
    %dma_wait3A_71 = arith.constant 0 : i32
    %dma_wait3A_72 = tpu.memref_slice %arg6[%dma_wait3A_70, %dma_wait3A_71] : memref<160000x128xi32, #tpu.memory_space<hbm>> -> memref<128x128xi32, #tpu.memory_space<hbm>>
    %dma_wait3A_73 = arith.constant 0 : i32
    %dma_wait3A_74 = arith.constant 0 : i32
    %dma_wait3A_75 = tpu.memref_slice %arg6[%dma_wait3A_73, %dma_wait3A_74] : memref<160000x128xi32, #tpu.memory_space<hbm>> -> memref<128x128xi32, #tpu.memory_space<hbm>>
    tpu.wait_dma2 semaphore(%arg16 : memref<!tpu.dma_semaphore, #tpu.memory_space<semaphore_mem>>) src(%arg10 : memref<128x128xi32, #tpu.memory_space<vmem>>) dst(%dma_wait3A_75 : memref<128x128xi32, #tpu.memory_space<hbm>>)
    %dma_wait3A_76 = arith.constant 0 : i32
    %dma_wait3A_77 = arith.constant 0 : i32
    %dma_wait3A_78 = tpu.memref_slice %arg7[%dma_wait3A_76, %dma_wait3A_77] : memref<160000x128xi32, #tpu.memory_space<hbm>> -> memref<128x128xi32, #tpu.memory_space<hbm>>
    %dma_wait3A_79 = arith.constant 0 : i32
    %dma_wait3A_80 = arith.constant 0 : i32
    %dma_wait3A_81 = tpu.memref_slice %arg7[%dma_wait3A_79, %dma_wait3A_80] : memref<160000x128xi32, #tpu.memory_space<hbm>> -> memref<128x128xi32, #tpu.memory_space<hbm>>
    tpu.wait_dma2 semaphore(%arg16 : memref<!tpu.dma_semaphore, #tpu.memory_space<semaphore_mem>>) src(%arg11 : memref<128x128xi32, #tpu.memory_space<vmem>>) dst(%dma_wait3A_81 : memref<128x128xi32, #tpu.memory_space<hbm>>)
    %dma_start3A_82 = arith.constant 4864 : i32
    %dma_start3A_83 = tpu.memref_slice %arg8[%dma_start3A_82] : memref<5000xi32, #tpu.memory_space<vmem>> -> memref<128xi32, #tpu.memory_space<vmem>>
    %dma_start3A_84 = arith.constant 0 : i32
    %dma_start3A_85 = arith.constant 0 : i32
    %dma_start3A_86 = tpu.memref_slice %arg2[%dma_start3A_84, %dma_start3A_85] : memref<10000x128xi32, #tpu.memory_space<hbm>> -> memref<10000x128xi32, #tpu.memory_space<hbm>>
    tpu.enqueue_indirect_dma source(%dma_start3A_86 : memref<10000x128xi32, #tpu.memory_space<hbm>>) target(%arg10 : memref<128x128xi32, #tpu.memory_space<vmem>>) offsets(%dma_start3A_83 : memref<128xi32, #tpu.memory_space<vmem>>) semaphore(%arg14 : memref<!tpu.dma_semaphore, #tpu.memory_space<semaphore_mem>>)
    %dma_start3A_87 = arith.constant 4864 : i32
    %dma_start3A_88 = tpu.memref_slice %arg9[%dma_start3A_87] : memref<5000xi32, #tpu.memory_space<vmem>> -> memref<128xi32, #tpu.memory_space<vmem>>
    %dma_start3A_89 = arith.constant 0 : i32
    %dma_start3A_90 = arith.constant 0 : i32
    %dma_start3A_91 = tpu.memref_slice %arg3[%dma_start3A_89, %dma_start3A_90] : memref<10000x128xi32, #tpu.memory_space<hbm>> -> memref<10000x128xi32, #tpu.memory_space<hbm>>
    tpu.enqueue_indirect_dma source(%dma_start3A_91 : memref<10000x128xi32, #tpu.memory_space<hbm>>) target(%arg11 : memref<128x128xi32, #tpu.memory_space<vmem>>) offsets(%dma_start3A_88 : memref<128xi32, #tpu.memory_space<vmem>>) semaphore(%arg14 : memref<!tpu.dma_semaphore, #tpu.memory_space<semaphore_mem>>)
    %dma_wait3A_92 = arith.constant 0 : i32
    %dma_wait3A_93 = arith.constant 0 : i32
    %dma_wait3A_94 = tpu.memref_slice %arg2[%dma_wait3A_92, %dma_wait3A_93] : memref<10000x128xi32, #tpu.memory_space<hbm>> -> memref<128x128xi32, #tpu.memory_space<hbm>>
    %dma_wait3A_95 = arith.constant 0 : i32
    %dma_wait3A_96 = arith.constant 0 : i32
    %dma_wait3A_97 = tpu.memref_slice %arg2[%dma_wait3A_95, %dma_wait3A_96] : memref<10000x128xi32, #tpu.memory_space<hbm>> -> memref<128x128xi32, #tpu.memory_space<hbm>>
    tpu.wait_dma2 semaphore(%arg14 : memref<!tpu.dma_semaphore, #tpu.memory_space<semaphore_mem>>) src(%dma_wait3A_97 : memref<128x128xi32, #tpu.memory_space<hbm>>) dst(%arg10 : memref<128x128xi32, #tpu.memory_space<vmem>>)
    %dma_wait3A_98 = arith.constant 0 : i32
    %dma_wait3A_99 = arith.constant 0 : i32
    %dma_wait3A_100 = tpu.memref_slice %arg3[%dma_wait3A_98, %dma_wait3A_99] : memref<10000x128xi32, #tpu.memory_space<hbm>> -> memref<128x128xi32, #tpu.memory_space<hbm>>
    %dma_wait3A_101 = arith.constant 0 : i32
    %dma_wait3A_102 = arith.constant 0 : i32
    %dma_wait3A_103 = tpu.memref_slice %arg3[%dma_wait3A_101, %dma_wait3A_102] : memref<10000x128xi32, #tpu.memory_space<hbm>> -> memref<128x128xi32, #tpu.memory_space<hbm>>
    tpu.wait_dma2 semaphore(%arg14 : memref<!tpu.dma_semaphore, #tpu.memory_space<semaphore_mem>>) src(%dma_wait3A_103 : memref<128x128xi32, #tpu.memory_space<hbm>>) dst(%arg11 : memref<128x128xi32, #tpu.memory_space<vmem>>)
    %add3A_104 = arith.constant 4864 : i32
    %add3A_105 = arith.addi %mul3A_2, %add3A_104 : i32
    %dma_start3A_106 = arith.constant 0 : i32
    %dma_start3A_107 = tpu.memref_slice %arg6[%add3A_105, %dma_start3A_106] : memref<160000x128xi32, #tpu.memory_space<hbm>> -> memref<128x128xi32, #tpu.memory_space<hbm>>
    %dma_start3A_108 = arith.constant 0 : i32
    %dma_start3A_109 = tpu.memref_slice %arg6[%add3A_105, %dma_start3A_108] : memref<160000x128xi32, #tpu.memory_space<hbm>> -> memref<128x128xi32, #tpu.memory_space<hbm>>
    tpu.enqueue_dma source(%arg10 : memref<128x128xi32, #tpu.memory_space<vmem>>) target(%dma_start3A_109 : memref<128x128xi32, #tpu.memory_space<hbm>>) target_semaphore(%arg16 : memref<!tpu.dma_semaphore, #tpu.memory_space<semaphore_mem>>)
    %dma_start3A_110 = arith.constant 0 : i32
    %dma_start3A_111 = tpu.memref_slice %arg7[%add3A_105, %dma_start3A_110] : memref<160000x128xi32, #tpu.memory_space<hbm>> -> memref<128x128xi32, #tpu.memory_space<hbm>>
    %dma_start3A_112 = arith.constant 0 : i32
    %dma_start3A_113 = tpu.memref_slice %arg7[%add3A_105, %dma_start3A_112] : memref<160000x128xi32, #tpu.memory_space<hbm>> -> memref<128x128xi32, #tpu.memory_space<hbm>>
    tpu.enqueue_dma source(%arg11 : memref<128x128xi32, #tpu.memory_space<vmem>>) target(%dma_start3A_113 : memref<128x128xi32, #tpu.memory_space<hbm>>) target_semaphore(%arg16 : memref<!tpu.dma_semaphore, #tpu.memory_space<semaphore_mem>>)
    %dma_wait3A_114 = arith.constant 0 : i32
    %dma_wait3A_115 = arith.constant 0 : i32
    %dma_wait3A_116 = tpu.memref_slice %arg6[%dma_wait3A_114, %dma_wait3A_115] : memref<160000x128xi32, #tpu.memory_space<hbm>> -> memref<128x128xi32, #tpu.memory_space<hbm>>
    %dma_wait3A_117 = arith.constant 0 : i32
    %dma_wait3A_118 = arith.constant 0 : i32
    %dma_wait3A_119 = tpu.memref_slice %arg6[%dma_wait3A_117, %dma_wait3A_118] : memref<160000x128xi32, #tpu.memory_space<hbm>> -> memref<128x128xi32, #tpu.memory_space<hbm>>
    tpu.wait_dma2 semaphore(%arg16 : memref<!tpu.dma_semaphore, #tpu.memory_space<semaphore_mem>>) src(%arg10 : memref<128x128xi32, #tpu.memory_space<vmem>>) dst(%dma_wait3A_119 : memref<128x128xi32, #tpu.memory_space<hbm>>)
    %dma_wait3A_120 = arith.constant 0 : i32
    %dma_wait3A_121 = arith.constant 0 : i32
    %dma_wait3A_122 = tpu.memref_slice %arg7[%dma_wait3A_120, %dma_wait3A_121] : memref<160000x128xi32, #tpu.memory_space<hbm>> -> memref<128x128xi32, #tpu.memory_space<hbm>>
    %dma_wait3A_123 = arith.constant 0 : i32
    %dma_wait3A_124 = arith.constant 0 : i32
    %dma_wait3A_125 = tpu.memref_slice %arg7[%dma_wait3A_123, %dma_wait3A_124] : memref<160000x128xi32, #tpu.memory_space<hbm>> -> memref<128x128xi32, #tpu.memory_space<hbm>>
    tpu.wait_dma2 semaphore(%arg16 : memref<!tpu.dma_semaphore, #tpu.memory_space<semaphore_mem>>) src(%arg11 : memref<128x128xi32, #tpu.memory_space<vmem>>) dst(%dma_wait3A_125 : memref<128x128xi32, #tpu.memory_space<hbm>>)
    %dma_wait3A_126 = arith.constant 0 : i32
    %dma_wait3A_127 = arith.constant 0 : i32
    %dma_wait3A_128 = tpu.memref_slice %arg6[%dma_wait3A_126, %dma_wait3A_127] : memref<160000x128xi32, #tpu.memory_space<hbm>> -> memref<128x128xi32, #tpu.memory_space<hbm>>
    %dma_wait3A_129 = arith.constant 0 : i32
    %dma_wait3A_130 = arith.constant 0 : i32
    %dma_wait3A_131 = tpu.memref_slice %arg6[%dma_wait3A_129, %dma_wait3A_130] : memref<160000x128xi32, #tpu.memory_space<hbm>> -> memref<128x128xi32, #tpu.memory_space<hbm>>
    tpu.wait_dma2 semaphore(%arg17 : memref<!tpu.dma_semaphore, #tpu.memory_space<semaphore_mem>>) src(%arg12 : memref<128x128xi32, #tpu.memory_space<vmem>>) dst(%dma_wait3A_131 : memref<128x128xi32, #tpu.memory_space<hbm>>)
    %dma_wait3A_132 = arith.constant 0 : i32
    %dma_wait3A_133 = arith.constant 0 : i32
    %dma_wait3A_134 = tpu.memref_slice %arg7[%dma_wait3A_132, %dma_wait3A_133] : memref<160000x128xi32, #tpu.memory_space<hbm>> -> memref<128x128xi32, #tpu.memory_space<hbm>>
    %dma_wait3A_135 = arith.constant 0 : i32
    %dma_wait3A_136 = arith.constant 0 : i32
    %dma_wait3A_137 = tpu.memref_slice %arg7[%dma_wait3A_135, %dma_wait3A_136] : memref<160000x128xi32, #tpu.memory_space<hbm>> -> memref<128x128xi32, #tpu.memory_space<hbm>>
    tpu.wait_dma2 semaphore(%arg17 : memref<!tpu.dma_semaphore, #tpu.memory_space<semaphore_mem>>) src(%arg13 : memref<128x128xi32, #tpu.memory_space<vmem>>) dst(%dma_wait3A_137 : memref<128x128xi32, #tpu.memory_space<hbm>>)
    %add3A_138 = arith.constant 4992 : i32
    %add3A_139 = arith.addi %mul3A_2, %add3A_138 : i32
    %dma_start3A_140 = arith.constant 0 : i32
    %dma_start3A_141 = arith.constant 0 : i32
    %dma_start3A_142 = tpu.memref_slice %arg10[%dma_start3A_140, %dma_start3A_141] : memref<128x128xi32, #tpu.memory_space<vmem>> -> memref<8x128xi32, #tpu.memory_space<vmem>>
    %dma_start3A_143 = arith.constant 4992 : i32
    %dma_start3A_144 = tpu.memref_slice %arg8[%dma_start3A_143] : memref<5000xi32, #tpu.memory_space<vmem>> -> memref<8xi32, #tpu.memory_space<vmem>>
    %dma_start3A_145 = arith.constant 0 : i32
    %dma_start3A_146 = arith.constant 0 : i32
    %dma_start3A_147 = tpu.memref_slice %arg2[%dma_start3A_145, %dma_start3A_146] : memref<10000x128xi32, #tpu.memory_space<hbm>> -> memref<10000x128xi32, #tpu.memory_space<hbm>>
    tpu.enqueue_indirect_dma source(%dma_start3A_147 : memref<10000x128xi32, #tpu.memory_space<hbm>>) target(%dma_start3A_142 : memref<8x128xi32, #tpu.memory_space<vmem>>) offsets(%dma_start3A_144 : memref<8xi32, #tpu.memory_space<vmem>>) semaphore(%arg14 : memref<!tpu.dma_semaphore, #tpu.memory_space<semaphore_mem>>)
    %dma_start3A_148 = arith.constant 0 : i32
    %dma_start3A_149 = arith.constant 0 : i32
    %dma_start3A_150 = tpu.memref_slice %arg11[%dma_start3A_148, %dma_start3A_149] : memref<128x128xi32, #tpu.memory_space<vmem>> -> memref<8x128xi32, #tpu.memory_space<vmem>>
    %dma_start3A_151 = arith.constant 4992 : i32
    %dma_start3A_152 = tpu.memref_slice %arg9[%dma_start3A_151] : memref<5000xi32, #tpu.memory_space<vmem>> -> memref<8xi32, #tpu.memory_space<vmem>>
    %dma_start3A_153 = arith.constant 0 : i32
    %dma_start3A_154 = arith.constant 0 : i32
    %dma_start3A_155 = tpu.memref_slice %arg3[%dma_start3A_153, %dma_start3A_154] : memref<10000x128xi32, #tpu.memory_space<hbm>> -> memref<10000x128xi32, #tpu.memory_space<hbm>>
    tpu.enqueue_indirect_dma source(%dma_start3A_155 : memref<10000x128xi32, #tpu.memory_space<hbm>>) target(%dma_start3A_150 : memref<8x128xi32, #tpu.memory_space<vmem>>) offsets(%dma_start3A_152 : memref<8xi32, #tpu.memory_space<vmem>>) semaphore(%arg14 : memref<!tpu.dma_semaphore, #tpu.memory_space<semaphore_mem>>)
    %dma_wait3A_156 = arith.constant 0 : i32
    %dma_wait3A_157 = arith.constant 0 : i32
    %dma_wait3A_158 = tpu.memref_slice %arg10[%dma_wait3A_156, %dma_wait3A_157] : memref<128x128xi32, #tpu.memory_space<vmem>> -> memref<8x128xi32, #tpu.memory_space<vmem>>
    %dma_wait3A_159 = arith.constant 0 : i32
    %dma_wait3A_160 = arith.constant 0 : i32
    %dma_wait3A_161 = tpu.memref_slice %arg2[%dma_wait3A_159, %dma_wait3A_160] : memref<10000x128xi32, #tpu.memory_space<hbm>> -> memref<8x128xi32, #tpu.memory_space<hbm>>
    %dma_wait3A_162 = arith.constant 0 : i32
    %dma_wait3A_163 = arith.constant 0 : i32
    %dma_wait3A_164 = tpu.memref_slice %arg10[%dma_wait3A_162, %dma_wait3A_163] : memref<128x128xi32, #tpu.memory_space<vmem>> -> memref<8x128xi32, #tpu.memory_space<vmem>>
    %dma_wait3A_165 = arith.constant 0 : i32
    %dma_wait3A_166 = arith.constant 0 : i32
    %dma_wait3A_167 = tpu.memref_slice %arg2[%dma_wait3A_165, %dma_wait3A_166] : memref<10000x128xi32, #tpu.memory_space<hbm>> -> memref<8x128xi32, #tpu.memory_space<hbm>>
    tpu.wait_dma2 semaphore(%arg14 : memref<!tpu.dma_semaphore, #tpu.memory_space<semaphore_mem>>) src(%dma_wait3A_167 : memref<8x128xi32, #tpu.memory_space<hbm>>) dst(%dma_wait3A_164 : memref<8x128xi32, #tpu.memory_space<vmem>>)
    %dma_wait3A_168 = arith.constant 0 : i32
    %dma_wait3A_169 = arith.constant 0 : i32
    %dma_wait3A_170 = tpu.memref_slice %arg11[%dma_wait3A_168, %dma_wait3A_169] : memref<128x128xi32, #tpu.memory_space<vmem>> -> memref<8x128xi32, #tpu.memory_space<vmem>>
    %dma_wait3A_171 = arith.constant 0 : i32
    %dma_wait3A_172 = arith.constant 0 : i32
    %dma_wait3A_173 = tpu.memref_slice %arg3[%dma_wait3A_171, %dma_wait3A_172] : memref<10000x128xi32, #tpu.memory_space<hbm>> -> memref<8x128xi32, #tpu.memory_space<hbm>>
    %dma_wait3A_174 = arith.constant 0 : i32
    %dma_wait3A_175 = arith.constant 0 : i32
    %dma_wait3A_176 = tpu.memref_slice %arg11[%dma_wait3A_174, %dma_wait3A_175] : memref<128x128xi32, #tpu.memory_space<vmem>> -> memref<8x128xi32, #tpu.memory_space<vmem>>
    %dma_wait3A_177 = arith.constant 0 : i32
    %dma_wait3A_178 = arith.constant 0 : i32
    %dma_wait3A_179 = tpu.memref_slice %arg3[%dma_wait3A_177, %dma_wait3A_178] : memref<10000x128xi32, #tpu.memory_space<hbm>> -> memref<8x128xi32, #tpu.memory_space<hbm>>
    tpu.wait_dma2 semaphore(%arg14 : memref<!tpu.dma_semaphore, #tpu.memory_space<semaphore_mem>>) src(%dma_wait3A_179 : memref<8x128xi32, #tpu.memory_space<hbm>>) dst(%dma_wait3A_176 : memref<8x128xi32, #tpu.memory_space<vmem>>)
    "tpu.region"() ({
      %run_scoped3A = tpu.sem_alloc : memref<!tpu.dma_semaphore, #tpu.memory_space<semaphore_mem>>
      %dma_start3A_180 = arith.constant 0 : i32
      %dma_start3A_181 = arith.constant 0 : i32
      %dma_start3A_182 = tpu.memref_slice %arg10[%dma_start3A_180, %dma_start3A_181] : memref<128x128xi32, #tpu.memory_space<vmem>> -> memref<8x128xi32, #tpu.memory_space<vmem>>
      %dma_start3A_183 = arith.constant 0 : i32
      %dma_start3A_184 = tpu.memref_slice %arg6[%add3A_139, %dma_start3A_183] : memref<160000x128xi32, #tpu.memory_space<hbm>> -> memref<8x128xi32, #tpu.memory_space<hbm>>
      %dma_start3A_185 = arith.constant 0 : i32
      %dma_start3A_186 = tpu.memref_slice %arg6[%add3A_139, %dma_start3A_185] : memref<160000x128xi32, #tpu.memory_space<hbm>> -> memref<8x128xi32, #tpu.memory_space<hbm>>
      %dma_start3A_187 = arith.constant 0 : i32
      %dma_start3A_188 = arith.constant 0 : i32
      %dma_start3A_189 = tpu.memref_slice %arg10[%dma_start3A_187, %dma_start3A_188] : memref<128x128xi32, #tpu.memory_space<vmem>> -> memref<8x128xi32, #tpu.memory_space<vmem>>
      tpu.enqueue_dma source(%dma_start3A_189 : memref<8x128xi32, #tpu.memory_space<vmem>>) target(%dma_start3A_186 : memref<8x128xi32, #tpu.memory_space<hbm>>) target_semaphore(%run_scoped3A : memref<!tpu.dma_semaphore, #tpu.memory_space<semaphore_mem>>)
      %dma_wait3A_190 = arith.constant 0 : i32
      %dma_wait3A_191 = arith.constant 0 : i32
      %dma_wait3A_192 = tpu.memref_slice %arg10[%dma_wait3A_190, %dma_wait3A_191] : memref<128x128xi32, #tpu.memory_space<vmem>> -> memref<8x128xi32, #tpu.memory_space<vmem>>
      %dma_wait3A_193 = arith.constant 0 : i32
      %dma_wait3A_194 = tpu.memref_slice %arg6[%add3A_139, %dma_wait3A_193] : memref<160000x128xi32, #tpu.memory_space<hbm>> -> memref<8x128xi32, #tpu.memory_space<hbm>>
      %dma_wait3A_195 = arith.constant 0 : i32
      %dma_wait3A_196 = tpu.memref_slice %arg6[%add3A_139, %dma_wait3A_195] : memref<160000x128xi32, #tpu.memory_space<hbm>> -> memref<8x128xi32, #tpu.memory_space<hbm>>
      %dma_wait3A_197 = arith.constant 0 : i32
      %dma_wait3A_198 = arith.constant 0 : i32
      %dma_wait3A_199 = tpu.memref_slice %arg10[%dma_wait3A_197, %dma_wait3A_198] : memref<128x128xi32, #tpu.memory_space<vmem>> -> memref<8x128xi32, #tpu.memory_space<vmem>>
      tpu.wait_dma2 semaphore(%run_scoped3A : memref<!tpu.dma_semaphore, #tpu.memory_space<semaphore_mem>>) src(%dma_wait3A_199 : memref<8x128xi32, #tpu.memory_space<vmem>>) dst(%dma_wait3A_196 : memref<8x128xi32, #tpu.memory_space<hbm>>)
      tpu.yield
    }) : () -> ()
    "tpu.region"() ({
      %run_scoped3A = tpu.sem_alloc : memref<!tpu.dma_semaphore, #tpu.memory_space<semaphore_mem>>
      %dma_start3A_180 = arith.constant 0 : i32
      %dma_start3A_181 = arith.constant 0 : i32
      %dma_start3A_182 = tpu.memref_slice %arg11[%dma_start3A_180, %dma_start3A_181] : memref<128x128xi32, #tpu.memory_space<vmem>> -> memref<8x128xi32, #tpu.memory_space<vmem>>
      %dma_start3A_183 = arith.constant 0 : i32
      %dma_start3A_184 = tpu.memref_slice %arg7[%add3A_139, %dma_start3A_183] : memref<160000x128xi32, #tpu.memory_space<hbm>> -> memref<8x128xi32, #tpu.memory_space<hbm>>
      %dma_start3A_185 = arith.constant 0 : i32
      %dma_start3A_186 = tpu.memref_slice %arg7[%add3A_139, %dma_start3A_185] : memref<160000x128xi32, #tpu.memory_space<hbm>> -> memref<8x128xi32, #tpu.memory_space<hbm>>
      %dma_start3A_187 = arith.constant 0 : i32
      %dma_start3A_188 = arith.constant 0 : i32
      %dma_start3A_189 = tpu.memref_slice %arg11[%dma_start3A_187, %dma_start3A_188] : memref<128x128xi32, #tpu.memory_space<vmem>> -> memref<8x128xi32, #tpu.memory_space<vmem>>
      tpu.enqueue_dma source(%dma_start3A_189 : memref<8x128xi32, #tpu.memory_space<vmem>>) target(%dma_start3A_186 : memref<8x128xi32, #tpu.memory_space<hbm>>) target_semaphore(%run_scoped3A : memref<!tpu.dma_semaphore, #tpu.memory_space<semaphore_mem>>)
      %dma_wait3A_190 = arith.constant 0 : i32
      %dma_wait3A_191 = arith.constant 0 : i32
      %dma_wait3A_192 = tpu.memref_slice %arg11[%dma_wait3A_190, %dma_wait3A_191] : memref<128x128xi32, #tpu.memory_space<vmem>> -> memref<8x128xi32, #tpu.memory_space<vmem>>
      %dma_wait3A_193 = arith.constant 0 : i32
      %dma_wait3A_194 = tpu.memref_slice %arg7[%add3A_139, %dma_wait3A_193] : memref<160000x128xi32, #tpu.memory_space<hbm>> -> memref<8x128xi32, #tpu.memory_space<hbm>>
      %dma_wait3A_195 = arith.constant 0 : i32
      %dma_wait3A_196 = tpu.memref_slice %arg7[%add3A_139, %dma_wait3A_195] : memref<160000x128xi32, #tpu.memory_space<hbm>> -> memref<8x128xi32, #tpu.memory_space<hbm>>
      %dma_wait3A_197 = arith.constant 0 : i32
      %dma_wait3A_198 = arith.constant 0 : i32
      %dma_wait3A_199 = tpu.memref_slice %arg11[%dma_wait3A_197, %dma_wait3A_198] : memref<128x128xi32, #tpu.memory_space<vmem>> -> memref<8x128xi32, #tpu.memory_space<vmem>>
      tpu.wait_dma2 semaphore(%run_scoped3A : memref<!tpu.dma_semaphore, #tpu.memory_space<semaphore_mem>>) src(%dma_wait3A_199 : memref<8x128xi32, #tpu.memory_space<vmem>>) dst(%dma_wait3A_196 : memref<8x128xi32, #tpu.memory_space<hbm>>)
      tpu.yield
    }) : () -> ()
    return
  }
}

#map = affine_map<(d0, d1) -> (0, 0)>
#map1 = affine_map<(d0, d1) -> (0)>
module attributes {stable_mosaic.version = 14 : i64} {
  func.func @_gather2_body(%arg0: i32, %arg1: i32, %arg2: memref<10000x128xi32, #tpu.memory_space<hbm>>, %arg3: memref<10000x128xi32, #tpu.memory_space<hbm>>, %arg4: memref<160000xi32, #tpu.memory_space<hbm>>, %arg5: memref<160000xi32, #tpu.memory_space<hbm>>, %arg6: memref<160000x128xi32, #tpu.memory_space<hbm>>, %arg7: memref<160000x128xi32, #tpu.memory_space<hbm>>, %arg8: memref<5000xi32, #tpu.memory_space<vmem>>, %arg9: memref<5000xi32, #tpu.memory_space<vmem>>, %arg10: memref<128x128xi32, #tpu.memory_space<vmem>>, %arg11: memref<128x128xi32, #tpu.memory_space<vmem>>, %arg12: memref<128x128xi32, #tpu.memory_space<vmem>>, %arg13: memref<128x128xi32, #tpu.memory_space<vmem>>, %arg14: memref<!tpu.dma_semaphore, #tpu.memory_space<semaphore_mem>>, %arg15: memref<!tpu.dma_semaphore, #tpu.memory_space<semaphore_mem>>, %arg16: memref<!tpu.dma_semaphore, #tpu.memory_space<semaphore_mem>>, %arg17: memref<!tpu.dma_semaphore, #tpu.memory_space<semaphore_mem>>) attributes {dimension_semantics = [#tpu.dimension_semantics<core_parallel>, #tpu.dimension_semantics<subcore_parallel>], iteration_bounds = array<i64: 2, 16>, scalar_prefetch = 0 : i64, scratch_operands = 10 : i64, tpu.core_type = #tpu.core_type<sc_vector_subcore>, window_params = [{transform_indices = #map}, {transform_indices = #map}, {transform_indices = #map1}, {transform_indices = #map1}, {transform_indices = #map}, {transform_indices = #map}]} {
    %mul3A = arith.constant 2 : i32
    %mul3A_0 = arith.muli %arg1, %mul3A : i32
    %add3A = arith.addi %mul3A_0, %arg0 : i32
    %mul3A_1 = arith.constant 5000 : i32
    %mul3A_2 = arith.muli %add3A, %mul3A_1 : i32
    "tpu.region"() ({
      %run_scoped3A = tpu.sem_alloc : memref<!tpu.dma_semaphore, #tpu.memory_space<semaphore_mem>>
      %dma_start3A_180 = tpu.memref_slice %arg4[%mul3A_2] : memref<160000xi32, #tpu.memory_space<hbm>> -> memref<5000xi32, #tpu.memory_space<hbm>>
      %dma_start3A_181 = tpu.memref_slice %arg4[%mul3A_2] : memref<160000xi32, #tpu.memory_space<hbm>> -> memref<5000xi32, #tpu.memory_space<hbm>>
      tpu.enqueue_dma source(%dma_start3A_181 : memref<5000xi32, #tpu.memory_space<hbm>>) target(%arg8 : memref<5000xi32, #tpu.memory_space<vmem>>) target_semaphore(%run_scoped3A : memref<!tpu.dma_semaphore, #tpu.memory_space<semaphore_mem>>)
      %dma_wait3A_182 = tpu.memref_slice %arg4[%mul3A_2] : memref<160000xi32, #tpu.memory_space<hbm>> -> memref<5000xi32, #tpu.memory_space<hbm>>
      %dma_wait3A_183 = tpu.memref_slice %arg4[%mul3A_2] : memref<160000xi32, #tpu.memory_space<hbm>> -> memref<5000xi32, #tpu.memory_space<hbm>>
      tpu.wait_dma2 semaphore(%run_scoped3A : memref<!tpu.dma_semaphore, #tpu.memory_space<semaphore_mem>>) src(%dma_wait3A_183 : memref<5000xi32, #tpu.memory_space<hbm>>) dst(%arg8 : memref<5000xi32, #tpu.memory_space<vmem>>)
      tpu.yield
    }) : () -> ()
    "tpu.region"() ({
      %run_scoped3A = tpu.sem_alloc : memref<!tpu.dma_semaphore, #tpu.memory_space<semaphore_mem>>
      %dma_start3A_180 = tpu.memref_slice %arg5[%mul3A_2] : memref<160000xi32, #tpu.memory_space<hbm>> -> memref<5000xi32, #tpu.memory_space<hbm>>
      %dma_start3A_181 = tpu.memref_slice %arg5[%mul3A_2] : memref<160000xi32, #tpu.memory_space<hbm>> -> memref<5000xi32, #tpu.memory_space<hbm>>
      tpu.enqueue_dma source(%dma_start3A_181 : memref<5000xi32, #tpu.memory_space<hbm>>) target(%arg9 : memref<5000xi32, #tpu.memory_space<vmem>>) target_semaphore(%run_scoped3A : memref<!tpu.dma_semaphore, #tpu.memory_space<semaphore_mem>>)
      %dma_wait3A_182 = tpu.memref_slice %arg5[%mul3A_2] : memref<160000xi32, #tpu.memory_space<hbm>> -> memref<5000xi32, #tpu.memory_space<hbm>>
      %dma_wait3A_183 = tpu.memref_slice %arg5[%mul3A_2] : memref<160000xi32, #tpu.memory_space<hbm>> -> memref<5000xi32, #tpu.memory_space<hbm>>
      tpu.wait_dma2 semaphore(%run_scoped3A : memref<!tpu.dma_semaphore, #tpu.memory_space<semaphore_mem>>) src(%dma_wait3A_183 : memref<5000xi32, #tpu.memory_space<hbm>>) dst(%arg9 : memref<5000xi32, #tpu.memory_space<vmem>>)
      tpu.yield
    }) : () -> ()
    %dma_start3A = arith.constant 0 : i32
    %dma_start3A_3 = tpu.memref_slice %arg8[%dma_start3A] : memref<5000xi32, #tpu.memory_space<vmem>> -> memref<128xi32, #tpu.memory_space<vmem>>
    %dma_start3A_4 = arith.constant 0 : i32
    %dma_start3A_5 = arith.constant 0 : i32
    %dma_start3A_6 = tpu.memref_slice %arg2[%dma_start3A_4, %dma_start3A_5] : memref<10000x128xi32, #tpu.memory_space<hbm>> -> memref<10000x128xi32, #tpu.memory_space<hbm>>
    tpu.enqueue_indirect_dma source(%dma_start3A_6 : memref<10000x128xi32, #tpu.memory_space<hbm>>) target(%arg10 : memref<128x128xi32, #tpu.memory_space<vmem>>) offsets(%dma_start3A_3 : memref<128xi32, #tpu.memory_space<vmem>>) semaphore(%arg14 : memref<!tpu.dma_semaphore, #tpu.memory_space<semaphore_mem>>)
    %dma_start3A_7 = arith.constant 0 : i32
    %dma_start3A_8 = tpu.memref_slice %arg9[%dma_start3A_7] : memref<5000xi32, #tpu.memory_space<vmem>> -> memref<128xi32, #tpu.memory_space<vmem>>
    %dma_start3A_9 = arith.constant 0 : i32
    %dma_start3A_10 = arith.constant 0 : i32
    %dma_start3A_11 = tpu.memref_slice %arg3[%dma_start3A_9, %dma_start3A_10] : memref<10000x128xi32, #tpu.memory_space<hbm>> -> memref<10000x128xi32, #tpu.memory_space<hbm>>
    tpu.enqueue_indirect_dma source(%dma_start3A_11 : memref<10000x128xi32, #tpu.memory_space<hbm>>) target(%arg11 : memref<128x128xi32, #tpu.memory_space<vmem>>) offsets(%dma_start3A_8 : memref<128xi32, #tpu.memory_space<vmem>>) semaphore(%arg14 : memref<!tpu.dma_semaphore, #tpu.memory_space<semaphore_mem>>)
    %dma_start3A_12 = arith.constant 128 : i32
    %dma_start3A_13 = tpu.memref_slice %arg8[%dma_start3A_12] : memref<5000xi32, #tpu.memory_space<vmem>> -> memref<128xi32, #tpu.memory_space<vmem>>
    %dma_start3A_14 = arith.constant 0 : i32
    %dma_start3A_15 = arith.constant 0 : i32
    %dma_start3A_16 = tpu.memref_slice %arg2[%dma_start3A_14, %dma_start3A_15] : memref<10000x128xi32, #tpu.memory_space<hbm>> -> memref<10000x128xi32, #tpu.memory_space<hbm>>
    tpu.enqueue_indirect_dma source(%dma_start3A_16 : memref<10000x128xi32, #tpu.memory_space<hbm>>) target(%arg12 : memref<128x128xi32, #tpu.memory_space<vmem>>) offsets(%dma_start3A_13 : memref<128xi32, #tpu.memory_space<vmem>>) semaphore(%arg15 : memref<!tpu.dma_semaphore, #tpu.memory_space<semaphore_mem>>)
    %dma_start3A_17 = arith.constant 128 : i32
    %dma_start3A_18 = tpu.memref_slice %arg9[%dma_start3A_17] : memref<5000xi32, #tpu.memory_space<vmem>> -> memref<128xi32, #tpu.memory_space<vmem>>
    %dma_start3A_19 = arith.constant 0 : i32
    %dma_start3A_20 = arith.constant 0 : i32
    %dma_start3A_21 = tpu.memref_slice %arg3[%dma_start3A_19, %dma_start3A_20] : memref<10000x128xi32, #tpu.memory_space<hbm>> -> memref<10000x128xi32, #tpu.memory_space<hbm>>
    tpu.enqueue_indirect_dma source(%dma_start3A_21 : memref<10000x128xi32, #tpu.memory_space<hbm>>) target(%arg13 : memref<128x128xi32, #tpu.memory_space<vmem>>) offsets(%dma_start3A_18 : memref<128xi32, #tpu.memory_space<vmem>>) semaphore(%arg15 : memref<!tpu.dma_semaphore, #tpu.memory_space<semaphore_mem>>)
    %dma_wait3A = arith.constant 0 : i32
    %dma_wait3A_22 = arith.constant 0 : i32
    %dma_wait3A_23 = tpu.memref_slice %arg2[%dma_wait3A, %dma_wait3A_22] : memref<10000x128xi32, #tpu.memory_space<hbm>> -> memref<128x128xi32, #tpu.memory_space<hbm>>
    %dma_wait3A_24 = arith.constant 0 : i32
    %dma_wait3A_25 = arith.constant 0 : i32
    %dma_wait3A_26 = tpu.memref_slice %arg2[%dma_wait3A_24, %dma_wait3A_25] : memref<10000x128xi32, #tpu.memory_space<hbm>> -> memref<128x128xi32, #tpu.memory_space<hbm>>
    tpu.wait_dma2 semaphore(%arg14 : memref<!tpu.dma_semaphore, #tpu.memory_space<semaphore_mem>>) src(%dma_wait3A_26 : memref<128x128xi32, #tpu.memory_space<hbm>>) dst(%arg10 : memref<128x128xi32, #tpu.memory_space<vmem>>)
    %dma_wait3A_27 = arith.constant 0 : i32
    %dma_wait3A_28 = arith.constant 0 : i32
    %dma_wait3A_29 = tpu.memref_slice %arg3[%dma_wait3A_27, %dma_wait3A_28] : memref<10000x128xi32, #tpu.memory_space<hbm>> -> memref<128x128xi32, #tpu.memory_space<hbm>>
    %dma_wait3A_30 = arith.constant 0 : i32
    %dma_wait3A_31 = arith.constant 0 : i32
    %dma_wait3A_32 = tpu.memref_slice %arg3[%dma_wait3A_30, %dma_wait3A_31] : memref<10000x128xi32, #tpu.memory_space<hbm>> -> memref<128x128xi32, #tpu.memory_space<hbm>>
    tpu.wait_dma2 semaphore(%arg14 : memref<!tpu.dma_semaphore, #tpu.memory_space<semaphore_mem>>) src(%dma_wait3A_32 : memref<128x128xi32, #tpu.memory_space<hbm>>) dst(%arg11 : memref<128x128xi32, #tpu.memory_space<vmem>>)
    %add3A_33 = arith.constant 0 : i32
    %add3A_34 = arith.addi %mul3A_2, %add3A_33 : i32
    %dma_start3A_35 = arith.constant 0 : i32
    %dma_start3A_36 = tpu.memref_slice %arg6[%add3A_34, %dma_start3A_35] : memref<160000x128xi32, #tpu.memory_space<hbm>> -> memref<128x128xi32, #tpu.memory_space<hbm>>
    %dma_start3A_37 = arith.constant 0 : i32
    %dma_start3A_38 = tpu.memref_slice %arg6[%add3A_34, %dma_start3A_37] : memref<160000x128xi32, #tpu.memory_space<hbm>> -> memref<128x128xi32, #tpu.memory_space<hbm>>
    tpu.enqueue_dma source(%arg10 : memref<128x128xi32, #tpu.memory_space<vmem>>) target(%dma_start3A_38 : memref<128x128xi32, #tpu.memory_space<hbm>>) target_semaphore(%arg16 : memref<!tpu.dma_semaphore, #tpu.memory_space<semaphore_mem>>)
    %dma_start3A_39 = arith.constant 0 : i32
    %dma_start3A_40 = tpu.memref_slice %arg7[%add3A_34, %dma_start3A_39] : memref<160000x128xi32, #tpu.memory_space<hbm>> -> memref<128x128xi32, #tpu.memory_space<hbm>>
    %dma_start3A_41 = arith.constant 0 : i32
    %dma_start3A_42 = tpu.memref_slice %arg7[%add3A_34, %dma_start3A_41] : memref<160000x128xi32, #tpu.memory_space<hbm>> -> memref<128x128xi32, #tpu.memory_space<hbm>>
    tpu.enqueue_dma source(%arg11 : memref<128x128xi32, #tpu.memory_space<vmem>>) target(%dma_start3A_42 : memref<128x128xi32, #tpu.memory_space<hbm>>) target_semaphore(%arg16 : memref<!tpu.dma_semaphore, #tpu.memory_space<semaphore_mem>>)
    %dma_wait3A_43 = arith.constant 0 : i32
    %dma_wait3A_44 = arith.constant 0 : i32
    %dma_wait3A_45 = tpu.memref_slice %arg2[%dma_wait3A_43, %dma_wait3A_44] : memref<10000x128xi32, #tpu.memory_space<hbm>> -> memref<128x128xi32, #tpu.memory_space<hbm>>
    %dma_wait3A_46 = arith.constant 0 : i32
    %dma_wait3A_47 = arith.constant 0 : i32
    %dma_wait3A_48 = tpu.memref_slice %arg2[%dma_wait3A_46, %dma_wait3A_47] : memref<10000x128xi32, #tpu.memory_space<hbm>> -> memref<128x128xi32, #tpu.memory_space<hbm>>
    tpu.wait_dma2 semaphore(%arg15 : memref<!tpu.dma_semaphore, #tpu.memory_space<semaphore_mem>>) src(%dma_wait3A_48 : memref<128x128xi32, #tpu.memory_space<hbm>>) dst(%arg12 : memref<128x128xi32, #tpu.memory_space<vmem>>)
    %dma_wait3A_49 = arith.constant 0 : i32
    %dma_wait3A_50 = arith.constant 0 : i32
    %dma_wait3A_51 = tpu.memref_slice %arg3[%dma_wait3A_49, %dma_wait3A_50] : memref<10000x128xi32, #tpu.memory_space<hbm>> -> memref<128x128xi32, #tpu.memory_space<hbm>>
    %dma_wait3A_52 = arith.constant 0 : i32
    %dma_wait3A_53 = arith.constant 0 : i32
    %dma_wait3A_54 = tpu.memref_slice %arg3[%dma_wait3A_52, %dma_wait3A_53] : memref<10000x128xi32, #tpu.memory_space<hbm>> -> memref<128x128xi32, #tpu.memory_space<hbm>>
    tpu.wait_dma2 semaphore(%arg15 : memref<!tpu.dma_semaphore, #tpu.memory_space<semaphore_mem>>) src(%dma_wait3A_54 : memref<128x128xi32, #tpu.memory_space<hbm>>) dst(%arg13 : memref<128x128xi32, #tpu.memory_space<vmem>>)
    %add3A_55 = arith.constant 128 : i32
    %add3A_56 = arith.addi %mul3A_2, %add3A_55 : i32
    %dma_start3A_57 = arith.constant 0 : i32
    %dma_start3A_58 = tpu.memref_slice %arg6[%add3A_56, %dma_start3A_57] : memref<160000x128xi32, #tpu.memory_space<hbm>> -> memref<128x128xi32, #tpu.memory_space<hbm>>
    %dma_start3A_59 = arith.constant 0 : i32
    %dma_start3A_60 = tpu.memref_slice %arg6[%add3A_56, %dma_start3A_59] : memref<160000x128xi32, #tpu.memory_space<hbm>> -> memref<128x128xi32, #tpu.memory_space<hbm>>
    tpu.enqueue_dma source(%arg12 : memref<128x128xi32, #tpu.memory_space<vmem>>) target(%dma_start3A_60 : memref<128x128xi32, #tpu.memory_space<hbm>>) target_semaphore(%arg17 : memref<!tpu.dma_semaphore, #tpu.memory_space<semaphore_mem>>)
    %dma_start3A_61 = arith.constant 0 : i32
    %dma_start3A_62 = tpu.memref_slice %arg7[%add3A_56, %dma_start3A_61] : memref<160000x128xi32, #tpu.memory_space<hbm>> -> memref<128x128xi32, #tpu.memory_space<hbm>>
    %dma_start3A_63 = arith.constant 0 : i32
    %dma_start3A_64 = tpu.memref_slice %arg7[%add3A_56, %dma_start3A_63] : memref<160000x128xi32, #tpu.memory_space<hbm>> -> memref<128x128xi32, #tpu.memory_space<hbm>>
    tpu.enqueue_dma source(%arg13 : memref<128x128xi32, #tpu.memory_space<vmem>>) target(%dma_start3A_64 : memref<128x128xi32, #tpu.memory_space<hbm>>) target_semaphore(%arg17 : memref<!tpu.dma_semaphore, #tpu.memory_space<semaphore_mem>>)
    %scan3A = arith.constant 0 : i32
    %scan3A_65 = arith.constant 0 : i32
    %scan3A_66 = arith.constant 18 : i32
    %scan3A_67 = arith.addi %scan3A_65, %scan3A_66 : i32
    %scan3A_68 = arith.constant 1 : i32
    scf.for %scan3A_180 = %scan3A_65 to %scan3A_67 step %scan3A_68  : i32 {
      %mul3A_181 = arith.constant 2 : i32
      %mul3A_182 = arith.muli %mul3A_181, %scan3A_180 : i32
      %add3A_183 = arith.constant 2 : i32
      %add3A_184 = arith.addi %add3A_183, %mul3A_182 : i32
      %dma_wait3A_185 = arith.constant 0 : i32
      %dma_wait3A_186 = arith.constant 0 : i32
      %dma_wait3A_187 = tpu.memref_slice %arg6[%dma_wait3A_185, %dma_wait3A_186] : memref<160000x128xi32, #tpu.memory_space<hbm>> -> memref<128x128xi32, #tpu.memory_space<hbm>>
      %dma_wait3A_188 = arith.constant 0 : i32
      %dma_wait3A_189 = arith.constant 0 : i32
      %dma_wait3A_190 = tpu.memref_slice %arg6[%dma_wait3A_188, %dma_wait3A_189] : memref<160000x128xi32, #tpu.memory_space<hbm>> -> memref<128x128xi32, #tpu.memory_space<hbm>>
      tpu.wait_dma2 semaphore(%arg16 : memref<!tpu.dma_semaphore, #tpu.memory_space<semaphore_mem>>) src(%arg10 : memref<128x128xi32, #tpu.memory_space<vmem>>) dst(%dma_wait3A_190 : memref<128x128xi32, #tpu.memory_space<hbm>>)
      %dma_wait3A_191 = arith.constant 0 : i32
      %dma_wait3A_192 = arith.constant 0 : i32
      %dma_wait3A_193 = tpu.memref_slice %arg7[%dma_wait3A_191, %dma_wait3A_192] : memref<160000x128xi32, #tpu.memory_space<hbm>> -> memref<128x128xi32, #tpu.memory_space<hbm>>
      %dma_wait3A_194 = arith.constant 0 : i32
      %dma_wait3A_195 = arith.constant 0 : i32
      %dma_wait3A_196 = tpu.memref_slice %arg7[%dma_wait3A_194, %dma_wait3A_195] : memref<160000x128xi32, #tpu.memory_space<hbm>> -> memref<128x128xi32, #tpu.memory_space<hbm>>
      tpu.wait_dma2 semaphore(%arg16 : memref<!tpu.dma_semaphore, #tpu.memory_space<semaphore_mem>>) src(%arg11 : memref<128x128xi32, #tpu.memory_space<vmem>>) dst(%dma_wait3A_196 : memref<128x128xi32, #tpu.memory_space<hbm>>)
      %mul3A_197 = arith.constant 128 : i32
      %mul3A_198 = arith.muli %add3A_184, %mul3A_197 : i32
      %dma_start3A_199 = tpu.memref_slice %arg8[%mul3A_198] : memref<5000xi32, #tpu.memory_space<vmem>> -> memref<128xi32, #tpu.memory_space<vmem>>
      %dma_start3A_200 = arith.constant 0 : i32
      %dma_start3A_201 = arith.constant 0 : i32
      %dma_start3A_202 = tpu.memref_slice %arg2[%dma_start3A_200, %dma_start3A_201] : memref<10000x128xi32, #tpu.memory_space<hbm>> -> memref<10000x128xi32, #tpu.memory_space<hbm>>
      tpu.enqueue_indirect_dma source(%dma_start3A_202 : memref<10000x128xi32, #tpu.memory_space<hbm>>) target(%arg10 : memref<128x128xi32, #tpu.memory_space<vmem>>) offsets(%dma_start3A_199 : memref<128xi32, #tpu.memory_space<vmem>>) semaphore(%arg14 : memref<!tpu.dma_semaphore, #tpu.memory_space<semaphore_mem>>)
      %dma_start3A_203 = tpu.memref_slice %arg9[%mul3A_198] : memref<5000xi32, #tpu.memory_space<vmem>> -> memref<128xi32, #tpu.memory_space<vmem>>
      %dma_start3A_204 = arith.constant 0 : i32
      %dma_start3A_205 = arith.constant 0 : i32
      %dma_start3A_206 = tpu.memref_slice %arg3[%dma_start3A_204, %dma_start3A_205] : memref<10000x128xi32, #tpu.memory_space<hbm>> -> memref<10000x128xi32, #tpu.memory_space<hbm>>
      tpu.enqueue_indirect_dma source(%dma_start3A_206 : memref<10000x128xi32, #tpu.memory_space<hbm>>) target(%arg11 : memref<128x128xi32, #tpu.memory_space<vmem>>) offsets(%dma_start3A_203 : memref<128xi32, #tpu.memory_space<vmem>>) semaphore(%arg14 : memref<!tpu.dma_semaphore, #tpu.memory_space<semaphore_mem>>)
      %dma_wait3A_207 = arith.constant 0 : i32
      %dma_wait3A_208 = arith.constant 0 : i32
      %dma_wait3A_209 = tpu.memref_slice %arg6[%dma_wait3A_207, %dma_wait3A_208] : memref<160000x128xi32, #tpu.memory_space<hbm>> -> memref<128x128xi32, #tpu.memory_space<hbm>>
      %dma_wait3A_210 = arith.constant 0 : i32
      %dma_wait3A_211 = arith.constant 0 : i32
      %dma_wait3A_212 = tpu.memref_slice %arg6[%dma_wait3A_210, %dma_wait3A_211] : memref<160000x128xi32, #tpu.memory_space<hbm>> -> memref<128x128xi32, #tpu.memory_space<hbm>>
      tpu.wait_dma2 semaphore(%arg17 : memref<!tpu.dma_semaphore, #tpu.memory_space<semaphore_mem>>) src(%arg12 : memref<128x128xi32, #tpu.memory_space<vmem>>) dst(%dma_wait3A_212 : memref<128x128xi32, #tpu.memory_space<hbm>>)
      %dma_wait3A_213 = arith.constant 0 : i32
      %dma_wait3A_214 = arith.constant 0 : i32
      %dma_wait3A_215 = tpu.memref_slice %arg7[%dma_wait3A_213, %dma_wait3A_214] : memref<160000x128xi32, #tpu.memory_space<hbm>> -> memref<128x128xi32, #tpu.memory_space<hbm>>
      %dma_wait3A_216 = arith.constant 0 : i32
      %dma_wait3A_217 = arith.constant 0 : i32
      %dma_wait3A_218 = tpu.memref_slice %arg7[%dma_wait3A_216, %dma_wait3A_217] : memref<160000x128xi32, #tpu.memory_space<hbm>> -> memref<128x128xi32, #tpu.memory_space<hbm>>
      tpu.wait_dma2 semaphore(%arg17 : memref<!tpu.dma_semaphore, #tpu.memory_space<semaphore_mem>>) src(%arg13 : memref<128x128xi32, #tpu.memory_space<vmem>>) dst(%dma_wait3A_218 : memref<128x128xi32, #tpu.memory_space<hbm>>)
      %add3A_219 = arith.constant 1 : i32
      %add3A_220 = arith.addi %add3A_184, %add3A_219 : i32
      %mul3A_221 = arith.constant 128 : i32
      %mul3A_222 = arith.muli %add3A_220, %mul3A_221 : i32
      %dma_start3A_223 = tpu.memref_slice %arg8[%mul3A_222] : memref<5000xi32, #tpu.memory_space<vmem>> -> memref<128xi32, #tpu.memory_space<vmem>>
      %dma_start3A_224 = arith.constant 0 : i32
      %dma_start3A_225 = arith.constant 0 : i32
      %dma_start3A_226 = tpu.memref_slice %arg2[%dma_start3A_224, %dma_start3A_225] : memref<10000x128xi32, #tpu.memory_space<hbm>> -> memref<10000x128xi32, #tpu.memory_space<hbm>>
      tpu.enqueue_indirect_dma source(%dma_start3A_226 : memref<10000x128xi32, #tpu.memory_space<hbm>>) target(%arg12 : memref<128x128xi32, #tpu.memory_space<vmem>>) offsets(%dma_start3A_223 : memref<128xi32, #tpu.memory_space<vmem>>) semaphore(%arg15 : memref<!tpu.dma_semaphore, #tpu.memory_space<semaphore_mem>>)
      %dma_start3A_227 = tpu.memref_slice %arg9[%mul3A_222] : memref<5000xi32, #tpu.memory_space<vmem>> -> memref<128xi32, #tpu.memory_space<vmem>>
      %dma_start3A_228 = arith.constant 0 : i32
      %dma_start3A_229 = arith.constant 0 : i32
      %dma_start3A_230 = tpu.memref_slice %arg3[%dma_start3A_228, %dma_start3A_229] : memref<10000x128xi32, #tpu.memory_space<hbm>> -> memref<10000x128xi32, #tpu.memory_space<hbm>>
      tpu.enqueue_indirect_dma source(%dma_start3A_230 : memref<10000x128xi32, #tpu.memory_space<hbm>>) target(%arg13 : memref<128x128xi32, #tpu.memory_space<vmem>>) offsets(%dma_start3A_227 : memref<128xi32, #tpu.memory_space<vmem>>) semaphore(%arg15 : memref<!tpu.dma_semaphore, #tpu.memory_space<semaphore_mem>>)
      %dma_wait3A_231 = arith.constant 0 : i32
      %dma_wait3A_232 = arith.constant 0 : i32
      %dma_wait3A_233 = tpu.memref_slice %arg2[%dma_wait3A_231, %dma_wait3A_232] : memref<10000x128xi32, #tpu.memory_space<hbm>> -> memref<128x128xi32, #tpu.memory_space<hbm>>
      %dma_wait3A_234 = arith.constant 0 : i32
      %dma_wait3A_235 = arith.constant 0 : i32
      %dma_wait3A_236 = tpu.memref_slice %arg2[%dma_wait3A_234, %dma_wait3A_235] : memref<10000x128xi32, #tpu.memory_space<hbm>> -> memref<128x128xi32, #tpu.memory_space<hbm>>
      tpu.wait_dma2 semaphore(%arg14 : memref<!tpu.dma_semaphore, #tpu.memory_space<semaphore_mem>>) src(%dma_wait3A_236 : memref<128x128xi32, #tpu.memory_space<hbm>>) dst(%arg10 : memref<128x128xi32, #tpu.memory_space<vmem>>)
      %dma_wait3A_237 = arith.constant 0 : i32
      %dma_wait3A_238 = arith.constant 0 : i32
      %dma_wait3A_239 = tpu.memref_slice %arg3[%dma_wait3A_237, %dma_wait3A_238] : memref<10000x128xi32, #tpu.memory_space<hbm>> -> memref<128x128xi32, #tpu.memory_space<hbm>>
      %dma_wait3A_240 = arith.constant 0 : i32
      %dma_wait3A_241 = arith.constant 0 : i32
      %dma_wait3A_242 = tpu.memref_slice %arg3[%dma_wait3A_240, %dma_wait3A_241] : memref<10000x128xi32, #tpu.memory_space<hbm>> -> memref<128x128xi32, #tpu.memory_space<hbm>>
      tpu.wait_dma2 semaphore(%arg14 : memref<!tpu.dma_semaphore, #tpu.memory_space<semaphore_mem>>) src(%dma_wait3A_242 : memref<128x128xi32, #tpu.memory_space<hbm>>) dst(%arg11 : memref<128x128xi32, #tpu.memory_space<vmem>>)
      %mul3A_243 = arith.constant 128 : i32
      %mul3A_244 = arith.muli %add3A_184, %mul3A_243 : i32
      %add3A_245 = arith.addi %mul3A_2, %mul3A_244 : i32
      %dma_start3A_246 = arith.constant 0 : i32
      %dma_start3A_247 = tpu.memref_slice %arg6[%add3A_245, %dma_start3A_246] : memref<160000x128xi32, #tpu.memory_space<hbm>> -> memref<128x128xi32, #tpu.memory_space<hbm>>
      %dma_start3A_248 = arith.constant 0 : i32
      %dma_start3A_249 = tpu.memref_slice %arg6[%add3A_245, %dma_start3A_248] : memref<160000x128xi32, #tpu.memory_space<hbm>> -> memref<128x128xi32, #tpu.memory_space<hbm>>
      tpu.enqueue_dma source(%arg10 : memref<128x128xi32, #tpu.memory_space<vmem>>) target(%dma_start3A_249 : memref<128x128xi32, #tpu.memory_space<hbm>>) target_semaphore(%arg16 : memref<!tpu.dma_semaphore, #tpu.memory_space<semaphore_mem>>)
      %dma_start3A_250 = arith.constant 0 : i32
      %dma_start3A_251 = tpu.memref_slice %arg7[%add3A_245, %dma_start3A_250] : memref<160000x128xi32, #tpu.memory_space<hbm>> -> memref<128x128xi32, #tpu.memory_space<hbm>>
      %dma_start3A_252 = arith.constant 0 : i32
      %dma_start3A_253 = tpu.memref_slice %arg7[%add3A_245, %dma_start3A_252] : memref<160000x128xi32, #tpu.memory_space<hbm>> -> memref<128x128xi32, #tpu.memory_space<hbm>>
      tpu.enqueue_dma source(%arg11 : memref<128x128xi32, #tpu.memory_space<vmem>>) target(%dma_start3A_253 : memref<128x128xi32, #tpu.memory_space<hbm>>) target_semaphore(%arg16 : memref<!tpu.dma_semaphore, #tpu.memory_space<semaphore_mem>>)
      %dma_wait3A_254 = arith.constant 0 : i32
      %dma_wait3A_255 = arith.constant 0 : i32
      %dma_wait3A_256 = tpu.memref_slice %arg2[%dma_wait3A_254, %dma_wait3A_255] : memref<10000x128xi32, #tpu.memory_space<hbm>> -> memref<128x128xi32, #tpu.memory_space<hbm>>
      %dma_wait3A_257 = arith.constant 0 : i32
      %dma_wait3A_258 = arith.constant 0 : i32
      %dma_wait3A_259 = tpu.memref_slice %arg2[%dma_wait3A_257, %dma_wait3A_258] : memref<10000x128xi32, #tpu.memory_space<hbm>> -> memref<128x128xi32, #tpu.memory_space<hbm>>
      tpu.wait_dma2 semaphore(%arg15 : memref<!tpu.dma_semaphore, #tpu.memory_space<semaphore_mem>>) src(%dma_wait3A_259 : memref<128x128xi32, #tpu.memory_space<hbm>>) dst(%arg12 : memref<128x128xi32, #tpu.memory_space<vmem>>)
      %dma_wait3A_260 = arith.constant 0 : i32
      %dma_wait3A_261 = arith.constant 0 : i32
      %dma_wait3A_262 = tpu.memref_slice %arg3[%dma_wait3A_260, %dma_wait3A_261] : memref<10000x128xi32, #tpu.memory_space<hbm>> -> memref<128x128xi32, #tpu.memory_space<hbm>>
      %dma_wait3A_263 = arith.constant 0 : i32
      %dma_wait3A_264 = arith.constant 0 : i32
      %dma_wait3A_265 = tpu.memref_slice %arg3[%dma_wait3A_263, %dma_wait3A_264] : memref<10000x128xi32, #tpu.memory_space<hbm>> -> memref<128x128xi32, #tpu.memory_space<hbm>>
      tpu.wait_dma2 semaphore(%arg15 : memref<!tpu.dma_semaphore, #tpu.memory_space<semaphore_mem>>) src(%dma_wait3A_265 : memref<128x128xi32, #tpu.memory_space<hbm>>) dst(%arg13 : memref<128x128xi32, #tpu.memory_space<vmem>>)
      %add3A_266 = arith.constant 1 : i32
      %add3A_267 = arith.addi %add3A_184, %add3A_266 : i32
      %mul3A_268 = arith.constant 128 : i32
      %mul3A_269 = arith.muli %add3A_267, %mul3A_268 : i32
      %add3A_270 = arith.addi %mul3A_2, %mul3A_269 : i32
      %dma_start3A_271 = arith.constant 0 : i32
      %dma_start3A_272 = tpu.memref_slice %arg6[%add3A_270, %dma_start3A_271] : memref<160000x128xi32, #tpu.memory_space<hbm>> -> memref<128x128xi32, #tpu.memory_space<hbm>>
      %dma_start3A_273 = arith.constant 0 : i32
      %dma_start3A_274 = tpu.memref_slice %arg6[%add3A_270, %dma_start3A_273] : memref<160000x128xi32, #tpu.memory_space<hbm>> -> memref<128x128xi32, #tpu.memory_space<hbm>>
      tpu.enqueue_dma source(%arg12 : memref<128x128xi32, #tpu.memory_space<vmem>>) target(%dma_start3A_274 : memref<128x128xi32, #tpu.memory_space<hbm>>) target_semaphore(%arg17 : memref<!tpu.dma_semaphore, #tpu.memory_space<semaphore_mem>>)
      %dma_start3A_275 = arith.constant 0 : i32
      %dma_start3A_276 = tpu.memref_slice %arg7[%add3A_270, %dma_start3A_275] : memref<160000x128xi32, #tpu.memory_space<hbm>> -> memref<128x128xi32, #tpu.memory_space<hbm>>
      %dma_start3A_277 = arith.constant 0 : i32
      %dma_start3A_278 = tpu.memref_slice %arg7[%add3A_270, %dma_start3A_277] : memref<160000x128xi32, #tpu.memory_space<hbm>> -> memref<128x128xi32, #tpu.memory_space<hbm>>
      tpu.enqueue_dma source(%arg13 : memref<128x128xi32, #tpu.memory_space<vmem>>) target(%dma_start3A_278 : memref<128x128xi32, #tpu.memory_space<hbm>>) target_semaphore(%arg17 : memref<!tpu.dma_semaphore, #tpu.memory_space<semaphore_mem>>)
    }
    %scan3A_69 = arith.constant 18 : i32
    %dma_wait3A_70 = arith.constant 0 : i32
    %dma_wait3A_71 = arith.constant 0 : i32
    %dma_wait3A_72 = tpu.memref_slice %arg6[%dma_wait3A_70, %dma_wait3A_71] : memref<160000x128xi32, #tpu.memory_space<hbm>> -> memref<128x128xi32, #tpu.memory_space<hbm>>
    %dma_wait3A_73 = arith.constant 0 : i32
    %dma_wait3A_74 = arith.constant 0 : i32
    %dma_wait3A_75 = tpu.memref_slice %arg6[%dma_wait3A_73, %dma_wait3A_74] : memref<160000x128xi32, #tpu.memory_space<hbm>> -> memref<128x128xi32, #tpu.memory_space<hbm>>
    tpu.wait_dma2 semaphore(%arg16 : memref<!tpu.dma_semaphore, #tpu.memory_space<semaphore_mem>>) src(%arg10 : memref<128x128xi32, #tpu.memory_space<vmem>>) dst(%dma_wait3A_75 : memref<128x128xi32, #tpu.memory_space<hbm>>)
    %dma_wait3A_76 = arith.constant 0 : i32
    %dma_wait3A_77 = arith.constant 0 : i32
    %dma_wait3A_78 = tpu.memref_slice %arg7[%dma_wait3A_76, %dma_wait3A_77] : memref<160000x128xi32, #tpu.memory_space<hbm>> -> memref<128x128xi32, #tpu.memory_space<hbm>>
    %dma_wait3A_79 = arith.constant 0 : i32
    %dma_wait3A_80 = arith.constant 0 : i32
    %dma_wait3A_81 = tpu.memref_slice %arg7[%dma_wait3A_79, %dma_wait3A_80] : memref<160000x128xi32, #tpu.memory_space<hbm>> -> memref<128x128xi32, #tpu.memory_space<hbm>>
    tpu.wait_dma2 semaphore(%arg16 : memref<!tpu.dma_semaphore, #tpu.memory_space<semaphore_mem>>) src(%arg11 : memref<128x128xi32, #tpu.memory_space<vmem>>) dst(%dma_wait3A_81 : memref<128x128xi32, #tpu.memory_space<hbm>>)
    %dma_start3A_82 = arith.constant 4864 : i32
    %dma_start3A_83 = tpu.memref_slice %arg8[%dma_start3A_82] : memref<5000xi32, #tpu.memory_space<vmem>> -> memref<128xi32, #tpu.memory_space<vmem>>
    %dma_start3A_84 = arith.constant 0 : i32
    %dma_start3A_85 = arith.constant 0 : i32
    %dma_start3A_86 = tpu.memref_slice %arg2[%dma_start3A_84, %dma_start3A_85] : memref<10000x128xi32, #tpu.memory_space<hbm>> -> memref<10000x128xi32, #tpu.memory_space<hbm>>
    tpu.enqueue_indirect_dma source(%dma_start3A_86 : memref<10000x128xi32, #tpu.memory_space<hbm>>) target(%arg10 : memref<128x128xi32, #tpu.memory_space<vmem>>) offsets(%dma_start3A_83 : memref<128xi32, #tpu.memory_space<vmem>>) semaphore(%arg14 : memref<!tpu.dma_semaphore, #tpu.memory_space<semaphore_mem>>)
    %dma_start3A_87 = arith.constant 4864 : i32
    %dma_start3A_88 = tpu.memref_slice %arg9[%dma_start3A_87] : memref<5000xi32, #tpu.memory_space<vmem>> -> memref<128xi32, #tpu.memory_space<vmem>>
    %dma_start3A_89 = arith.constant 0 : i32
    %dma_start3A_90 = arith.constant 0 : i32
    %dma_start3A_91 = tpu.memref_slice %arg3[%dma_start3A_89, %dma_start3A_90] : memref<10000x128xi32, #tpu.memory_space<hbm>> -> memref<10000x128xi32, #tpu.memory_space<hbm>>
    tpu.enqueue_indirect_dma source(%dma_start3A_91 : memref<10000x128xi32, #tpu.memory_space<hbm>>) target(%arg11 : memref<128x128xi32, #tpu.memory_space<vmem>>) offsets(%dma_start3A_88 : memref<128xi32, #tpu.memory_space<vmem>>) semaphore(%arg14 : memref<!tpu.dma_semaphore, #tpu.memory_space<semaphore_mem>>)
    %dma_wait3A_92 = arith.constant 0 : i32
    %dma_wait3A_93 = arith.constant 0 : i32
    %dma_wait3A_94 = tpu.memref_slice %arg2[%dma_wait3A_92, %dma_wait3A_93] : memref<10000x128xi32, #tpu.memory_space<hbm>> -> memref<128x128xi32, #tpu.memory_space<hbm>>
    %dma_wait3A_95 = arith.constant 0 : i32
    %dma_wait3A_96 = arith.constant 0 : i32
    %dma_wait3A_97 = tpu.memref_slice %arg2[%dma_wait3A_95, %dma_wait3A_96] : memref<10000x128xi32, #tpu.memory_space<hbm>> -> memref<128x128xi32, #tpu.memory_space<hbm>>
    tpu.wait_dma2 semaphore(%arg14 : memref<!tpu.dma_semaphore, #tpu.memory_space<semaphore_mem>>) src(%dma_wait3A_97 : memref<128x128xi32, #tpu.memory_space<hbm>>) dst(%arg10 : memref<128x128xi32, #tpu.memory_space<vmem>>)
    %dma_wait3A_98 = arith.constant 0 : i32
    %dma_wait3A_99 = arith.constant 0 : i32
    %dma_wait3A_100 = tpu.memref_slice %arg3[%dma_wait3A_98, %dma_wait3A_99] : memref<10000x128xi32, #tpu.memory_space<hbm>> -> memref<128x128xi32, #tpu.memory_space<hbm>>
    %dma_wait3A_101 = arith.constant 0 : i32
    %dma_wait3A_102 = arith.constant 0 : i32
    %dma_wait3A_103 = tpu.memref_slice %arg3[%dma_wait3A_101, %dma_wait3A_102] : memref<10000x128xi32, #tpu.memory_space<hbm>> -> memref<128x128xi32, #tpu.memory_space<hbm>>
    tpu.wait_dma2 semaphore(%arg14 : memref<!tpu.dma_semaphore, #tpu.memory_space<semaphore_mem>>) src(%dma_wait3A_103 : memref<128x128xi32, #tpu.memory_space<hbm>>) dst(%arg11 : memref<128x128xi32, #tpu.memory_space<vmem>>)
    %add3A_104 = arith.constant 4864 : i32
    %add3A_105 = arith.addi %mul3A_2, %add3A_104 : i32
    %dma_start3A_106 = arith.constant 0 : i32
    %dma_start3A_107 = tpu.memref_slice %arg6[%add3A_105, %dma_start3A_106] : memref<160000x128xi32, #tpu.memory_space<hbm>> -> memref<128x128xi32, #tpu.memory_space<hbm>>
    %dma_start3A_108 = arith.constant 0 : i32
    %dma_start3A_109 = tpu.memref_slice %arg6[%add3A_105, %dma_start3A_108] : memref<160000x128xi32, #tpu.memory_space<hbm>> -> memref<128x128xi32, #tpu.memory_space<hbm>>
    tpu.enqueue_dma source(%arg10 : memref<128x128xi32, #tpu.memory_space<vmem>>) target(%dma_start3A_109 : memref<128x128xi32, #tpu.memory_space<hbm>>) target_semaphore(%arg16 : memref<!tpu.dma_semaphore, #tpu.memory_space<semaphore_mem>>)
    %dma_start3A_110 = arith.constant 0 : i32
    %dma_start3A_111 = tpu.memref_slice %arg7[%add3A_105, %dma_start3A_110] : memref<160000x128xi32, #tpu.memory_space<hbm>> -> memref<128x128xi32, #tpu.memory_space<hbm>>
    %dma_start3A_112 = arith.constant 0 : i32
    %dma_start3A_113 = tpu.memref_slice %arg7[%add3A_105, %dma_start3A_112] : memref<160000x128xi32, #tpu.memory_space<hbm>> -> memref<128x128xi32, #tpu.memory_space<hbm>>
    tpu.enqueue_dma source(%arg11 : memref<128x128xi32, #tpu.memory_space<vmem>>) target(%dma_start3A_113 : memref<128x128xi32, #tpu.memory_space<hbm>>) target_semaphore(%arg16 : memref<!tpu.dma_semaphore, #tpu.memory_space<semaphore_mem>>)
    %dma_wait3A_114 = arith.constant 0 : i32
    %dma_wait3A_115 = arith.constant 0 : i32
    %dma_wait3A_116 = tpu.memref_slice %arg6[%dma_wait3A_114, %dma_wait3A_115] : memref<160000x128xi32, #tpu.memory_space<hbm>> -> memref<128x128xi32, #tpu.memory_space<hbm>>
    %dma_wait3A_117 = arith.constant 0 : i32
    %dma_wait3A_118 = arith.constant 0 : i32
    %dma_wait3A_119 = tpu.memref_slice %arg6[%dma_wait3A_117, %dma_wait3A_118] : memref<160000x128xi32, #tpu.memory_space<hbm>> -> memref<128x128xi32, #tpu.memory_space<hbm>>
    tpu.wait_dma2 semaphore(%arg16 : memref<!tpu.dma_semaphore, #tpu.memory_space<semaphore_mem>>) src(%arg10 : memref<128x128xi32, #tpu.memory_space<vmem>>) dst(%dma_wait3A_119 : memref<128x128xi32, #tpu.memory_space<hbm>>)
    %dma_wait3A_120 = arith.constant 0 : i32
    %dma_wait3A_121 = arith.constant 0 : i32
    %dma_wait3A_122 = tpu.memref_slice %arg7[%dma_wait3A_120, %dma_wait3A_121] : memref<160000x128xi32, #tpu.memory_space<hbm>> -> memref<128x128xi32, #tpu.memory_space<hbm>>
    %dma_wait3A_123 = arith.constant 0 : i32
    %dma_wait3A_124 = arith.constant 0 : i32
    %dma_wait3A_125 = tpu.memref_slice %arg7[%dma_wait3A_123, %dma_wait3A_124] : memref<160000x128xi32, #tpu.memory_space<hbm>> -> memref<128x128xi32, #tpu.memory_space<hbm>>
    tpu.wait_dma2 semaphore(%arg16 : memref<!tpu.dma_semaphore, #tpu.memory_space<semaphore_mem>>) src(%arg11 : memref<128x128xi32, #tpu.memory_space<vmem>>) dst(%dma_wait3A_125 : memref<128x128xi32, #tpu.memory_space<hbm>>)
    %dma_wait3A_126 = arith.constant 0 : i32
    %dma_wait3A_127 = arith.constant 0 : i32
    %dma_wait3A_128 = tpu.memref_slice %arg6[%dma_wait3A_126, %dma_wait3A_127] : memref<160000x128xi32, #tpu.memory_space<hbm>> -> memref<128x128xi32, #tpu.memory_space<hbm>>
    %dma_wait3A_129 = arith.constant 0 : i32
    %dma_wait3A_130 = arith.constant 0 : i32
    %dma_wait3A_131 = tpu.memref_slice %arg6[%dma_wait3A_129, %dma_wait3A_130] : memref<160000x128xi32, #tpu.memory_space<hbm>> -> memref<128x128xi32, #tpu.memory_space<hbm>>
    tpu.wait_dma2 semaphore(%arg17 : memref<!tpu.dma_semaphore, #tpu.memory_space<semaphore_mem>>) src(%arg12 : memref<128x128xi32, #tpu.memory_space<vmem>>) dst(%dma_wait3A_131 : memref<128x128xi32, #tpu.memory_space<hbm>>)
    %dma_wait3A_132 = arith.constant 0 : i32
    %dma_wait3A_133 = arith.constant 0 : i32
    %dma_wait3A_134 = tpu.memref_slice %arg7[%dma_wait3A_132, %dma_wait3A_133] : memref<160000x128xi32, #tpu.memory_space<hbm>> -> memref<128x128xi32, #tpu.memory_space<hbm>>
    %dma_wait3A_135 = arith.constant 0 : i32
    %dma_wait3A_136 = arith.constant 0 : i32
    %dma_wait3A_137 = tpu.memref_slice %arg7[%dma_wait3A_135, %dma_wait3A_136] : memref<160000x128xi32, #tpu.memory_space<hbm>> -> memref<128x128xi32, #tpu.memory_space<hbm>>
    tpu.wait_dma2 semaphore(%arg17 : memref<!tpu.dma_semaphore, #tpu.memory_space<semaphore_mem>>) src(%arg13 : memref<128x128xi32, #tpu.memory_space<vmem>>) dst(%dma_wait3A_137 : memref<128x128xi32, #tpu.memory_space<hbm>>)
    %add3A_138 = arith.constant 4992 : i32
    %add3A_139 = arith.addi %mul3A_2, %add3A_138 : i32
    %dma_start3A_140 = arith.constant 0 : i32
    %dma_start3A_141 = arith.constant 0 : i32
    %dma_start3A_142 = tpu.memref_slice %arg10[%dma_start3A_140, %dma_start3A_141] : memref<128x128xi32, #tpu.memory_space<vmem>> -> memref<8x128xi32, #tpu.memory_space<vmem>>
    %dma_start3A_143 = arith.constant 4992 : i32
    %dma_start3A_144 = tpu.memref_slice %arg8[%dma_start3A_143] : memref<5000xi32, #tpu.memory_space<vmem>> -> memref<8xi32, #tpu.memory_space<vmem>>
    %dma_start3A_145 = arith.constant 0 : i32
    %dma_start3A_146 = arith.constant 0 : i32
    %dma_start3A_147 = tpu.memref_slice %arg2[%dma_start3A_145, %dma_start3A_146] : memref<10000x128xi32, #tpu.memory_space<hbm>> -> memref<10000x128xi32, #tpu.memory_space<hbm>>
    tpu.enqueue_indirect_dma source(%dma_start3A_147 : memref<10000x128xi32, #tpu.memory_space<hbm>>) target(%dma_start3A_142 : memref<8x128xi32, #tpu.memory_space<vmem>>) offsets(%dma_start3A_144 : memref<8xi32, #tpu.memory_space<vmem>>) semaphore(%arg14 : memref<!tpu.dma_semaphore, #tpu.memory_space<semaphore_mem>>)
    %dma_start3A_148 = arith.constant 0 : i32
    %dma_start3A_149 = arith.constant 0 : i32
    %dma_start3A_150 = tpu.memref_slice %arg11[%dma_start3A_148, %dma_start3A_149] : memref<128x128xi32, #tpu.memory_space<vmem>> -> memref<8x128xi32, #tpu.memory_space<vmem>>
    %dma_start3A_151 = arith.constant 4992 : i32
    %dma_start3A_152 = tpu.memref_slice %arg9[%dma_start3A_151] : memref<5000xi32, #tpu.memory_space<vmem>> -> memref<8xi32, #tpu.memory_space<vmem>>
    %dma_start3A_153 = arith.constant 0 : i32
    %dma_start3A_154 = arith.constant 0 : i32
    %dma_start3A_155 = tpu.memref_slice %arg3[%dma_start3A_153, %dma_start3A_154] : memref<10000x128xi32, #tpu.memory_space<hbm>> -> memref<10000x128xi32, #tpu.memory_space<hbm>>
    tpu.enqueue_indirect_dma source(%dma_start3A_155 : memref<10000x128xi32, #tpu.memory_space<hbm>>) target(%dma_start3A_150 : memref<8x128xi32, #tpu.memory_space<vmem>>) offsets(%dma_start3A_152 : memref<8xi32, #tpu.memory_space<vmem>>) semaphore(%arg14 : memref<!tpu.dma_semaphore, #tpu.memory_space<semaphore_mem>>)
    %dma_wait3A_156 = arith.constant 0 : i32
    %dma_wait3A_157 = arith.constant 0 : i32
    %dma_wait3A_158 = tpu.memref_slice %arg10[%dma_wait3A_156, %dma_wait3A_157] : memref<128x128xi32, #tpu.memory_space<vmem>> -> memref<8x128xi32, #tpu.memory_space<vmem>>
    %dma_wait3A_159 = arith.constant 0 : i32
    %dma_wait3A_160 = arith.constant 0 : i32
    %dma_wait3A_161 = tpu.memref_slice %arg2[%dma_wait3A_159, %dma_wait3A_160] : memref<10000x128xi32, #tpu.memory_space<hbm>> -> memref<8x128xi32, #tpu.memory_space<hbm>>
    %dma_wait3A_162 = arith.constant 0 : i32
    %dma_wait3A_163 = arith.constant 0 : i32
    %dma_wait3A_164 = tpu.memref_slice %arg10[%dma_wait3A_162, %dma_wait3A_163] : memref<128x128xi32, #tpu.memory_space<vmem>> -> memref<8x128xi32, #tpu.memory_space<vmem>>
    %dma_wait3A_165 = arith.constant 0 : i32
    %dma_wait3A_166 = arith.constant 0 : i32
    %dma_wait3A_167 = tpu.memref_slice %arg2[%dma_wait3A_165, %dma_wait3A_166] : memref<10000x128xi32, #tpu.memory_space<hbm>> -> memref<8x128xi32, #tpu.memory_space<hbm>>
    tpu.wait_dma2 semaphore(%arg14 : memref<!tpu.dma_semaphore, #tpu.memory_space<semaphore_mem>>) src(%dma_wait3A_167 : memref<8x128xi32, #tpu.memory_space<hbm>>) dst(%dma_wait3A_164 : memref<8x128xi32, #tpu.memory_space<vmem>>)
    %dma_wait3A_168 = arith.constant 0 : i32
    %dma_wait3A_169 = arith.constant 0 : i32
    %dma_wait3A_170 = tpu.memref_slice %arg11[%dma_wait3A_168, %dma_wait3A_169] : memref<128x128xi32, #tpu.memory_space<vmem>> -> memref<8x128xi32, #tpu.memory_space<vmem>>
    %dma_wait3A_171 = arith.constant 0 : i32
    %dma_wait3A_172 = arith.constant 0 : i32
    %dma_wait3A_173 = tpu.memref_slice %arg3[%dma_wait3A_171, %dma_wait3A_172] : memref<10000x128xi32, #tpu.memory_space<hbm>> -> memref<8x128xi32, #tpu.memory_space<hbm>>
    %dma_wait3A_174 = arith.constant 0 : i32
    %dma_wait3A_175 = arith.constant 0 : i32
    %dma_wait3A_176 = tpu.memref_slice %arg11[%dma_wait3A_174, %dma_wait3A_175] : memref<128x128xi32, #tpu.memory_space<vmem>> -> memref<8x128xi32, #tpu.memory_space<vmem>>
    %dma_wait3A_177 = arith.constant 0 : i32
    %dma_wait3A_178 = arith.constant 0 : i32
    %dma_wait3A_179 = tpu.memref_slice %arg3[%dma_wait3A_177, %dma_wait3A_178] : memref<10000x128xi32, #tpu.memory_space<hbm>> -> memref<8x128xi32, #tpu.memory_space<hbm>>
    tpu.wait_dma2 semaphore(%arg14 : memref<!tpu.dma_semaphore, #tpu.memory_space<semaphore_mem>>) src(%dma_wait3A_179 : memref<8x128xi32, #tpu.memory_space<hbm>>) dst(%dma_wait3A_176 : memref<8x128xi32, #tpu.memory_space<vmem>>)
    "tpu.region"() ({
      %run_scoped3A = tpu.sem_alloc : memref<!tpu.dma_semaphore, #tpu.memory_space<semaphore_mem>>
      %dma_start3A_180 = arith.constant 0 : i32
      %dma_start3A_181 = arith.constant 0 : i32
      %dma_start3A_182 = tpu.memref_slice %arg10[%dma_start3A_180, %dma_start3A_181] : memref<128x128xi32, #tpu.memory_space<vmem>> -> memref<8x128xi32, #tpu.memory_space<vmem>>
      %dma_start3A_183 = arith.constant 0 : i32
      %dma_start3A_184 = tpu.memref_slice %arg6[%add3A_139, %dma_start3A_183] : memref<160000x128xi32, #tpu.memory_space<hbm>> -> memref<8x128xi32, #tpu.memory_space<hbm>>
      %dma_start3A_185 = arith.constant 0 : i32
      %dma_start3A_186 = tpu.memref_slice %arg6[%add3A_139, %dma_start3A_185] : memref<160000x128xi32, #tpu.memory_space<hbm>> -> memref<8x128xi32, #tpu.memory_space<hbm>>
      %dma_start3A_187 = arith.constant 0 : i32
      %dma_start3A_188 = arith.constant 0 : i32
      %dma_start3A_189 = tpu.memref_slice %arg10[%dma_start3A_187, %dma_start3A_188] : memref<128x128xi32, #tpu.memory_space<vmem>> -> memref<8x128xi32, #tpu.memory_space<vmem>>
      tpu.enqueue_dma source(%dma_start3A_189 : memref<8x128xi32, #tpu.memory_space<vmem>>) target(%dma_start3A_186 : memref<8x128xi32, #tpu.memory_space<hbm>>) target_semaphore(%run_scoped3A : memref<!tpu.dma_semaphore, #tpu.memory_space<semaphore_mem>>)
      %dma_wait3A_190 = arith.constant 0 : i32
      %dma_wait3A_191 = arith.constant 0 : i32
      %dma_wait3A_192 = tpu.memref_slice %arg10[%dma_wait3A_190, %dma_wait3A_191] : memref<128x128xi32, #tpu.memory_space<vmem>> -> memref<8x128xi32, #tpu.memory_space<vmem>>
      %dma_wait3A_193 = arith.constant 0 : i32
      %dma_wait3A_194 = tpu.memref_slice %arg6[%add3A_139, %dma_wait3A_193] : memref<160000x128xi32, #tpu.memory_space<hbm>> -> memref<8x128xi32, #tpu.memory_space<hbm>>
      %dma_wait3A_195 = arith.constant 0 : i32
      %dma_wait3A_196 = tpu.memref_slice %arg6[%add3A_139, %dma_wait3A_195] : memref<160000x128xi32, #tpu.memory_space<hbm>> -> memref<8x128xi32, #tpu.memory_space<hbm>>
      %dma_wait3A_197 = arith.constant 0 : i32
      %dma_wait3A_198 = arith.constant 0 : i32
      %dma_wait3A_199 = tpu.memref_slice %arg10[%dma_wait3A_197, %dma_wait3A_198] : memref<128x128xi32, #tpu.memory_space<vmem>> -> memref<8x128xi32, #tpu.memory_space<vmem>>
      tpu.wait_dma2 semaphore(%run_scoped3A : memref<!tpu.dma_semaphore, #tpu.memory_space<semaphore_mem>>) src(%dma_wait3A_199 : memref<8x128xi32, #tpu.memory_space<vmem>>) dst(%dma_wait3A_196 : memref<8x128xi32, #tpu.memory_space<hbm>>)
      tpu.yield
    }) : () -> ()
    "tpu.region"() ({
      %run_scoped3A = tpu.sem_alloc : memref<!tpu.dma_semaphore, #tpu.memory_space<semaphore_mem>>
      %dma_start3A_180 = arith.constant 0 : i32
      %dma_start3A_181 = arith.constant 0 : i32
      %dma_start3A_182 = tpu.memref_slice %arg11[%dma_start3A_180, %dma_start3A_181] : memref<128x128xi32, #tpu.memory_space<vmem>> -> memref<8x128xi32, #tpu.memory_space<vmem>>
      %dma_start3A_183 = arith.constant 0 : i32
      %dma_start3A_184 = tpu.memref_slice %arg7[%add3A_139, %dma_start3A_183] : memref<160000x128xi32, #tpu.memory_space<hbm>> -> memref<8x128xi32, #tpu.memory_space<hbm>>
      %dma_start3A_185 = arith.constant 0 : i32
      %dma_start3A_186 = tpu.memref_slice %arg7[%add3A_139, %dma_start3A_185] : memref<160000x128xi32, #tpu.memory_space<hbm>> -> memref<8x128xi32, #tpu.memory_space<hbm>>
      %dma_start3A_187 = arith.constant 0 : i32
      %dma_start3A_188 = arith.constant 0 : i32
      %dma_start3A_189 = tpu.memref_slice %arg11[%dma_start3A_187, %dma_start3A_188] : memref<128x128xi32, #tpu.memory_space<vmem>> -> memref<8x128xi32, #tpu.memory_space<vmem>>
      tpu.enqueue_dma source(%dma_start3A_189 : memref<8x128xi32, #tpu.memory_space<vmem>>) target(%dma_start3A_186 : memref<8x128xi32, #tpu.memory_space<hbm>>) target_semaphore(%run_scoped3A : memref<!tpu.dma_semaphore, #tpu.memory_space<semaphore_mem>>)
      %dma_wait3A_190 = arith.constant 0 : i32
      %dma_wait3A_191 = arith.constant 0 : i32
      %dma_wait3A_192 = tpu.memref_slice %arg11[%dma_wait3A_190, %dma_wait3A_191] : memref<128x128xi32, #tpu.memory_space<vmem>> -> memref<8x128xi32, #tpu.memory_space<vmem>>
      %dma_wait3A_193 = arith.constant 0 : i32
      %dma_wait3A_194 = tpu.memref_slice %arg7[%add3A_139, %dma_wait3A_193] : memref<160000x128xi32, #tpu.memory_space<hbm>> -> memref<8x128xi32, #tpu.memory_space<hbm>>
      %dma_wait3A_195 = arith.constant 0 : i32
      %dma_wait3A_196 = tpu.memref_slice %arg7[%add3A_139, %dma_wait3A_195] : memref<160000x128xi32, #tpu.memory_space<hbm>> -> memref<8x128xi32, #tpu.memory_space<hbm>>
      %dma_wait3A_197 = arith.constant 0 : i32
      %dma_wait3A_198 = arith.constant 0 : i32
      %dma_wait3A_199 = tpu.memref_slice %arg11[%dma_wait3A_197, %dma_wait3A_198] : memref<128x128xi32, #tpu.memory_space<vmem>> -> memref<8x128xi32, #tpu.memory_space<vmem>>
      tpu.wait_dma2 semaphore(%run_scoped3A : memref<!tpu.dma_semaphore, #tpu.memory_space<semaphore_mem>>) src(%dma_wait3A_199 : memref<8x128xi32, #tpu.memory_space<vmem>>) dst(%dma_wait3A_196 : memref<8x128xi32, #tpu.memory_space<hbm>>)
      tpu.yield
    }) : () -> ()
    return
  }
}

#map = affine_map<(d0, d1) -> (0, 0)>
#map1 = affine_map<(d0, d1) -> (0)>
module attributes {stable_mosaic.version = 14 : i64} {
  func.func @_segsum_body(%arg0: i32, %arg1: i32, %arg2: memref<160000x256xf32, #tpu.memory_space<hbm>>, %arg3: memref<160000xi32, #tpu.memory_space<hbm>>, %arg4: memref<640x128xf32, #tpu.memory_space<hbm>>, %arg5: memref<10000x256xf32, #tpu.memory_space<hbm>>, %arg6: memref<128xi32, #tpu.memory_space<vmem>>, %arg7: memref<128x128xf32, #tpu.memory_space<vmem>>, %arg8: memref<128xi32, #tpu.memory_space<vmem>>, %arg9: memref<128x128xf32, #tpu.memory_space<vmem>>, %arg10: memref<!tpu.dma_semaphore, #tpu.memory_space<semaphore_mem>>, %arg11: memref<!tpu.dma_semaphore, #tpu.memory_space<semaphore_mem>>, %arg12: memref<!tpu.dma_semaphore, #tpu.memory_space<semaphore_mem>>, %arg13: memref<!tpu.dma_semaphore, #tpu.memory_space<semaphore_mem>>, %arg14: memref<10000x128xf32, #tpu.memory_space<vmem_shared>>) attributes {dimension_semantics = [#tpu.dimension_semantics<core_parallel>, #tpu.dimension_semantics<subcore_parallel>], iteration_bounds = array<i64: 2, 16>, scalar_prefetch = 0 : i64, scratch_operands = 9 : i64, tpu.core_type = #tpu.core_type<sc_vector_subcore>, window_params = [{transform_indices = #map}, {transform_indices = #map1}, {transform_indices = #map}, {transform_indices = #map}]} {
    %lt3A = arith.constant 15 : i32
    %lt3A_0 = arith.cmpi slt, %arg1, %lt3A : i32
    %convert_element_type3A = arith.extui %lt3A_0 : i1 to i32
    %cond3A = arith.constant 0 : i32
    %cond3A_1 = arith.cmpi ne, %convert_element_type3A, %cond3A : i32
    scf.if %cond3A_1 {
      %mul3A_75 = arith.constant 624 : i32
      %mul3A_76 = arith.muli %arg1, %mul3A_75 : i32
      "tpu.region"() ({
        %run_scoped3A = tpu.sem_alloc : memref<!tpu.dma_semaphore, #tpu.memory_space<semaphore_mem>>
        %dma_start3A_77 = arith.constant 0 : i32
        %dma_start3A_78 = tpu.memref_slice %arg14[%mul3A_76, %dma_start3A_77] : memref<10000x128xf32, #tpu.memory_space<vmem_shared>> -> memref<624x128xf32, #tpu.memory_space<vmem_shared>>
        %dma_start3A_79 = arith.constant 0 : i32
        %dma_start3A_80 = arith.constant 0 : i32
        %dma_start3A_81 = tpu.memref_slice %arg4[%dma_start3A_79, %dma_start3A_80] : memref<640x128xf32, #tpu.memory_space<hbm>> -> memref<624x128xf32, #tpu.memory_space<hbm>>
        tpu.enqueue_dma source(%dma_start3A_81 : memref<624x128xf32, #tpu.memory_space<hbm>>) target(%dma_start3A_78 : memref<624x128xf32, #tpu.memory_space<vmem_shared>>) target_semaphore(%run_scoped3A : memref<!tpu.dma_semaphore, #tpu.memory_space<semaphore_mem>>)
        %dma_wait3A_82 = arith.constant 0 : i32
        %dma_wait3A_83 = tpu.memref_slice %arg14[%mul3A_76, %dma_wait3A_82] : memref<10000x128xf32, #tpu.memory_space<vmem_shared>> -> memref<624x128xf32, #tpu.memory_space<vmem_shared>>
        %dma_wait3A_84 = arith.constant 0 : i32
        %dma_wait3A_85 = arith.constant 0 : i32
        %dma_wait3A_86 = tpu.memref_slice %arg4[%dma_wait3A_84, %dma_wait3A_85] : memref<640x128xf32, #tpu.memory_space<hbm>> -> memref<624x128xf32, #tpu.memory_space<hbm>>
        tpu.wait_dma2 semaphore(%run_scoped3A : memref<!tpu.dma_semaphore, #tpu.memory_space<semaphore_mem>>) src(%dma_wait3A_86 : memref<624x128xf32, #tpu.memory_space<hbm>>) dst(%dma_wait3A_83 : memref<624x128xf32, #tpu.memory_space<vmem_shared>>)
        tpu.yield
      }) : () -> ()
    } else {
    }
    %eq3A = arith.constant 15 : i32
    %eq3A_2 = arith.cmpi eq, %arg1, %eq3A : i32
    %convert_element_type3A_3 = arith.extui %eq3A_2 : i1 to i32
    %cond3A_4 = arith.constant 0 : i32
    %cond3A_5 = arith.cmpi ne, %convert_element_type3A_3, %cond3A_4 : i32
    scf.if %cond3A_5 {
      "tpu.region"() ({
        %run_scoped3A = tpu.sem_alloc : memref<!tpu.dma_semaphore, #tpu.memory_space<semaphore_mem>>
        %dma_start3A_75 = arith.constant 9360 : i32
        %dma_start3A_76 = arith.constant 0 : i32
        %dma_start3A_77 = tpu.memref_slice %arg14[%dma_start3A_75, %dma_start3A_76] : memref<10000x128xf32, #tpu.memory_space<vmem_shared>> -> memref<640x128xf32, #tpu.memory_space<vmem_shared>>
        tpu.enqueue_dma source(%arg4 : memref<640x128xf32, #tpu.memory_space<hbm>>) target(%dma_start3A_77 : memref<640x128xf32, #tpu.memory_space<vmem_shared>>) target_semaphore(%run_scoped3A : memref<!tpu.dma_semaphore, #tpu.memory_space<semaphore_mem>>)
        %dma_wait3A_78 = arith.constant 9360 : i32
        %dma_wait3A_79 = arith.constant 0 : i32
        %dma_wait3A_80 = tpu.memref_slice %arg14[%dma_wait3A_78, %dma_wait3A_79] : memref<10000x128xf32, #tpu.memory_space<vmem_shared>> -> memref<640x128xf32, #tpu.memory_space<vmem_shared>>
        tpu.wait_dma2 semaphore(%run_scoped3A : memref<!tpu.dma_semaphore, #tpu.memory_space<semaphore_mem>>) src(%arg4 : memref<640x128xf32, #tpu.memory_space<hbm>>) dst(%dma_wait3A_80 : memref<640x128xf32, #tpu.memory_space<vmem_shared>>)
        tpu.yield
      }) : () -> ()
    } else {
    }
    %barrier3A = arith.constant 0 : index
    tpu.barrier barrier_id(%barrier3A)
    %add3A = arith.constant 0 : i32
    %add3A_6 = arith.addi %arg1, %add3A : i32
    %mul3A = arith.constant 128 : i32
    %mul3A_7 = arith.muli %add3A_6, %mul3A : i32
    %dma_start3A = tpu.memref_slice %arg3[%mul3A_7] : memref<160000xi32, #tpu.memory_space<hbm>> -> memref<128xi32, #tpu.memory_space<hbm>>
    %dma_start3A_8 = tpu.memref_slice %arg3[%mul3A_7] : memref<160000xi32, #tpu.memory_space<hbm>> -> memref<128xi32, #tpu.memory_space<hbm>>
    tpu.enqueue_dma source(%dma_start3A_8 : memref<128xi32, #tpu.memory_space<hbm>>) target(%arg6 : memref<128xi32, #tpu.memory_space<vmem>>) target_semaphore(%arg10 : memref<!tpu.dma_semaphore, #tpu.memory_space<semaphore_mem>>)
    %mul3A_9 = arith.constant 128 : i32
    %mul3A_10 = arith.muli %arg0, %mul3A_9 : i32
    %dma_start3A_11 = tpu.memref_slice %arg2[%mul3A_7, %mul3A_10] : memref<160000x256xf32, #tpu.memory_space<hbm>> -> memref<128x128xf32, #tpu.memory_space<hbm>>
    %dma_start3A_12 = tpu.memref_slice %arg2[%mul3A_7, %mul3A_10] : memref<160000x256xf32, #tpu.memory_space<hbm>> -> memref<128x128xf32, #tpu.memory_space<hbm>>
    tpu.enqueue_dma source(%dma_start3A_12 : memref<128x128xf32, #tpu.memory_space<hbm>>) target(%arg7 : memref<128x128xf32, #tpu.memory_space<vmem>>) target_semaphore(%arg10 : memref<!tpu.dma_semaphore, #tpu.memory_space<semaphore_mem>>)
    %add3A_13 = arith.constant 16 : i32
    %add3A_14 = arith.addi %arg1, %add3A_13 : i32
    %mul3A_15 = arith.constant 128 : i32
    %mul3A_16 = arith.muli %add3A_14, %mul3A_15 : i32
    %dma_start3A_17 = tpu.memref_slice %arg3[%mul3A_16] : memref<160000xi32, #tpu.memory_space<hbm>> -> memref<128xi32, #tpu.memory_space<hbm>>
    %dma_start3A_18 = tpu.memref_slice %arg3[%mul3A_16] : memref<160000xi32, #tpu.memory_space<hbm>> -> memref<128xi32, #tpu.memory_space<hbm>>
    tpu.enqueue_dma source(%dma_start3A_18 : memref<128xi32, #tpu.memory_space<hbm>>) target(%arg8 : memref<128xi32, #tpu.memory_space<vmem>>) target_semaphore(%arg11 : memref<!tpu.dma_semaphore, #tpu.memory_space<semaphore_mem>>)
    %mul3A_19 = arith.constant 128 : i32
    %mul3A_20 = arith.muli %arg0, %mul3A_19 : i32
    %dma_start3A_21 = tpu.memref_slice %arg2[%mul3A_16, %mul3A_20] : memref<160000x256xf32, #tpu.memory_space<hbm>> -> memref<128x128xf32, #tpu.memory_space<hbm>>
    %dma_start3A_22 = tpu.memref_slice %arg2[%mul3A_16, %mul3A_20] : memref<160000x256xf32, #tpu.memory_space<hbm>> -> memref<128x128xf32, #tpu.memory_space<hbm>>
    tpu.enqueue_dma source(%dma_start3A_22 : memref<128x128xf32, #tpu.memory_space<hbm>>) target(%arg9 : memref<128x128xf32, #tpu.memory_space<vmem>>) target_semaphore(%arg11 : memref<!tpu.dma_semaphore, #tpu.memory_space<semaphore_mem>>)
    %dma_wait3A = arith.constant 0 : i32
    %dma_wait3A_23 = tpu.memref_slice %arg3[%dma_wait3A] : memref<160000xi32, #tpu.memory_space<hbm>> -> memref<128xi32, #tpu.memory_space<hbm>>
    %dma_wait3A_24 = arith.constant 0 : i32
    %dma_wait3A_25 = tpu.memref_slice %arg3[%dma_wait3A_24] : memref<160000xi32, #tpu.memory_space<hbm>> -> memref<128xi32, #tpu.memory_space<hbm>>
    tpu.wait_dma2 semaphore(%arg10 : memref<!tpu.dma_semaphore, #tpu.memory_space<semaphore_mem>>) src(%dma_wait3A_25 : memref<128xi32, #tpu.memory_space<hbm>>) dst(%arg6 : memref<128xi32, #tpu.memory_space<vmem>>)
    %dma_wait3A_26 = arith.constant 0 : i32
    %dma_wait3A_27 = arith.constant 0 : i32
    %dma_wait3A_28 = tpu.memref_slice %arg2[%dma_wait3A_26, %dma_wait3A_27] : memref<160000x256xf32, #tpu.memory_space<hbm>> -> memref<128x128xf32, #tpu.memory_space<hbm>>
    %dma_wait3A_29 = arith.constant 0 : i32
    %dma_wait3A_30 = arith.constant 0 : i32
    %dma_wait3A_31 = tpu.memref_slice %arg2[%dma_wait3A_29, %dma_wait3A_30] : memref<160000x256xf32, #tpu.memory_space<hbm>> -> memref<128x128xf32, #tpu.memory_space<hbm>>
    tpu.wait_dma2 semaphore(%arg10 : memref<!tpu.dma_semaphore, #tpu.memory_space<semaphore_mem>>) src(%dma_wait3A_31 : memref<128x128xf32, #tpu.memory_space<hbm>>) dst(%arg7 : memref<128x128xf32, #tpu.memory_space<vmem>>)
    %dma_start3A_32 = arith.constant 0 : i32
    %dma_start3A_33 = arith.constant 0 : i32
    %dma_start3A_34 = tpu.memref_slice %arg14[%dma_start3A_32, %dma_start3A_33] : memref<10000x128xf32, #tpu.memory_space<vmem_shared>> -> memref<10000x128xf32, #tpu.memory_space<vmem_shared>>
    tpu.enqueue_indirect_dma source(%arg7 : memref<128x128xf32, #tpu.memory_space<vmem>>) target(%dma_start3A_34 : memref<10000x128xf32, #tpu.memory_space<vmem_shared>>) offsets(%arg6 : memref<128xi32, #tpu.memory_space<vmem>>) semaphore(%arg12 : memref<!tpu.dma_semaphore, #tpu.memory_space<semaphore_mem>>) {add = true}
    %dma_wait3A_35 = arith.constant 0 : i32
    %dma_wait3A_36 = tpu.memref_slice %arg3[%dma_wait3A_35] : memref<160000xi32, #tpu.memory_space<hbm>> -> memref<128xi32, #tpu.memory_space<hbm>>
    %dma_wait3A_37 = arith.constant 0 : i32
    %dma_wait3A_38 = tpu.memref_slice %arg3[%dma_wait3A_37] : memref<160000xi32, #tpu.memory_space<hbm>> -> memref<128xi32, #tpu.memory_space<hbm>>
    tpu.wait_dma2 semaphore(%arg11 : memref<!tpu.dma_semaphore, #tpu.memory_space<semaphore_mem>>) src(%dma_wait3A_38 : memref<128xi32, #tpu.memory_space<hbm>>) dst(%arg8 : memref<128xi32, #tpu.memory_space<vmem>>)
    %dma_wait3A_39 = arith.constant 0 : i32
    %dma_wait3A_40 = arith.constant 0 : i32
    %dma_wait3A_41 = tpu.memref_slice %arg2[%dma_wait3A_39, %dma_wait3A_40] : memref<160000x256xf32, #tpu.memory_space<hbm>> -> memref<128x128xf32, #tpu.memory_space<hbm>>
    %dma_wait3A_42 = arith.constant 0 : i32
    %dma_wait3A_43 = arith.constant 0 : i32
    %dma_wait3A_44 = tpu.memref_slice %arg2[%dma_wait3A_42, %dma_wait3A_43] : memref<160000x256xf32, #tpu.memory_space<hbm>> -> memref<128x128xf32, #tpu.memory_space<hbm>>
    tpu.wait_dma2 semaphore(%arg11 : memref<!tpu.dma_semaphore, #tpu.memory_space<semaphore_mem>>) src(%dma_wait3A_44 : memref<128x128xf32, #tpu.memory_space<hbm>>) dst(%arg9 : memref<128x128xf32, #tpu.memory_space<vmem>>)
    %dma_start3A_45 = arith.constant 0 : i32
    %dma_start3A_46 = arith.constant 0 : i32
    %dma_start3A_47 = tpu.memref_slice %arg14[%dma_start3A_45, %dma_start3A_46] : memref<10000x128xf32, #tpu.memory_space<vmem_shared>> -> memref<10000x128xf32, #tpu.memory_space<vmem_shared>>
    tpu.enqueue_indirect_dma source(%arg9 : memref<128x128xf32, #tpu.memory_space<vmem>>) target(%dma_start3A_47 : memref<10000x128xf32, #tpu.memory_space<vmem_shared>>) offsets(%arg8 : memref<128xi32, #tpu.memory_space<vmem>>) semaphore(%arg13 : memref<!tpu.dma_semaphore, #tpu.memory_space<semaphore_mem>>) {add = true}
    %scan3A = arith.constant 0 : i32
    %scan3A_48 = arith.constant 0 : i32
    %scan3A_49 = arith.constant 38 : i32
    %scan3A_50 = arith.addi %scan3A_48, %scan3A_49 : i32
    %scan3A_51 = arith.constant 1 : i32
    scf.for %scan3A_75 = %scan3A_48 to %scan3A_50 step %scan3A_51  : i32 {
      %mul3A_76 = arith.constant 2 : i32
      %mul3A_77 = arith.muli %mul3A_76, %scan3A_75 : i32
      %add3A_78 = arith.constant 2 : i32
      %add3A_79 = arith.addi %add3A_78, %mul3A_77 : i32
      %dma_wait3A_80 = arith.constant 0 : i32
      %dma_wait3A_81 = arith.constant 0 : i32
      %dma_wait3A_82 = tpu.memref_slice %arg14[%dma_wait3A_80, %dma_wait3A_81] : memref<10000x128xf32, #tpu.memory_space<vmem_shared>> -> memref<10000x128xf32, #tpu.memory_space<vmem_shared>>
      tpu.wait_indirect_dma semaphore(%arg12 : memref<!tpu.dma_semaphore, #tpu.memory_space<semaphore_mem>>) src(%arg7 : memref<128x128xf32, #tpu.memory_space<vmem>>) dst(%dma_wait3A_82 : memref<10000x128xf32, #tpu.memory_space<vmem_shared>>)
      %mul3A_83 = arith.constant 16 : i32
      %mul3A_84 = arith.muli %mul3A_83, %add3A_79 : i32
      %add3A_85 = arith.addi %arg1, %mul3A_84 : i32
      %mul3A_86 = arith.constant 128 : i32
      %mul3A_87 = arith.muli %add3A_85, %mul3A_86 : i32
      %dma_start3A_88 = tpu.memref_slice %arg3[%mul3A_87] : memref<160000xi32, #tpu.memory_space<hbm>> -> memref<128xi32, #tpu.memory_space<hbm>>
      %dma_start3A_89 = tpu.memref_slice %arg3[%mul3A_87] : memref<160000xi32, #tpu.memory_space<hbm>> -> memref<128xi32, #tpu.memory_space<hbm>>
      tpu.enqueue_dma source(%dma_start3A_89 : memref<128xi32, #tpu.memory_space<hbm>>) target(%arg6 : memref<128xi32, #tpu.memory_space<vmem>>) target_semaphore(%arg10 : memref<!tpu.dma_semaphore, #tpu.memory_space<semaphore_mem>>)
      %mul3A_90 = arith.constant 128 : i32
      %mul3A_91 = arith.muli %arg0, %mul3A_90 : i32
      %dma_start3A_92 = tpu.memref_slice %arg2[%mul3A_87, %mul3A_91] : memref<160000x256xf32, #tpu.memory_space<hbm>> -> memref<128x128xf32, #tpu.memory_space<hbm>>
      %dma_start3A_93 = tpu.memref_slice %arg2[%mul3A_87, %mul3A_91] : memref<160000x256xf32, #tpu.memory_space<hbm>> -> memref<128x128xf32, #tpu.memory_space<hbm>>
      tpu.enqueue_dma source(%dma_start3A_93 : memref<128x128xf32, #tpu.memory_space<hbm>>) target(%arg7 : memref<128x128xf32, #tpu.memory_space<vmem>>) target_semaphore(%arg10 : memref<!tpu.dma_semaphore, #tpu.memory_space<semaphore_mem>>)
      %dma_wait3A_94 = arith.constant 0 : i32
      %dma_wait3A_95 = arith.constant 0 : i32
      %dma_wait3A_96 = tpu.memref_slice %arg14[%dma_wait3A_94, %dma_wait3A_95] : memref<10000x128xf32, #tpu.memory_space<vmem_shared>> -> memref<10000x128xf32, #tpu.memory_space<vmem_shared>>
      tpu.wait_indirect_dma semaphore(%arg13 : memref<!tpu.dma_semaphore, #tpu.memory_space<semaphore_mem>>) src(%arg9 : memref<128x128xf32, #tpu.memory_space<vmem>>) dst(%dma_wait3A_96 : memref<10000x128xf32, #tpu.memory_space<vmem_shared>>)
      %add3A_97 = arith.constant 1 : i32
      %add3A_98 = arith.addi %add3A_79, %add3A_97 : i32
      %mul3A_99 = arith.constant 16 : i32
      %mul3A_100 = arith.muli %mul3A_99, %add3A_98 : i32
      %add3A_101 = arith.addi %arg1, %mul3A_100 : i32
      %mul3A_102 = arith.constant 128 : i32
      %mul3A_103 = arith.muli %add3A_101, %mul3A_102 : i32
      %dma_start3A_104 = tpu.memref_slice %arg3[%mul3A_103] : memref<160000xi32, #tpu.memory_space<hbm>> -> memref<128xi32, #tpu.memory_space<hbm>>
      %dma_start3A_105 = tpu.memref_slice %arg3[%mul3A_103] : memref<160000xi32, #tpu.memory_space<hbm>> -> memref<128xi32, #tpu.memory_space<hbm>>
      tpu.enqueue_dma source(%dma_start3A_105 : memref<128xi32, #tpu.memory_space<hbm>>) target(%arg8 : memref<128xi32, #tpu.memory_space<vmem>>) target_semaphore(%arg11 : memref<!tpu.dma_semaphore, #tpu.memory_space<semaphore_mem>>)
      %mul3A_106 = arith.constant 128 : i32
      %mul3A_107 = arith.muli %arg0, %mul3A_106 : i32
      %dma_start3A_108 = tpu.memref_slice %arg2[%mul3A_103, %mul3A_107] : memref<160000x256xf32, #tpu.memory_space<hbm>> -> memref<128x128xf32, #tpu.memory_space<hbm>>
      %dma_start3A_109 = tpu.memref_slice %arg2[%mul3A_103, %mul3A_107] : memref<160000x256xf32, #tpu.memory_space<hbm>> -> memref<128x128xf32, #tpu.memory_space<hbm>>
      tpu.enqueue_dma source(%dma_start3A_109 : memref<128x128xf32, #tpu.memory_space<hbm>>) target(%arg9 : memref<128x128xf32, #tpu.memory_space<vmem>>) target_semaphore(%arg11 : memref<!tpu.dma_semaphore, #tpu.memory_space<semaphore_mem>>)
      %dma_wait3A_110 = arith.constant 0 : i32
      %dma_wait3A_111 = tpu.memref_slice %arg3[%dma_wait3A_110] : memref<160000xi32, #tpu.memory_space<hbm>> -> memref<128xi32, #tpu.memory_space<hbm>>
      %dma_wait3A_112 = arith.constant 0 : i32
      %dma_wait3A_113 = tpu.memref_slice %arg3[%dma_wait3A_112] : memref<160000xi32, #tpu.memory_space<hbm>> -> memref<128xi32, #tpu.memory_space<hbm>>
      tpu.wait_dma2 semaphore(%arg10 : memref<!tpu.dma_semaphore, #tpu.memory_space<semaphore_mem>>) src(%dma_wait3A_113 : memref<128xi32, #tpu.memory_space<hbm>>) dst(%arg6 : memref<128xi32, #tpu.memory_space<vmem>>)
      %dma_wait3A_114 = arith.constant 0 : i32
      %dma_wait3A_115 = arith.constant 0 : i32
      %dma_wait3A_116 = tpu.memref_slice %arg2[%dma_wait3A_114, %dma_wait3A_115] : memref<160000x256xf32, #tpu.memory_space<hbm>> -> memref<128x128xf32, #tpu.memory_space<hbm>>
      %dma_wait3A_117 = arith.constant 0 : i32
      %dma_wait3A_118 = arith.constant 0 : i32
      %dma_wait3A_119 = tpu.memref_slice %arg2[%dma_wait3A_117, %dma_wait3A_118] : memref<160000x256xf32, #tpu.memory_space<hbm>> -> memref<128x128xf32, #tpu.memory_space<hbm>>
      tpu.wait_dma2 semaphore(%arg10 : memref<!tpu.dma_semaphore, #tpu.memory_space<semaphore_mem>>) src(%dma_wait3A_119 : memref<128x128xf32, #tpu.memory_space<hbm>>) dst(%arg7 : memref<128x128xf32, #tpu.memory_space<vmem>>)
      %dma_start3A_120 = arith.constant 0 : i32
      %dma_start3A_121 = arith.constant 0 : i32
      %dma_start3A_122 = tpu.memref_slice %arg14[%dma_start3A_120, %dma_start3A_121] : memref<10000x128xf32, #tpu.memory_space<vmem_shared>> -> memref<10000x128xf32, #tpu.memory_space<vmem_shared>>
      tpu.enqueue_indirect_dma source(%arg7 : memref<128x128xf32, #tpu.memory_space<vmem>>) target(%dma_start3A_122 : memref<10000x128xf32, #tpu.memory_space<vmem_shared>>) offsets(%arg6 : memref<128xi32, #tpu.memory_space<vmem>>) semaphore(%arg12 : memref<!tpu.dma_semaphore, #tpu.memory_space<semaphore_mem>>) {add = true}
      %dma_wait3A_123 = arith.constant 0 : i32
      %dma_wait3A_124 = tpu.memref_slice %arg3[%dma_wait3A_123] : memref<160000xi32, #tpu.memory_space<hbm>> -> memref<128xi32, #tpu.memory_space<hbm>>
      %dma_wait3A_125 = arith.constant 0 : i32
      %dma_wait3A_126 = tpu.memref_slice %arg3[%dma_wait3A_125] : memref<160000xi32, #tpu.memory_space<hbm>> -> memref<128xi32, #tpu.memory_space<hbm>>
      tpu.wait_dma2 semaphore(%arg11 : memref<!tpu.dma_semaphore, #tpu.memory_space<semaphore_mem>>) src(%dma_wait3A_126 : memref<128xi32, #tpu.memory_space<hbm>>) dst(%arg8 : memref<128xi32, #tpu.memory_space<vmem>>)
      %dma_wait3A_127 = arith.constant 0 : i32
      %dma_wait3A_128 = arith.constant 0 : i32
      %dma_wait3A_129 = tpu.memref_slice %arg2[%dma_wait3A_127, %dma_wait3A_128] : memref<160000x256xf32, #tpu.memory_space<hbm>> -> memref<128x128xf32, #tpu.memory_space<hbm>>
      %dma_wait3A_130 = arith.constant 0 : i32
      %dma_wait3A_131 = arith.constant 0 : i32
      %dma_wait3A_132 = tpu.memref_slice %arg2[%dma_wait3A_130, %dma_wait3A_131] : memref<160000x256xf32, #tpu.memory_space<hbm>> -> memref<128x128xf32, #tpu.memory_space<hbm>>
      tpu.wait_dma2 semaphore(%arg11 : memref<!tpu.dma_semaphore, #tpu.memory_space<semaphore_mem>>) src(%dma_wait3A_132 : memref<128x128xf32, #tpu.memory_space<hbm>>) dst(%arg9 : memref<128x128xf32, #tpu.memory_space<vmem>>)
      %dma_start3A_133 = arith.constant 0 : i32
      %dma_start3A_134 = arith.constant 0 : i32
      %dma_start3A_135 = tpu.memref_slice %arg14[%dma_start3A_133, %dma_start3A_134] : memref<10000x128xf32, #tpu.memory_space<vmem_shared>> -> memref<10000x128xf32, #tpu.memory_space<vmem_shared>>
      tpu.enqueue_indirect_dma source(%arg9 : memref<128x128xf32, #tpu.memory_space<vmem>>) target(%dma_start3A_135 : memref<10000x128xf32, #tpu.memory_space<vmem_shared>>) offsets(%arg8 : memref<128xi32, #tpu.memory_space<vmem>>) semaphore(%arg13 : memref<!tpu.dma_semaphore, #tpu.memory_space<semaphore_mem>>) {add = true}
    }
    %scan3A_52 = arith.constant 38 : i32
    %dma_wait3A_53 = arith.constant 0 : i32
    %dma_wait3A_54 = arith.constant 0 : i32
    %dma_wait3A_55 = tpu.memref_slice %arg14[%dma_wait3A_53, %dma_wait3A_54] : memref<10000x128xf32, #tpu.memory_space<vmem_shared>> -> memref<10000x128xf32, #tpu.memory_space<vmem_shared>>
    tpu.wait_indirect_dma semaphore(%arg12 : memref<!tpu.dma_semaphore, #tpu.memory_space<semaphore_mem>>) src(%arg7 : memref<128x128xf32, #tpu.memory_space<vmem>>) dst(%dma_wait3A_55 : memref<10000x128xf32, #tpu.memory_space<vmem_shared>>)
    %dma_wait3A_56 = arith.constant 0 : i32
    %dma_wait3A_57 = arith.constant 0 : i32
    %dma_wait3A_58 = tpu.memref_slice %arg14[%dma_wait3A_56, %dma_wait3A_57] : memref<10000x128xf32, #tpu.memory_space<vmem_shared>> -> memref<10000x128xf32, #tpu.memory_space<vmem_shared>>
    tpu.wait_indirect_dma semaphore(%arg13 : memref<!tpu.dma_semaphore, #tpu.memory_space<semaphore_mem>>) src(%arg9 : memref<128x128xf32, #tpu.memory_space<vmem>>) dst(%dma_wait3A_58 : memref<10000x128xf32, #tpu.memory_space<vmem_shared>>)
    %lt3A_59 = arith.constant 2 : i32
    %lt3A_60 = arith.cmpi slt, %arg1, %lt3A_59 : i32
    %convert_element_type3A_61 = arith.extui %lt3A_60 : i1 to i32
    %cond3A_62 = arith.constant 0 : i32
    %cond3A_63 = arith.cmpi ne, %convert_element_type3A_61, %cond3A_62 : i32
    scf.if %cond3A_63 {
      %add3A_75 = arith.constant 1248 : i32
      %add3A_76 = arith.addi %add3A_75, %arg1 : i32
      %mul3A_77 = arith.constant 128 : i32
      %mul3A_78 = arith.muli %add3A_76, %mul3A_77 : i32
      "tpu.region"() ({
        %run_scoped3A = tpu.sem_alloc : memref<!tpu.dma_semaphore, #tpu.memory_space<semaphore_mem>>
        %dma_start3A_81 = tpu.memref_slice %arg3[%mul3A_78] : memref<160000xi32, #tpu.memory_space<hbm>> -> memref<128xi32, #tpu.memory_space<hbm>>
        %dma_start3A_82 = tpu.memref_slice %arg3[%mul3A_78] : memref<160000xi32, #tpu.memory_space<hbm>> -> memref<128xi32, #tpu.memory_space<hbm>>
        tpu.enqueue_dma source(%dma_start3A_82 : memref<128xi32, #tpu.memory_space<hbm>>) target(%arg6 : memref<128xi32, #tpu.memory_space<vmem>>) target_semaphore(%run_scoped3A : memref<!tpu.dma_semaphore, #tpu.memory_space<semaphore_mem>>)
        %dma_wait3A_83 = tpu.memref_slice %arg3[%mul3A_78] : memref<160000xi32, #tpu.memory_space<hbm>> -> memref<128xi32, #tpu.memory_space<hbm>>
        %dma_wait3A_84 = tpu.memref_slice %arg3[%mul3A_78] : memref<160000xi32, #tpu.memory_space<hbm>> -> memref<128xi32, #tpu.memory_space<hbm>>
        tpu.wait_dma2 semaphore(%run_scoped3A : memref<!tpu.dma_semaphore, #tpu.memory_space<semaphore_mem>>) src(%dma_wait3A_84 : memref<128xi32, #tpu.memory_space<hbm>>) dst(%arg6 : memref<128xi32, #tpu.memory_space<vmem>>)
        tpu.yield
      }) : () -> ()
      %mul3A_79 = arith.constant 128 : i32
      %mul3A_80 = arith.muli %arg0, %mul3A_79 : i32
      "tpu.region"() ({
        %run_scoped3A = tpu.sem_alloc : memref<!tpu.dma_semaphore, #tpu.memory_space<semaphore_mem>>
        %dma_start3A_81 = tpu.memref_slice %arg2[%mul3A_78, %mul3A_80] : memref<160000x256xf32, #tpu.memory_space<hbm>> -> memref<128x128xf32, #tpu.memory_space<hbm>>
        %dma_start3A_82 = tpu.memref_slice %arg2[%mul3A_78, %mul3A_80] : memref<160000x256xf32, #tpu.memory_space<hbm>> -> memref<128x128xf32, #tpu.memory_space<hbm>>
        tpu.enqueue_dma source(%dma_start3A_82 : memref<128x128xf32, #tpu.memory_space<hbm>>) target(%arg7 : memref<128x128xf32, #tpu.memory_space<vmem>>) target_semaphore(%run_scoped3A : memref<!tpu.dma_semaphore, #tpu.memory_space<semaphore_mem>>)
        %dma_wait3A_83 = tpu.memref_slice %arg2[%mul3A_78, %mul3A_80] : memref<160000x256xf32, #tpu.memory_space<hbm>> -> memref<128x128xf32, #tpu.memory_space<hbm>>
        %dma_wait3A_84 = tpu.memref_slice %arg2[%mul3A_78, %mul3A_80] : memref<160000x256xf32, #tpu.memory_space<hbm>> -> memref<128x128xf32, #tpu.memory_space<hbm>>
        tpu.wait_dma2 semaphore(%run_scoped3A : memref<!tpu.dma_semaphore, #tpu.memory_space<semaphore_mem>>) src(%dma_wait3A_84 : memref<128x128xf32, #tpu.memory_space<hbm>>) dst(%arg7 : memref<128x128xf32, #tpu.memory_space<vmem>>)
        tpu.yield
      }) : () -> ()
      "tpu.region"() ({
        %run_scoped3A = tpu.sem_alloc : memref<!tpu.dma_semaphore, #tpu.memory_space<semaphore_mem>>
        %dma_start3A_81 = arith.constant 0 : i32
        %dma_start3A_82 = arith.constant 0 : i32
        %dma_start3A_83 = tpu.memref_slice %arg14[%dma_start3A_81, %dma_start3A_82] : memref<10000x128xf32, #tpu.memory_space<vmem_shared>> -> memref<10000x128xf32, #tpu.memory_space<vmem_shared>>
        tpu.enqueue_indirect_dma source(%arg7 : memref<128x128xf32, #tpu.memory_space<vmem>>) target(%dma_start3A_83 : memref<10000x128xf32, #tpu.memory_space<vmem_shared>>) offsets(%arg6 : memref<128xi32, #tpu.memory_space<vmem>>) semaphore(%run_scoped3A : memref<!tpu.dma_semaphore, #tpu.memory_space<semaphore_mem>>) {add = true}
        %dma_wait3A_84 = arith.constant 0 : i32
        %dma_wait3A_85 = arith.constant 0 : i32
        %dma_wait3A_86 = tpu.memref_slice %arg14[%dma_wait3A_84, %dma_wait3A_85] : memref<10000x128xf32, #tpu.memory_space<vmem_shared>> -> memref<10000x128xf32, #tpu.memory_space<vmem_shared>>
        tpu.wait_indirect_dma semaphore(%run_scoped3A : memref<!tpu.dma_semaphore, #tpu.memory_space<semaphore_mem>>) src(%arg7 : memref<128x128xf32, #tpu.memory_space<vmem>>) dst(%dma_wait3A_86 : memref<10000x128xf32, #tpu.memory_space<vmem_shared>>)
        tpu.yield
      }) : () -> ()
    } else {
    }
    %barrier3A_64 = arith.constant 0 : index
    tpu.barrier barrier_id(%barrier3A_64)
    %lt3A_65 = arith.constant 15 : i32
    %lt3A_66 = arith.cmpi slt, %arg1, %lt3A_65 : i32
    %convert_element_type3A_67 = arith.extui %lt3A_66 : i1 to i32
    %cond3A_68 = arith.constant 0 : i32
    %cond3A_69 = arith.cmpi ne, %convert_element_type3A_67, %cond3A_68 : i32
    scf.if %cond3A_69 {
      %mul3A_75 = arith.constant 624 : i32
      %mul3A_76 = arith.muli %arg1, %mul3A_75 : i32
      %mul3A_77 = arith.constant 624 : i32
      %mul3A_78 = arith.muli %arg1, %mul3A_77 : i32
      %mul3A_79 = arith.constant 128 : i32
      %mul3A_80 = arith.muli %arg0, %mul3A_79 : i32
      "tpu.region"() ({
        %run_scoped3A = tpu.sem_alloc : memref<!tpu.dma_semaphore, #tpu.memory_space<semaphore_mem>>
        %dma_start3A_81 = tpu.memref_slice %arg5[%mul3A_78, %mul3A_80] : memref<10000x256xf32, #tpu.memory_space<hbm>> -> memref<624x128xf32, #tpu.memory_space<hbm>>
        %dma_start3A_82 = arith.constant 0 : i32
        %dma_start3A_83 = tpu.memref_slice %arg14[%mul3A_76, %dma_start3A_82] : memref<10000x128xf32, #tpu.memory_space<vmem_shared>> -> memref<624x128xf32, #tpu.memory_space<vmem_shared>>
        tpu.enqueue_dma source(%dma_start3A_83 : memref<624x128xf32, #tpu.memory_space<vmem_shared>>) target(%dma_start3A_81 : memref<624x128xf32, #tpu.memory_space<hbm>>) target_semaphore(%run_scoped3A : memref<!tpu.dma_semaphore, #tpu.memory_space<semaphore_mem>>)
        %dma_wait3A_84 = tpu.memref_slice %arg5[%mul3A_78, %mul3A_80] : memref<10000x256xf32, #tpu.memory_space<hbm>> -> memref<624x128xf32, #tpu.memory_space<hbm>>
        %dma_wait3A_85 = arith.constant 0 : i32
        %dma_wait3A_86 = tpu.memref_slice %arg14[%mul3A_76, %dma_wait3A_85] : memref<10000x128xf32, #tpu.memory_space<vmem_shared>> -> memref<624x128xf32, #tpu.memory_space<vmem_shared>>
        tpu.wait_dma2 semaphore(%run_scoped3A : memref<!tpu.dma_semaphore, #tpu.memory_space<semaphore_mem>>) src(%dma_wait3A_86 : memref<624x128xf32, #tpu.memory_space<vmem_shared>>) dst(%dma_wait3A_84 : memref<624x128xf32, #tpu.memory_space<hbm>>)
        tpu.yield
      }) : () -> ()
    } else {
    }
    %eq3A_70 = arith.constant 15 : i32
    %eq3A_71 = arith.cmpi eq, %arg1, %eq3A_70 : i32
    %convert_element_type3A_72 = arith.extui %eq3A_71 : i1 to i32
    %cond3A_73 = arith.constant 0 : i32
    %cond3A_74 = arith.cmpi ne, %convert_element_type3A_72, %cond3A_73 : i32
    scf.if %cond3A_74 {
      %mul3A_75 = arith.constant 128 : i32
      %mul3A_76 = arith.muli %arg0, %mul3A_75 : i32
      "tpu.region"() ({
        %run_scoped3A = tpu.sem_alloc : memref<!tpu.dma_semaphore, #tpu.memory_space<semaphore_mem>>
        %dma_start3A_77 = arith.constant 9360 : i32
        %dma_start3A_78 = tpu.memref_slice %arg5[%dma_start3A_77, %mul3A_76] : memref<10000x256xf32, #tpu.memory_space<hbm>> -> memref<640x128xf32, #tpu.memory_space<hbm>>
        %dma_start3A_79 = arith.constant 9360 : i32
        %dma_start3A_80 = arith.constant 0 : i32
        %dma_start3A_81 = tpu.memref_slice %arg14[%dma_start3A_79, %dma_start3A_80] : memref<10000x128xf32, #tpu.memory_space<vmem_shared>> -> memref<640x128xf32, #tpu.memory_space<vmem_shared>>
        tpu.enqueue_dma source(%dma_start3A_81 : memref<640x128xf32, #tpu.memory_space<vmem_shared>>) target(%dma_start3A_78 : memref<640x128xf32, #tpu.memory_space<hbm>>) target_semaphore(%run_scoped3A : memref<!tpu.dma_semaphore, #tpu.memory_space<semaphore_mem>>)
        %dma_wait3A_82 = arith.constant 9360 : i32
        %dma_wait3A_83 = tpu.memref_slice %arg5[%dma_wait3A_82, %mul3A_76] : memref<10000x256xf32, #tpu.memory_space<hbm>> -> memref<640x128xf32, #tpu.memory_space<hbm>>
        %dma_wait3A_84 = arith.constant 9360 : i32
        %dma_wait3A_85 = arith.constant 0 : i32
        %dma_wait3A_86 = tpu.memref_slice %arg14[%dma_wait3A_84, %dma_wait3A_85] : memref<10000x128xf32, #tpu.memory_space<vmem_shared>> -> memref<640x128xf32, #tpu.memory_space<vmem_shared>>
        tpu.wait_dma2 semaphore(%run_scoped3A : memref<!tpu.dma_semaphore, #tpu.memory_space<semaphore_mem>>) src(%dma_wait3A_86 : memref<640x128xf32, #tpu.memory_space<vmem_shared>>) dst(%dma_wait3A_83 : memref<640x128xf32, #tpu.memory_space<hbm>>)
        tpu.yield
      }) : () -> ()
    } else {
    }
    return
  }
}

#map = affine_map<(d0, d1) -> (0, 0)>
#map1 = affine_map<(d0, d1) -> (0)>
module attributes {stable_mosaic.version = 14 : i64} {
  func.func @_segsum_body(%arg0: i32, %arg1: i32, %arg2: memref<160000x256xf32, #tpu.memory_space<hbm>>, %arg3: memref<160000xi32, #tpu.memory_space<hbm>>, %arg4: memref<640x128xf32, #tpu.memory_space<hbm>>, %arg5: memref<10000x256xf32, #tpu.memory_space<hbm>>, %arg6: memref<128xi32, #tpu.memory_space<vmem>>, %arg7: memref<128x128xf32, #tpu.memory_space<vmem>>, %arg8: memref<128xi32, #tpu.memory_space<vmem>>, %arg9: memref<128x128xf32, #tpu.memory_space<vmem>>, %arg10: memref<!tpu.dma_semaphore, #tpu.memory_space<semaphore_mem>>, %arg11: memref<!tpu.dma_semaphore, #tpu.memory_space<semaphore_mem>>, %arg12: memref<!tpu.dma_semaphore, #tpu.memory_space<semaphore_mem>>, %arg13: memref<!tpu.dma_semaphore, #tpu.memory_space<semaphore_mem>>, %arg14: memref<10000x128xf32, #tpu.memory_space<vmem_shared>>) attributes {dimension_semantics = [#tpu.dimension_semantics<core_parallel>, #tpu.dimension_semantics<subcore_parallel>], iteration_bounds = array<i64: 2, 16>, scalar_prefetch = 0 : i64, scratch_operands = 9 : i64, tpu.core_type = #tpu.core_type<sc_vector_subcore>, window_params = [{transform_indices = #map}, {transform_indices = #map1}, {transform_indices = #map}, {transform_indices = #map}]} {
    %lt3A = arith.constant 15 : i32
    %lt3A_0 = arith.cmpi slt, %arg1, %lt3A : i32
    %convert_element_type3A = arith.extui %lt3A_0 : i1 to i32
    %cond3A = arith.constant 0 : i32
    %cond3A_1 = arith.cmpi ne, %convert_element_type3A, %cond3A : i32
    scf.if %cond3A_1 {
      %mul3A_75 = arith.constant 624 : i32
      %mul3A_76 = arith.muli %arg1, %mul3A_75 : i32
      "tpu.region"() ({
        %run_scoped3A = tpu.sem_alloc : memref<!tpu.dma_semaphore, #tpu.memory_space<semaphore_mem>>
        %dma_start3A_77 = arith.constant 0 : i32
        %dma_start3A_78 = tpu.memref_slice %arg14[%mul3A_76, %dma_start3A_77] : memref<10000x128xf32, #tpu.memory_space<vmem_shared>> -> memref<624x128xf32, #tpu.memory_space<vmem_shared>>
        %dma_start3A_79 = arith.constant 0 : i32
        %dma_start3A_80 = arith.constant 0 : i32
        %dma_start3A_81 = tpu.memref_slice %arg4[%dma_start3A_79, %dma_start3A_80] : memref<640x128xf32, #tpu.memory_space<hbm>> -> memref<624x128xf32, #tpu.memory_space<hbm>>
        tpu.enqueue_dma source(%dma_start3A_81 : memref<624x128xf32, #tpu.memory_space<hbm>>) target(%dma_start3A_78 : memref<624x128xf32, #tpu.memory_space<vmem_shared>>) target_semaphore(%run_scoped3A : memref<!tpu.dma_semaphore, #tpu.memory_space<semaphore_mem>>)
        %dma_wait3A_82 = arith.constant 0 : i32
        %dma_wait3A_83 = tpu.memref_slice %arg14[%mul3A_76, %dma_wait3A_82] : memref<10000x128xf32, #tpu.memory_space<vmem_shared>> -> memref<624x128xf32, #tpu.memory_space<vmem_shared>>
        %dma_wait3A_84 = arith.constant 0 : i32
        %dma_wait3A_85 = arith.constant 0 : i32
        %dma_wait3A_86 = tpu.memref_slice %arg4[%dma_wait3A_84, %dma_wait3A_85] : memref<640x128xf32, #tpu.memory_space<hbm>> -> memref<624x128xf32, #tpu.memory_space<hbm>>
        tpu.wait_dma2 semaphore(%run_scoped3A : memref<!tpu.dma_semaphore, #tpu.memory_space<semaphore_mem>>) src(%dma_wait3A_86 : memref<624x128xf32, #tpu.memory_space<hbm>>) dst(%dma_wait3A_83 : memref<624x128xf32, #tpu.memory_space<vmem_shared>>)
        tpu.yield
      }) : () -> ()
    } else {
    }
    %eq3A = arith.constant 15 : i32
    %eq3A_2 = arith.cmpi eq, %arg1, %eq3A : i32
    %convert_element_type3A_3 = arith.extui %eq3A_2 : i1 to i32
    %cond3A_4 = arith.constant 0 : i32
    %cond3A_5 = arith.cmpi ne, %convert_element_type3A_3, %cond3A_4 : i32
    scf.if %cond3A_5 {
      "tpu.region"() ({
        %run_scoped3A = tpu.sem_alloc : memref<!tpu.dma_semaphore, #tpu.memory_space<semaphore_mem>>
        %dma_start3A_75 = arith.constant 9360 : i32
        %dma_start3A_76 = arith.constant 0 : i32
        %dma_start3A_77 = tpu.memref_slice %arg14[%dma_start3A_75, %dma_start3A_76] : memref<10000x128xf32, #tpu.memory_space<vmem_shared>> -> memref<640x128xf32, #tpu.memory_space<vmem_shared>>
        tpu.enqueue_dma source(%arg4 : memref<640x128xf32, #tpu.memory_space<hbm>>) target(%dma_start3A_77 : memref<640x128xf32, #tpu.memory_space<vmem_shared>>) target_semaphore(%run_scoped3A : memref<!tpu.dma_semaphore, #tpu.memory_space<semaphore_mem>>)
        %dma_wait3A_78 = arith.constant 9360 : i32
        %dma_wait3A_79 = arith.constant 0 : i32
        %dma_wait3A_80 = tpu.memref_slice %arg14[%dma_wait3A_78, %dma_wait3A_79] : memref<10000x128xf32, #tpu.memory_space<vmem_shared>> -> memref<640x128xf32, #tpu.memory_space<vmem_shared>>
        tpu.wait_dma2 semaphore(%run_scoped3A : memref<!tpu.dma_semaphore, #tpu.memory_space<semaphore_mem>>) src(%arg4 : memref<640x128xf32, #tpu.memory_space<hbm>>) dst(%dma_wait3A_80 : memref<640x128xf32, #tpu.memory_space<vmem_shared>>)
        tpu.yield
      }) : () -> ()
    } else {
    }
    %barrier3A = arith.constant 0 : index
    tpu.barrier barrier_id(%barrier3A)
    %add3A = arith.constant 0 : i32
    %add3A_6 = arith.addi %arg1, %add3A : i32
    %mul3A = arith.constant 128 : i32
    %mul3A_7 = arith.muli %add3A_6, %mul3A : i32
    %dma_start3A = tpu.memref_slice %arg3[%mul3A_7] : memref<160000xi32, #tpu.memory_space<hbm>> -> memref<128xi32, #tpu.memory_space<hbm>>
    %dma_start3A_8 = tpu.memref_slice %arg3[%mul3A_7] : memref<160000xi32, #tpu.memory_space<hbm>> -> memref<128xi32, #tpu.memory_space<hbm>>
    tpu.enqueue_dma source(%dma_start3A_8 : memref<128xi32, #tpu.memory_space<hbm>>) target(%arg6 : memref<128xi32, #tpu.memory_space<vmem>>) target_semaphore(%arg10 : memref<!tpu.dma_semaphore, #tpu.memory_space<semaphore_mem>>)
    %mul3A_9 = arith.constant 128 : i32
    %mul3A_10 = arith.muli %arg0, %mul3A_9 : i32
    %dma_start3A_11 = tpu.memref_slice %arg2[%mul3A_7, %mul3A_10] : memref<160000x256xf32, #tpu.memory_space<hbm>> -> memref<128x128xf32, #tpu.memory_space<hbm>>
    %dma_start3A_12 = tpu.memref_slice %arg2[%mul3A_7, %mul3A_10] : memref<160000x256xf32, #tpu.memory_space<hbm>> -> memref<128x128xf32, #tpu.memory_space<hbm>>
    tpu.enqueue_dma source(%dma_start3A_12 : memref<128x128xf32, #tpu.memory_space<hbm>>) target(%arg7 : memref<128x128xf32, #tpu.memory_space<vmem>>) target_semaphore(%arg10 : memref<!tpu.dma_semaphore, #tpu.memory_space<semaphore_mem>>)
    %add3A_13 = arith.constant 16 : i32
    %add3A_14 = arith.addi %arg1, %add3A_13 : i32
    %mul3A_15 = arith.constant 128 : i32
    %mul3A_16 = arith.muli %add3A_14, %mul3A_15 : i32
    %dma_start3A_17 = tpu.memref_slice %arg3[%mul3A_16] : memref<160000xi32, #tpu.memory_space<hbm>> -> memref<128xi32, #tpu.memory_space<hbm>>
    %dma_start3A_18 = tpu.memref_slice %arg3[%mul3A_16] : memref<160000xi32, #tpu.memory_space<hbm>> -> memref<128xi32, #tpu.memory_space<hbm>>
    tpu.enqueue_dma source(%dma_start3A_18 : memref<128xi32, #tpu.memory_space<hbm>>) target(%arg8 : memref<128xi32, #tpu.memory_space<vmem>>) target_semaphore(%arg11 : memref<!tpu.dma_semaphore, #tpu.memory_space<semaphore_mem>>)
    %mul3A_19 = arith.constant 128 : i32
    %mul3A_20 = arith.muli %arg0, %mul3A_19 : i32
    %dma_start3A_21 = tpu.memref_slice %arg2[%mul3A_16, %mul3A_20] : memref<160000x256xf32, #tpu.memory_space<hbm>> -> memref<128x128xf32, #tpu.memory_space<hbm>>
    %dma_start3A_22 = tpu.memref_slice %arg2[%mul3A_16, %mul3A_20] : memref<160000x256xf32, #tpu.memory_space<hbm>> -> memref<128x128xf32, #tpu.memory_space<hbm>>
    tpu.enqueue_dma source(%dma_start3A_22 : memref<128x128xf32, #tpu.memory_space<hbm>>) target(%arg9 : memref<128x128xf32, #tpu.memory_space<vmem>>) target_semaphore(%arg11 : memref<!tpu.dma_semaphore, #tpu.memory_space<semaphore_mem>>)
    %dma_wait3A = arith.constant 0 : i32
    %dma_wait3A_23 = tpu.memref_slice %arg3[%dma_wait3A] : memref<160000xi32, #tpu.memory_space<hbm>> -> memref<128xi32, #tpu.memory_space<hbm>>
    %dma_wait3A_24 = arith.constant 0 : i32
    %dma_wait3A_25 = tpu.memref_slice %arg3[%dma_wait3A_24] : memref<160000xi32, #tpu.memory_space<hbm>> -> memref<128xi32, #tpu.memory_space<hbm>>
    tpu.wait_dma2 semaphore(%arg10 : memref<!tpu.dma_semaphore, #tpu.memory_space<semaphore_mem>>) src(%dma_wait3A_25 : memref<128xi32, #tpu.memory_space<hbm>>) dst(%arg6 : memref<128xi32, #tpu.memory_space<vmem>>)
    %dma_wait3A_26 = arith.constant 0 : i32
    %dma_wait3A_27 = arith.constant 0 : i32
    %dma_wait3A_28 = tpu.memref_slice %arg2[%dma_wait3A_26, %dma_wait3A_27] : memref<160000x256xf32, #tpu.memory_space<hbm>> -> memref<128x128xf32, #tpu.memory_space<hbm>>
    %dma_wait3A_29 = arith.constant 0 : i32
    %dma_wait3A_30 = arith.constant 0 : i32
    %dma_wait3A_31 = tpu.memref_slice %arg2[%dma_wait3A_29, %dma_wait3A_30] : memref<160000x256xf32, #tpu.memory_space<hbm>> -> memref<128x128xf32, #tpu.memory_space<hbm>>
    tpu.wait_dma2 semaphore(%arg10 : memref<!tpu.dma_semaphore, #tpu.memory_space<semaphore_mem>>) src(%dma_wait3A_31 : memref<128x128xf32, #tpu.memory_space<hbm>>) dst(%arg7 : memref<128x128xf32, #tpu.memory_space<vmem>>)
    %dma_start3A_32 = arith.constant 0 : i32
    %dma_start3A_33 = arith.constant 0 : i32
    %dma_start3A_34 = tpu.memref_slice %arg14[%dma_start3A_32, %dma_start3A_33] : memref<10000x128xf32, #tpu.memory_space<vmem_shared>> -> memref<10000x128xf32, #tpu.memory_space<vmem_shared>>
    tpu.enqueue_indirect_dma source(%arg7 : memref<128x128xf32, #tpu.memory_space<vmem>>) target(%dma_start3A_34 : memref<10000x128xf32, #tpu.memory_space<vmem_shared>>) offsets(%arg6 : memref<128xi32, #tpu.memory_space<vmem>>) semaphore(%arg12 : memref<!tpu.dma_semaphore, #tpu.memory_space<semaphore_mem>>) {add = true}
    %dma_wait3A_35 = arith.constant 0 : i32
    %dma_wait3A_36 = tpu.memref_slice %arg3[%dma_wait3A_35] : memref<160000xi32, #tpu.memory_space<hbm>> -> memref<128xi32, #tpu.memory_space<hbm>>
    %dma_wait3A_37 = arith.constant 0 : i32
    %dma_wait3A_38 = tpu.memref_slice %arg3[%dma_wait3A_37] : memref<160000xi32, #tpu.memory_space<hbm>> -> memref<128xi32, #tpu.memory_space<hbm>>
    tpu.wait_dma2 semaphore(%arg11 : memref<!tpu.dma_semaphore, #tpu.memory_space<semaphore_mem>>) src(%dma_wait3A_38 : memref<128xi32, #tpu.memory_space<hbm>>) dst(%arg8 : memref<128xi32, #tpu.memory_space<vmem>>)
    %dma_wait3A_39 = arith.constant 0 : i32
    %dma_wait3A_40 = arith.constant 0 : i32
    %dma_wait3A_41 = tpu.memref_slice %arg2[%dma_wait3A_39, %dma_wait3A_40] : memref<160000x256xf32, #tpu.memory_space<hbm>> -> memref<128x128xf32, #tpu.memory_space<hbm>>
    %dma_wait3A_42 = arith.constant 0 : i32
    %dma_wait3A_43 = arith.constant 0 : i32
    %dma_wait3A_44 = tpu.memref_slice %arg2[%dma_wait3A_42, %dma_wait3A_43] : memref<160000x256xf32, #tpu.memory_space<hbm>> -> memref<128x128xf32, #tpu.memory_space<hbm>>
    tpu.wait_dma2 semaphore(%arg11 : memref<!tpu.dma_semaphore, #tpu.memory_space<semaphore_mem>>) src(%dma_wait3A_44 : memref<128x128xf32, #tpu.memory_space<hbm>>) dst(%arg9 : memref<128x128xf32, #tpu.memory_space<vmem>>)
    %dma_start3A_45 = arith.constant 0 : i32
    %dma_start3A_46 = arith.constant 0 : i32
    %dma_start3A_47 = tpu.memref_slice %arg14[%dma_start3A_45, %dma_start3A_46] : memref<10000x128xf32, #tpu.memory_space<vmem_shared>> -> memref<10000x128xf32, #tpu.memory_space<vmem_shared>>
    tpu.enqueue_indirect_dma source(%arg9 : memref<128x128xf32, #tpu.memory_space<vmem>>) target(%dma_start3A_47 : memref<10000x128xf32, #tpu.memory_space<vmem_shared>>) offsets(%arg8 : memref<128xi32, #tpu.memory_space<vmem>>) semaphore(%arg13 : memref<!tpu.dma_semaphore, #tpu.memory_space<semaphore_mem>>) {add = true}
    %scan3A = arith.constant 0 : i32
    %scan3A_48 = arith.constant 0 : i32
    %scan3A_49 = arith.constant 38 : i32
    %scan3A_50 = arith.addi %scan3A_48, %scan3A_49 : i32
    %scan3A_51 = arith.constant 1 : i32
    scf.for %scan3A_75 = %scan3A_48 to %scan3A_50 step %scan3A_51  : i32 {
      %mul3A_76 = arith.constant 2 : i32
      %mul3A_77 = arith.muli %mul3A_76, %scan3A_75 : i32
      %add3A_78 = arith.constant 2 : i32
      %add3A_79 = arith.addi %add3A_78, %mul3A_77 : i32
      %dma_wait3A_80 = arith.constant 0 : i32
      %dma_wait3A_81 = arith.constant 0 : i32
      %dma_wait3A_82 = tpu.memref_slice %arg14[%dma_wait3A_80, %dma_wait3A_81] : memref<10000x128xf32, #tpu.memory_space<vmem_shared>> -> memref<10000x128xf32, #tpu.memory_space<vmem_shared>>
      tpu.wait_indirect_dma semaphore(%arg12 : memref<!tpu.dma_semaphore, #tpu.memory_space<semaphore_mem>>) src(%arg7 : memref<128x128xf32, #tpu.memory_space<vmem>>) dst(%dma_wait3A_82 : memref<10000x128xf32, #tpu.memory_space<vmem_shared>>)
      %mul3A_83 = arith.constant 16 : i32
      %mul3A_84 = arith.muli %mul3A_83, %add3A_79 : i32
      %add3A_85 = arith.addi %arg1, %mul3A_84 : i32
      %mul3A_86 = arith.constant 128 : i32
      %mul3A_87 = arith.muli %add3A_85, %mul3A_86 : i32
      %dma_start3A_88 = tpu.memref_slice %arg3[%mul3A_87] : memref<160000xi32, #tpu.memory_space<hbm>> -> memref<128xi32, #tpu.memory_space<hbm>>
      %dma_start3A_89 = tpu.memref_slice %arg3[%mul3A_87] : memref<160000xi32, #tpu.memory_space<hbm>> -> memref<128xi32, #tpu.memory_space<hbm>>
      tpu.enqueue_dma source(%dma_start3A_89 : memref<128xi32, #tpu.memory_space<hbm>>) target(%arg6 : memref<128xi32, #tpu.memory_space<vmem>>) target_semaphore(%arg10 : memref<!tpu.dma_semaphore, #tpu.memory_space<semaphore_mem>>)
      %mul3A_90 = arith.constant 128 : i32
      %mul3A_91 = arith.muli %arg0, %mul3A_90 : i32
      %dma_start3A_92 = tpu.memref_slice %arg2[%mul3A_87, %mul3A_91] : memref<160000x256xf32, #tpu.memory_space<hbm>> -> memref<128x128xf32, #tpu.memory_space<hbm>>
      %dma_start3A_93 = tpu.memref_slice %arg2[%mul3A_87, %mul3A_91] : memref<160000x256xf32, #tpu.memory_space<hbm>> -> memref<128x128xf32, #tpu.memory_space<hbm>>
      tpu.enqueue_dma source(%dma_start3A_93 : memref<128x128xf32, #tpu.memory_space<hbm>>) target(%arg7 : memref<128x128xf32, #tpu.memory_space<vmem>>) target_semaphore(%arg10 : memref<!tpu.dma_semaphore, #tpu.memory_space<semaphore_mem>>)
      %dma_wait3A_94 = arith.constant 0 : i32
      %dma_wait3A_95 = arith.constant 0 : i32
      %dma_wait3A_96 = tpu.memref_slice %arg14[%dma_wait3A_94, %dma_wait3A_95] : memref<10000x128xf32, #tpu.memory_space<vmem_shared>> -> memref<10000x128xf32, #tpu.memory_space<vmem_shared>>
      tpu.wait_indirect_dma semaphore(%arg13 : memref<!tpu.dma_semaphore, #tpu.memory_space<semaphore_mem>>) src(%arg9 : memref<128x128xf32, #tpu.memory_space<vmem>>) dst(%dma_wait3A_96 : memref<10000x128xf32, #tpu.memory_space<vmem_shared>>)
      %add3A_97 = arith.constant 1 : i32
      %add3A_98 = arith.addi %add3A_79, %add3A_97 : i32
      %mul3A_99 = arith.constant 16 : i32
      %mul3A_100 = arith.muli %mul3A_99, %add3A_98 : i32
      %add3A_101 = arith.addi %arg1, %mul3A_100 : i32
      %mul3A_102 = arith.constant 128 : i32
      %mul3A_103 = arith.muli %add3A_101, %mul3A_102 : i32
      %dma_start3A_104 = tpu.memref_slice %arg3[%mul3A_103] : memref<160000xi32, #tpu.memory_space<hbm>> -> memref<128xi32, #tpu.memory_space<hbm>>
      %dma_start3A_105 = tpu.memref_slice %arg3[%mul3A_103] : memref<160000xi32, #tpu.memory_space<hbm>> -> memref<128xi32, #tpu.memory_space<hbm>>
      tpu.enqueue_dma source(%dma_start3A_105 : memref<128xi32, #tpu.memory_space<hbm>>) target(%arg8 : memref<128xi32, #tpu.memory_space<vmem>>) target_semaphore(%arg11 : memref<!tpu.dma_semaphore, #tpu.memory_space<semaphore_mem>>)
      %mul3A_106 = arith.constant 128 : i32
      %mul3A_107 = arith.muli %arg0, %mul3A_106 : i32
      %dma_start3A_108 = tpu.memref_slice %arg2[%mul3A_103, %mul3A_107] : memref<160000x256xf32, #tpu.memory_space<hbm>> -> memref<128x128xf32, #tpu.memory_space<hbm>>
      %dma_start3A_109 = tpu.memref_slice %arg2[%mul3A_103, %mul3A_107] : memref<160000x256xf32, #tpu.memory_space<hbm>> -> memref<128x128xf32, #tpu.memory_space<hbm>>
      tpu.enqueue_dma source(%dma_start3A_109 : memref<128x128xf32, #tpu.memory_space<hbm>>) target(%arg9 : memref<128x128xf32, #tpu.memory_space<vmem>>) target_semaphore(%arg11 : memref<!tpu.dma_semaphore, #tpu.memory_space<semaphore_mem>>)
      %dma_wait3A_110 = arith.constant 0 : i32
      %dma_wait3A_111 = tpu.memref_slice %arg3[%dma_wait3A_110] : memref<160000xi32, #tpu.memory_space<hbm>> -> memref<128xi32, #tpu.memory_space<hbm>>
      %dma_wait3A_112 = arith.constant 0 : i32
      %dma_wait3A_113 = tpu.memref_slice %arg3[%dma_wait3A_112] : memref<160000xi32, #tpu.memory_space<hbm>> -> memref<128xi32, #tpu.memory_space<hbm>>
      tpu.wait_dma2 semaphore(%arg10 : memref<!tpu.dma_semaphore, #tpu.memory_space<semaphore_mem>>) src(%dma_wait3A_113 : memref<128xi32, #tpu.memory_space<hbm>>) dst(%arg6 : memref<128xi32, #tpu.memory_space<vmem>>)
      %dma_wait3A_114 = arith.constant 0 : i32
      %dma_wait3A_115 = arith.constant 0 : i32
      %dma_wait3A_116 = tpu.memref_slice %arg2[%dma_wait3A_114, %dma_wait3A_115] : memref<160000x256xf32, #tpu.memory_space<hbm>> -> memref<128x128xf32, #tpu.memory_space<hbm>>
      %dma_wait3A_117 = arith.constant 0 : i32
      %dma_wait3A_118 = arith.constant 0 : i32
      %dma_wait3A_119 = tpu.memref_slice %arg2[%dma_wait3A_117, %dma_wait3A_118] : memref<160000x256xf32, #tpu.memory_space<hbm>> -> memref<128x128xf32, #tpu.memory_space<hbm>>
      tpu.wait_dma2 semaphore(%arg10 : memref<!tpu.dma_semaphore, #tpu.memory_space<semaphore_mem>>) src(%dma_wait3A_119 : memref<128x128xf32, #tpu.memory_space<hbm>>) dst(%arg7 : memref<128x128xf32, #tpu.memory_space<vmem>>)
      %dma_start3A_120 = arith.constant 0 : i32
      %dma_start3A_121 = arith.constant 0 : i32
      %dma_start3A_122 = tpu.memref_slice %arg14[%dma_start3A_120, %dma_start3A_121] : memref<10000x128xf32, #tpu.memory_space<vmem_shared>> -> memref<10000x128xf32, #tpu.memory_space<vmem_shared>>
      tpu.enqueue_indirect_dma source(%arg7 : memref<128x128xf32, #tpu.memory_space<vmem>>) target(%dma_start3A_122 : memref<10000x128xf32, #tpu.memory_space<vmem_shared>>) offsets(%arg6 : memref<128xi32, #tpu.memory_space<vmem>>) semaphore(%arg12 : memref<!tpu.dma_semaphore, #tpu.memory_space<semaphore_mem>>) {add = true}
      %dma_wait3A_123 = arith.constant 0 : i32
      %dma_wait3A_124 = tpu.memref_slice %arg3[%dma_wait3A_123] : memref<160000xi32, #tpu.memory_space<hbm>> -> memref<128xi32, #tpu.memory_space<hbm>>
      %dma_wait3A_125 = arith.constant 0 : i32
      %dma_wait3A_126 = tpu.memref_slice %arg3[%dma_wait3A_125] : memref<160000xi32, #tpu.memory_space<hbm>> -> memref<128xi32, #tpu.memory_space<hbm>>
      tpu.wait_dma2 semaphore(%arg11 : memref<!tpu.dma_semaphore, #tpu.memory_space<semaphore_mem>>) src(%dma_wait3A_126 : memref<128xi32, #tpu.memory_space<hbm>>) dst(%arg8 : memref<128xi32, #tpu.memory_space<vmem>>)
      %dma_wait3A_127 = arith.constant 0 : i32
      %dma_wait3A_128 = arith.constant 0 : i32
      %dma_wait3A_129 = tpu.memref_slice %arg2[%dma_wait3A_127, %dma_wait3A_128] : memref<160000x256xf32, #tpu.memory_space<hbm>> -> memref<128x128xf32, #tpu.memory_space<hbm>>
      %dma_wait3A_130 = arith.constant 0 : i32
      %dma_wait3A_131 = arith.constant 0 : i32
      %dma_wait3A_132 = tpu.memref_slice %arg2[%dma_wait3A_130, %dma_wait3A_131] : memref<160000x256xf32, #tpu.memory_space<hbm>> -> memref<128x128xf32, #tpu.memory_space<hbm>>
      tpu.wait_dma2 semaphore(%arg11 : memref<!tpu.dma_semaphore, #tpu.memory_space<semaphore_mem>>) src(%dma_wait3A_132 : memref<128x128xf32, #tpu.memory_space<hbm>>) dst(%arg9 : memref<128x128xf32, #tpu.memory_space<vmem>>)
      %dma_start3A_133 = arith.constant 0 : i32
      %dma_start3A_134 = arith.constant 0 : i32
      %dma_start3A_135 = tpu.memref_slice %arg14[%dma_start3A_133, %dma_start3A_134] : memref<10000x128xf32, #tpu.memory_space<vmem_shared>> -> memref<10000x128xf32, #tpu.memory_space<vmem_shared>>
      tpu.enqueue_indirect_dma source(%arg9 : memref<128x128xf32, #tpu.memory_space<vmem>>) target(%dma_start3A_135 : memref<10000x128xf32, #tpu.memory_space<vmem_shared>>) offsets(%arg8 : memref<128xi32, #tpu.memory_space<vmem>>) semaphore(%arg13 : memref<!tpu.dma_semaphore, #tpu.memory_space<semaphore_mem>>) {add = true}
    }
    %scan3A_52 = arith.constant 38 : i32
    %dma_wait3A_53 = arith.constant 0 : i32
    %dma_wait3A_54 = arith.constant 0 : i32
    %dma_wait3A_55 = tpu.memref_slice %arg14[%dma_wait3A_53, %dma_wait3A_54] : memref<10000x128xf32, #tpu.memory_space<vmem_shared>> -> memref<10000x128xf32, #tpu.memory_space<vmem_shared>>
    tpu.wait_indirect_dma semaphore(%arg12 : memref<!tpu.dma_semaphore, #tpu.memory_space<semaphore_mem>>) src(%arg7 : memref<128x128xf32, #tpu.memory_space<vmem>>) dst(%dma_wait3A_55 : memref<10000x128xf32, #tpu.memory_space<vmem_shared>>)
    %dma_wait3A_56 = arith.constant 0 : i32
    %dma_wait3A_57 = arith.constant 0 : i32
    %dma_wait3A_58 = tpu.memref_slice %arg14[%dma_wait3A_56, %dma_wait3A_57] : memref<10000x128xf32, #tpu.memory_space<vmem_shared>> -> memref<10000x128xf32, #tpu.memory_space<vmem_shared>>
    tpu.wait_indirect_dma semaphore(%arg13 : memref<!tpu.dma_semaphore, #tpu.memory_space<semaphore_mem>>) src(%arg9 : memref<128x128xf32, #tpu.memory_space<vmem>>) dst(%dma_wait3A_58 : memref<10000x128xf32, #tpu.memory_space<vmem_shared>>)
    %lt3A_59 = arith.constant 2 : i32
    %lt3A_60 = arith.cmpi slt, %arg1, %lt3A_59 : i32
    %convert_element_type3A_61 = arith.extui %lt3A_60 : i1 to i32
    %cond3A_62 = arith.constant 0 : i32
    %cond3A_63 = arith.cmpi ne, %convert_element_type3A_61, %cond3A_62 : i32
    scf.if %cond3A_63 {
      %add3A_75 = arith.constant 1248 : i32
      %add3A_76 = arith.addi %add3A_75, %arg1 : i32
      %mul3A_77 = arith.constant 128 : i32
      %mul3A_78 = arith.muli %add3A_76, %mul3A_77 : i32
      "tpu.region"() ({
        %run_scoped3A = tpu.sem_alloc : memref<!tpu.dma_semaphore, #tpu.memory_space<semaphore_mem>>
        %dma_start3A_81 = tpu.memref_slice %arg3[%mul3A_78] : memref<160000xi32, #tpu.memory_space<hbm>> -> memref<128xi32, #tpu.memory_space<hbm>>
        %dma_start3A_82 = tpu.memref_slice %arg3[%mul3A_78] : memref<160000xi32, #tpu.memory_space<hbm>> -> memref<128xi32, #tpu.memory_space<hbm>>
        tpu.enqueue_dma source(%dma_start3A_82 : memref<128xi32, #tpu.memory_space<hbm>>) target(%arg6 : memref<128xi32, #tpu.memory_space<vmem>>) target_semaphore(%run_scoped3A : memref<!tpu.dma_semaphore, #tpu.memory_space<semaphore_mem>>)
        %dma_wait3A_83 = tpu.memref_slice %arg3[%mul3A_78] : memref<160000xi32, #tpu.memory_space<hbm>> -> memref<128xi32, #tpu.memory_space<hbm>>
        %dma_wait3A_84 = tpu.memref_slice %arg3[%mul3A_78] : memref<160000xi32, #tpu.memory_space<hbm>> -> memref<128xi32, #tpu.memory_space<hbm>>
        tpu.wait_dma2 semaphore(%run_scoped3A : memref<!tpu.dma_semaphore, #tpu.memory_space<semaphore_mem>>) src(%dma_wait3A_84 : memref<128xi32, #tpu.memory_space<hbm>>) dst(%arg6 : memref<128xi32, #tpu.memory_space<vmem>>)
        tpu.yield
      }) : () -> ()
      %mul3A_79 = arith.constant 128 : i32
      %mul3A_80 = arith.muli %arg0, %mul3A_79 : i32
      "tpu.region"() ({
        %run_scoped3A = tpu.sem_alloc : memref<!tpu.dma_semaphore, #tpu.memory_space<semaphore_mem>>
        %dma_start3A_81 = tpu.memref_slice %arg2[%mul3A_78, %mul3A_80] : memref<160000x256xf32, #tpu.memory_space<hbm>> -> memref<128x128xf32, #tpu.memory_space<hbm>>
        %dma_start3A_82 = tpu.memref_slice %arg2[%mul3A_78, %mul3A_80] : memref<160000x256xf32, #tpu.memory_space<hbm>> -> memref<128x128xf32, #tpu.memory_space<hbm>>
        tpu.enqueue_dma source(%dma_start3A_82 : memref<128x128xf32, #tpu.memory_space<hbm>>) target(%arg7 : memref<128x128xf32, #tpu.memory_space<vmem>>) target_semaphore(%run_scoped3A : memref<!tpu.dma_semaphore, #tpu.memory_space<semaphore_mem>>)
        %dma_wait3A_83 = tpu.memref_slice %arg2[%mul3A_78, %mul3A_80] : memref<160000x256xf32, #tpu.memory_space<hbm>> -> memref<128x128xf32, #tpu.memory_space<hbm>>
        %dma_wait3A_84 = tpu.memref_slice %arg2[%mul3A_78, %mul3A_80] : memref<160000x256xf32, #tpu.memory_space<hbm>> -> memref<128x128xf32, #tpu.memory_space<hbm>>
        tpu.wait_dma2 semaphore(%run_scoped3A : memref<!tpu.dma_semaphore, #tpu.memory_space<semaphore_mem>>) src(%dma_wait3A_84 : memref<128x128xf32, #tpu.memory_space<hbm>>) dst(%arg7 : memref<128x128xf32, #tpu.memory_space<vmem>>)
        tpu.yield
      }) : () -> ()
      "tpu.region"() ({
        %run_scoped3A = tpu.sem_alloc : memref<!tpu.dma_semaphore, #tpu.memory_space<semaphore_mem>>
        %dma_start3A_81 = arith.constant 0 : i32
        %dma_start3A_82 = arith.constant 0 : i32
        %dma_start3A_83 = tpu.memref_slice %arg14[%dma_start3A_81, %dma_start3A_82] : memref<10000x128xf32, #tpu.memory_space<vmem_shared>> -> memref<10000x128xf32, #tpu.memory_space<vmem_shared>>
        tpu.enqueue_indirect_dma source(%arg7 : memref<128x128xf32, #tpu.memory_space<vmem>>) target(%dma_start3A_83 : memref<10000x128xf32, #tpu.memory_space<vmem_shared>>) offsets(%arg6 : memref<128xi32, #tpu.memory_space<vmem>>) semaphore(%run_scoped3A : memref<!tpu.dma_semaphore, #tpu.memory_space<semaphore_mem>>) {add = true}
        %dma_wait3A_84 = arith.constant 0 : i32
        %dma_wait3A_85 = arith.constant 0 : i32
        %dma_wait3A_86 = tpu.memref_slice %arg14[%dma_wait3A_84, %dma_wait3A_85] : memref<10000x128xf32, #tpu.memory_space<vmem_shared>> -> memref<10000x128xf32, #tpu.memory_space<vmem_shared>>
        tpu.wait_indirect_dma semaphore(%run_scoped3A : memref<!tpu.dma_semaphore, #tpu.memory_space<semaphore_mem>>) src(%arg7 : memref<128x128xf32, #tpu.memory_space<vmem>>) dst(%dma_wait3A_86 : memref<10000x128xf32, #tpu.memory_space<vmem_shared>>)
        tpu.yield
      }) : () -> ()
    } else {
    }
    %barrier3A_64 = arith.constant 0 : index
    tpu.barrier barrier_id(%barrier3A_64)
    %lt3A_65 = arith.constant 15 : i32
    %lt3A_66 = arith.cmpi slt, %arg1, %lt3A_65 : i32
    %convert_element_type3A_67 = arith.extui %lt3A_66 : i1 to i32
    %cond3A_68 = arith.constant 0 : i32
    %cond3A_69 = arith.cmpi ne, %convert_element_type3A_67, %cond3A_68 : i32
    scf.if %cond3A_69 {
      %mul3A_75 = arith.constant 624 : i32
      %mul3A_76 = arith.muli %arg1, %mul3A_75 : i32
      %mul3A_77 = arith.constant 624 : i32
      %mul3A_78 = arith.muli %arg1, %mul3A_77 : i32
      %mul3A_79 = arith.constant 128 : i32
      %mul3A_80 = arith.muli %arg0, %mul3A_79 : i32
      "tpu.region"() ({
        %run_scoped3A = tpu.sem_alloc : memref<!tpu.dma_semaphore, #tpu.memory_space<semaphore_mem>>
        %dma_start3A_81 = tpu.memref_slice %arg5[%mul3A_78, %mul3A_80] : memref<10000x256xf32, #tpu.memory_space<hbm>> -> memref<624x128xf32, #tpu.memory_space<hbm>>
        %dma_start3A_82 = arith.constant 0 : i32
        %dma_start3A_83 = tpu.memref_slice %arg14[%mul3A_76, %dma_start3A_82] : memref<10000x128xf32, #tpu.memory_space<vmem_shared>> -> memref<624x128xf32, #tpu.memory_space<vmem_shared>>
        tpu.enqueue_dma source(%dma_start3A_83 : memref<624x128xf32, #tpu.memory_space<vmem_shared>>) target(%dma_start3A_81 : memref<624x128xf32, #tpu.memory_space<hbm>>) target_semaphore(%run_scoped3A : memref<!tpu.dma_semaphore, #tpu.memory_space<semaphore_mem>>)
        %dma_wait3A_84 = tpu.memref_slice %arg5[%mul3A_78, %mul3A_80] : memref<10000x256xf32, #tpu.memory_space<hbm>> -> memref<624x128xf32, #tpu.memory_space<hbm>>
        %dma_wait3A_85 = arith.constant 0 : i32
        %dma_wait3A_86 = tpu.memref_slice %arg14[%mul3A_76, %dma_wait3A_85] : memref<10000x128xf32, #tpu.memory_space<vmem_shared>> -> memref<624x128xf32, #tpu.memory_space<vmem_shared>>
        tpu.wait_dma2 semaphore(%run_scoped3A : memref<!tpu.dma_semaphore, #tpu.memory_space<semaphore_mem>>) src(%dma_wait3A_86 : memref<624x128xf32, #tpu.memory_space<vmem_shared>>) dst(%dma_wait3A_84 : memref<624x128xf32, #tpu.memory_space<hbm>>)
        tpu.yield
      }) : () -> ()
    } else {
    }
    %eq3A_70 = arith.constant 15 : i32
    %eq3A_71 = arith.cmpi eq, %arg1, %eq3A_70 : i32
    %convert_element_type3A_72 = arith.extui %eq3A_71 : i1 to i32
    %cond3A_73 = arith.constant 0 : i32
    %cond3A_74 = arith.cmpi ne, %convert_element_type3A_72, %cond3A_73 : i32
    scf.if %cond3A_74 {
      %mul3A_75 = arith.constant 128 : i32
      %mul3A_76 = arith.muli %arg0, %mul3A_75 : i32
      "tpu.region"() ({
        %run_scoped3A = tpu.sem_alloc : memref<!tpu.dma_semaphore, #tpu.memory_space<semaphore_mem>>
        %dma_start3A_77 = arith.constant 9360 : i32
        %dma_start3A_78 = tpu.memref_slice %arg5[%dma_start3A_77, %mul3A_76] : memref<10000x256xf32, #tpu.memory_space<hbm>> -> memref<640x128xf32, #tpu.memory_space<hbm>>
        %dma_start3A_79 = arith.constant 9360 : i32
        %dma_start3A_80 = arith.constant 0 : i32
        %dma_start3A_81 = tpu.memref_slice %arg14[%dma_start3A_79, %dma_start3A_80] : memref<10000x128xf32, #tpu.memory_space<vmem_shared>> -> memref<640x128xf32, #tpu.memory_space<vmem_shared>>
        tpu.enqueue_dma source(%dma_start3A_81 : memref<640x128xf32, #tpu.memory_space<vmem_shared>>) target(%dma_start3A_78 : memref<640x128xf32, #tpu.memory_space<hbm>>) target_semaphore(%run_scoped3A : memref<!tpu.dma_semaphore, #tpu.memory_space<semaphore_mem>>)
        %dma_wait3A_82 = arith.constant 9360 : i32
        %dma_wait3A_83 = tpu.memref_slice %arg5[%dma_wait3A_82, %mul3A_76] : memref<10000x256xf32, #tpu.memory_space<hbm>> -> memref<640x128xf32, #tpu.memory_space<hbm>>
        %dma_wait3A_84 = arith.constant 9360 : i32
        %dma_wait3A_85 = arith.constant 0 : i32
        %dma_wait3A_86 = tpu.memref_slice %arg14[%dma_wait3A_84, %dma_wait3A_85] : memref<10000x128xf32, #tpu.memory_space<vmem_shared>> -> memref<640x128xf32, #tpu.memory_space<vmem_shared>>
        tpu.wait_dma2 semaphore(%run_scoped3A : memref<!tpu.dma_semaphore, #tpu.memory_space<semaphore_mem>>) src(%dma_wait3A_86 : memref<640x128xf32, #tpu.memory_space<vmem_shared>>) dst(%dma_wait3A_83 : memref<640x128xf32, #tpu.memory_space<hbm>>)
        tpu.yield
      }) : () -> ()
    } else {
    }
    return
  }
}

#map = affine_map<(d0, d1) -> (0, 0)>
#map1 = affine_map<(d0, d1) -> (0)>
module attributes {stable_mosaic.version = 14 : i64} {
  func.func @_gather2_body(%arg0: i32, %arg1: i32, %arg2: memref<10000x128xi32, #tpu.memory_space<hbm>>, %arg3: memref<10000x128xi32, #tpu.memory_space<hbm>>, %arg4: memref<160000xi32, #tpu.memory_space<hbm>>, %arg5: memref<160000xi32, #tpu.memory_space<hbm>>, %arg6: memref<160000x128xi32, #tpu.memory_space<hbm>>, %arg7: memref<160000x128xi32, #tpu.memory_space<hbm>>, %arg8: memref<5000xi32, #tpu.memory_space<vmem>>, %arg9: memref<5000xi32, #tpu.memory_space<vmem>>, %arg10: memref<128x128xi32, #tpu.memory_space<vmem>>, %arg11: memref<128x128xi32, #tpu.memory_space<vmem>>, %arg12: memref<128x128xi32, #tpu.memory_space<vmem>>, %arg13: memref<128x128xi32, #tpu.memory_space<vmem>>, %arg14: memref<!tpu.dma_semaphore, #tpu.memory_space<semaphore_mem>>, %arg15: memref<!tpu.dma_semaphore, #tpu.memory_space<semaphore_mem>>, %arg16: memref<!tpu.dma_semaphore, #tpu.memory_space<semaphore_mem>>, %arg17: memref<!tpu.dma_semaphore, #tpu.memory_space<semaphore_mem>>) attributes {dimension_semantics = [#tpu.dimension_semantics<core_parallel>, #tpu.dimension_semantics<subcore_parallel>], iteration_bounds = array<i64: 2, 16>, scalar_prefetch = 0 : i64, scratch_operands = 10 : i64, tpu.core_type = #tpu.core_type<sc_vector_subcore>, window_params = [{transform_indices = #map}, {transform_indices = #map}, {transform_indices = #map1}, {transform_indices = #map1}, {transform_indices = #map}, {transform_indices = #map}]} {
    %mul3A = arith.constant 2 : i32
    %mul3A_0 = arith.muli %arg1, %mul3A : i32
    %add3A = arith.addi %mul3A_0, %arg0 : i32
    %mul3A_1 = arith.constant 5000 : i32
    %mul3A_2 = arith.muli %add3A, %mul3A_1 : i32
    "tpu.region"() ({
      %run_scoped3A = tpu.sem_alloc : memref<!tpu.dma_semaphore, #tpu.memory_space<semaphore_mem>>
      %dma_start3A_180 = tpu.memref_slice %arg4[%mul3A_2] : memref<160000xi32, #tpu.memory_space<hbm>> -> memref<5000xi32, #tpu.memory_space<hbm>>
      %dma_start3A_181 = tpu.memref_slice %arg4[%mul3A_2] : memref<160000xi32, #tpu.memory_space<hbm>> -> memref<5000xi32, #tpu.memory_space<hbm>>
      tpu.enqueue_dma source(%dma_start3A_181 : memref<5000xi32, #tpu.memory_space<hbm>>) target(%arg8 : memref<5000xi32, #tpu.memory_space<vmem>>) target_semaphore(%run_scoped3A : memref<!tpu.dma_semaphore, #tpu.memory_space<semaphore_mem>>)
      %dma_wait3A_182 = tpu.memref_slice %arg4[%mul3A_2] : memref<160000xi32, #tpu.memory_space<hbm>> -> memref<5000xi32, #tpu.memory_space<hbm>>
      %dma_wait3A_183 = tpu.memref_slice %arg4[%mul3A_2] : memref<160000xi32, #tpu.memory_space<hbm>> -> memref<5000xi32, #tpu.memory_space<hbm>>
      tpu.wait_dma2 semaphore(%run_scoped3A : memref<!tpu.dma_semaphore, #tpu.memory_space<semaphore_mem>>) src(%dma_wait3A_183 : memref<5000xi32, #tpu.memory_space<hbm>>) dst(%arg8 : memref<5000xi32, #tpu.memory_space<vmem>>)
      tpu.yield
    }) : () -> ()
    "tpu.region"() ({
      %run_scoped3A = tpu.sem_alloc : memref<!tpu.dma_semaphore, #tpu.memory_space<semaphore_mem>>
      %dma_start3A_180 = tpu.memref_slice %arg5[%mul3A_2] : memref<160000xi32, #tpu.memory_space<hbm>> -> memref<5000xi32, #tpu.memory_space<hbm>>
      %dma_start3A_181 = tpu.memref_slice %arg5[%mul3A_2] : memref<160000xi32, #tpu.memory_space<hbm>> -> memref<5000xi32, #tpu.memory_space<hbm>>
      tpu.enqueue_dma source(%dma_start3A_181 : memref<5000xi32, #tpu.memory_space<hbm>>) target(%arg9 : memref<5000xi32, #tpu.memory_space<vmem>>) target_semaphore(%run_scoped3A : memref<!tpu.dma_semaphore, #tpu.memory_space<semaphore_mem>>)
      %dma_wait3A_182 = tpu.memref_slice %arg5[%mul3A_2] : memref<160000xi32, #tpu.memory_space<hbm>> -> memref<5000xi32, #tpu.memory_space<hbm>>
      %dma_wait3A_183 = tpu.memref_slice %arg5[%mul3A_2] : memref<160000xi32, #tpu.memory_space<hbm>> -> memref<5000xi32, #tpu.memory_space<hbm>>
      tpu.wait_dma2 semaphore(%run_scoped3A : memref<!tpu.dma_semaphore, #tpu.memory_space<semaphore_mem>>) src(%dma_wait3A_183 : memref<5000xi32, #tpu.memory_space<hbm>>) dst(%arg9 : memref<5000xi32, #tpu.memory_space<vmem>>)
      tpu.yield
    }) : () -> ()
    %dma_start3A = arith.constant 0 : i32
    %dma_start3A_3 = tpu.memref_slice %arg8[%dma_start3A] : memref<5000xi32, #tpu.memory_space<vmem>> -> memref<128xi32, #tpu.memory_space<vmem>>
    %dma_start3A_4 = arith.constant 0 : i32
    %dma_start3A_5 = arith.constant 0 : i32
    %dma_start3A_6 = tpu.memref_slice %arg2[%dma_start3A_4, %dma_start3A_5] : memref<10000x128xi32, #tpu.memory_space<hbm>> -> memref<10000x128xi32, #tpu.memory_space<hbm>>
    tpu.enqueue_indirect_dma source(%dma_start3A_6 : memref<10000x128xi32, #tpu.memory_space<hbm>>) target(%arg10 : memref<128x128xi32, #tpu.memory_space<vmem>>) offsets(%dma_start3A_3 : memref<128xi32, #tpu.memory_space<vmem>>) semaphore(%arg14 : memref<!tpu.dma_semaphore, #tpu.memory_space<semaphore_mem>>)
    %dma_start3A_7 = arith.constant 0 : i32
    %dma_start3A_8 = tpu.memref_slice %arg9[%dma_start3A_7] : memref<5000xi32, #tpu.memory_space<vmem>> -> memref<128xi32, #tpu.memory_space<vmem>>
    %dma_start3A_9 = arith.constant 0 : i32
    %dma_start3A_10 = arith.constant 0 : i32
    %dma_start3A_11 = tpu.memref_slice %arg3[%dma_start3A_9, %dma_start3A_10] : memref<10000x128xi32, #tpu.memory_space<hbm>> -> memref<10000x128xi32, #tpu.memory_space<hbm>>
    tpu.enqueue_indirect_dma source(%dma_start3A_11 : memref<10000x128xi32, #tpu.memory_space<hbm>>) target(%arg11 : memref<128x128xi32, #tpu.memory_space<vmem>>) offsets(%dma_start3A_8 : memref<128xi32, #tpu.memory_space<vmem>>) semaphore(%arg14 : memref<!tpu.dma_semaphore, #tpu.memory_space<semaphore_mem>>)
    %dma_start3A_12 = arith.constant 128 : i32
    %dma_start3A_13 = tpu.memref_slice %arg8[%dma_start3A_12] : memref<5000xi32, #tpu.memory_space<vmem>> -> memref<128xi32, #tpu.memory_space<vmem>>
    %dma_start3A_14 = arith.constant 0 : i32
    %dma_start3A_15 = arith.constant 0 : i32
    %dma_start3A_16 = tpu.memref_slice %arg2[%dma_start3A_14, %dma_start3A_15] : memref<10000x128xi32, #tpu.memory_space<hbm>> -> memref<10000x128xi32, #tpu.memory_space<hbm>>
    tpu.enqueue_indirect_dma source(%dma_start3A_16 : memref<10000x128xi32, #tpu.memory_space<hbm>>) target(%arg12 : memref<128x128xi32, #tpu.memory_space<vmem>>) offsets(%dma_start3A_13 : memref<128xi32, #tpu.memory_space<vmem>>) semaphore(%arg15 : memref<!tpu.dma_semaphore, #tpu.memory_space<semaphore_mem>>)
    %dma_start3A_17 = arith.constant 128 : i32
    %dma_start3A_18 = tpu.memref_slice %arg9[%dma_start3A_17] : memref<5000xi32, #tpu.memory_space<vmem>> -> memref<128xi32, #tpu.memory_space<vmem>>
    %dma_start3A_19 = arith.constant 0 : i32
    %dma_start3A_20 = arith.constant 0 : i32
    %dma_start3A_21 = tpu.memref_slice %arg3[%dma_start3A_19, %dma_start3A_20] : memref<10000x128xi32, #tpu.memory_space<hbm>> -> memref<10000x128xi32, #tpu.memory_space<hbm>>
    tpu.enqueue_indirect_dma source(%dma_start3A_21 : memref<10000x128xi32, #tpu.memory_space<hbm>>) target(%arg13 : memref<128x128xi32, #tpu.memory_space<vmem>>) offsets(%dma_start3A_18 : memref<128xi32, #tpu.memory_space<vmem>>) semaphore(%arg15 : memref<!tpu.dma_semaphore, #tpu.memory_space<semaphore_mem>>)
    %dma_wait3A = arith.constant 0 : i32
    %dma_wait3A_22 = arith.constant 0 : i32
    %dma_wait3A_23 = tpu.memref_slice %arg2[%dma_wait3A, %dma_wait3A_22] : memref<10000x128xi32, #tpu.memory_space<hbm>> -> memref<128x128xi32, #tpu.memory_space<hbm>>
    %dma_wait3A_24 = arith.constant 0 : i32
    %dma_wait3A_25 = arith.constant 0 : i32
    %dma_wait3A_26 = tpu.memref_slice %arg2[%dma_wait3A_24, %dma_wait3A_25] : memref<10000x128xi32, #tpu.memory_space<hbm>> -> memref<128x128xi32, #tpu.memory_space<hbm>>
    tpu.wait_dma2 semaphore(%arg14 : memref<!tpu.dma_semaphore, #tpu.memory_space<semaphore_mem>>) src(%dma_wait3A_26 : memref<128x128xi32, #tpu.memory_space<hbm>>) dst(%arg10 : memref<128x128xi32, #tpu.memory_space<vmem>>)
    %dma_wait3A_27 = arith.constant 0 : i32
    %dma_wait3A_28 = arith.constant 0 : i32
    %dma_wait3A_29 = tpu.memref_slice %arg3[%dma_wait3A_27, %dma_wait3A_28] : memref<10000x128xi32, #tpu.memory_space<hbm>> -> memref<128x128xi32, #tpu.memory_space<hbm>>
    %dma_wait3A_30 = arith.constant 0 : i32
    %dma_wait3A_31 = arith.constant 0 : i32
    %dma_wait3A_32 = tpu.memref_slice %arg3[%dma_wait3A_30, %dma_wait3A_31] : memref<10000x128xi32, #tpu.memory_space<hbm>> -> memref<128x128xi32, #tpu.memory_space<hbm>>
    tpu.wait_dma2 semaphore(%arg14 : memref<!tpu.dma_semaphore, #tpu.memory_space<semaphore_mem>>) src(%dma_wait3A_32 : memref<128x128xi32, #tpu.memory_space<hbm>>) dst(%arg11 : memref<128x128xi32, #tpu.memory_space<vmem>>)
    %add3A_33 = arith.constant 0 : i32
    %add3A_34 = arith.addi %mul3A_2, %add3A_33 : i32
    %dma_start3A_35 = arith.constant 0 : i32
    %dma_start3A_36 = tpu.memref_slice %arg6[%add3A_34, %dma_start3A_35] : memref<160000x128xi32, #tpu.memory_space<hbm>> -> memref<128x128xi32, #tpu.memory_space<hbm>>
    %dma_start3A_37 = arith.constant 0 : i32
    %dma_start3A_38 = tpu.memref_slice %arg6[%add3A_34, %dma_start3A_37] : memref<160000x128xi32, #tpu.memory_space<hbm>> -> memref<128x128xi32, #tpu.memory_space<hbm>>
    tpu.enqueue_dma source(%arg10 : memref<128x128xi32, #tpu.memory_space<vmem>>) target(%dma_start3A_38 : memref<128x128xi32, #tpu.memory_space<hbm>>) target_semaphore(%arg16 : memref<!tpu.dma_semaphore, #tpu.memory_space<semaphore_mem>>)
    %dma_start3A_39 = arith.constant 0 : i32
    %dma_start3A_40 = tpu.memref_slice %arg7[%add3A_34, %dma_start3A_39] : memref<160000x128xi32, #tpu.memory_space<hbm>> -> memref<128x128xi32, #tpu.memory_space<hbm>>
    %dma_start3A_41 = arith.constant 0 : i32
    %dma_start3A_42 = tpu.memref_slice %arg7[%add3A_34, %dma_start3A_41] : memref<160000x128xi32, #tpu.memory_space<hbm>> -> memref<128x128xi32, #tpu.memory_space<hbm>>
    tpu.enqueue_dma source(%arg11 : memref<128x128xi32, #tpu.memory_space<vmem>>) target(%dma_start3A_42 : memref<128x128xi32, #tpu.memory_space<hbm>>) target_semaphore(%arg16 : memref<!tpu.dma_semaphore, #tpu.memory_space<semaphore_mem>>)
    %dma_wait3A_43 = arith.constant 0 : i32
    %dma_wait3A_44 = arith.constant 0 : i32
    %dma_wait3A_45 = tpu.memref_slice %arg2[%dma_wait3A_43, %dma_wait3A_44] : memref<10000x128xi32, #tpu.memory_space<hbm>> -> memref<128x128xi32, #tpu.memory_space<hbm>>
    %dma_wait3A_46 = arith.constant 0 : i32
    %dma_wait3A_47 = arith.constant 0 : i32
    %dma_wait3A_48 = tpu.memref_slice %arg2[%dma_wait3A_46, %dma_wait3A_47] : memref<10000x128xi32, #tpu.memory_space<hbm>> -> memref<128x128xi32, #tpu.memory_space<hbm>>
    tpu.wait_dma2 semaphore(%arg15 : memref<!tpu.dma_semaphore, #tpu.memory_space<semaphore_mem>>) src(%dma_wait3A_48 : memref<128x128xi32, #tpu.memory_space<hbm>>) dst(%arg12 : memref<128x128xi32, #tpu.memory_space<vmem>>)
    %dma_wait3A_49 = arith.constant 0 : i32
    %dma_wait3A_50 = arith.constant 0 : i32
    %dma_wait3A_51 = tpu.memref_slice %arg3[%dma_wait3A_49, %dma_wait3A_50] : memref<10000x128xi32, #tpu.memory_space<hbm>> -> memref<128x128xi32, #tpu.memory_space<hbm>>
    %dma_wait3A_52 = arith.constant 0 : i32
    %dma_wait3A_53 = arith.constant 0 : i32
    %dma_wait3A_54 = tpu.memref_slice %arg3[%dma_wait3A_52, %dma_wait3A_53] : memref<10000x128xi32, #tpu.memory_space<hbm>> -> memref<128x128xi32, #tpu.memory_space<hbm>>
    tpu.wait_dma2 semaphore(%arg15 : memref<!tpu.dma_semaphore, #tpu.memory_space<semaphore_mem>>) src(%dma_wait3A_54 : memref<128x128xi32, #tpu.memory_space<hbm>>) dst(%arg13 : memref<128x128xi32, #tpu.memory_space<vmem>>)
    %add3A_55 = arith.constant 128 : i32
    %add3A_56 = arith.addi %mul3A_2, %add3A_55 : i32
    %dma_start3A_57 = arith.constant 0 : i32
    %dma_start3A_58 = tpu.memref_slice %arg6[%add3A_56, %dma_start3A_57] : memref<160000x128xi32, #tpu.memory_space<hbm>> -> memref<128x128xi32, #tpu.memory_space<hbm>>
    %dma_start3A_59 = arith.constant 0 : i32
    %dma_start3A_60 = tpu.memref_slice %arg6[%add3A_56, %dma_start3A_59] : memref<160000x128xi32, #tpu.memory_space<hbm>> -> memref<128x128xi32, #tpu.memory_space<hbm>>
    tpu.enqueue_dma source(%arg12 : memref<128x128xi32, #tpu.memory_space<vmem>>) target(%dma_start3A_60 : memref<128x128xi32, #tpu.memory_space<hbm>>) target_semaphore(%arg17 : memref<!tpu.dma_semaphore, #tpu.memory_space<semaphore_mem>>)
    %dma_start3A_61 = arith.constant 0 : i32
    %dma_start3A_62 = tpu.memref_slice %arg7[%add3A_56, %dma_start3A_61] : memref<160000x128xi32, #tpu.memory_space<hbm>> -> memref<128x128xi32, #tpu.memory_space<hbm>>
    %dma_start3A_63 = arith.constant 0 : i32
    %dma_start3A_64 = tpu.memref_slice %arg7[%add3A_56, %dma_start3A_63] : memref<160000x128xi32, #tpu.memory_space<hbm>> -> memref<128x128xi32, #tpu.memory_space<hbm>>
    tpu.enqueue_dma source(%arg13 : memref<128x128xi32, #tpu.memory_space<vmem>>) target(%dma_start3A_64 : memref<128x128xi32, #tpu.memory_space<hbm>>) target_semaphore(%arg17 : memref<!tpu.dma_semaphore, #tpu.memory_space<semaphore_mem>>)
    %scan3A = arith.constant 0 : i32
    %scan3A_65 = arith.constant 0 : i32
    %scan3A_66 = arith.constant 18 : i32
    %scan3A_67 = arith.addi %scan3A_65, %scan3A_66 : i32
    %scan3A_68 = arith.constant 1 : i32
    scf.for %scan3A_180 = %scan3A_65 to %scan3A_67 step %scan3A_68  : i32 {
      %mul3A_181 = arith.constant 2 : i32
      %mul3A_182 = arith.muli %mul3A_181, %scan3A_180 : i32
      %add3A_183 = arith.constant 2 : i32
      %add3A_184 = arith.addi %add3A_183, %mul3A_182 : i32
      %dma_wait3A_185 = arith.constant 0 : i32
      %dma_wait3A_186 = arith.constant 0 : i32
      %dma_wait3A_187 = tpu.memref_slice %arg6[%dma_wait3A_185, %dma_wait3A_186] : memref<160000x128xi32, #tpu.memory_space<hbm>> -> memref<128x128xi32, #tpu.memory_space<hbm>>
      %dma_wait3A_188 = arith.constant 0 : i32
      %dma_wait3A_189 = arith.constant 0 : i32
      %dma_wait3A_190 = tpu.memref_slice %arg6[%dma_wait3A_188, %dma_wait3A_189] : memref<160000x128xi32, #tpu.memory_space<hbm>> -> memref<128x128xi32, #tpu.memory_space<hbm>>
      tpu.wait_dma2 semaphore(%arg16 : memref<!tpu.dma_semaphore, #tpu.memory_space<semaphore_mem>>) src(%arg10 : memref<128x128xi32, #tpu.memory_space<vmem>>) dst(%dma_wait3A_190 : memref<128x128xi32, #tpu.memory_space<hbm>>)
      %dma_wait3A_191 = arith.constant 0 : i32
      %dma_wait3A_192 = arith.constant 0 : i32
      %dma_wait3A_193 = tpu.memref_slice %arg7[%dma_wait3A_191, %dma_wait3A_192] : memref<160000x128xi32, #tpu.memory_space<hbm>> -> memref<128x128xi32, #tpu.memory_space<hbm>>
      %dma_wait3A_194 = arith.constant 0 : i32
      %dma_wait3A_195 = arith.constant 0 : i32
      %dma_wait3A_196 = tpu.memref_slice %arg7[%dma_wait3A_194, %dma_wait3A_195] : memref<160000x128xi32, #tpu.memory_space<hbm>> -> memref<128x128xi32, #tpu.memory_space<hbm>>
      tpu.wait_dma2 semaphore(%arg16 : memref<!tpu.dma_semaphore, #tpu.memory_space<semaphore_mem>>) src(%arg11 : memref<128x128xi32, #tpu.memory_space<vmem>>) dst(%dma_wait3A_196 : memref<128x128xi32, #tpu.memory_space<hbm>>)
      %mul3A_197 = arith.constant 128 : i32
      %mul3A_198 = arith.muli %add3A_184, %mul3A_197 : i32
      %dma_start3A_199 = tpu.memref_slice %arg8[%mul3A_198] : memref<5000xi32, #tpu.memory_space<vmem>> -> memref<128xi32, #tpu.memory_space<vmem>>
      %dma_start3A_200 = arith.constant 0 : i32
      %dma_start3A_201 = arith.constant 0 : i32
      %dma_start3A_202 = tpu.memref_slice %arg2[%dma_start3A_200, %dma_start3A_201] : memref<10000x128xi32, #tpu.memory_space<hbm>> -> memref<10000x128xi32, #tpu.memory_space<hbm>>
      tpu.enqueue_indirect_dma source(%dma_start3A_202 : memref<10000x128xi32, #tpu.memory_space<hbm>>) target(%arg10 : memref<128x128xi32, #tpu.memory_space<vmem>>) offsets(%dma_start3A_199 : memref<128xi32, #tpu.memory_space<vmem>>) semaphore(%arg14 : memref<!tpu.dma_semaphore, #tpu.memory_space<semaphore_mem>>)
      %dma_start3A_203 = tpu.memref_slice %arg9[%mul3A_198] : memref<5000xi32, #tpu.memory_space<vmem>> -> memref<128xi32, #tpu.memory_space<vmem>>
      %dma_start3A_204 = arith.constant 0 : i32
      %dma_start3A_205 = arith.constant 0 : i32
      %dma_start3A_206 = tpu.memref_slice %arg3[%dma_start3A_204, %dma_start3A_205] : memref<10000x128xi32, #tpu.memory_space<hbm>> -> memref<10000x128xi32, #tpu.memory_space<hbm>>
      tpu.enqueue_indirect_dma source(%dma_start3A_206 : memref<10000x128xi32, #tpu.memory_space<hbm>>) target(%arg11 : memref<128x128xi32, #tpu.memory_space<vmem>>) offsets(%dma_start3A_203 : memref<128xi32, #tpu.memory_space<vmem>>) semaphore(%arg14 : memref<!tpu.dma_semaphore, #tpu.memory_space<semaphore_mem>>)
      %dma_wait3A_207 = arith.constant 0 : i32
      %dma_wait3A_208 = arith.constant 0 : i32
      %dma_wait3A_209 = tpu.memref_slice %arg6[%dma_wait3A_207, %dma_wait3A_208] : memref<160000x128xi32, #tpu.memory_space<hbm>> -> memref<128x128xi32, #tpu.memory_space<hbm>>
      %dma_wait3A_210 = arith.constant 0 : i32
      %dma_wait3A_211 = arith.constant 0 : i32
      %dma_wait3A_212 = tpu.memref_slice %arg6[%dma_wait3A_210, %dma_wait3A_211] : memref<160000x128xi32, #tpu.memory_space<hbm>> -> memref<128x128xi32, #tpu.memory_space<hbm>>
      tpu.wait_dma2 semaphore(%arg17 : memref<!tpu.dma_semaphore, #tpu.memory_space<semaphore_mem>>) src(%arg12 : memref<128x128xi32, #tpu.memory_space<vmem>>) dst(%dma_wait3A_212 : memref<128x128xi32, #tpu.memory_space<hbm>>)
      %dma_wait3A_213 = arith.constant 0 : i32
      %dma_wait3A_214 = arith.constant 0 : i32
      %dma_wait3A_215 = tpu.memref_slice %arg7[%dma_wait3A_213, %dma_wait3A_214] : memref<160000x128xi32, #tpu.memory_space<hbm>> -> memref<128x128xi32, #tpu.memory_space<hbm>>
      %dma_wait3A_216 = arith.constant 0 : i32
      %dma_wait3A_217 = arith.constant 0 : i32
      %dma_wait3A_218 = tpu.memref_slice %arg7[%dma_wait3A_216, %dma_wait3A_217] : memref<160000x128xi32, #tpu.memory_space<hbm>> -> memref<128x128xi32, #tpu.memory_space<hbm>>
      tpu.wait_dma2 semaphore(%arg17 : memref<!tpu.dma_semaphore, #tpu.memory_space<semaphore_mem>>) src(%arg13 : memref<128x128xi32, #tpu.memory_space<vmem>>) dst(%dma_wait3A_218 : memref<128x128xi32, #tpu.memory_space<hbm>>)
      %add3A_219 = arith.constant 1 : i32
      %add3A_220 = arith.addi %add3A_184, %add3A_219 : i32
      %mul3A_221 = arith.constant 128 : i32
      %mul3A_222 = arith.muli %add3A_220, %mul3A_221 : i32
      %dma_start3A_223 = tpu.memref_slice %arg8[%mul3A_222] : memref<5000xi32, #tpu.memory_space<vmem>> -> memref<128xi32, #tpu.memory_space<vmem>>
      %dma_start3A_224 = arith.constant 0 : i32
      %dma_start3A_225 = arith.constant 0 : i32
      %dma_start3A_226 = tpu.memref_slice %arg2[%dma_start3A_224, %dma_start3A_225] : memref<10000x128xi32, #tpu.memory_space<hbm>> -> memref<10000x128xi32, #tpu.memory_space<hbm>>
      tpu.enqueue_indirect_dma source(%dma_start3A_226 : memref<10000x128xi32, #tpu.memory_space<hbm>>) target(%arg12 : memref<128x128xi32, #tpu.memory_space<vmem>>) offsets(%dma_start3A_223 : memref<128xi32, #tpu.memory_space<vmem>>) semaphore(%arg15 : memref<!tpu.dma_semaphore, #tpu.memory_space<semaphore_mem>>)
      %dma_start3A_227 = tpu.memref_slice %arg9[%mul3A_222] : memref<5000xi32, #tpu.memory_space<vmem>> -> memref<128xi32, #tpu.memory_space<vmem>>
      %dma_start3A_228 = arith.constant 0 : i32
      %dma_start3A_229 = arith.constant 0 : i32
      %dma_start3A_230 = tpu.memref_slice %arg3[%dma_start3A_228, %dma_start3A_229] : memref<10000x128xi32, #tpu.memory_space<hbm>> -> memref<10000x128xi32, #tpu.memory_space<hbm>>
      tpu.enqueue_indirect_dma source(%dma_start3A_230 : memref<10000x128xi32, #tpu.memory_space<hbm>>) target(%arg13 : memref<128x128xi32, #tpu.memory_space<vmem>>) offsets(%dma_start3A_227 : memref<128xi32, #tpu.memory_space<vmem>>) semaphore(%arg15 : memref<!tpu.dma_semaphore, #tpu.memory_space<semaphore_mem>>)
      %dma_wait3A_231 = arith.constant 0 : i32
      %dma_wait3A_232 = arith.constant 0 : i32
      %dma_wait3A_233 = tpu.memref_slice %arg2[%dma_wait3A_231, %dma_wait3A_232] : memref<10000x128xi32, #tpu.memory_space<hbm>> -> memref<128x128xi32, #tpu.memory_space<hbm>>
      %dma_wait3A_234 = arith.constant 0 : i32
      %dma_wait3A_235 = arith.constant 0 : i32
      %dma_wait3A_236 = tpu.memref_slice %arg2[%dma_wait3A_234, %dma_wait3A_235] : memref<10000x128xi32, #tpu.memory_space<hbm>> -> memref<128x128xi32, #tpu.memory_space<hbm>>
      tpu.wait_dma2 semaphore(%arg14 : memref<!tpu.dma_semaphore, #tpu.memory_space<semaphore_mem>>) src(%dma_wait3A_236 : memref<128x128xi32, #tpu.memory_space<hbm>>) dst(%arg10 : memref<128x128xi32, #tpu.memory_space<vmem>>)
      %dma_wait3A_237 = arith.constant 0 : i32
      %dma_wait3A_238 = arith.constant 0 : i32
      %dma_wait3A_239 = tpu.memref_slice %arg3[%dma_wait3A_237, %dma_wait3A_238] : memref<10000x128xi32, #tpu.memory_space<hbm>> -> memref<128x128xi32, #tpu.memory_space<hbm>>
      %dma_wait3A_240 = arith.constant 0 : i32
      %dma_wait3A_241 = arith.constant 0 : i32
      %dma_wait3A_242 = tpu.memref_slice %arg3[%dma_wait3A_240, %dma_wait3A_241] : memref<10000x128xi32, #tpu.memory_space<hbm>> -> memref<128x128xi32, #tpu.memory_space<hbm>>
      tpu.wait_dma2 semaphore(%arg14 : memref<!tpu.dma_semaphore, #tpu.memory_space<semaphore_mem>>) src(%dma_wait3A_242 : memref<128x128xi32, #tpu.memory_space<hbm>>) dst(%arg11 : memref<128x128xi32, #tpu.memory_space<vmem>>)
      %mul3A_243 = arith.constant 128 : i32
      %mul3A_244 = arith.muli %add3A_184, %mul3A_243 : i32
      %add3A_245 = arith.addi %mul3A_2, %mul3A_244 : i32
      %dma_start3A_246 = arith.constant 0 : i32
      %dma_start3A_247 = tpu.memref_slice %arg6[%add3A_245, %dma_start3A_246] : memref<160000x128xi32, #tpu.memory_space<hbm>> -> memref<128x128xi32, #tpu.memory_space<hbm>>
      %dma_start3A_248 = arith.constant 0 : i32
      %dma_start3A_249 = tpu.memref_slice %arg6[%add3A_245, %dma_start3A_248] : memref<160000x128xi32, #tpu.memory_space<hbm>> -> memref<128x128xi32, #tpu.memory_space<hbm>>
      tpu.enqueue_dma source(%arg10 : memref<128x128xi32, #tpu.memory_space<vmem>>) target(%dma_start3A_249 : memref<128x128xi32, #tpu.memory_space<hbm>>) target_semaphore(%arg16 : memref<!tpu.dma_semaphore, #tpu.memory_space<semaphore_mem>>)
      %dma_start3A_250 = arith.constant 0 : i32
      %dma_start3A_251 = tpu.memref_slice %arg7[%add3A_245, %dma_start3A_250] : memref<160000x128xi32, #tpu.memory_space<hbm>> -> memref<128x128xi32, #tpu.memory_space<hbm>>
      %dma_start3A_252 = arith.constant 0 : i32
      %dma_start3A_253 = tpu.memref_slice %arg7[%add3A_245, %dma_start3A_252] : memref<160000x128xi32, #tpu.memory_space<hbm>> -> memref<128x128xi32, #tpu.memory_space<hbm>>
      tpu.enqueue_dma source(%arg11 : memref<128x128xi32, #tpu.memory_space<vmem>>) target(%dma_start3A_253 : memref<128x128xi32, #tpu.memory_space<hbm>>) target_semaphore(%arg16 : memref<!tpu.dma_semaphore, #tpu.memory_space<semaphore_mem>>)
      %dma_wait3A_254 = arith.constant 0 : i32
      %dma_wait3A_255 = arith.constant 0 : i32
      %dma_wait3A_256 = tpu.memref_slice %arg2[%dma_wait3A_254, %dma_wait3A_255] : memref<10000x128xi32, #tpu.memory_space<hbm>> -> memref<128x128xi32, #tpu.memory_space<hbm>>
      %dma_wait3A_257 = arith.constant 0 : i32
      %dma_wait3A_258 = arith.constant 0 : i32
      %dma_wait3A_259 = tpu.memref_slice %arg2[%dma_wait3A_257, %dma_wait3A_258] : memref<10000x128xi32, #tpu.memory_space<hbm>> -> memref<128x128xi32, #tpu.memory_space<hbm>>
      tpu.wait_dma2 semaphore(%arg15 : memref<!tpu.dma_semaphore, #tpu.memory_space<semaphore_mem>>) src(%dma_wait3A_259 : memref<128x128xi32, #tpu.memory_space<hbm>>) dst(%arg12 : memref<128x128xi32, #tpu.memory_space<vmem>>)
      %dma_wait3A_260 = arith.constant 0 : i32
      %dma_wait3A_261 = arith.constant 0 : i32
      %dma_wait3A_262 = tpu.memref_slice %arg3[%dma_wait3A_260, %dma_wait3A_261] : memref<10000x128xi32, #tpu.memory_space<hbm>> -> memref<128x128xi32, #tpu.memory_space<hbm>>
      %dma_wait3A_263 = arith.constant 0 : i32
      %dma_wait3A_264 = arith.constant 0 : i32
      %dma_wait3A_265 = tpu.memref_slice %arg3[%dma_wait3A_263, %dma_wait3A_264] : memref<10000x128xi32, #tpu.memory_space<hbm>> -> memref<128x128xi32, #tpu.memory_space<hbm>>
      tpu.wait_dma2 semaphore(%arg15 : memref<!tpu.dma_semaphore, #tpu.memory_space<semaphore_mem>>) src(%dma_wait3A_265 : memref<128x128xi32, #tpu.memory_space<hbm>>) dst(%arg13 : memref<128x128xi32, #tpu.memory_space<vmem>>)
      %add3A_266 = arith.constant 1 : i32
      %add3A_267 = arith.addi %add3A_184, %add3A_266 : i32
      %mul3A_268 = arith.constant 128 : i32
      %mul3A_269 = arith.muli %add3A_267, %mul3A_268 : i32
      %add3A_270 = arith.addi %mul3A_2, %mul3A_269 : i32
      %dma_start3A_271 = arith.constant 0 : i32
      %dma_start3A_272 = tpu.memref_slice %arg6[%add3A_270, %dma_start3A_271] : memref<160000x128xi32, #tpu.memory_space<hbm>> -> memref<128x128xi32, #tpu.memory_space<hbm>>
      %dma_start3A_273 = arith.constant 0 : i32
      %dma_start3A_274 = tpu.memref_slice %arg6[%add3A_270, %dma_start3A_273] : memref<160000x128xi32, #tpu.memory_space<hbm>> -> memref<128x128xi32, #tpu.memory_space<hbm>>
      tpu.enqueue_dma source(%arg12 : memref<128x128xi32, #tpu.memory_space<vmem>>) target(%dma_start3A_274 : memref<128x128xi32, #tpu.memory_space<hbm>>) target_semaphore(%arg17 : memref<!tpu.dma_semaphore, #tpu.memory_space<semaphore_mem>>)
      %dma_start3A_275 = arith.constant 0 : i32
      %dma_start3A_276 = tpu.memref_slice %arg7[%add3A_270, %dma_start3A_275] : memref<160000x128xi32, #tpu.memory_space<hbm>> -> memref<128x128xi32, #tpu.memory_space<hbm>>
      %dma_start3A_277 = arith.constant 0 : i32
      %dma_start3A_278 = tpu.memref_slice %arg7[%add3A_270, %dma_start3A_277] : memref<160000x128xi32, #tpu.memory_space<hbm>> -> memref<128x128xi32, #tpu.memory_space<hbm>>
      tpu.enqueue_dma source(%arg13 : memref<128x128xi32, #tpu.memory_space<vmem>>) target(%dma_start3A_278 : memref<128x128xi32, #tpu.memory_space<hbm>>) target_semaphore(%arg17 : memref<!tpu.dma_semaphore, #tpu.memory_space<semaphore_mem>>)
    }
    %scan3A_69 = arith.constant 18 : i32
    %dma_wait3A_70 = arith.constant 0 : i32
    %dma_wait3A_71 = arith.constant 0 : i32
    %dma_wait3A_72 = tpu.memref_slice %arg6[%dma_wait3A_70, %dma_wait3A_71] : memref<160000x128xi32, #tpu.memory_space<hbm>> -> memref<128x128xi32, #tpu.memory_space<hbm>>
    %dma_wait3A_73 = arith.constant 0 : i32
    %dma_wait3A_74 = arith.constant 0 : i32
    %dma_wait3A_75 = tpu.memref_slice %arg6[%dma_wait3A_73, %dma_wait3A_74] : memref<160000x128xi32, #tpu.memory_space<hbm>> -> memref<128x128xi32, #tpu.memory_space<hbm>>
    tpu.wait_dma2 semaphore(%arg16 : memref<!tpu.dma_semaphore, #tpu.memory_space<semaphore_mem>>) src(%arg10 : memref<128x128xi32, #tpu.memory_space<vmem>>) dst(%dma_wait3A_75 : memref<128x128xi32, #tpu.memory_space<hbm>>)
    %dma_wait3A_76 = arith.constant 0 : i32
    %dma_wait3A_77 = arith.constant 0 : i32
    %dma_wait3A_78 = tpu.memref_slice %arg7[%dma_wait3A_76, %dma_wait3A_77] : memref<160000x128xi32, #tpu.memory_space<hbm>> -> memref<128x128xi32, #tpu.memory_space<hbm>>
    %dma_wait3A_79 = arith.constant 0 : i32
    %dma_wait3A_80 = arith.constant 0 : i32
    %dma_wait3A_81 = tpu.memref_slice %arg7[%dma_wait3A_79, %dma_wait3A_80] : memref<160000x128xi32, #tpu.memory_space<hbm>> -> memref<128x128xi32, #tpu.memory_space<hbm>>
    tpu.wait_dma2 semaphore(%arg16 : memref<!tpu.dma_semaphore, #tpu.memory_space<semaphore_mem>>) src(%arg11 : memref<128x128xi32, #tpu.memory_space<vmem>>) dst(%dma_wait3A_81 : memref<128x128xi32, #tpu.memory_space<hbm>>)
    %dma_start3A_82 = arith.constant 4864 : i32
    %dma_start3A_83 = tpu.memref_slice %arg8[%dma_start3A_82] : memref<5000xi32, #tpu.memory_space<vmem>> -> memref<128xi32, #tpu.memory_space<vmem>>
    %dma_start3A_84 = arith.constant 0 : i32
    %dma_start3A_85 = arith.constant 0 : i32
    %dma_start3A_86 = tpu.memref_slice %arg2[%dma_start3A_84, %dma_start3A_85] : memref<10000x128xi32, #tpu.memory_space<hbm>> -> memref<10000x128xi32, #tpu.memory_space<hbm>>
    tpu.enqueue_indirect_dma source(%dma_start3A_86 : memref<10000x128xi32, #tpu.memory_space<hbm>>) target(%arg10 : memref<128x128xi32, #tpu.memory_space<vmem>>) offsets(%dma_start3A_83 : memref<128xi32, #tpu.memory_space<vmem>>) semaphore(%arg14 : memref<!tpu.dma_semaphore, #tpu.memory_space<semaphore_mem>>)
    %dma_start3A_87 = arith.constant 4864 : i32
    %dma_start3A_88 = tpu.memref_slice %arg9[%dma_start3A_87] : memref<5000xi32, #tpu.memory_space<vmem>> -> memref<128xi32, #tpu.memory_space<vmem>>
    %dma_start3A_89 = arith.constant 0 : i32
    %dma_start3A_90 = arith.constant 0 : i32
    %dma_start3A_91 = tpu.memref_slice %arg3[%dma_start3A_89, %dma_start3A_90] : memref<10000x128xi32, #tpu.memory_space<hbm>> -> memref<10000x128xi32, #tpu.memory_space<hbm>>
    tpu.enqueue_indirect_dma source(%dma_start3A_91 : memref<10000x128xi32, #tpu.memory_space<hbm>>) target(%arg11 : memref<128x128xi32, #tpu.memory_space<vmem>>) offsets(%dma_start3A_88 : memref<128xi32, #tpu.memory_space<vmem>>) semaphore(%arg14 : memref<!tpu.dma_semaphore, #tpu.memory_space<semaphore_mem>>)
    %dma_wait3A_92 = arith.constant 0 : i32
    %dma_wait3A_93 = arith.constant 0 : i32
    %dma_wait3A_94 = tpu.memref_slice %arg2[%dma_wait3A_92, %dma_wait3A_93] : memref<10000x128xi32, #tpu.memory_space<hbm>> -> memref<128x128xi32, #tpu.memory_space<hbm>>
    %dma_wait3A_95 = arith.constant 0 : i32
    %dma_wait3A_96 = arith.constant 0 : i32
    %dma_wait3A_97 = tpu.memref_slice %arg2[%dma_wait3A_95, %dma_wait3A_96] : memref<10000x128xi32, #tpu.memory_space<hbm>> -> memref<128x128xi32, #tpu.memory_space<hbm>>
    tpu.wait_dma2 semaphore(%arg14 : memref<!tpu.dma_semaphore, #tpu.memory_space<semaphore_mem>>) src(%dma_wait3A_97 : memref<128x128xi32, #tpu.memory_space<hbm>>) dst(%arg10 : memref<128x128xi32, #tpu.memory_space<vmem>>)
    %dma_wait3A_98 = arith.constant 0 : i32
    %dma_wait3A_99 = arith.constant 0 : i32
    %dma_wait3A_100 = tpu.memref_slice %arg3[%dma_wait3A_98, %dma_wait3A_99] : memref<10000x128xi32, #tpu.memory_space<hbm>> -> memref<128x128xi32, #tpu.memory_space<hbm>>
    %dma_wait3A_101 = arith.constant 0 : i32
    %dma_wait3A_102 = arith.constant 0 : i32
    %dma_wait3A_103 = tpu.memref_slice %arg3[%dma_wait3A_101, %dma_wait3A_102] : memref<10000x128xi32, #tpu.memory_space<hbm>> -> memref<128x128xi32, #tpu.memory_space<hbm>>
    tpu.wait_dma2 semaphore(%arg14 : memref<!tpu.dma_semaphore, #tpu.memory_space<semaphore_mem>>) src(%dma_wait3A_103 : memref<128x128xi32, #tpu.memory_space<hbm>>) dst(%arg11 : memref<128x128xi32, #tpu.memory_space<vmem>>)
    %add3A_104 = arith.constant 4864 : i32
    %add3A_105 = arith.addi %mul3A_2, %add3A_104 : i32
    %dma_start3A_106 = arith.constant 0 : i32
    %dma_start3A_107 = tpu.memref_slice %arg6[%add3A_105, %dma_start3A_106] : memref<160000x128xi32, #tpu.memory_space<hbm>> -> memref<128x128xi32, #tpu.memory_space<hbm>>
    %dma_start3A_108 = arith.constant 0 : i32
    %dma_start3A_109 = tpu.memref_slice %arg6[%add3A_105, %dma_start3A_108] : memref<160000x128xi32, #tpu.memory_space<hbm>> -> memref<128x128xi32, #tpu.memory_space<hbm>>
    tpu.enqueue_dma source(%arg10 : memref<128x128xi32, #tpu.memory_space<vmem>>) target(%dma_start3A_109 : memref<128x128xi32, #tpu.memory_space<hbm>>) target_semaphore(%arg16 : memref<!tpu.dma_semaphore, #tpu.memory_space<semaphore_mem>>)
    %dma_start3A_110 = arith.constant 0 : i32
    %dma_start3A_111 = tpu.memref_slice %arg7[%add3A_105, %dma_start3A_110] : memref<160000x128xi32, #tpu.memory_space<hbm>> -> memref<128x128xi32, #tpu.memory_space<hbm>>
    %dma_start3A_112 = arith.constant 0 : i32
    %dma_start3A_113 = tpu.memref_slice %arg7[%add3A_105, %dma_start3A_112] : memref<160000x128xi32, #tpu.memory_space<hbm>> -> memref<128x128xi32, #tpu.memory_space<hbm>>
    tpu.enqueue_dma source(%arg11 : memref<128x128xi32, #tpu.memory_space<vmem>>) target(%dma_start3A_113 : memref<128x128xi32, #tpu.memory_space<hbm>>) target_semaphore(%arg16 : memref<!tpu.dma_semaphore, #tpu.memory_space<semaphore_mem>>)
    %dma_wait3A_114 = arith.constant 0 : i32
    %dma_wait3A_115 = arith.constant 0 : i32
    %dma_wait3A_116 = tpu.memref_slice %arg6[%dma_wait3A_114, %dma_wait3A_115] : memref<160000x128xi32, #tpu.memory_space<hbm>> -> memref<128x128xi32, #tpu.memory_space<hbm>>
    %dma_wait3A_117 = arith.constant 0 : i32
    %dma_wait3A_118 = arith.constant 0 : i32
    %dma_wait3A_119 = tpu.memref_slice %arg6[%dma_wait3A_117, %dma_wait3A_118] : memref<160000x128xi32, #tpu.memory_space<hbm>> -> memref<128x128xi32, #tpu.memory_space<hbm>>
    tpu.wait_dma2 semaphore(%arg16 : memref<!tpu.dma_semaphore, #tpu.memory_space<semaphore_mem>>) src(%arg10 : memref<128x128xi32, #tpu.memory_space<vmem>>) dst(%dma_wait3A_119 : memref<128x128xi32, #tpu.memory_space<hbm>>)
    %dma_wait3A_120 = arith.constant 0 : i32
    %dma_wait3A_121 = arith.constant 0 : i32
    %dma_wait3A_122 = tpu.memref_slice %arg7[%dma_wait3A_120, %dma_wait3A_121] : memref<160000x128xi32, #tpu.memory_space<hbm>> -> memref<128x128xi32, #tpu.memory_space<hbm>>
    %dma_wait3A_123 = arith.constant 0 : i32
    %dma_wait3A_124 = arith.constant 0 : i32
    %dma_wait3A_125 = tpu.memref_slice %arg7[%dma_wait3A_123, %dma_wait3A_124] : memref<160000x128xi32, #tpu.memory_space<hbm>> -> memref<128x128xi32, #tpu.memory_space<hbm>>
    tpu.wait_dma2 semaphore(%arg16 : memref<!tpu.dma_semaphore, #tpu.memory_space<semaphore_mem>>) src(%arg11 : memref<128x128xi32, #tpu.memory_space<vmem>>) dst(%dma_wait3A_125 : memref<128x128xi32, #tpu.memory_space<hbm>>)
    %dma_wait3A_126 = arith.constant 0 : i32
    %dma_wait3A_127 = arith.constant 0 : i32
    %dma_wait3A_128 = tpu.memref_slice %arg6[%dma_wait3A_126, %dma_wait3A_127] : memref<160000x128xi32, #tpu.memory_space<hbm>> -> memref<128x128xi32, #tpu.memory_space<hbm>>
    %dma_wait3A_129 = arith.constant 0 : i32
    %dma_wait3A_130 = arith.constant 0 : i32
    %dma_wait3A_131 = tpu.memref_slice %arg6[%dma_wait3A_129, %dma_wait3A_130] : memref<160000x128xi32, #tpu.memory_space<hbm>> -> memref<128x128xi32, #tpu.memory_space<hbm>>
    tpu.wait_dma2 semaphore(%arg17 : memref<!tpu.dma_semaphore, #tpu.memory_space<semaphore_mem>>) src(%arg12 : memref<128x128xi32, #tpu.memory_space<vmem>>) dst(%dma_wait3A_131 : memref<128x128xi32, #tpu.memory_space<hbm>>)
    %dma_wait3A_132 = arith.constant 0 : i32
    %dma_wait3A_133 = arith.constant 0 : i32
    %dma_wait3A_134 = tpu.memref_slice %arg7[%dma_wait3A_132, %dma_wait3A_133] : memref<160000x128xi32, #tpu.memory_space<hbm>> -> memref<128x128xi32, #tpu.memory_space<hbm>>
    %dma_wait3A_135 = arith.constant 0 : i32
    %dma_wait3A_136 = arith.constant 0 : i32
    %dma_wait3A_137 = tpu.memref_slice %arg7[%dma_wait3A_135, %dma_wait3A_136] : memref<160000x128xi32, #tpu.memory_space<hbm>> -> memref<128x128xi32, #tpu.memory_space<hbm>>
    tpu.wait_dma2 semaphore(%arg17 : memref<!tpu.dma_semaphore, #tpu.memory_space<semaphore_mem>>) src(%arg13 : memref<128x128xi32, #tpu.memory_space<vmem>>) dst(%dma_wait3A_137 : memref<128x128xi32, #tpu.memory_space<hbm>>)
    %add3A_138 = arith.constant 4992 : i32
    %add3A_139 = arith.addi %mul3A_2, %add3A_138 : i32
    %dma_start3A_140 = arith.constant 0 : i32
    %dma_start3A_141 = arith.constant 0 : i32
    %dma_start3A_142 = tpu.memref_slice %arg10[%dma_start3A_140, %dma_start3A_141] : memref<128x128xi32, #tpu.memory_space<vmem>> -> memref<8x128xi32, #tpu.memory_space<vmem>>
    %dma_start3A_143 = arith.constant 4992 : i32
    %dma_start3A_144 = tpu.memref_slice %arg8[%dma_start3A_143] : memref<5000xi32, #tpu.memory_space<vmem>> -> memref<8xi32, #tpu.memory_space<vmem>>
    %dma_start3A_145 = arith.constant 0 : i32
    %dma_start3A_146 = arith.constant 0 : i32
    %dma_start3A_147 = tpu.memref_slice %arg2[%dma_start3A_145, %dma_start3A_146] : memref<10000x128xi32, #tpu.memory_space<hbm>> -> memref<10000x128xi32, #tpu.memory_space<hbm>>
    tpu.enqueue_indirect_dma source(%dma_start3A_147 : memref<10000x128xi32, #tpu.memory_space<hbm>>) target(%dma_start3A_142 : memref<8x128xi32, #tpu.memory_space<vmem>>) offsets(%dma_start3A_144 : memref<8xi32, #tpu.memory_space<vmem>>) semaphore(%arg14 : memref<!tpu.dma_semaphore, #tpu.memory_space<semaphore_mem>>)
    %dma_start3A_148 = arith.constant 0 : i32
    %dma_start3A_149 = arith.constant 0 : i32
    %dma_start3A_150 = tpu.memref_slice %arg11[%dma_start3A_148, %dma_start3A_149] : memref<128x128xi32, #tpu.memory_space<vmem>> -> memref<8x128xi32, #tpu.memory_space<vmem>>
    %dma_start3A_151 = arith.constant 4992 : i32
    %dma_start3A_152 = tpu.memref_slice %arg9[%dma_start3A_151] : memref<5000xi32, #tpu.memory_space<vmem>> -> memref<8xi32, #tpu.memory_space<vmem>>
    %dma_start3A_153 = arith.constant 0 : i32
    %dma_start3A_154 = arith.constant 0 : i32
    %dma_start3A_155 = tpu.memref_slice %arg3[%dma_start3A_153, %dma_start3A_154] : memref<10000x128xi32, #tpu.memory_space<hbm>> -> memref<10000x128xi32, #tpu.memory_space<hbm>>
    tpu.enqueue_indirect_dma source(%dma_start3A_155 : memref<10000x128xi32, #tpu.memory_space<hbm>>) target(%dma_start3A_150 : memref<8x128xi32, #tpu.memory_space<vmem>>) offsets(%dma_start3A_152 : memref<8xi32, #tpu.memory_space<vmem>>) semaphore(%arg14 : memref<!tpu.dma_semaphore, #tpu.memory_space<semaphore_mem>>)
    %dma_wait3A_156 = arith.constant 0 : i32
    %dma_wait3A_157 = arith.constant 0 : i32
    %dma_wait3A_158 = tpu.memref_slice %arg10[%dma_wait3A_156, %dma_wait3A_157] : memref<128x128xi32, #tpu.memory_space<vmem>> -> memref<8x128xi32, #tpu.memory_space<vmem>>
    %dma_wait3A_159 = arith.constant 0 : i32
    %dma_wait3A_160 = arith.constant 0 : i32
    %dma_wait3A_161 = tpu.memref_slice %arg2[%dma_wait3A_159, %dma_wait3A_160] : memref<10000x128xi32, #tpu.memory_space<hbm>> -> memref<8x128xi32, #tpu.memory_space<hbm>>
    %dma_wait3A_162 = arith.constant 0 : i32
    %dma_wait3A_163 = arith.constant 0 : i32
    %dma_wait3A_164 = tpu.memref_slice %arg10[%dma_wait3A_162, %dma_wait3A_163] : memref<128x128xi32, #tpu.memory_space<vmem>> -> memref<8x128xi32, #tpu.memory_space<vmem>>
    %dma_wait3A_165 = arith.constant 0 : i32
    %dma_wait3A_166 = arith.constant 0 : i32
    %dma_wait3A_167 = tpu.memref_slice %arg2[%dma_wait3A_165, %dma_wait3A_166] : memref<10000x128xi32, #tpu.memory_space<hbm>> -> memref<8x128xi32, #tpu.memory_space<hbm>>
    tpu.wait_dma2 semaphore(%arg14 : memref<!tpu.dma_semaphore, #tpu.memory_space<semaphore_mem>>) src(%dma_wait3A_167 : memref<8x128xi32, #tpu.memory_space<hbm>>) dst(%dma_wait3A_164 : memref<8x128xi32, #tpu.memory_space<vmem>>)
    %dma_wait3A_168 = arith.constant 0 : i32
    %dma_wait3A_169 = arith.constant 0 : i32
    %dma_wait3A_170 = tpu.memref_slice %arg11[%dma_wait3A_168, %dma_wait3A_169] : memref<128x128xi32, #tpu.memory_space<vmem>> -> memref<8x128xi32, #tpu.memory_space<vmem>>
    %dma_wait3A_171 = arith.constant 0 : i32
    %dma_wait3A_172 = arith.constant 0 : i32
    %dma_wait3A_173 = tpu.memref_slice %arg3[%dma_wait3A_171, %dma_wait3A_172] : memref<10000x128xi32, #tpu.memory_space<hbm>> -> memref<8x128xi32, #tpu.memory_space<hbm>>
    %dma_wait3A_174 = arith.constant 0 : i32
    %dma_wait3A_175 = arith.constant 0 : i32
    %dma_wait3A_176 = tpu.memref_slice %arg11[%dma_wait3A_174, %dma_wait3A_175] : memref<128x128xi32, #tpu.memory_space<vmem>> -> memref<8x128xi32, #tpu.memory_space<vmem>>
    %dma_wait3A_177 = arith.constant 0 : i32
    %dma_wait3A_178 = arith.constant 0 : i32
    %dma_wait3A_179 = tpu.memref_slice %arg3[%dma_wait3A_177, %dma_wait3A_178] : memref<10000x128xi32, #tpu.memory_space<hbm>> -> memref<8x128xi32, #tpu.memory_space<hbm>>
    tpu.wait_dma2 semaphore(%arg14 : memref<!tpu.dma_semaphore, #tpu.memory_space<semaphore_mem>>) src(%dma_wait3A_179 : memref<8x128xi32, #tpu.memory_space<hbm>>) dst(%dma_wait3A_176 : memref<8x128xi32, #tpu.memory_space<vmem>>)
    "tpu.region"() ({
      %run_scoped3A = tpu.sem_alloc : memref<!tpu.dma_semaphore, #tpu.memory_space<semaphore_mem>>
      %dma_start3A_180 = arith.constant 0 : i32
      %dma_start3A_181 = arith.constant 0 : i32
      %dma_start3A_182 = tpu.memref_slice %arg10[%dma_start3A_180, %dma_start3A_181] : memref<128x128xi32, #tpu.memory_space<vmem>> -> memref<8x128xi32, #tpu.memory_space<vmem>>
      %dma_start3A_183 = arith.constant 0 : i32
      %dma_start3A_184 = tpu.memref_slice %arg6[%add3A_139, %dma_start3A_183] : memref<160000x128xi32, #tpu.memory_space<hbm>> -> memref<8x128xi32, #tpu.memory_space<hbm>>
      %dma_start3A_185 = arith.constant 0 : i32
      %dma_start3A_186 = tpu.memref_slice %arg6[%add3A_139, %dma_start3A_185] : memref<160000x128xi32, #tpu.memory_space<hbm>> -> memref<8x128xi32, #tpu.memory_space<hbm>>
      %dma_start3A_187 = arith.constant 0 : i32
      %dma_start3A_188 = arith.constant 0 : i32
      %dma_start3A_189 = tpu.memref_slice %arg10[%dma_start3A_187, %dma_start3A_188] : memref<128x128xi32, #tpu.memory_space<vmem>> -> memref<8x128xi32, #tpu.memory_space<vmem>>
      tpu.enqueue_dma source(%dma_start3A_189 : memref<8x128xi32, #tpu.memory_space<vmem>>) target(%dma_start3A_186 : memref<8x128xi32, #tpu.memory_space<hbm>>) target_semaphore(%run_scoped3A : memref<!tpu.dma_semaphore, #tpu.memory_space<semaphore_mem>>)
      %dma_wait3A_190 = arith.constant 0 : i32
      %dma_wait3A_191 = arith.constant 0 : i32
      %dma_wait3A_192 = tpu.memref_slice %arg10[%dma_wait3A_190, %dma_wait3A_191] : memref<128x128xi32, #tpu.memory_space<vmem>> -> memref<8x128xi32, #tpu.memory_space<vmem>>
      %dma_wait3A_193 = arith.constant 0 : i32
      %dma_wait3A_194 = tpu.memref_slice %arg6[%add3A_139, %dma_wait3A_193] : memref<160000x128xi32, #tpu.memory_space<hbm>> -> memref<8x128xi32, #tpu.memory_space<hbm>>
      %dma_wait3A_195 = arith.constant 0 : i32
      %dma_wait3A_196 = tpu.memref_slice %arg6[%add3A_139, %dma_wait3A_195] : memref<160000x128xi32, #tpu.memory_space<hbm>> -> memref<8x128xi32, #tpu.memory_space<hbm>>
      %dma_wait3A_197 = arith.constant 0 : i32
      %dma_wait3A_198 = arith.constant 0 : i32
      %dma_wait3A_199 = tpu.memref_slice %arg10[%dma_wait3A_197, %dma_wait3A_198] : memref<128x128xi32, #tpu.memory_space<vmem>> -> memref<8x128xi32, #tpu.memory_space<vmem>>
      tpu.wait_dma2 semaphore(%run_scoped3A : memref<!tpu.dma_semaphore, #tpu.memory_space<semaphore_mem>>) src(%dma_wait3A_199 : memref<8x128xi32, #tpu.memory_space<vmem>>) dst(%dma_wait3A_196 : memref<8x128xi32, #tpu.memory_space<hbm>>)
      tpu.yield
    }) : () -> ()
    "tpu.region"() ({
      %run_scoped3A = tpu.sem_alloc : memref<!tpu.dma_semaphore, #tpu.memory_space<semaphore_mem>>
      %dma_start3A_180 = arith.constant 0 : i32
      %dma_start3A_181 = arith.constant 0 : i32
      %dma_start3A_182 = tpu.memref_slice %arg11[%dma_start3A_180, %dma_start3A_181] : memref<128x128xi32, #tpu.memory_space<vmem>> -> memref<8x128xi32, #tpu.memory_space<vmem>>
      %dma_start3A_183 = arith.constant 0 : i32
      %dma_start3A_184 = tpu.memref_slice %arg7[%add3A_139, %dma_start3A_183] : memref<160000x128xi32, #tpu.memory_space<hbm>> -> memref<8x128xi32, #tpu.memory_space<hbm>>
      %dma_start3A_185 = arith.constant 0 : i32
      %dma_start3A_186 = tpu.memref_slice %arg7[%add3A_139, %dma_start3A_185] : memref<160000x128xi32, #tpu.memory_space<hbm>> -> memref<8x128xi32, #tpu.memory_space<hbm>>
      %dma_start3A_187 = arith.constant 0 : i32
      %dma_start3A_188 = arith.constant 0 : i32
      %dma_start3A_189 = tpu.memref_slice %arg11[%dma_start3A_187, %dma_start3A_188] : memref<128x128xi32, #tpu.memory_space<vmem>> -> memref<8x128xi32, #tpu.memory_space<vmem>>
      tpu.enqueue_dma source(%dma_start3A_189 : memref<8x128xi32, #tpu.memory_space<vmem>>) target(%dma_start3A_186 : memref<8x128xi32, #tpu.memory_space<hbm>>) target_semaphore(%run_scoped3A : memref<!tpu.dma_semaphore, #tpu.memory_space<semaphore_mem>>)
      %dma_wait3A_190 = arith.constant 0 : i32
      %dma_wait3A_191 = arith.constant 0 : i32
      %dma_wait3A_192 = tpu.memref_slice %arg11[%dma_wait3A_190, %dma_wait3A_191] : memref<128x128xi32, #tpu.memory_space<vmem>> -> memref<8x128xi32, #tpu.memory_space<vmem>>
      %dma_wait3A_193 = arith.constant 0 : i32
      %dma_wait3A_194 = tpu.memref_slice %arg7[%add3A_139, %dma_wait3A_193] : memref<160000x128xi32, #tpu.memory_space<hbm>> -> memref<8x128xi32, #tpu.memory_space<hbm>>
      %dma_wait3A_195 = arith.constant 0 : i32
      %dma_wait3A_196 = tpu.memref_slice %arg7[%add3A_139, %dma_wait3A_195] : memref<160000x128xi32, #tpu.memory_space<hbm>> -> memref<8x128xi32, #tpu.memory_space<hbm>>
      %dma_wait3A_197 = arith.constant 0 : i32
      %dma_wait3A_198 = arith.constant 0 : i32
      %dma_wait3A_199 = tpu.memref_slice %arg11[%dma_wait3A_197, %dma_wait3A_198] : memref<128x128xi32, #tpu.memory_space<vmem>> -> memref<8x128xi32, #tpu.memory_space<vmem>>
      tpu.wait_dma2 semaphore(%run_scoped3A : memref<!tpu.dma_semaphore, #tpu.memory_space<semaphore_mem>>) src(%dma_wait3A_199 : memref<8x128xi32, #tpu.memory_space<vmem>>) dst(%dma_wait3A_196 : memref<8x128xi32, #tpu.memory_space<hbm>>)
      tpu.yield
    }) : () -> ()
    return
  }
}

module attributes {stable_mosaic.version = 14 : i64} {
  func.func @_node_enc_body(%arg0: i32, %arg1: memref<2000x256xf32, #tpu.memory_space<vmem>>, %arg2: memref<256x256xf32, #tpu.memory_space<vmem>>, %arg3: memref<256xf32, #tpu.memory_space<vmem>>, %arg4: memref<256x256xf32, #tpu.memory_space<vmem>>, %arg5: memref<256xf32, #tpu.memory_space<vmem>>, %arg6: memref<256x256xf32, #tpu.memory_space<vmem>>, %arg7: memref<256x256xf32, #tpu.memory_space<vmem>>, %arg8: memref<2000x256xf32, #tpu.memory_space<vmem>>, %arg9: memref<2000x128xi32, #tpu.memory_space<vmem>>, %arg10: memref<2000x128xi32, #tpu.memory_space<vmem>>) attributes {dimension_semantics = [#tpu.dimension_semantics<arbitrary>], iteration_bounds = array<i64: 5>, scalar_prefetch = 0 : i64, scratch_operands = 0 : i64, tpu.core_type = #tpu.core_type<tc>, window_params = [{transform_indices = @transform_0, window_bounds = array<i64: 2000, 256>}, {pipeline_mode = #tpu.pipeline_mode<synchronous>, transform_indices = @transform_1, window_bounds = array<i64: 256, 256>}, {pipeline_mode = #tpu.pipeline_mode<synchronous>, transform_indices = @transform_2, window_bounds = array<i64: 256>}, {pipeline_mode = #tpu.pipeline_mode<synchronous>, transform_indices = @transform_3, window_bounds = array<i64: 256, 256>}, {pipeline_mode = #tpu.pipeline_mode<synchronous>, transform_indices = @transform_4, window_bounds = array<i64: 256>}, {transform_indices = @transform_5, window_bounds = array<i64: 256, 256>}, {transform_indices = @transform_6, window_bounds = array<i64: 256, 256>}, {transform_indices = @transform_7, window_bounds = array<i64: 2000, 256>}, {transform_indices = @transform_8, window_bounds = array<i64: 2000, 128>}, {transform_indices = @transform_9, window_bounds = array<i64: 2000, 128>}]} {
    %get3A = arith.constant 0 : index
    %get3A_0 = arith.constant 0 : index
    %get3A_1 = vector.load %arg1[%get3A, %get3A_0] : memref<2000x256xf32, #tpu.memory_space<vmem>>, vector<2000x256xf32>
    %get3A_2 = arith.constant 0 : index
    %get3A_3 = arith.constant 0 : index
    %get3A_4 = vector.load %arg2[%get3A_2, %get3A_3] : memref<256x256xf32, #tpu.memory_space<vmem>>, vector<256x256xf32>
    %dot_general3A = arith.constant dense<0.000000e+00> : vector<2000x256xf32>
    %dot_general3A_5 = tpu.matmul %get3A_1, %get3A_4, %dot_general3A {dimension_numbers = #tpu.dot_dimension_numbers<[1], [0], [0], [1], [0, 0, 1, 1], [], []>, transpose_lhs_hint = false} : vector<2000x256xf32>, vector<256x256xf32>, vector<2000x256xf32> -> vector<2000x256xf32>
    %get3A_6 = arith.constant 0 : index
    %get3A_7 = vector.load %arg3[%get3A_6] : memref<256xf32, #tpu.memory_space<vmem>>, vector<256xf32>
    %broadcast_in_dim3A = vector.shape_cast %get3A_7 : vector<256xf32> to vector<1x256xf32>
    %add3A = vector.broadcast %broadcast_in_dim3A : vector<1x256xf32> to vector<2000x256xf32>
    %add3A_8 = arith.addf %dot_general3A_5, %add3A : vector<2000x256xf32>
    %integer_pow3A = arith.mulf %add3A_8, %add3A_8 : vector<2000x256xf32>
    %integer_pow3A_9 = arith.mulf %add3A_8, %integer_pow3A : vector<2000x256xf32>
    %mul3A = arith.constant 4.471500e-02 : f32
    %mul3A_10 = vector.broadcast %mul3A : f32 to vector<2000x256xf32>
    %mul3A_11 = arith.mulf %mul3A_10, %integer_pow3A_9 : vector<2000x256xf32>
    %add3A_12 = arith.addf %add3A_8, %mul3A_11 : vector<2000x256xf32>
    %mul3A_13 = arith.constant 0.797884583 : f32
    %mul3A_14 = vector.broadcast %mul3A_13 : f32 to vector<2000x256xf32>
    %mul3A_15 = arith.mulf %mul3A_14, %add3A_12 : vector<2000x256xf32>
    %tanh3A = math.tanh %mul3A_15 : vector<2000x256xf32>
    %add3A_16 = arith.constant 1.000000e+00 : f32
    %add3A_17 = vector.broadcast %add3A_16 : f32 to vector<2000x256xf32>
    %add3A_18 = arith.addf %add3A_17, %tanh3A : vector<2000x256xf32>
    %mul3A_19 = arith.constant 5.000000e-01 : f32
    %mul3A_20 = vector.broadcast %mul3A_19 : f32 to vector<2000x256xf32>
    %mul3A_21 = arith.mulf %mul3A_20, %add3A_18 : vector<2000x256xf32>
    %mul3A_22 = arith.mulf %add3A_8, %mul3A_21 : vector<2000x256xf32>
    %get3A_23 = arith.constant 0 : index
    %get3A_24 = arith.constant 0 : index
    %get3A_25 = vector.load %arg4[%get3A_23, %get3A_24] : memref<256x256xf32, #tpu.memory_space<vmem>>, vector<256x256xf32>
    %dot_general3A_26 = arith.constant dense<0.000000e+00> : vector<2000x256xf32>
    %dot_general3A_27 = tpu.matmul %mul3A_22, %get3A_25, %dot_general3A_26 {dimension_numbers = #tpu.dot_dimension_numbers<[1], [0], [0], [1], [0, 0, 1, 1], [], []>, transpose_lhs_hint = false} : vector<2000x256xf32>, vector<256x256xf32>, vector<2000x256xf32> -> vector<2000x256xf32>
    %get3A_28 = arith.constant 0 : index
    %get3A_29 = vector.load %arg5[%get3A_28] : memref<256xf32, #tpu.memory_space<vmem>>, vector<256xf32>
    %broadcast_in_dim3A_30 = vector.shape_cast %get3A_29 : vector<256xf32> to vector<1x256xf32>
    %add3A_31 = vector.broadcast %broadcast_in_dim3A_30 : vector<1x256xf32> to vector<2000x256xf32>
    %add3A_32 = arith.addf %dot_general3A_27, %add3A_31 : vector<2000x256xf32>
    %swap3A = arith.constant 0 : index
    %swap3A_33 = arith.constant 0 : index
    %swap3A_34 = vector.load %arg8[%swap3A, %swap3A_33] : memref<2000x256xf32, #tpu.memory_space<vmem>>, vector<2000x256xf32>
    tpu.vector_store %arg8[%swap3A, %swap3A_33], %add3A_32 {strides = array<i32>} : memref<2000x256xf32, #tpu.memory_space<vmem>>, vector<2000x256xf32>,
    %get3A_35 = arith.constant 0 : index
    %get3A_36 = arith.constant 0 : index
    %get3A_37 = vector.load %arg6[%get3A_35, %get3A_36] : memref<256x256xf32, #tpu.memory_space<vmem>>, vector<256x256xf32>
    %dot_general3A_38 = arith.constant dense<0.000000e+00> : vector<2000x256xf32>
    %dot_general3A_39 = tpu.matmul %add3A_32, %get3A_37, %dot_general3A_38 {dimension_numbers = #tpu.dot_dimension_numbers<[1], [0], [0], [1], [0, 0, 1, 1], [], []>, transpose_lhs_hint = false} : vector<2000x256xf32>, vector<256x256xf32>, vector<2000x256xf32> -> vector<2000x256xf32>
    %slice3A = vector.extract_strided_slice %dot_general3A_39 {offsets = [0, 0], sizes = [2000, 128], strides = [1, 1]} : vector<2000x256xf32> to vector<2000x128xf32>
    %bitcast3A = tpu.bitcast %slice3A : vector<2000x128xf32> -> vector<2000x128xi32>
    %slice3A_40 = vector.extract_strided_slice %dot_general3A_39 {offsets = [0, 128], sizes = [2000, 128], strides = [1, 1]} : vector<2000x256xf32> to vector<2000x128xf32>
    %bitcast3A_41 = tpu.bitcast %slice3A_40 : vector<2000x128xf32> -> vector<2000x128xi32>
    %add3A_42 = arith.constant 32767 : i32
    %add3A_43 = vector.broadcast %add3A_42 : i32 to vector<2000x128xi32>
    %add3A_44 = arith.addi %bitcast3A, %add3A_43 : vector<2000x128xi32>
    %shift_right_arithmetic3A = arith.constant 16 : i32
    %shift_right_arithmetic3A_45 = vector.broadcast %shift_right_arithmetic3A : i32 to vector<2000x128xi32>
    %shift_right_arithmetic3A_46 = arith.shrsi %bitcast3A, %shift_right_arithmetic3A_45 : vector<2000x128xi32>
    %and3A = arith.constant 1 : i32
    %and3A_47 = vector.broadcast %and3A : i32 to vector<2000x128xi32>
    %and3A_48 = arith.andi %shift_right_arithmetic3A_46, %and3A_47 : vector<2000x128xi32>
    %add3A_49 = arith.addi %add3A_44, %and3A_48 : vector<2000x128xi32>
    %add3A_50 = arith.constant 32767 : i32
    %add3A_51 = vector.broadcast %add3A_50 : i32 to vector<2000x128xi32>
    %add3A_52 = arith.addi %bitcast3A_41, %add3A_51 : vector<2000x128xi32>
    %shift_right_arithmetic3A_53 = arith.constant 16 : i32
    %shift_right_arithmetic3A_54 = vector.broadcast %shift_right_arithmetic3A_53 : i32 to vector<2000x128xi32>
    %shift_right_arithmetic3A_55 = arith.shrsi %bitcast3A_41, %shift_right_arithmetic3A_54 : vector<2000x128xi32>
    %and3A_56 = arith.constant 1 : i32
    %and3A_57 = vector.broadcast %and3A_56 : i32 to vector<2000x128xi32>
    %and3A_58 = arith.andi %shift_right_arithmetic3A_55, %and3A_57 : vector<2000x128xi32>
    %add3A_59 = arith.addi %add3A_52, %and3A_58 : vector<2000x128xi32>
    %shift_right_arithmetic3A_60 = arith.constant 16 : i32
    %shift_right_arithmetic3A_61 = vector.broadcast %shift_right_arithmetic3A_60 : i32 to vector<2000x128xi32>
    %shift_right_arithmetic3A_62 = arith.shrsi %add3A_49, %shift_right_arithmetic3A_61 : vector<2000x128xi32>
    %and3A_63 = arith.constant 65535 : i32
    %and3A_64 = vector.broadcast %and3A_63 : i32 to vector<2000x128xi32>
    %and3A_65 = arith.andi %shift_right_arithmetic3A_62, %and3A_64 : vector<2000x128xi32>
    %and3A_66 = arith.constant -65536 : i32
    %and3A_67 = vector.broadcast %and3A_66 : i32 to vector<2000x128xi32>
    %and3A_68 = arith.andi %add3A_59, %and3A_67 : vector<2000x128xi32>
    %or3A = arith.ori %and3A_65, %and3A_68 : vector<2000x128xi32>
    %swap3A_69 = arith.constant 0 : index
    %swap3A_70 = arith.constant 0 : index
    %swap3A_71 = vector.load %arg9[%swap3A_69, %swap3A_70] : memref<2000x128xi32, #tpu.memory_space<vmem>>, vector<2000x128xi32>
    tpu.vector_store %arg9[%swap3A_69, %swap3A_70], %or3A {strides = array<i32>} : memref<2000x128xi32, #tpu.memory_space<vmem>>, vector<2000x128xi32>,
    %get3A_72 = arith.constant 0 : index
    %get3A_73 = arith.constant 0 : index
    %get3A_74 = vector.load %arg7[%get3A_72, %get3A_73] : memref<256x256xf32, #tpu.memory_space<vmem>>, vector<256x256xf32>
    %dot_general3A_75 = arith.constant dense<0.000000e+00> : vector<2000x256xf32>
    %dot_general3A_76 = tpu.matmul %add3A_32, %get3A_74, %dot_general3A_75 {dimension_numbers = #tpu.dot_dimension_numbers<[1], [0], [0], [1], [0, 0, 1, 1], [], []>, transpose_lhs_hint = false} : vector<2000x256xf32>, vector<256x256xf32>, vector<2000x256xf32> -> vector<2000x256xf32>
    %slice3A_77 = vector.extract_strided_slice %dot_general3A_76 {offsets = [0, 0], sizes = [2000, 128], strides = [1, 1]} : vector<2000x256xf32> to vector<2000x128xf32>
    %bitcast3A_78 = tpu.bitcast %slice3A_77 : vector<2000x128xf32> -> vector<2000x128xi32>
    %slice3A_79 = vector.extract_strided_slice %dot_general3A_76 {offsets = [0, 128], sizes = [2000, 128], strides = [1, 1]} : vector<2000x256xf32> to vector<2000x128xf32>
    %bitcast3A_80 = tpu.bitcast %slice3A_79 : vector<2000x128xf32> -> vector<2000x128xi32>
    %add3A_81 = arith.constant 32767 : i32
    %add3A_82 = vector.broadcast %add3A_81 : i32 to vector<2000x128xi32>
    %add3A_83 = arith.addi %bitcast3A_78, %add3A_82 : vector<2000x128xi32>
    %shift_right_arithmetic3A_84 = arith.constant 16 : i32
    %shift_right_arithmetic3A_85 = vector.broadcast %shift_right_arithmetic3A_84 : i32 to vector<2000x128xi32>
    %shift_right_arithmetic3A_86 = arith.shrsi %bitcast3A_78, %shift_right_arithmetic3A_85 : vector<2000x128xi32>
    %and3A_87 = arith.constant 1 : i32
    %and3A_88 = vector.broadcast %and3A_87 : i32 to vector<2000x128xi32>
    %and3A_89 = arith.andi %shift_right_arithmetic3A_86, %and3A_88 : vector<2000x128xi32>
    %add3A_90 = arith.addi %add3A_83, %and3A_89 : vector<2000x128xi32>
    %add3A_91 = arith.constant 32767 : i32
    %add3A_92 = vector.broadcast %add3A_91 : i32 to vector<2000x128xi32>
    %add3A_93 = arith.addi %bitcast3A_80, %add3A_92 : vector<2000x128xi32>
    %shift_right_arithmetic3A_94 = arith.constant 16 : i32
    %shift_right_arithmetic3A_95 = vector.broadcast %shift_right_arithmetic3A_94 : i32 to vector<2000x128xi32>
    %shift_right_arithmetic3A_96 = arith.shrsi %bitcast3A_80, %shift_right_arithmetic3A_95 : vector<2000x128xi32>
    %and3A_97 = arith.constant 1 : i32
    %and3A_98 = vector.broadcast %and3A_97 : i32 to vector<2000x128xi32>
    %and3A_99 = arith.andi %shift_right_arithmetic3A_96, %and3A_98 : vector<2000x128xi32>
    %add3A_100 = arith.addi %add3A_93, %and3A_99 : vector<2000x128xi32>
    %shift_right_arithmetic3A_101 = arith.constant 16 : i32
    %shift_right_arithmetic3A_102 = vector.broadcast %shift_right_arithmetic3A_101 : i32 to vector<2000x128xi32>
    %shift_right_arithmetic3A_103 = arith.shrsi %add3A_90, %shift_right_arithmetic3A_102 : vector<2000x128xi32>
    %and3A_104 = arith.constant 65535 : i32
    %and3A_105 = vector.broadcast %and3A_104 : i32 to vector<2000x128xi32>
    %and3A_106 = arith.andi %shift_right_arithmetic3A_103, %and3A_105 : vector<2000x128xi32>
    %and3A_107 = arith.constant -65536 : i32
    %and3A_108 = vector.broadcast %and3A_107 : i32 to vector<2000x128xi32>
    %and3A_109 = arith.andi %add3A_100, %and3A_108 : vector<2000x128xi32>
    %or3A_110 = arith.ori %and3A_106, %and3A_109 : vector<2000x128xi32>
    %swap3A_111 = arith.constant 0 : index
    %swap3A_112 = arith.constant 0 : index
    %swap3A_113 = vector.load %arg10[%swap3A_111, %swap3A_112] : memref<2000x128xi32, #tpu.memory_space<vmem>>, vector<2000x128xi32>
    tpu.vector_store %arg10[%swap3A_111, %swap3A_112], %or3A_110 {strides = array<i32>} : memref<2000x128xi32, #tpu.memory_space<vmem>>, vector<2000x128xi32>,
    return
  }
  func.func @transform_0(%arg0: i32) -> (i32, i32) {
    %c0_i32 = arith.constant 0 : i32
    %c0_i32_0 = arith.constant 0 : i32
    return %arg0, %c0_i32 : i32, i32
  }
  func.func @transform_1(%arg0: i32) -> (i32, i32) {
    %c0_i32 = arith.constant 0 : i32
    %c0_i32_0 = arith.constant 0 : i32
    %c0_i32_1 = arith.constant 0 : i32
    return %c0_i32, %c0_i32_0 : i32, i32
  }
  func.func @transform_2(%arg0: i32) -> i32 {
    %c0_i32 = arith.constant 0 : i32
    %c0_i32_0 = arith.constant 0 : i32
    return %c0_i32 : i32
  }
  func.func @transform_3(%arg0: i32) -> (i32, i32) {
    %c0_i32 = arith.constant 0 : i32
    %c0_i32_0 = arith.constant 0 : i32
    %c0_i32_1 = arith.constant 0 : i32
    return %c0_i32, %c0_i32_0 : i32, i32
  }
  func.func @transform_4(%arg0: i32) -> i32 {
    %c0_i32 = arith.constant 0 : i32
    %c0_i32_0 = arith.constant 0 : i32
    return %c0_i32 : i32
  }
  func.func @transform_5(%arg0: i32) -> (i32, i32) {
    %c0_i32 = arith.constant 0 : i32
    %c0_i32_0 = arith.constant 0 : i32
    %c0_i32_1 = arith.constant 0 : i32
    return %c0_i32, %c0_i32_0 : i32, i32
  }
  func.func @transform_6(%arg0: i32) -> (i32, i32) {
    %c1_i32 = arith.constant 1 : i32
    %c0_i32 = arith.constant 0 : i32
    %c0_i32_0 = arith.constant 0 : i32
    return %c1_i32, %c0_i32 : i32, i32
  }
  func.func @transform_7(%arg0: i32) -> (i32, i32) {
    %c0_i32 = arith.constant 0 : i32
    %c0_i32_0 = arith.constant 0 : i32
    return %arg0, %c0_i32 : i32, i32
  }
  func.func @transform_8(%arg0: i32) -> (i32, i32) {
    %c0_i32 = arith.constant 0 : i32
    %c0_i32_0 = arith.constant 0 : i32
    return %arg0, %c0_i32 : i32, i32
  }
  func.func @transform_9(%arg0: i32) -> (i32, i32) {
    %c0_i32 = arith.constant 0 : i32
    %c0_i32_0 = arith.constant 0 : i32
    return %arg0, %c0_i32 : i32, i32
  }
}

module attributes {stable_mosaic.version = 14 : i64} {
  func.func @_edge_enc_body(%arg0: i32, %arg1: memref<4000x128xi32, #tpu.memory_space<vmem>>, %arg2: memref<4000x128xi32, #tpu.memory_space<vmem>>, %arg3: memref<256xf32, #tpu.memory_space<vmem>>, %arg4: memref<256x256xf32, #tpu.memory_space<vmem>>, %arg5: memref<256xf32, #tpu.memory_space<vmem>>, %arg6: memref<4000x256xf32, #tpu.memory_space<vmem>>) attributes {dimension_semantics = [#tpu.dimension_semantics<arbitrary>], iteration_bounds = array<i64: 40>, scalar_prefetch = 0 : i64, scratch_operands = 0 : i64, tpu.core_type = #tpu.core_type<tc>, window_params = [{transform_indices = @transform_0, window_bounds = array<i64: 4000, 128>}, {transform_indices = @transform_1, window_bounds = array<i64: 4000, 128>}, {pipeline_mode = #tpu.pipeline_mode<synchronous>, transform_indices = @transform_2, window_bounds = array<i64: 256>}, {pipeline_mode = #tpu.pipeline_mode<synchronous>, transform_indices = @transform_3, window_bounds = array<i64: 256, 256>}, {pipeline_mode = #tpu.pipeline_mode<synchronous>, transform_indices = @transform_4, window_bounds = array<i64: 256>}, {transform_indices = @transform_5, window_bounds = array<i64: 4000, 256>}]} {
    %get3A = arith.constant 0 : index
    %get3A_0 = arith.constant 0 : index
    %get3A_1 = vector.load %arg1[%get3A, %get3A_0] : memref<4000x128xi32, #tpu.memory_space<vmem>>, vector<4000x128xi32>
    %get3A_2 = arith.constant 0 : index
    %get3A_3 = arith.constant 0 : index
    %get3A_4 = vector.load %arg2[%get3A_2, %get3A_3] : memref<4000x128xi32, #tpu.memory_space<vmem>>, vector<4000x128xi32>
    %shift_left3A = arith.constant 16 : i32
    %shift_left3A_5 = vector.broadcast %shift_left3A : i32 to vector<4000x128xi32>
    %shift_left3A_6 = arith.shli %get3A_1, %shift_left3A_5 : vector<4000x128xi32>
    %bitcast3A = tpu.bitcast %shift_left3A_6 : vector<4000x128xi32> -> vector<4000x128xf32>
    %shift_left3A_7 = arith.constant 16 : i32
    %shift_left3A_8 = vector.broadcast %shift_left3A_7 : i32 to vector<4000x128xi32>
    %shift_left3A_9 = arith.shli %get3A_4, %shift_left3A_8 : vector<4000x128xi32>
    %bitcast3A_10 = tpu.bitcast %shift_left3A_9 : vector<4000x128xi32> -> vector<4000x128xf32>
    %add3A = arith.addf %bitcast3A, %bitcast3A_10 : vector<4000x128xf32>
    %and3A = arith.constant -65536 : i32
    %and3A_11 = vector.broadcast %and3A : i32 to vector<4000x128xi32>
    %and3A_12 = arith.andi %get3A_1, %and3A_11 : vector<4000x128xi32>
    %bitcast3A_13 = tpu.bitcast %and3A_12 : vector<4000x128xi32> -> vector<4000x128xf32>
    %and3A_14 = arith.constant -65536 : i32
    %and3A_15 = vector.broadcast %and3A_14 : i32 to vector<4000x128xi32>
    %and3A_16 = arith.andi %get3A_4, %and3A_15 : vector<4000x128xi32>
    %bitcast3A_17 = tpu.bitcast %and3A_16 : vector<4000x128xi32> -> vector<4000x128xf32>
    %add3A_18 = arith.addf %bitcast3A_13, %bitcast3A_17 : vector<4000x128xf32>
    %concatenate3A = tpu.concatenate %add3A, %add3A_18 in 1 : vector<4000x128xf32>, vector<4000x128xf32> -> vector<4000x256xf32>
    %get3A_19 = arith.constant 0 : index
    %get3A_20 = vector.load %arg3[%get3A_19] : memref<256xf32, #tpu.memory_space<vmem>>, vector<256xf32>
    %broadcast_in_dim3A = vector.shape_cast %get3A_20 : vector<256xf32> to vector<1x256xf32>
    %add3A_21 = vector.broadcast %broadcast_in_dim3A : vector<1x256xf32> to vector<4000x256xf32>
    %add3A_22 = arith.addf %concatenate3A, %add3A_21 : vector<4000x256xf32>
    %integer_pow3A = arith.mulf %add3A_22, %add3A_22 : vector<4000x256xf32>
    %integer_pow3A_23 = arith.mulf %add3A_22, %integer_pow3A : vector<4000x256xf32>
    %mul3A = arith.constant 4.471500e-02 : f32
    %mul3A_24 = vector.broadcast %mul3A : f32 to vector<4000x256xf32>
    %mul3A_25 = arith.mulf %mul3A_24, %integer_pow3A_23 : vector<4000x256xf32>
    %add3A_26 = arith.addf %add3A_22, %mul3A_25 : vector<4000x256xf32>
    %mul3A_27 = arith.constant 0.797884583 : f32
    %mul3A_28 = vector.broadcast %mul3A_27 : f32 to vector<4000x256xf32>
    %mul3A_29 = arith.mulf %mul3A_28, %add3A_26 : vector<4000x256xf32>
    %tanh3A = math.tanh %mul3A_29 : vector<4000x256xf32>
    %add3A_30 = arith.constant 1.000000e+00 : f32
    %add3A_31 = vector.broadcast %add3A_30 : f32 to vector<4000x256xf32>
    %add3A_32 = arith.addf %add3A_31, %tanh3A : vector<4000x256xf32>
    %mul3A_33 = arith.constant 5.000000e-01 : f32
    %mul3A_34 = vector.broadcast %mul3A_33 : f32 to vector<4000x256xf32>
    %mul3A_35 = arith.mulf %mul3A_34, %add3A_32 : vector<4000x256xf32>
    %mul3A_36 = arith.mulf %add3A_22, %mul3A_35 : vector<4000x256xf32>
    %get3A_37 = arith.constant 0 : index
    %get3A_38 = arith.constant 0 : index
    %get3A_39 = vector.load %arg4[%get3A_37, %get3A_38] : memref<256x256xf32, #tpu.memory_space<vmem>>, vector<256x256xf32>
    %dot_general3A = arith.constant dense<0.000000e+00> : vector<4000x256xf32>
    %dot_general3A_40 = tpu.matmul %mul3A_36, %get3A_39, %dot_general3A {dimension_numbers = #tpu.dot_dimension_numbers<[1], [0], [0], [1], [0, 0, 1, 1], [], []>, transpose_lhs_hint = false} : vector<4000x256xf32>, vector<256x256xf32>, vector<4000x256xf32> -> vector<4000x256xf32>
    %get3A_41 = arith.constant 0 : index
    %get3A_42 = vector.load %arg5[%get3A_41] : memref<256xf32, #tpu.memory_space<vmem>>, vector<256xf32>
    %broadcast_in_dim3A_43 = vector.shape_cast %get3A_42 : vector<256xf32> to vector<1x256xf32>
    %add3A_44 = vector.broadcast %broadcast_in_dim3A_43 : vector<1x256xf32> to vector<4000x256xf32>
    %add3A_45 = arith.addf %dot_general3A_40, %add3A_44 : vector<4000x256xf32>
    %swap3A = arith.constant 0 : index
    %swap3A_46 = arith.constant 0 : index
    %swap3A_47 = vector.load %arg6[%swap3A, %swap3A_46] : memref<4000x256xf32, #tpu.memory_space<vmem>>, vector<4000x256xf32>
    tpu.vector_store %arg6[%swap3A, %swap3A_46], %add3A_45 {strides = array<i32>} : memref<4000x256xf32, #tpu.memory_space<vmem>>, vector<4000x256xf32>,
    return
  }
  func.func @transform_0(%arg0: i32) -> (i32, i32) {
    %c0_i32 = arith.constant 0 : i32
    %c0_i32_0 = arith.constant 0 : i32
    return %arg0, %c0_i32 : i32, i32
  }
  func.func @transform_1(%arg0: i32) -> (i32, i32) {
    %c0_i32 = arith.constant 0 : i32
    %c0_i32_0 = arith.constant 0 : i32
    return %arg0, %c0_i32 : i32, i32
  }
  func.func @transform_2(%arg0: i32) -> i32 {
    %c0_i32 = arith.constant 0 : i32
    %c0_i32_0 = arith.constant 0 : i32
    return %c0_i32 : i32
  }
  func.func @transform_3(%arg0: i32) -> (i32, i32) {
    %c0_i32 = arith.constant 0 : i32
    %c0_i32_0 = arith.constant 0 : i32
    %c0_i32_1 = arith.constant 0 : i32
    return %c0_i32, %c0_i32_0 : i32, i32
  }
  func.func @transform_4(%arg0: i32) -> i32 {
    %c0_i32 = arith.constant 0 : i32
    %c0_i32_0 = arith.constant 0 : i32
    return %c0_i32 : i32
  }
  func.func @transform_5(%arg0: i32) -> (i32, i32) {
    %c0_i32 = arith.constant 0 : i32
    %c0_i32_0 = arith.constant 0 : i32
    return %arg0, %c0_i32 : i32, i32
  }
}

module attributes {stable_mosaic.version = 14 : i64} {
  func.func @_node_net_body(%arg0: i32, %arg1: memref<2000x256xf32, #tpu.memory_space<vmem>>, %arg2: memref<2000x256xf32, #tpu.memory_space<vmem>>, %arg3: memref<256x256xf32, #tpu.memory_space<vmem>>, %arg4: memref<256x256xf32, #tpu.memory_space<vmem>>, %arg5: memref<256xf32, #tpu.memory_space<vmem>>, %arg6: memref<256x256xf32, #tpu.memory_space<vmem>>, %arg7: memref<256xf32, #tpu.memory_space<vmem>>, %arg8: memref<256x256xf32, #tpu.memory_space<vmem>>, %arg9: memref<256x256xf32, #tpu.memory_space<vmem>>, %arg10: memref<2000x256xf32, #tpu.memory_space<vmem>>, %arg11: memref<2000x128xi32, #tpu.memory_space<vmem>>, %arg12: memref<2000x128xi32, #tpu.memory_space<vmem>>) attributes {dimension_semantics = [#tpu.dimension_semantics<arbitrary>], iteration_bounds = array<i64: 5>, scalar_prefetch = 0 : i64, scratch_operands = 0 : i64, tpu.core_type = #tpu.core_type<tc>, window_params = [{transform_indices = @transform_0, window_bounds = array<i64: 2000, 256>}, {transform_indices = @transform_1, window_bounds = array<i64: 2000, 256>}, {transform_indices = @transform_2, window_bounds = array<i64: 256, 256>}, {transform_indices = @transform_3, window_bounds = array<i64: 256, 256>}, {pipeline_mode = #tpu.pipeline_mode<synchronous>, transform_indices = @transform_4, window_bounds = array<i64: 256>}, {pipeline_mode = #tpu.pipeline_mode<synchronous>, transform_indices = @transform_5, window_bounds = array<i64: 256, 256>}, {pipeline_mode = #tpu.pipeline_mode<synchronous>, transform_indices = @transform_6, window_bounds = array<i64: 256>}, {transform_indices = @transform_7, window_bounds = array<i64: 256, 256>}, {transform_indices = @transform_8, window_bounds = array<i64: 256, 256>}, {transform_indices = @transform_9, window_bounds = array<i64: 2000, 256>}, {transform_indices = @transform_10, window_bounds = array<i64: 2000, 128>}, {transform_indices = @transform_11, window_bounds = array<i64: 2000, 128>}]} {
    %get3A = arith.constant 0 : index
    %get3A_0 = arith.constant 0 : index
    %get3A_1 = vector.load %arg1[%get3A, %get3A_0] : memref<2000x256xf32, #tpu.memory_space<vmem>>, vector<2000x256xf32>
    %get3A_2 = arith.constant 0 : index
    %get3A_3 = arith.constant 0 : index
    %get3A_4 = vector.load %arg3[%get3A_2, %get3A_3] : memref<256x256xf32, #tpu.memory_space<vmem>>, vector<256x256xf32>
    %dot_general3A = arith.constant dense<0.000000e+00> : vector<2000x256xf32>
    %dot_general3A_5 = tpu.matmul %get3A_1, %get3A_4, %dot_general3A {dimension_numbers = #tpu.dot_dimension_numbers<[1], [0], [0], [1], [0, 0, 1, 1], [], []>, transpose_lhs_hint = false} : vector<2000x256xf32>, vector<256x256xf32>, vector<2000x256xf32> -> vector<2000x256xf32>
    %get3A_6 = arith.constant 0 : index
    %get3A_7 = arith.constant 0 : index
    %get3A_8 = vector.load %arg2[%get3A_6, %get3A_7] : memref<2000x256xf32, #tpu.memory_space<vmem>>, vector<2000x256xf32>
    %get3A_9 = arith.constant 0 : index
    %get3A_10 = arith.constant 0 : index
    %get3A_11 = vector.load %arg4[%get3A_9, %get3A_10] : memref<256x256xf32, #tpu.memory_space<vmem>>, vector<256x256xf32>
    %dot_general3A_12 = arith.constant dense<0.000000e+00> : vector<2000x256xf32>
    %dot_general3A_13 = tpu.matmul %get3A_8, %get3A_11, %dot_general3A_12 {dimension_numbers = #tpu.dot_dimension_numbers<[1], [0], [0], [1], [0, 0, 1, 1], [], []>, transpose_lhs_hint = false} : vector<2000x256xf32>, vector<256x256xf32>, vector<2000x256xf32> -> vector<2000x256xf32>
    %add3A = arith.addf %dot_general3A_5, %dot_general3A_13 : vector<2000x256xf32>
    %get3A_14 = arith.constant 0 : index
    %get3A_15 = vector.load %arg5[%get3A_14] : memref<256xf32, #tpu.memory_space<vmem>>, vector<256xf32>
    %broadcast_in_dim3A = vector.shape_cast %get3A_15 : vector<256xf32> to vector<1x256xf32>
    %add3A_16 = vector.broadcast %broadcast_in_dim3A : vector<1x256xf32> to vector<2000x256xf32>
    %add3A_17 = arith.addf %add3A, %add3A_16 : vector<2000x256xf32>
    %integer_pow3A = arith.mulf %add3A_17, %add3A_17 : vector<2000x256xf32>
    %integer_pow3A_18 = arith.mulf %add3A_17, %integer_pow3A : vector<2000x256xf32>
    %mul3A = arith.constant 4.471500e-02 : f32
    %mul3A_19 = vector.broadcast %mul3A : f32 to vector<2000x256xf32>
    %mul3A_20 = arith.mulf %mul3A_19, %integer_pow3A_18 : vector<2000x256xf32>
    %add3A_21 = arith.addf %add3A_17, %mul3A_20 : vector<2000x256xf32>
    %mul3A_22 = arith.constant 0.797884583 : f32
    %mul3A_23 = vector.broadcast %mul3A_22 : f32 to vector<2000x256xf32>
    %mul3A_24 = arith.mulf %mul3A_23, %add3A_21 : vector<2000x256xf32>
    %tanh3A = math.tanh %mul3A_24 : vector<2000x256xf32>
    %add3A_25 = arith.constant 1.000000e+00 : f32
    %add3A_26 = vector.broadcast %add3A_25 : f32 to vector<2000x256xf32>
    %add3A_27 = arith.addf %add3A_26, %tanh3A : vector<2000x256xf32>
    %mul3A_28 = arith.constant 5.000000e-01 : f32
    %mul3A_29 = vector.broadcast %mul3A_28 : f32 to vector<2000x256xf32>
    %mul3A_30 = arith.mulf %mul3A_29, %add3A_27 : vector<2000x256xf32>
    %mul3A_31 = arith.mulf %add3A_17, %mul3A_30 : vector<2000x256xf32>
    %get3A_32 = arith.constant 0 : index
    %get3A_33 = arith.constant 0 : index
    %get3A_34 = vector.load %arg6[%get3A_32, %get3A_33] : memref<256x256xf32, #tpu.memory_space<vmem>>, vector<256x256xf32>
    %dot_general3A_35 = arith.constant dense<0.000000e+00> : vector<2000x256xf32>
    %dot_general3A_36 = tpu.matmul %mul3A_31, %get3A_34, %dot_general3A_35 {dimension_numbers = #tpu.dot_dimension_numbers<[1], [0], [0], [1], [0, 0, 1, 1], [], []>, transpose_lhs_hint = false} : vector<2000x256xf32>, vector<256x256xf32>, vector<2000x256xf32> -> vector<2000x256xf32>
    %get3A_37 = arith.constant 0 : index
    %get3A_38 = vector.load %arg7[%get3A_37] : memref<256xf32, #tpu.memory_space<vmem>>, vector<256xf32>
    %broadcast_in_dim3A_39 = vector.shape_cast %get3A_38 : vector<256xf32> to vector<1x256xf32>
    %add3A_40 = vector.broadcast %broadcast_in_dim3A_39 : vector<1x256xf32> to vector<2000x256xf32>
    %add3A_41 = arith.addf %dot_general3A_36, %add3A_40 : vector<2000x256xf32>
    %get3A_42 = arith.constant 0 : index
    %get3A_43 = arith.constant 0 : index
    %get3A_44 = vector.load %arg1[%get3A_42, %get3A_43] : memref<2000x256xf32, #tpu.memory_space<vmem>>, vector<2000x256xf32>
    %add3A_45 = arith.addf %add3A_41, %get3A_44 : vector<2000x256xf32>
    %swap3A = arith.constant 0 : index
    %swap3A_46 = arith.constant 0 : index
    %swap3A_47 = vector.load %arg10[%swap3A, %swap3A_46] : memref<2000x256xf32, #tpu.memory_space<vmem>>, vector<2000x256xf32>
    tpu.vector_store %arg10[%swap3A, %swap3A_46], %add3A_45 {strides = array<i32>} : memref<2000x256xf32, #tpu.memory_space<vmem>>, vector<2000x256xf32>,
    %get3A_48 = arith.constant 0 : index
    %get3A_49 = arith.constant 0 : index
    %get3A_50 = vector.load %arg8[%get3A_48, %get3A_49] : memref<256x256xf32, #tpu.memory_space<vmem>>, vector<256x256xf32>
    %dot_general3A_51 = arith.constant dense<0.000000e+00> : vector<2000x256xf32>
    %dot_general3A_52 = tpu.matmul %add3A_45, %get3A_50, %dot_general3A_51 {dimension_numbers = #tpu.dot_dimension_numbers<[1], [0], [0], [1], [0, 0, 1, 1], [], []>, transpose_lhs_hint = false} : vector<2000x256xf32>, vector<256x256xf32>, vector<2000x256xf32> -> vector<2000x256xf32>
    %slice3A = vector.extract_strided_slice %dot_general3A_52 {offsets = [0, 0], sizes = [2000, 128], strides = [1, 1]} : vector<2000x256xf32> to vector<2000x128xf32>
    %bitcast3A = tpu.bitcast %slice3A : vector<2000x128xf32> -> vector<2000x128xi32>
    %slice3A_53 = vector.extract_strided_slice %dot_general3A_52 {offsets = [0, 128], sizes = [2000, 128], strides = [1, 1]} : vector<2000x256xf32> to vector<2000x128xf32>
    %bitcast3A_54 = tpu.bitcast %slice3A_53 : vector<2000x128xf32> -> vector<2000x128xi32>
    %add3A_55 = arith.constant 32767 : i32
    %add3A_56 = vector.broadcast %add3A_55 : i32 to vector<2000x128xi32>
    %add3A_57 = arith.addi %bitcast3A, %add3A_56 : vector<2000x128xi32>
    %shift_right_arithmetic3A = arith.constant 16 : i32
    %shift_right_arithmetic3A_58 = vector.broadcast %shift_right_arithmetic3A : i32 to vector<2000x128xi32>
    %shift_right_arithmetic3A_59 = arith.shrsi %bitcast3A, %shift_right_arithmetic3A_58 : vector<2000x128xi32>
    %and3A = arith.constant 1 : i32
    %and3A_60 = vector.broadcast %and3A : i32 to vector<2000x128xi32>
    %and3A_61 = arith.andi %shift_right_arithmetic3A_59, %and3A_60 : vector<2000x128xi32>
    %add3A_62 = arith.addi %add3A_57, %and3A_61 : vector<2000x128xi32>
    %add3A_63 = arith.constant 32767 : i32
    %add3A_64 = vector.broadcast %add3A_63 : i32 to vector<2000x128xi32>
    %add3A_65 = arith.addi %bitcast3A_54, %add3A_64 : vector<2000x128xi32>
    %shift_right_arithmetic3A_66 = arith.constant 16 : i32
    %shift_right_arithmetic3A_67 = vector.broadcast %shift_right_arithmetic3A_66 : i32 to vector<2000x128xi32>
    %shift_right_arithmetic3A_68 = arith.shrsi %bitcast3A_54, %shift_right_arithmetic3A_67 : vector<2000x128xi32>
    %and3A_69 = arith.constant 1 : i32
    %and3A_70 = vector.broadcast %and3A_69 : i32 to vector<2000x128xi32>
    %and3A_71 = arith.andi %shift_right_arithmetic3A_68, %and3A_70 : vector<2000x128xi32>
    %add3A_72 = arith.addi %add3A_65, %and3A_71 : vector<2000x128xi32>
    %shift_right_arithmetic3A_73 = arith.constant 16 : i32
    %shift_right_arithmetic3A_74 = vector.broadcast %shift_right_arithmetic3A_73 : i32 to vector<2000x128xi32>
    %shift_right_arithmetic3A_75 = arith.shrsi %add3A_62, %shift_right_arithmetic3A_74 : vector<2000x128xi32>
    %and3A_76 = arith.constant 65535 : i32
    %and3A_77 = vector.broadcast %and3A_76 : i32 to vector<2000x128xi32>
    %and3A_78 = arith.andi %shift_right_arithmetic3A_75, %and3A_77 : vector<2000x128xi32>
    %and3A_79 = arith.constant -65536 : i32
    %and3A_80 = vector.broadcast %and3A_79 : i32 to vector<2000x128xi32>
    %and3A_81 = arith.andi %add3A_72, %and3A_80 : vector<2000x128xi32>
    %or3A = arith.ori %and3A_78, %and3A_81 : vector<2000x128xi32>
    %swap3A_82 = arith.constant 0 : index
    %swap3A_83 = arith.constant 0 : index
    %swap3A_84 = vector.load %arg11[%swap3A_82, %swap3A_83] : memref<2000x128xi32, #tpu.memory_space<vmem>>, vector<2000x128xi32>
    tpu.vector_store %arg11[%swap3A_82, %swap3A_83], %or3A {strides = array<i32>} : memref<2000x128xi32, #tpu.memory_space<vmem>>, vector<2000x128xi32>,
    %get3A_85 = arith.constant 0 : index
    %get3A_86 = arith.constant 0 : index
    %get3A_87 = vector.load %arg9[%get3A_85, %get3A_86] : memref<256x256xf32, #tpu.memory_space<vmem>>, vector<256x256xf32>
    %dot_general3A_88 = arith.constant dense<0.000000e+00> : vector<2000x256xf32>
    %dot_general3A_89 = tpu.matmul %add3A_45, %get3A_87, %dot_general3A_88 {dimension_numbers = #tpu.dot_dimension_numbers<[1], [0], [0], [1], [0, 0, 1, 1], [], []>, transpose_lhs_hint = false} : vector<2000x256xf32>, vector<256x256xf32>, vector<2000x256xf32> -> vector<2000x256xf32>
    %slice3A_90 = vector.extract_strided_slice %dot_general3A_89 {offsets = [0, 0], sizes = [2000, 128], strides = [1, 1]} : vector<2000x256xf32> to vector<2000x128xf32>
    %bitcast3A_91 = tpu.bitcast %slice3A_90 : vector<2000x128xf32> -> vector<2000x128xi32>
    %slice3A_92 = vector.extract_strided_slice %dot_general3A_89 {offsets = [0, 128], sizes = [2000, 128], strides = [1, 1]} : vector<2000x256xf32> to vector<2000x128xf32>
    %bitcast3A_93 = tpu.bitcast %slice3A_92 : vector<2000x128xf32> -> vector<2000x128xi32>
    %add3A_94 = arith.constant 32767 : i32
    %add3A_95 = vector.broadcast %add3A_94 : i32 to vector<2000x128xi32>
    %add3A_96 = arith.addi %bitcast3A_91, %add3A_95 : vector<2000x128xi32>
    %shift_right_arithmetic3A_97 = arith.constant 16 : i32
    %shift_right_arithmetic3A_98 = vector.broadcast %shift_right_arithmetic3A_97 : i32 to vector<2000x128xi32>
    %shift_right_arithmetic3A_99 = arith.shrsi %bitcast3A_91, %shift_right_arithmetic3A_98 : vector<2000x128xi32>
    %and3A_100 = arith.constant 1 : i32
    %and3A_101 = vector.broadcast %and3A_100 : i32 to vector<2000x128xi32>
    %and3A_102 = arith.andi %shift_right_arithmetic3A_99, %and3A_101 : vector<2000x128xi32>
    %add3A_103 = arith.addi %add3A_96, %and3A_102 : vector<2000x128xi32>
    %add3A_104 = arith.constant 32767 : i32
    %add3A_105 = vector.broadcast %add3A_104 : i32 to vector<2000x128xi32>
    %add3A_106 = arith.addi %bitcast3A_93, %add3A_105 : vector<2000x128xi32>
    %shift_right_arithmetic3A_107 = arith.constant 16 : i32
    %shift_right_arithmetic3A_108 = vector.broadcast %shift_right_arithmetic3A_107 : i32 to vector<2000x128xi32>
    %shift_right_arithmetic3A_109 = arith.shrsi %bitcast3A_93, %shift_right_arithmetic3A_108 : vector<2000x128xi32>
    %and3A_110 = arith.constant 1 : i32
    %and3A_111 = vector.broadcast %and3A_110 : i32 to vector<2000x128xi32>
    %and3A_112 = arith.andi %shift_right_arithmetic3A_109, %and3A_111 : vector<2000x128xi32>
    %add3A_113 = arith.addi %add3A_106, %and3A_112 : vector<2000x128xi32>
    %shift_right_arithmetic3A_114 = arith.constant 16 : i32
    %shift_right_arithmetic3A_115 = vector.broadcast %shift_right_arithmetic3A_114 : i32 to vector<2000x128xi32>
    %shift_right_arithmetic3A_116 = arith.shrsi %add3A_103, %shift_right_arithmetic3A_115 : vector<2000x128xi32>
    %and3A_117 = arith.constant 65535 : i32
    %and3A_118 = vector.broadcast %and3A_117 : i32 to vector<2000x128xi32>
    %and3A_119 = arith.andi %shift_right_arithmetic3A_116, %and3A_118 : vector<2000x128xi32>
    %and3A_120 = arith.constant -65536 : i32
    %and3A_121 = vector.broadcast %and3A_120 : i32 to vector<2000x128xi32>
    %and3A_122 = arith.andi %add3A_113, %and3A_121 : vector<2000x128xi32>
    %or3A_123 = arith.ori %and3A_119, %and3A_122 : vector<2000x128xi32>
    %swap3A_124 = arith.constant 0 : index
    %swap3A_125 = arith.constant 0 : index
    %swap3A_126 = vector.load %arg12[%swap3A_124, %swap3A_125] : memref<2000x128xi32, #tpu.memory_space<vmem>>, vector<2000x128xi32>
    tpu.vector_store %arg12[%swap3A_124, %swap3A_125], %or3A_123 {strides = array<i32>} : memref<2000x128xi32, #tpu.memory_space<vmem>>, vector<2000x128xi32>,
    return
  }
  func.func @transform_0(%arg0: i32) -> (i32, i32) {
    %c0_i32 = arith.constant 0 : i32
    %c0_i32_0 = arith.constant 0 : i32
    return %arg0, %c0_i32 : i32, i32
  }
  func.func @transform_1(%arg0: i32) -> (i32, i32) {
    %c0_i32 = arith.constant 0 : i32
    %c0_i32_0 = arith.constant 0 : i32
    return %arg0, %c0_i32 : i32, i32
  }
  func.func @transform_2(%arg0: i32) -> (i32, i32) {
    %c0_i32 = arith.constant 0 : i32
    %c0_i32_0 = arith.constant 0 : i32
    %c0_i32_1 = arith.constant 0 : i32
    return %c0_i32, %c0_i32_0 : i32, i32
  }
  func.func @transform_3(%arg0: i32) -> (i32, i32) {
    %c1_i32 = arith.constant 1 : i32
    %c0_i32 = arith.constant 0 : i32
    %c0_i32_0 = arith.constant 0 : i32
    return %c1_i32, %c0_i32 : i32, i32
  }
  func.func @transform_4(%arg0: i32) -> i32 {
    %c0_i32 = arith.constant 0 : i32
    %c0_i32_0 = arith.constant 0 : i32
    return %c0_i32 : i32
  }
  func.func @transform_5(%arg0: i32) -> (i32, i32) {
    %c0_i32 = arith.constant 0 : i32
    %c0_i32_0 = arith.constant 0 : i32
    %c0_i32_1 = arith.constant 0 : i32
    return %c0_i32, %c0_i32_0 : i32, i32
  }
  func.func @transform_6(%arg0: i32) -> i32 {
    %c0_i32 = arith.constant 0 : i32
    %c0_i32_0 = arith.constant 0 : i32
    return %c0_i32 : i32
  }
  func.func @transform_7(%arg0: i32) -> (i32, i32) {
    %c0_i32 = arith.constant 0 : i32
    %c0_i32_0 = arith.constant 0 : i32
    %c0_i32_1 = arith.constant 0 : i32
    return %c0_i32, %c0_i32_0 : i32, i32
  }
  func.func @transform_8(%arg0: i32) -> (i32, i32) {
    %c1_i32 = arith.constant 1 : i32
    %c0_i32 = arith.constant 0 : i32
    %c0_i32_0 = arith.constant 0 : i32
    return %c1_i32, %c0_i32 : i32, i32
  }
  func.func @transform_9(%arg0: i32) -> (i32, i32) {
    %c0_i32 = arith.constant 0 : i32
    %c0_i32_0 = arith.constant 0 : i32
    return %arg0, %c0_i32 : i32, i32
  }
  func.func @transform_10(%arg0: i32) -> (i32, i32) {
    %c0_i32 = arith.constant 0 : i32
    %c0_i32_0 = arith.constant 0 : i32
    return %arg0, %c0_i32 : i32, i32
  }
  func.func @transform_11(%arg0: i32) -> (i32, i32) {
    %c0_i32 = arith.constant 0 : i32
    %c0_i32_0 = arith.constant 0 : i32
    return %arg0, %c0_i32 : i32, i32
  }
}

module attributes {stable_mosaic.version = 14 : i64} {
  func.func @_edge_net_body(%arg0: i32, %arg1: memref<4000x128xi32, #tpu.memory_space<vmem>>, %arg2: memref<4000x128xi32, #tpu.memory_space<vmem>>, %arg3: memref<4000x256xf32, #tpu.memory_space<vmem>>, %arg4: memref<256x256xf32, #tpu.memory_space<vmem>>, %arg5: memref<256xf32, #tpu.memory_space<vmem>>, %arg6: memref<256x256xf32, #tpu.memory_space<vmem>>, %arg7: memref<256xf32, #tpu.memory_space<vmem>>, %arg8: memref<4000x256xf32, #tpu.memory_space<vmem>>) attributes {dimension_semantics = [#tpu.dimension_semantics<arbitrary>], iteration_bounds = array<i64: 40>, scalar_prefetch = 0 : i64, scratch_operands = 0 : i64, tpu.core_type = #tpu.core_type<tc>, window_params = [{transform_indices = @transform_0, window_bounds = array<i64: 4000, 128>}, {transform_indices = @transform_1, window_bounds = array<i64: 4000, 128>}, {transform_indices = @transform_2, window_bounds = array<i64: 4000, 256>}, {transform_indices = @transform_3, window_bounds = array<i64: 256, 256>}, {pipeline_mode = #tpu.pipeline_mode<synchronous>, transform_indices = @transform_4, window_bounds = array<i64: 256>}, {pipeline_mode = #tpu.pipeline_mode<synchronous>, transform_indices = @transform_5, window_bounds = array<i64: 256, 256>}, {pipeline_mode = #tpu.pipeline_mode<synchronous>, transform_indices = @transform_6, window_bounds = array<i64: 256>}, {transform_indices = @transform_7, window_bounds = array<i64: 4000, 256>}]} {
    %get3A = arith.constant 0 : index
    %get3A_0 = arith.constant 0 : index
    %get3A_1 = vector.load %arg1[%get3A, %get3A_0] : memref<4000x128xi32, #tpu.memory_space<vmem>>, vector<4000x128xi32>
    %get3A_2 = arith.constant 0 : index
    %get3A_3 = arith.constant 0 : index
    %get3A_4 = vector.load %arg2[%get3A_2, %get3A_3] : memref<4000x128xi32, #tpu.memory_space<vmem>>, vector<4000x128xi32>
    %shift_left3A = arith.constant 16 : i32
    %shift_left3A_5 = vector.broadcast %shift_left3A : i32 to vector<4000x128xi32>
    %shift_left3A_6 = arith.shli %get3A_1, %shift_left3A_5 : vector<4000x128xi32>
    %bitcast3A = tpu.bitcast %shift_left3A_6 : vector<4000x128xi32> -> vector<4000x128xf32>
    %shift_left3A_7 = arith.constant 16 : i32
    %shift_left3A_8 = vector.broadcast %shift_left3A_7 : i32 to vector<4000x128xi32>
    %shift_left3A_9 = arith.shli %get3A_4, %shift_left3A_8 : vector<4000x128xi32>
    %bitcast3A_10 = tpu.bitcast %shift_left3A_9 : vector<4000x128xi32> -> vector<4000x128xf32>
    %add3A = arith.addf %bitcast3A, %bitcast3A_10 : vector<4000x128xf32>
    %and3A = arith.constant -65536 : i32
    %and3A_11 = vector.broadcast %and3A : i32 to vector<4000x128xi32>
    %and3A_12 = arith.andi %get3A_1, %and3A_11 : vector<4000x128xi32>
    %bitcast3A_13 = tpu.bitcast %and3A_12 : vector<4000x128xi32> -> vector<4000x128xf32>
    %and3A_14 = arith.constant -65536 : i32
    %and3A_15 = vector.broadcast %and3A_14 : i32 to vector<4000x128xi32>
    %and3A_16 = arith.andi %get3A_4, %and3A_15 : vector<4000x128xi32>
    %bitcast3A_17 = tpu.bitcast %and3A_16 : vector<4000x128xi32> -> vector<4000x128xf32>
    %add3A_18 = arith.addf %bitcast3A_13, %bitcast3A_17 : vector<4000x128xf32>
    %concatenate3A = tpu.concatenate %add3A, %add3A_18 in 1 : vector<4000x128xf32>, vector<4000x128xf32> -> vector<4000x256xf32>
    %get3A_19 = arith.constant 0 : index
    %get3A_20 = arith.constant 0 : index
    %get3A_21 = vector.load %arg3[%get3A_19, %get3A_20] : memref<4000x256xf32, #tpu.memory_space<vmem>>, vector<4000x256xf32>
    %get3A_22 = arith.constant 0 : index
    %get3A_23 = arith.constant 0 : index
    %get3A_24 = vector.load %arg4[%get3A_22, %get3A_23] : memref<256x256xf32, #tpu.memory_space<vmem>>, vector<256x256xf32>
    %dot_general3A = arith.constant dense<0.000000e+00> : vector<4000x256xf32>
    %dot_general3A_25 = tpu.matmul %get3A_21, %get3A_24, %dot_general3A {dimension_numbers = #tpu.dot_dimension_numbers<[1], [0], [0], [1], [0, 0, 1, 1], [], []>, transpose_lhs_hint = false} : vector<4000x256xf32>, vector<256x256xf32>, vector<4000x256xf32> -> vector<4000x256xf32>
    %add3A_26 = arith.addf %concatenate3A, %dot_general3A_25 : vector<4000x256xf32>
    %get3A_27 = arith.constant 0 : index
    %get3A_28 = vector.load %arg5[%get3A_27] : memref<256xf32, #tpu.memory_space<vmem>>, vector<256xf32>
    %broadcast_in_dim3A = vector.shape_cast %get3A_28 : vector<256xf32> to vector<1x256xf32>
    %add3A_29 = vector.broadcast %broadcast_in_dim3A : vector<1x256xf32> to vector<4000x256xf32>
    %add3A_30 = arith.addf %add3A_26, %add3A_29 : vector<4000x256xf32>
    %integer_pow3A = arith.mulf %add3A_30, %add3A_30 : vector<4000x256xf32>
    %integer_pow3A_31 = arith.mulf %add3A_30, %integer_pow3A : vector<4000x256xf32>
    %mul3A = arith.constant 4.471500e-02 : f32
    %mul3A_32 = vector.broadcast %mul3A : f32 to vector<4000x256xf32>
    %mul3A_33 = arith.mulf %mul3A_32, %integer_pow3A_31 : vector<4000x256xf32>
    %add3A_34 = arith.addf %add3A_30, %mul3A_33 : vector<4000x256xf32>
    %mul3A_35 = arith.constant 0.797884583 : f32
    %mul3A_36 = vector.broadcast %mul3A_35 : f32 to vector<4000x256xf32>
    %mul3A_37 = arith.mulf %mul3A_36, %add3A_34 : vector<4000x256xf32>
    %tanh3A = math.tanh %mul3A_37 : vector<4000x256xf32>
    %add3A_38 = arith.constant 1.000000e+00 : f32
    %add3A_39 = vector.broadcast %add3A_38 : f32 to vector<4000x256xf32>
    %add3A_40 = arith.addf %add3A_39, %tanh3A : vector<4000x256xf32>
    %mul3A_41 = arith.constant 5.000000e-01 : f32
    %mul3A_42 = vector.broadcast %mul3A_41 : f32 to vector<4000x256xf32>
    %mul3A_43 = arith.mulf %mul3A_42, %add3A_40 : vector<4000x256xf32>
    %mul3A_44 = arith.mulf %add3A_30, %mul3A_43 : vector<4000x256xf32>
    %get3A_45 = arith.constant 0 : index
    %get3A_46 = arith.constant 0 : index
    %get3A_47 = vector.load %arg6[%get3A_45, %get3A_46] : memref<256x256xf32, #tpu.memory_space<vmem>>, vector<256x256xf32>
    %dot_general3A_48 = arith.constant dense<0.000000e+00> : vector<4000x256xf32>
    %dot_general3A_49 = tpu.matmul %mul3A_44, %get3A_47, %dot_general3A_48 {dimension_numbers = #tpu.dot_dimension_numbers<[1], [0], [0], [1], [0, 0, 1, 1], [], []>, transpose_lhs_hint = false} : vector<4000x256xf32>, vector<256x256xf32>, vector<4000x256xf32> -> vector<4000x256xf32>
    %get3A_50 = arith.constant 0 : index
    %get3A_51 = vector.load %arg7[%get3A_50] : memref<256xf32, #tpu.memory_space<vmem>>, vector<256xf32>
    %broadcast_in_dim3A_52 = vector.shape_cast %get3A_51 : vector<256xf32> to vector<1x256xf32>
    %add3A_53 = vector.broadcast %broadcast_in_dim3A_52 : vector<1x256xf32> to vector<4000x256xf32>
    %add3A_54 = arith.addf %dot_general3A_49, %add3A_53 : vector<4000x256xf32>
    %get3A_55 = arith.constant 0 : index
    %get3A_56 = arith.constant 0 : index
    %get3A_57 = vector.load %arg3[%get3A_55, %get3A_56] : memref<4000x256xf32, #tpu.memory_space<vmem>>, vector<4000x256xf32>
    %add3A_58 = arith.addf %add3A_54, %get3A_57 : vector<4000x256xf32>
    %swap3A = arith.constant 0 : index
    %swap3A_59 = arith.constant 0 : index
    %swap3A_60 = vector.load %arg8[%swap3A, %swap3A_59] : memref<4000x256xf32, #tpu.memory_space<vmem>>, vector<4000x256xf32>
    tpu.vector_store %arg8[%swap3A, %swap3A_59], %add3A_58 {strides = array<i32>} : memref<4000x256xf32, #tpu.memory_space<vmem>>, vector<4000x256xf32>,
    return
  }
  func.func @transform_0(%arg0: i32) -> (i32, i32) {
    %c0_i32 = arith.constant 0 : i32
    %c0_i32_0 = arith.constant 0 : i32
    return %arg0, %c0_i32 : i32, i32
  }
  func.func @transform_1(%arg0: i32) -> (i32, i32) {
    %c0_i32 = arith.constant 0 : i32
    %c0_i32_0 = arith.constant 0 : i32
    return %arg0, %c0_i32 : i32, i32
  }
  func.func @transform_2(%arg0: i32) -> (i32, i32) {
    %c0_i32 = arith.constant 0 : i32
    %c0_i32_0 = arith.constant 0 : i32
    return %arg0, %c0_i32 : i32, i32
  }
  func.func @transform_3(%arg0: i32) -> (i32, i32) {
    %c2_i32 = arith.constant 2 : i32
    %c0_i32 = arith.constant 0 : i32
    %c0_i32_0 = arith.constant 0 : i32
    return %c2_i32, %c0_i32 : i32, i32
  }
  func.func @transform_4(%arg0: i32) -> i32 {
    %c0_i32 = arith.constant 0 : i32
    %c0_i32_0 = arith.constant 0 : i32
    return %c0_i32 : i32
  }
  func.func @transform_5(%arg0: i32) -> (i32, i32) {
    %c0_i32 = arith.constant 0 : i32
    %c0_i32_0 = arith.constant 0 : i32
    %c0_i32_1 = arith.constant 0 : i32
    return %c0_i32, %c0_i32_0 : i32, i32
  }
  func.func @transform_6(%arg0: i32) -> i32 {
    %c0_i32 = arith.constant 0 : i32
    %c0_i32_0 = arith.constant 0 : i32
    return %c0_i32 : i32
  }
  func.func @transform_7(%arg0: i32) -> (i32, i32) {
    %c0_i32 = arith.constant 0 : i32
    %c0_i32_0 = arith.constant 0 : i32
    return %arg0, %c0_i32 : i32, i32
  }
}

module attributes {stable_mosaic.version = 14 : i64} {
  func.func @_node_net_body(%arg0: i32, %arg1: memref<2000x256xf32, #tpu.memory_space<vmem>>, %arg2: memref<2000x256xf32, #tpu.memory_space<vmem>>, %arg3: memref<256x256xf32, #tpu.memory_space<vmem>>, %arg4: memref<256x256xf32, #tpu.memory_space<vmem>>, %arg5: memref<256xf32, #tpu.memory_space<vmem>>, %arg6: memref<256x256xf32, #tpu.memory_space<vmem>>, %arg7: memref<256xf32, #tpu.memory_space<vmem>>, %arg8: memref<256x256xf32, #tpu.memory_space<vmem>>, %arg9: memref<256x256xf32, #tpu.memory_space<vmem>>, %arg10: memref<2000x256xf32, #tpu.memory_space<vmem>>, %arg11: memref<2000x128xi32, #tpu.memory_space<vmem>>, %arg12: memref<2000x128xi32, #tpu.memory_space<vmem>>) attributes {dimension_semantics = [#tpu.dimension_semantics<arbitrary>], iteration_bounds = array<i64: 5>, scalar_prefetch = 0 : i64, scratch_operands = 0 : i64, tpu.core_type = #tpu.core_type<tc>, window_params = [{transform_indices = @transform_0, window_bounds = array<i64: 2000, 256>}, {transform_indices = @transform_1, window_bounds = array<i64: 2000, 256>}, {transform_indices = @transform_2, window_bounds = array<i64: 256, 256>}, {transform_indices = @transform_3, window_bounds = array<i64: 256, 256>}, {pipeline_mode = #tpu.pipeline_mode<synchronous>, transform_indices = @transform_4, window_bounds = array<i64: 256>}, {pipeline_mode = #tpu.pipeline_mode<synchronous>, transform_indices = @transform_5, window_bounds = array<i64: 256, 256>}, {pipeline_mode = #tpu.pipeline_mode<synchronous>, transform_indices = @transform_6, window_bounds = array<i64: 256>}, {transform_indices = @transform_7, window_bounds = array<i64: 256, 256>}, {transform_indices = @transform_8, window_bounds = array<i64: 256, 256>}, {transform_indices = @transform_9, window_bounds = array<i64: 2000, 256>}, {transform_indices = @transform_10, window_bounds = array<i64: 2000, 128>}, {transform_indices = @transform_11, window_bounds = array<i64: 2000, 128>}]} {
    %get3A = arith.constant 0 : index
    %get3A_0 = arith.constant 0 : index
    %get3A_1 = vector.load %arg1[%get3A, %get3A_0] : memref<2000x256xf32, #tpu.memory_space<vmem>>, vector<2000x256xf32>
    %get3A_2 = arith.constant 0 : index
    %get3A_3 = arith.constant 0 : index
    %get3A_4 = vector.load %arg3[%get3A_2, %get3A_3] : memref<256x256xf32, #tpu.memory_space<vmem>>, vector<256x256xf32>
    %dot_general3A = arith.constant dense<0.000000e+00> : vector<2000x256xf32>
    %dot_general3A_5 = tpu.matmul %get3A_1, %get3A_4, %dot_general3A {dimension_numbers = #tpu.dot_dimension_numbers<[1], [0], [0], [1], [0, 0, 1, 1], [], []>, transpose_lhs_hint = false} : vector<2000x256xf32>, vector<256x256xf32>, vector<2000x256xf32> -> vector<2000x256xf32>
    %get3A_6 = arith.constant 0 : index
    %get3A_7 = arith.constant 0 : index
    %get3A_8 = vector.load %arg2[%get3A_6, %get3A_7] : memref<2000x256xf32, #tpu.memory_space<vmem>>, vector<2000x256xf32>
    %get3A_9 = arith.constant 0 : index
    %get3A_10 = arith.constant 0 : index
    %get3A_11 = vector.load %arg4[%get3A_9, %get3A_10] : memref<256x256xf32, #tpu.memory_space<vmem>>, vector<256x256xf32>
    %dot_general3A_12 = arith.constant dense<0.000000e+00> : vector<2000x256xf32>
    %dot_general3A_13 = tpu.matmul %get3A_8, %get3A_11, %dot_general3A_12 {dimension_numbers = #tpu.dot_dimension_numbers<[1], [0], [0], [1], [0, 0, 1, 1], [], []>, transpose_lhs_hint = false} : vector<2000x256xf32>, vector<256x256xf32>, vector<2000x256xf32> -> vector<2000x256xf32>
    %add3A = arith.addf %dot_general3A_5, %dot_general3A_13 : vector<2000x256xf32>
    %get3A_14 = arith.constant 0 : index
    %get3A_15 = vector.load %arg5[%get3A_14] : memref<256xf32, #tpu.memory_space<vmem>>, vector<256xf32>
    %broadcast_in_dim3A = vector.shape_cast %get3A_15 : vector<256xf32> to vector<1x256xf32>
    %add3A_16 = vector.broadcast %broadcast_in_dim3A : vector<1x256xf32> to vector<2000x256xf32>
    %add3A_17 = arith.addf %add3A, %add3A_16 : vector<2000x256xf32>
    %integer_pow3A = arith.mulf %add3A_17, %add3A_17 : vector<2000x256xf32>
    %integer_pow3A_18 = arith.mulf %add3A_17, %integer_pow3A : vector<2000x256xf32>
    %mul3A = arith.constant 4.471500e-02 : f32
    %mul3A_19 = vector.broadcast %mul3A : f32 to vector<2000x256xf32>
    %mul3A_20 = arith.mulf %mul3A_19, %integer_pow3A_18 : vector<2000x256xf32>
    %add3A_21 = arith.addf %add3A_17, %mul3A_20 : vector<2000x256xf32>
    %mul3A_22 = arith.constant 0.797884583 : f32
    %mul3A_23 = vector.broadcast %mul3A_22 : f32 to vector<2000x256xf32>
    %mul3A_24 = arith.mulf %mul3A_23, %add3A_21 : vector<2000x256xf32>
    %tanh3A = math.tanh %mul3A_24 : vector<2000x256xf32>
    %add3A_25 = arith.constant 1.000000e+00 : f32
    %add3A_26 = vector.broadcast %add3A_25 : f32 to vector<2000x256xf32>
    %add3A_27 = arith.addf %add3A_26, %tanh3A : vector<2000x256xf32>
    %mul3A_28 = arith.constant 5.000000e-01 : f32
    %mul3A_29 = vector.broadcast %mul3A_28 : f32 to vector<2000x256xf32>
    %mul3A_30 = arith.mulf %mul3A_29, %add3A_27 : vector<2000x256xf32>
    %mul3A_31 = arith.mulf %add3A_17, %mul3A_30 : vector<2000x256xf32>
    %get3A_32 = arith.constant 0 : index
    %get3A_33 = arith.constant 0 : index
    %get3A_34 = vector.load %arg6[%get3A_32, %get3A_33] : memref<256x256xf32, #tpu.memory_space<vmem>>, vector<256x256xf32>
    %dot_general3A_35 = arith.constant dense<0.000000e+00> : vector<2000x256xf32>
    %dot_general3A_36 = tpu.matmul %mul3A_31, %get3A_34, %dot_general3A_35 {dimension_numbers = #tpu.dot_dimension_numbers<[1], [0], [0], [1], [0, 0, 1, 1], [], []>, transpose_lhs_hint = false} : vector<2000x256xf32>, vector<256x256xf32>, vector<2000x256xf32> -> vector<2000x256xf32>
    %get3A_37 = arith.constant 0 : index
    %get3A_38 = vector.load %arg7[%get3A_37] : memref<256xf32, #tpu.memory_space<vmem>>, vector<256xf32>
    %broadcast_in_dim3A_39 = vector.shape_cast %get3A_38 : vector<256xf32> to vector<1x256xf32>
    %add3A_40 = vector.broadcast %broadcast_in_dim3A_39 : vector<1x256xf32> to vector<2000x256xf32>
    %add3A_41 = arith.addf %dot_general3A_36, %add3A_40 : vector<2000x256xf32>
    %get3A_42 = arith.constant 0 : index
    %get3A_43 = arith.constant 0 : index
    %get3A_44 = vector.load %arg1[%get3A_42, %get3A_43] : memref<2000x256xf32, #tpu.memory_space<vmem>>, vector<2000x256xf32>
    %add3A_45 = arith.addf %add3A_41, %get3A_44 : vector<2000x256xf32>
    %swap3A = arith.constant 0 : index
    %swap3A_46 = arith.constant 0 : index
    %swap3A_47 = vector.load %arg10[%swap3A, %swap3A_46] : memref<2000x256xf32, #tpu.memory_space<vmem>>, vector<2000x256xf32>
    tpu.vector_store %arg10[%swap3A, %swap3A_46], %add3A_45 {strides = array<i32>} : memref<2000x256xf32, #tpu.memory_space<vmem>>, vector<2000x256xf32>,
    %get3A_48 = arith.constant 0 : index
    %get3A_49 = arith.constant 0 : index
    %get3A_50 = vector.load %arg8[%get3A_48, %get3A_49] : memref<256x256xf32, #tpu.memory_space<vmem>>, vector<256x256xf32>
    %dot_general3A_51 = arith.constant dense<0.000000e+00> : vector<2000x256xf32>
    %dot_general3A_52 = tpu.matmul %add3A_45, %get3A_50, %dot_general3A_51 {dimension_numbers = #tpu.dot_dimension_numbers<[1], [0], [0], [1], [0, 0, 1, 1], [], []>, transpose_lhs_hint = false} : vector<2000x256xf32>, vector<256x256xf32>, vector<2000x256xf32> -> vector<2000x256xf32>
    %slice3A = vector.extract_strided_slice %dot_general3A_52 {offsets = [0, 0], sizes = [2000, 128], strides = [1, 1]} : vector<2000x256xf32> to vector<2000x128xf32>
    %bitcast3A = tpu.bitcast %slice3A : vector<2000x128xf32> -> vector<2000x128xi32>
    %slice3A_53 = vector.extract_strided_slice %dot_general3A_52 {offsets = [0, 128], sizes = [2000, 128], strides = [1, 1]} : vector<2000x256xf32> to vector<2000x128xf32>
    %bitcast3A_54 = tpu.bitcast %slice3A_53 : vector<2000x128xf32> -> vector<2000x128xi32>
    %add3A_55 = arith.constant 32767 : i32
    %add3A_56 = vector.broadcast %add3A_55 : i32 to vector<2000x128xi32>
    %add3A_57 = arith.addi %bitcast3A, %add3A_56 : vector<2000x128xi32>
    %shift_right_arithmetic3A = arith.constant 16 : i32
    %shift_right_arithmetic3A_58 = vector.broadcast %shift_right_arithmetic3A : i32 to vector<2000x128xi32>
    %shift_right_arithmetic3A_59 = arith.shrsi %bitcast3A, %shift_right_arithmetic3A_58 : vector<2000x128xi32>
    %and3A = arith.constant 1 : i32
    %and3A_60 = vector.broadcast %and3A : i32 to vector<2000x128xi32>
    %and3A_61 = arith.andi %shift_right_arithmetic3A_59, %and3A_60 : vector<2000x128xi32>
    %add3A_62 = arith.addi %add3A_57, %and3A_61 : vector<2000x128xi32>
    %add3A_63 = arith.constant 32767 : i32
    %add3A_64 = vector.broadcast %add3A_63 : i32 to vector<2000x128xi32>
    %add3A_65 = arith.addi %bitcast3A_54, %add3A_64 : vector<2000x128xi32>
    %shift_right_arithmetic3A_66 = arith.constant 16 : i32
    %shift_right_arithmetic3A_67 = vector.broadcast %shift_right_arithmetic3A_66 : i32 to vector<2000x128xi32>
    %shift_right_arithmetic3A_68 = arith.shrsi %bitcast3A_54, %shift_right_arithmetic3A_67 : vector<2000x128xi32>
    %and3A_69 = arith.constant 1 : i32
    %and3A_70 = vector.broadcast %and3A_69 : i32 to vector<2000x128xi32>
    %and3A_71 = arith.andi %shift_right_arithmetic3A_68, %and3A_70 : vector<2000x128xi32>
    %add3A_72 = arith.addi %add3A_65, %and3A_71 : vector<2000x128xi32>
    %shift_right_arithmetic3A_73 = arith.constant 16 : i32
    %shift_right_arithmetic3A_74 = vector.broadcast %shift_right_arithmetic3A_73 : i32 to vector<2000x128xi32>
    %shift_right_arithmetic3A_75 = arith.shrsi %add3A_62, %shift_right_arithmetic3A_74 : vector<2000x128xi32>
    %and3A_76 = arith.constant 65535 : i32
    %and3A_77 = vector.broadcast %and3A_76 : i32 to vector<2000x128xi32>
    %and3A_78 = arith.andi %shift_right_arithmetic3A_75, %and3A_77 : vector<2000x128xi32>
    %and3A_79 = arith.constant -65536 : i32
    %and3A_80 = vector.broadcast %and3A_79 : i32 to vector<2000x128xi32>
    %and3A_81 = arith.andi %add3A_72, %and3A_80 : vector<2000x128xi32>
    %or3A = arith.ori %and3A_78, %and3A_81 : vector<2000x128xi32>
    %swap3A_82 = arith.constant 0 : index
    %swap3A_83 = arith.constant 0 : index
    %swap3A_84 = vector.load %arg11[%swap3A_82, %swap3A_83] : memref<2000x128xi32, #tpu.memory_space<vmem>>, vector<2000x128xi32>
    tpu.vector_store %arg11[%swap3A_82, %swap3A_83], %or3A {strides = array<i32>} : memref<2000x128xi32, #tpu.memory_space<vmem>>, vector<2000x128xi32>,
    %get3A_85 = arith.constant 0 : index
    %get3A_86 = arith.constant 0 : index
    %get3A_87 = vector.load %arg9[%get3A_85, %get3A_86] : memref<256x256xf32, #tpu.memory_space<vmem>>, vector<256x256xf32>
    %dot_general3A_88 = arith.constant dense<0.000000e+00> : vector<2000x256xf32>
    %dot_general3A_89 = tpu.matmul %add3A_45, %get3A_87, %dot_general3A_88 {dimension_numbers = #tpu.dot_dimension_numbers<[1], [0], [0], [1], [0, 0, 1, 1], [], []>, transpose_lhs_hint = false} : vector<2000x256xf32>, vector<256x256xf32>, vector<2000x256xf32> -> vector<2000x256xf32>
    %slice3A_90 = vector.extract_strided_slice %dot_general3A_89 {offsets = [0, 0], sizes = [2000, 128], strides = [1, 1]} : vector<2000x256xf32> to vector<2000x128xf32>
    %bitcast3A_91 = tpu.bitcast %slice3A_90 : vector<2000x128xf32> -> vector<2000x128xi32>
    %slice3A_92 = vector.extract_strided_slice %dot_general3A_89 {offsets = [0, 128], sizes = [2000, 128], strides = [1, 1]} : vector<2000x256xf32> to vector<2000x128xf32>
    %bitcast3A_93 = tpu.bitcast %slice3A_92 : vector<2000x128xf32> -> vector<2000x128xi32>
    %add3A_94 = arith.constant 32767 : i32
    %add3A_95 = vector.broadcast %add3A_94 : i32 to vector<2000x128xi32>
    %add3A_96 = arith.addi %bitcast3A_91, %add3A_95 : vector<2000x128xi32>
    %shift_right_arithmetic3A_97 = arith.constant 16 : i32
    %shift_right_arithmetic3A_98 = vector.broadcast %shift_right_arithmetic3A_97 : i32 to vector<2000x128xi32>
    %shift_right_arithmetic3A_99 = arith.shrsi %bitcast3A_91, %shift_right_arithmetic3A_98 : vector<2000x128xi32>
    %and3A_100 = arith.constant 1 : i32
    %and3A_101 = vector.broadcast %and3A_100 : i32 to vector<2000x128xi32>
    %and3A_102 = arith.andi %shift_right_arithmetic3A_99, %and3A_101 : vector<2000x128xi32>
    %add3A_103 = arith.addi %add3A_96, %and3A_102 : vector<2000x128xi32>
    %add3A_104 = arith.constant 32767 : i32
    %add3A_105 = vector.broadcast %add3A_104 : i32 to vector<2000x128xi32>
    %add3A_106 = arith.addi %bitcast3A_93, %add3A_105 : vector<2000x128xi32>
    %shift_right_arithmetic3A_107 = arith.constant 16 : i32
    %shift_right_arithmetic3A_108 = vector.broadcast %shift_right_arithmetic3A_107 : i32 to vector<2000x128xi32>
    %shift_right_arithmetic3A_109 = arith.shrsi %bitcast3A_93, %shift_right_arithmetic3A_108 : vector<2000x128xi32>
    %and3A_110 = arith.constant 1 : i32
    %and3A_111 = vector.broadcast %and3A_110 : i32 to vector<2000x128xi32>
    %and3A_112 = arith.andi %shift_right_arithmetic3A_109, %and3A_111 : vector<2000x128xi32>
    %add3A_113 = arith.addi %add3A_106, %and3A_112 : vector<2000x128xi32>
    %shift_right_arithmetic3A_114 = arith.constant 16 : i32
    %shift_right_arithmetic3A_115 = vector.broadcast %shift_right_arithmetic3A_114 : i32 to vector<2000x128xi32>
    %shift_right_arithmetic3A_116 = arith.shrsi %add3A_103, %shift_right_arithmetic3A_115 : vector<2000x128xi32>
    %and3A_117 = arith.constant 65535 : i32
    %and3A_118 = vector.broadcast %and3A_117 : i32 to vector<2000x128xi32>
    %and3A_119 = arith.andi %shift_right_arithmetic3A_116, %and3A_118 : vector<2000x128xi32>
    %and3A_120 = arith.constant -65536 : i32
    %and3A_121 = vector.broadcast %and3A_120 : i32 to vector<2000x128xi32>
    %and3A_122 = arith.andi %add3A_113, %and3A_121 : vector<2000x128xi32>
    %or3A_123 = arith.ori %and3A_119, %and3A_122 : vector<2000x128xi32>
    %swap3A_124 = arith.constant 0 : index
    %swap3A_125 = arith.constant 0 : index
    %swap3A_126 = vector.load %arg12[%swap3A_124, %swap3A_125] : memref<2000x128xi32, #tpu.memory_space<vmem>>, vector<2000x128xi32>
    tpu.vector_store %arg12[%swap3A_124, %swap3A_125], %or3A_123 {strides = array<i32>} : memref<2000x128xi32, #tpu.memory_space<vmem>>, vector<2000x128xi32>,
    return
  }
  func.func @transform_0(%arg0: i32) -> (i32, i32) {
    %c0_i32 = arith.constant 0 : i32
    %c0_i32_0 = arith.constant 0 : i32
    return %arg0, %c0_i32 : i32, i32
  }
  func.func @transform_1(%arg0: i32) -> (i32, i32) {
    %c0_i32 = arith.constant 0 : i32
    %c0_i32_0 = arith.constant 0 : i32
    return %arg0, %c0_i32 : i32, i32
  }
  func.func @transform_2(%arg0: i32) -> (i32, i32) {
    %c0_i32 = arith.constant 0 : i32
    %c0_i32_0 = arith.constant 0 : i32
    %c0_i32_1 = arith.constant 0 : i32
    return %c0_i32, %c0_i32_0 : i32, i32
  }
  func.func @transform_3(%arg0: i32) -> (i32, i32) {
    %c1_i32 = arith.constant 1 : i32
    %c0_i32 = arith.constant 0 : i32
    %c0_i32_0 = arith.constant 0 : i32
    return %c1_i32, %c0_i32 : i32, i32
  }
  func.func @transform_4(%arg0: i32) -> i32 {
    %c0_i32 = arith.constant 0 : i32
    %c0_i32_0 = arith.constant 0 : i32
    return %c0_i32 : i32
  }
  func.func @transform_5(%arg0: i32) -> (i32, i32) {
    %c0_i32 = arith.constant 0 : i32
    %c0_i32_0 = arith.constant 0 : i32
    %c0_i32_1 = arith.constant 0 : i32
    return %c0_i32, %c0_i32_0 : i32, i32
  }
  func.func @transform_6(%arg0: i32) -> i32 {
    %c0_i32 = arith.constant 0 : i32
    %c0_i32_0 = arith.constant 0 : i32
    return %c0_i32 : i32
  }
  func.func @transform_7(%arg0: i32) -> (i32, i32) {
    %c0_i32 = arith.constant 0 : i32
    %c0_i32_0 = arith.constant 0 : i32
    %c0_i32_1 = arith.constant 0 : i32
    return %c0_i32, %c0_i32_0 : i32, i32
  }
  func.func @transform_8(%arg0: i32) -> (i32, i32) {
    %c1_i32 = arith.constant 1 : i32
    %c0_i32 = arith.constant 0 : i32
    %c0_i32_0 = arith.constant 0 : i32
    return %c1_i32, %c0_i32 : i32, i32
  }
  func.func @transform_9(%arg0: i32) -> (i32, i32) {
    %c0_i32 = arith.constant 0 : i32
    %c0_i32_0 = arith.constant 0 : i32
    return %arg0, %c0_i32 : i32, i32
  }
  func.func @transform_10(%arg0: i32) -> (i32, i32) {
    %c0_i32 = arith.constant 0 : i32
    %c0_i32_0 = arith.constant 0 : i32
    return %arg0, %c0_i32 : i32, i32
  }
  func.func @transform_11(%arg0: i32) -> (i32, i32) {
    %c0_i32 = arith.constant 0 : i32
    %c0_i32_0 = arith.constant 0 : i32
    return %arg0, %c0_i32 : i32, i32
  }
}

</mosaic_0001>

<sc_bundles>
// kernel: kernel.13.cloned.1.call-start
scs
__scs_entry_jumppad:
0x0: {  	(pc) =	sbr.rel $0x88, $3  }
0x1: {  	(tag) =	ssettag $0x0;
	lr =	simm.s32 $0x1  }
0x2: {  	[smem:$0x3F87] =	sst lr;
	_ =	strace $0xD0000000  }
0x3: {  	_ = 	snop  }
0x4: {  	_ = 	snop  }
0x5: {  	_ = 	snop  }
0x6: {  	_ = 	snop  }
0x7: {  	_ = 	snop  }
__scs_overlays_trampoline_lowered:
0x8: {  	[smem:$0x3F96] =	sst s0  }
0x9: {  	[smem:$0x3F97] =	sst s1  }
0xa: {  	[smem:$0x3F98] =	sst s2  }
0xb: {  	[smem:$0x3F99] =	sst s3  }
0xc: {  	[smem:$0x3F9A] =	sst s4  }
0xd: {  	[smem:$0x3F9B] =	sst s5  }
0xe: {  	[smem:$0x3F9C] =	sst s6  }
0xf: {  	[smem:$0x3F9D] =	sst s7  }
0x10: {  	[smem:$0x3F9E] =	sst s8  }
0x11: {  	[smem:$0x3F9F] =	sst s9;
	s0 =	simm.s32 @!p0 $0x0  }
0x12: {  	s1 =	sld [smem:$0x3F85];
	s0 =	simm.s32 @p0 $0x1  }
0x13: {  	[smem:$0x3FA0] =	sst s0;
	s0 =	simm.s32 @!p1 $0x0  }
0x14: {  	s2 =	sld [smem:$0x3F84];
	s0 =	simm.s32 @p1 $0x1  }
0x15: {  	[smem:$0x3FA1] =	sst s0;
	s0 =	simm.s32 @!p2 $0x0  }
0x16: {  	s3 =	sld [smem:$0x3FDB];
	s0 =	simm.s32 @p2 $0x1  }
0x17: {  	s4 =	simm.s32 $0x1BF5;
	[smem:$0x3FA3] =	sst s0  }
0x18: {  	s0 =	sld [smem:$0x3F86];
	_ =	swait.ge [sflag:s4], $0x0  }
0x19: {  	s7 =	sld [smem:$0x3F87]  }
0x1a: {  	s8 =	sadd.s32 $0xFFFFE003, lr  }
0x1b: {  	s9 =	sadd.s32 $0xFFFFFEF7, lr;
	s5 =	simm.s32 $0xFFFFFFFF;
	p2 =	slt.u32 s8, $0xFFFFF086  }
0x1c: {  	p1 =	slt.u32 s9, $0xF7A;
	s5 =	simm.s32 @!p2 $0x0  }
0x1d: {  	s5 =	simm.s32 @p1 $0x1;
	p0 =	seq.s32 s7, s2  }
0x1e: {  	s7 =	smul.u32 @!p0 $0xF7A, s2;
	p2 =	seq.s32 @!p0 s5, $0x0  }
0x1f: {  	s9 =	smul.u32 $0xF7A, s1;
	s8 =	simm.s32 @!p0 $0x1BF5;
	p2 =	por !p2, p0  }
0x20: {  	[sflag:s8] =	ssyncset.s32 @!p0 $0xFFFFF086;
	s6 =	sadd.s32 @!p0 s3, s7;
	s7 =	simm.s32 @!p0 $0x108  }
0x21: {  	s3 =	sadd.s32 s3, s9;
	s6 =	sadd.s32 @!p0 $0x88, s6;
	s7 =	simm.s32 @p2 $0x1082  }
0x22: {  	[simem:s7], [sflag:s8] =	dma.local @!p0 [hbm:s6], $0xF7A  }
0x23: {  	s9 =	sor.u32 $0xD0000000, s2;
	s6 =	simm.s32 $0x108;
	_ =	swait.ge @!p0 [sflag:s8], $0x0  }
0x24: {  	s3 =	sadd.s32 $0x88, s3;
	s6 =	simm.s32 @!p1 $0x1082;
	[sflag:s4] =	ssyncset.s32 $0xFFFFF086  }
0x25: {  	[simem:s6], [sflag:s4] =	dma.local [hbm:s3], $0xF7A  }
0x26: {  	[smem:$0x3F87] =	sst s1;
	(tag) =	ssettag s2;
	_ =	strace s9  }
0x27: {  	s1 =	sld [smem:$0x3F97]  }
0x28: {  	s2 =	sld [smem:$0x3F98]  }
0x29: {  	s4 =	sld [smem:$0x3F9A]  }
0x2a: {  	p0 =	seq.s32 s5, $0x0;
	s5 =	sld [smem:$0x3F9B]  }
0x2b: {  	s6 =	sld [smem:$0x3F9C]  }
0x2c: {  	s7 =	sld [smem:$0x3F9D]  }
0x2d: {  	s3 =	simm.s32 $0x108;
	s8 =	sld [smem:$0x3F9E]  }
0x2e: {  	s3 =	simm.s32 @!p0 $0x1082;
	s9 =	sld [smem:$0x3F9F]  }
0x2f: {  	lr =	sadd.s32 s0, s3;
	s0 =	sld [smem:$0x3F96]  }
0x30: {  	s3 =	sld [smem:$0x3F99]  }
0x31: {  	[smem:$0x3FA2] =	sst s10  }
0x32: {  	s10 =	sld [smem:$0x3FA0];
	_ =	sdelay $0x3  }
0x33: {  	p0 =	seq.s32 s10, $0x1;
	s10 =	sld [smem:$0x3FA2];
	_ =	sdelay $0x3  }
0x34: {  	[smem:$0x3FA2] =	sst s10  }
0x35: {  	s10 =	sld [smem:$0x3FA1];
	_ =	sdelay $0x3  }
0x36: {  	p1 =	seq.s32 s10, $0x1;
	s10 =	sld [smem:$0x3FA2];
	_ =	sdelay $0x3  }
0x37: {  	[smem:$0x3FA2] =	sst s10  }
0x38: {  	s10 =	sld [smem:$0x3FA3]  }
0x39: {  	_ = 	snop;
	(pc) =	sbr.ind lr, $3  }
0x3a: {  	_ = 	snop  }
0x3b: {  	_ = 	snop  }
0x3c: {  	p2 =	seq.s32 s10, $0x1;
	s10 =	sld [smem:$0x3FA2]  }
0x3d: {  	_ =	shalt  }
0x3e: {  	_ =	shalt  }
0x3f: {  	_ =	shalt  }
0x40: {  	_ =	shalt  }
0x41: {  	_ =	shalt  }
0x42: {  	_ =	shalt  }
0x43: {  	_ =	shalt  }
0x44: {  	_ =	shalt  }
0x45: {  	_ =	shalt  }
0x46: {  	_ =	shalt  }
0x47: {  	_ =	shalt  }
0x48: {  	_ =	shalt  }
0x49: {  	_ =	shalt  }
0x4a: {  	_ =	shalt  }
0x4b: {  	_ =	shalt  }
0x4c: {  	_ =	shalt  }
0x4d: {  	_ =	shalt  }
0x4e: {  	_ =	shalt  }
0x4f: {  	_ =	shalt  }
0x50: {  	_ =	shalt  }
0x51: {  	_ =	shalt  }
0x52: {  	_ =	shalt  }
0x53: {  	_ =	shalt  }
0x54: {  	_ =	shalt  }
0x55: {  	_ =	shalt  }
0x56: {  	_ =	shalt  }
0x57: {  	_ =	shalt  }
0x58: {  	_ =	shalt  }
0x59: {  	_ =	shalt  }
0x5a: {  	_ =	shalt  }
0x5b: {  	_ =	shalt  }
0x5c: {  	_ =	shalt  }
0x5d: {  	_ =	shalt  }
0x5e: {  	_ =	shalt  }
0x5f: {  	_ =	shalt  }
0x60: {  	_ =	shalt  }
0x61: {  	_ =	shalt  }
0x62: {  	_ =	shalt  }
0x63: {  	_ =	shalt  }
0x64: {  	_ =	shalt  }
0x65: {  	_ =	shalt  }
0x66: {  	_ =	shalt  }
0x67: {  	_ =	shalt  }
0x68: {  	_ =	shalt  }
0x69: {  	_ =	shalt  }
0x6a: {  	_ =	shalt  }
0x6b: {  	_ =	shalt  }
0x6c: {  	_ =	shalt  }
0x6d: {  	_ =	shalt  }
0x6e: {  	_ =	shalt  }
0x6f: {  	_ =	shalt  }
0x70: {  	_ =	shalt  }
0x71: {  	_ =	shalt  }
0x72: {  	_ =	shalt  }
0x73: {  	_ =	shalt  }
0x74: {  	_ =	shalt  }
0x75: {  	_ =	shalt  }
0x76: {  	_ =	shalt  }
0x77: {  	_ =	shalt  }
0x78: {  	_ =	shalt  }
0x79: {  	_ =	shalt  }
0x7a: {  	_ =	shalt  }
0x7b: {  	_ =	shalt  }
0x7c: {  	_ =	shalt  }
0x7d: {  	_ =	shalt  }
0x7e: {  	_ =	shalt  }
0x7f: {  	_ =	shalt  }
0x80: {  	_ =	shalt  }
0x81: {  	_ =	shalt  }
0x82: {  	_ =	shalt  }
0x83: {  	_ =	shalt  }
0x84: {  	_ =	shalt  }
0x85: {  	_ =	shalt  }
0x86: {  	_ =	shalt  }
0x87: {  	_ =	shalt  }
.Lfunc_end0:
.L_simem_size_0:
called_computation_lowered:
.L_overlay_start_0:
0x88: {  	s2 =	sld [smem:$0x3FD9]  }
0x89: {  	s3 =	sld [smem:$0x3FFE];
	_ =	sdelay $0x1  }
0x8a: {  	s1 =	srdreg.scid  }
0x8b: {  	s0 =	sand.u32 $0x1, s1  }
0x8c: {  	s14 =	sshll.u32 s0, $0xA;
	s2 =	sadd.s32 s3, s2  }
0x8d: {  	s2 =	sadd.s32 s2, s14  }
0x8e: {  	[smem:$0x3FAE] =	sst s2  }
0x8f: {  	_ = 	snop  }
0x90: {  	s2 =	sld [smem:$0x3FD0];
	_ =	sdelay $0x2  }
0x91: {  	s15 =	simm.s32 $0xA;
	s4 =	simm.s32 $0x10  }
0x92: {  	[smem:s4], [sflag:s15] =	dma.local [hbm:s2], $0x1  }
0x93: {  	_ =	swait.eq [sflag:s15], $0x1  }
0x94: {  	[sflag:s15] =	ssyncset.done $0x0  }
0x95: {  	[sflag:s15] =	ssyncadd.s32 $0xFFFFFFFF  }
0x96: {  	s16 =	sld [smem:$0x11];
	(tm) =	ssettm $0x1  }
0x97: {  	s17 =	sld [smem:$0x3FFB];
	_ =	sdelay $0x3  }
0x98: {  	_ =	strace s17  }
0x99: {  	s3 =	sld [smem:$0x3FFC];
	_ =	sdelay $0x3  }
0x9a: {  	_ =	strace s3  }
0x9b: {  	s3 =	sld [smem:$0x3FFD];
	_ =	sdelay $0x3  }
0x9c: {  	_ =	strace s3  }
0x9d: {  	_ =	strace $0x8FFFFFFF  }
0x9e: {  	s18 =	sld [smem:$0x3FDB];
	_ =	sdelay $0x1  }
0x9f: {  	s19 =	simm.s32 $_scs_section_size  }
0xa0: {  	s5 =	simm.s32 $_size__tile_overlayer_lowered;
	s6 =	simm.s32 $_tile_overlayer_lowered  }
0xa1: {  	s22 =	simm.s32 $0x1BFF;
	s21 =	sshll.u32 s6, $0x1;
	s3 =	sadd.s32 s19, s18  }
0xa2: {  	s7 =	simm.s32 $0x0;
	s20 =	sshll.u32 s5, $0x1;
	s5 =	sadd.s32 s21, s3  }
0xa3: {  	[timem:s7], [sflag:s22] =	dma.local [hbm:s5], s20  }
0xa4: {  	_ =	swait.ge [sflag:s22], s20  }
0xa5: {  	s4 =	ssub.s32 $0x0, s20;
	[sflag:s22] =	ssyncset.done $0x0  }
0xa6: {  	[sflag:s22] =	ssyncadd.s32 s4;
	_ =	sdelay $0x1  }
0xa7: {  	s23 =	simm.s32 $0x1B8B  }
0xa8: {  	_ =	swait.ge [sflag:s23], $0x1  }
0xa9: {  	[sflag:s23] =	ssyncset.done $0x0  }
0xaa: {  	s25 =	simm.s32 $0x1B8E;
	s24 =	sld [smem:$0x3FFE];
	[sflag:s23] =	ssyncadd.s32 $0xFFFFFFFF  }
0xab: {  	s26 =	simm.s32 $execute0_lowered;
	[smem:$0x3FD2] =	sst s25  }
0xac: {  	s5 =	sshll.u32 s26, $0x1;
	_ =	strace $0x80000046;
	[dreg:$0x1] =	wrdreg $0xFFFFFFFF  }
0xad: {  	s28 =	simm.s32 $_size_execute0_lowered;
	s3 =	sadd.s32 s3, s5;
	[dreg:$0x0] =	wrdreg $0x0  }
0xae: {  	s5 =	sshll.u32 s28, $0x1;
	[dreg:$0x2] =	wrdreg s3  }
0xaf: {  	[dreg:$0x3] =	wrdreg s5  }
0xb0: {  	[dreg:$0x4] =	wrdreg $0xC0  }
0xb1: {  	_ =	task [dreg:s7], $0x5FFFF  }
0xb2: {  	[dreg:$0x1] =	wrdreg $0xFFFFFFFF  }
0xb3: {  	[dreg:$0x0] =	wrdreg $0x60  }
0xb4: {  	[dreg:$0x2] =	wrdreg s16  }
0xb5: {  	[dreg:$0x3] =	wrdreg s24  }
0xb6: {  	[dreg:$0x4] =	wrdreg $0x9  }
0xb7: {  	_ =	task.clear_ibuf [dreg:s7], $0x5FFFF;
	_ =	strace $0x90000046  }
0xb8: {  	s29 =	simm.s32 $0x9;
	_ =	strace $0x80000048  }
0xb9: {  	_ =	swait.ge [sflag:s29], $0x1  }
0xba: {  	[sflag:s29] =	ssyncadd.s32 $0xFFFFFFFF  }
0xbb: {  	_ =	strace $0x90000048  }
0xbc: {  	_ =	sfence  }
0xbd: {  	s30 =	sld [smem:$0x0];
	_ =	sdelay $0x2  }
0xbe: {  	s31 =	sshll.u32 s1, $0xD;
	s1 =	sshrl.u32 s1, $0x2  }
0xbf: {  	s3 =	sand.u32 $0x4000, s31;
	s1 =	sadd.s32 s1, s30  }
0xc0: {  	s0 =	sor.u32 s3, s0;
	s1 =	sshll.u32 s1, $0x11  }
0xc1: {  	s0 =	sor.u32 s1, s0  }
0xc2: {  	s0 =	sadd.s32 $0x8F2B, s0  }
0xc3: {  	[sflag:s0] =	ssyncadd.remote.s32 $0x1  }
0xc4: {  	_ =	sfence.sel $0xFFFF  }
0xc5: {  	[dreg:$0x0] =	wrdreg $0xFFFFFFFF;
	(pc) =	sbr.abs _section_cstart, $3  }
0xc6: {  	[dreg:$0x1] =	wrdreg $0xFFFFFFFF  }
0xc7: {  	_ =	task.clear_ibuf [dreg:s7], $0x2FFFF;
	_ =	strace $0x9FFFFFFF  }
0xc8: {  	(tm) =	ssettm $0x7FFFFFFF  }
0xc9: {  	_ =	shalt  }
tec
execute0_lowered:
.L_overlay_start_1:
0x0: {  	(tag) =	ssettag $0x1  }
0x1: {  	s0 =	srdreg.scid;
	s2 =	rddreg [dreg:$0x0]  }
0x2: {  	s13 =	stileid.u32;
	s5 =	rddreg [dreg:$0x1]  }
0x3: {  	s3 =	simm.s32 $0x0;
	s19 =	simm.s32 $0x5;
	s20 =	simm.s32 $0x1400  }
0x4: {  	s28 =	simm.s32 $0x1;
	s29 =	simm.s32 $0x2;
	s30 =	simm.s32 $0x3  }
0x5: {  	s0 =	sand.u32 $0x1, s0;
	s1 =	sshll.u32 s13, $0x1;
	s26 =	smul.u32 $0x27100, s13  }
0x6: {  	s31 =	simm.s32 $0x4;
	s1 =	sor.u32 s0, s1;
	s16 =	smul.u32 $0x13880, s0  }
0x7: {  	[smem:$0x7FF] =	sst s3;
	s4 =	sadd.s32 $0x10000, s5;
	s6 =	smul.u32 $0x1388, s1  }
0x8: {  	s17 =	sadd.s32 $0x37200, s5;
	s7 =	ssub.s32 $0x2, s0;
	s8 =	smul.u32 $0x13880, s1  }
0x9: {  	_ =	strace $0x80000047;
	s9 =	sshrl.u32 s7, $0x1;
	s1 =	smul.u32 $0x9C400, s1  }
0xa: {  	s7 =	ssub.s32 s7, s9;
	s6 =	sshrl.u32 s6, $0x3;
	s22 =	sadd.s32 s17, s8  }
0xb: {  	s1 =	sshrl.u32 s1, $0x3;
	s15 =	smax.u32 s7, $0x1;
	s6 =	sadd.s32 s6, s5  }
0xc: {  	s5 =	sadd.s32 $0x2A8200, s5;
	[dreg:$0x5] =	wrdreg s22;
	s24 =	sadd.s32 $0x800, s1  }
0xd: {  	s12 =	sadd.s32 $0x13000, s1;
	s1 =	sadd.s32 $0x13800, s1;
	s22 =	simm.s32 $0x2800  }
0xe: {  	s21 =	sadd.s32 $0xB000, s6;
	s6 =	sadd.s32 $0x6000, s6;
	s23 =	sadd.s32 s5, s8  }
0xf: {  	s25 =	sadd.s32 s17, s24;
	s10 =	sadd.s32 s5, s24;
	s11 =	sadd.s32 s17, s12  }
0x10: {  	s12 =	sadd.s32 s5, s12;
	s13 =	sadd.s32 s17, s1;
	[dreg:$0x3] =	wrdreg s21  }
0x11: {  	s14 =	sadd.s32 s5, s1;
	s17 =	sadd.s32 s26, s17;
	[dreg:$0x4] =	wrdreg s6  }
0x12: {  	s18 =	sadd.s32 s26, s5;
	s24 =	simm.s32 $0xA800;
	[dreg:$0x6] =	wrdreg s23  }
0x13: {  	s26 =	simm.s32 $0xE800;
	s1 =	simm.s32 $0x0;
	[dreg:$0x7] =	wrdreg s25  }
0x14: {  	s21 =	simm.s32 $0x80;
	s23 =	simm.s32 $0x6800;
	s25 =	simm.s32 $0x8  }
.LBB2_1:
0x15: {  	s0 =	rddreg [dreg:$0x3]  }
0x16: {  	[tilespmem:s3], [sflag:$0x5] =	stream.linear.gather [hbm4b:s0+s3], $0x1388, $0x38;
	[tilespmem:$0x12800] =	vst v63  }
0x17: {  	_ =	swait.ge [sflag:s19], $0x1388  }
0x18: {  	[sflag:s19] =	ssyncset.done $0x0  }
0x19: {  	s9 =	rddreg [dreg:$0x4];
	[sflag:s19] =	ssyncadd.s32 $0xFFFFEC78  }
0x1a: {  	[tilespmem:s20], [sflag:$0x5] =	stream.linear.gather [hbm4b:s9+s3], $0x1388, $0x38;
	[tilespmem:$0x12800] =	vst v63  }
0x1b: {  	_ =	swait.ge [sflag:s19], $0x1388  }
0x1c: {  	[sflag:s19] =	ssyncset.done $0x0  }
0x1d: {  	[sflag:s19] =	ssyncadd.s32 $0xFFFFEC78  }
0x1e: {  	[tilespmem:s22], [sflag:$0x1] =	stream.indirect.gather [hbm4b:s2+s21], $0x80, s3, s21, $0xb8;
	[tilespmem:$0x12800] =	vst v63  }
0x1f: {  	_ = 	snop  }
0x20: {  	[tilespmem:s23], [sflag:$0x1] =	stream.indirect.gather [hbm4b:s4+s21], $0x80, s20, s21, $0xb8;
	[tilespmem:$0x12800] =	vst v63  }
0x21: {  	_ = 	snop  }
0x22: {  	[tilespmem:s24], [sflag:$0x2] =	stream.indirect.gather [hbm4b:s2+s21], $0x80, s21, s21, $0xb8;
	[tilespmem:$0x12800] =	vst v63  }
0x23: {  	s5 =	simm.s32 $0x1480  }
0x24: {  	[tilespmem:s26], [sflag:$0x2] =	stream.indirect.gather [hbm4b:s4+s21], $0x80, s5, s21, $0xb8;
	[tilespmem:$0x12800] =	vst v63  }
0x25: {  	_ =	swait.ge [sflag:s28], $0x4000  }
0x26: {  	[sflag:s28] =	ssyncset.done $0x0  }
0x27: {  	[sflag:s28] =	ssyncadd.s32 $0xFFFFC000  }
0x28: {  	_ =	swait.ge [sflag:s28], $0x4000  }
0x29: {  	[sflag:s28] =	ssyncset.done $0x0  }
0x2a: {  	s6 =	rddreg [dreg:$0x5];
	[sflag:s28] =	ssyncadd.s32 $0xFFFFC000  }
0x2b: {  	[hbm4b:s6+s3] =	stream.linear.scatter [tilespmem:s22], [sflag:$0x3], $0x4000, $0x38;
	[tilespmem:$0x12800] =	vst v63  }
0x2c: {  	s7 =	rddreg [dreg:$0x6]  }
0x2d: {  	[hbm4b:s7+s3] =	stream.linear.scatter [tilespmem:s23], [sflag:$0x3], $0x4000, $0x38;
	[tilespmem:$0x12800] =	vst v63  }
0x2e: {  	_ =	swait.ge [sflag:s29], $0x4000  }
0x2f: {  	[sflag:s29] =	ssyncset.done $0x0  }
0x30: {  	[sflag:s29] =	ssyncadd.s32 $0xFFFFC000  }
0x31: {  	_ =	swait.ge [sflag:s29], $0x4000  }
0x32: {  	[sflag:s29] =	ssyncset.done $0x0  }
0x33: {  	s8 =	rddreg [dreg:$0x7];
	[sflag:s29] =	ssyncadd.s32 $0xFFFFC000  }
0x34: {  	[hbm4b:s8+s3] =	stream.linear.scatter [tilespmem:s24], [sflag:$0x4], $0x4000, $0x38;
	[tilespmem:$0x12800] =	vst v63  }
0x35: {  	_ = 	snop  }
0x36: {  	[hbm4b:s10+s3] =	stream.linear.scatter [tilespmem:s26], [sflag:$0x4], $0x4000, $0x38;
	[tilespmem:$0x12800] =	vst v63  }
0x37: {  	_ =	swait.ge [sflag:s30], $0x4000  }
0x38: {  	[sflag:s30] =	ssyncset.done $0x0  }
0x39: {  	[sflag:s30] =	ssyncadd.s32 $0xFFFFC000  }
0x3a: {  	_ =	swait.ge [sflag:s30], $0x4000  }
0x3b: {  	[sflag:s30] =	ssyncset.done $0x0  }
0x3c: {  	s9 =	simm.s32 $0x100;
	[sflag:s30] =	ssyncadd.s32 $0xFFFFC000  }
0x3d: {  	[tilespmem:s22], [sflag:$0x1] =	stream.indirect.gather [hbm4b:s2+s21], $0x80, s9, s21, $0xb8;
	[tilespmem:$0x12800] =	vst v63  }
0x3e: {  	s5 =	simm.s32 $0x1500  }
0x3f: {  	[tilespmem:s23], [sflag:$0x1] =	stream.indirect.gather [hbm4b:s4+s21], $0x80, s5, s21, $0xb8;
	[tilespmem:$0x12800] =	vst v63  }
0x40: {  	_ =	swait.ge [sflag:s31], $0x4000  }
0x41: {  	[sflag:s31] =	ssyncset.done $0x0  }
0x42: {  	[sflag:s31] =	ssyncadd.s32 $0xFFFFC000  }
0x43: {  	_ =	swait.ge [sflag:s31], $0x4000  }
0x44: {  	[sflag:s31] =	ssyncset.done $0x0  }
0x45: {  	s6 =	simm.s32 $0x180;
	[sflag:s31] =	ssyncadd.s32 $0xFFFFC000  }
0x46: {  	[tilespmem:s24], [sflag:$0x2] =	stream.indirect.gather [hbm4b:s2+s21], $0x80, s6, s21, $0xb8;
	[tilespmem:$0x12800] =	vst v63  }
0x47: {  	s7 =	simm.s32 $0x1580  }
0x48: {  	[tilespmem:s26], [sflag:$0x2] =	stream.indirect.gather [hbm4b:s4+s21], $0x80, s7, s21, $0xb8;
	[tilespmem:$0x12800] =	vst v63  }
0x49: {  	_ =	swait.ge [sflag:s28], $0x4000  }
0x4a: {  	[sflag:s28] =	ssyncset.done $0x0  }
0x4b: {  	[sflag:s28] =	ssyncadd.s32 $0xFFFFC000  }
0x4c: {  	_ =	swait.ge [sflag:s28], $0x4000  }
0x4d: {  	s8 =	sadd.s32 s17, s16;
	[sflag:s28] =	ssyncset.done $0x0  }
0x4e: {  	s5 =	sadd.s32 $0x1000, s8;
	s6 =	sadd.s32 s18, s16;
	[sflag:s28] =	ssyncadd.s32 $0xFFFFC000  }
0x4f: {  	[hbm4b:s5+s3] =	stream.linear.scatter [tilespmem:s22], [sflag:$0x3], $0x4000, $0x38;
	[tilespmem:$0x12800] =	vst v63  }
0x50: {  	s9 =	sadd.s32 $0x1000, s6  }
0x51: {  	[hbm4b:s9+s3] =	stream.linear.scatter [tilespmem:s23], [sflag:$0x3], $0x4000, $0x38;
	[tilespmem:$0x12800] =	vst v63  }
0x52: {  	_ =	swait.ge [sflag:s29], $0x4000  }
0x53: {  	[sflag:s29] =	ssyncset.done $0x0  }
0x54: {  	[sflag:s29] =	ssyncadd.s32 $0xFFFFC000  }
0x55: {  	_ =	swait.ge [sflag:s29], $0x4000  }
0x56: {  	[sflag:s29] =	ssyncset.done $0x0  }
0x57: {  	s0 =	sadd.s32 $0x1800, s8;
	s7 =	sadd.s32 $0x1800, s6;
	[sflag:s29] =	ssyncadd.s32 $0xFFFFC000  }
0x58: {  	[hbm4b:s0+s3] =	stream.linear.scatter [tilespmem:s24], [sflag:$0x4], $0x4000, $0x38;
	[tilespmem:$0x12800] =	vst v63  }
0x59: {  	s6 =	sadd.s32 $0x1000, s18;
	s5 =	sadd.s32 $0x1000, s17;
	s0 =	simm.s32 $0x400  }
.LBB2_2:
0x5a: {  	[hbm4b:s7+s3] =	stream.linear.scatter [tilespmem:s26], [sflag:$0x4], $0x4000, $0x38;
	[tilespmem:$0x12800] =	vst v63  }
0x5b: {  	s7 =	smov.u32 s0  }
0x5c: {  	p0 =	sne.s32 s0, $0x4400;
	s0 =	sadd.s32 $0x400, s0;
	_ =	swait.ge [sflag:s30], $0x4000  }
0x5d: {  	[sflag:s30] =	ssyncset.done $0x0  }
0x5e: {  	[sflag:s30] =	ssyncadd.s32 $0xFFFFC000  }
0x5f: {  	_ =	swait.ge [sflag:s30], $0x4000  }
0x60: {  	s7 =	sshra.s32 s7, $0x2;
	[sflag:s30] =	ssyncset.done $0x0  }
0x61: {  	s8 =	sadd.s32 $0x100, s7;
	[sflag:s30] =	ssyncadd.s32 $0xFFFFC000  }
0x62: {  	[tilespmem:s22], [sflag:$0x1] =	stream.indirect.gather [hbm4b:s2+s21], $0x80, s8, s21, $0xb8;
	[tilespmem:$0x12800] =	vst v63  }
0x63: {  	s8 =	sadd.s32 $0x1500, s7  }
0x64: {  	[tilespmem:s23], [sflag:$0x1] =	stream.indirect.gather [hbm4b:s4+s21], $0x80, s8, s21, $0xb8;
	[tilespmem:$0x12800] =	vst v63  }
0x65: {  	_ =	swait.ge [sflag:s31], $0x4000  }
0x66: {  	[sflag:s31] =	ssyncset.done $0x0  }
0x67: {  	[sflag:s31] =	ssyncadd.s32 $0xFFFFC000  }
0x68: {  	_ =	swait.ge [sflag:s31], $0x4000  }
0x69: {  	[sflag:s31] =	ssyncset.done $0x0  }
0x6a: {  	s8 =	sadd.s32 $0x180, s7;
	[sflag:s31] =	ssyncadd.s32 $0xFFFFC000  }
0x6b: {  	[tilespmem:s24], [sflag:$0x2] =	stream.indirect.gather [hbm4b:s2+s21], $0x80, s8, s21, $0xb8;
	[tilespmem:$0x12800] =	vst v63  }
0x6c: {  	s7 =	sadd.s32 $0x1580, s7  }
0x6d: {  	[tilespmem:s26], [sflag:$0x2] =	stream.indirect.gather [hbm4b:s4+s21], $0x80, s7, s21, $0xb8;
	[tilespmem:$0x12800] =	vst v63  }
0x6e: {  	_ =	swait.ge [sflag:s28], $0x4000  }
0x6f: {  	[sflag:s28] =	ssyncset.done $0x0  }
0x70: {  	[sflag:s28] =	ssyncadd.s32 $0xFFFFC000  }
0x71: {  	_ =	swait.ge [sflag:s28], $0x4000  }
0x72: {  	s7 =	sadd.s32 s5, s16;
	[sflag:s28] =	ssyncset.done $0x0  }
0x73: {  	s9 =	sadd.s32 s6, s16;
	s8 =	sadd.s32 $0x1000, s7;
	[sflag:s28] =	ssyncadd.s32 $0xFFFFC000  }
0x74: {  	[hbm4b:s8+s3] =	stream.linear.scatter [tilespmem:s22], [sflag:$0x3], $0x4000, $0x38;
	[tilespmem:$0x12800] =	vst v63  }
0x75: {  	s8 =	sadd.s32 $0x1000, s9  }
0x76: {  	[hbm4b:s8+s3] =	stream.linear.scatter [tilespmem:s23], [sflag:$0x3], $0x4000, $0x38;
	[tilespmem:$0x12800] =	vst v63  }
0x77: {  	_ =	swait.ge [sflag:s29], $0x4000  }
0x78: {  	[sflag:s29] =	ssyncset.done $0x0  }
0x79: {  	[sflag:s29] =	ssyncadd.s32 $0xFFFFC000  }
.Ltmp0:
0x7a: {  	_ =	swait.ge [sflag:s29], $0x4000;
	(pc) =	sbr.rel @p0 .LBB2_2-.Ltmp0, $4  }
0x7b: {  	[sflag:s29] =	ssyncset.done $0x0  }
0x7c: {  	s7 =	sadd.s32 $0x1800, s7;
	[sflag:s29] =	ssyncadd.s32 $0xFFFFC000  }
0x7d: {  	[hbm4b:s7+s3] =	stream.linear.scatter [tilespmem:s24], [sflag:$0x4], $0x4000, $0x38;
	[tilespmem:$0x12800] =	vst v63  }
0x7e: {  	s6 =	sadd.s32 $0x1000, s6;
	s5 =	sadd.s32 $0x1000, s5;
	s7 =	sadd.s32 $0x1800, s9  }
0x7f: {  	[hbm4b:s7+s3] =	stream.linear.scatter [tilespmem:s26], [sflag:$0x4], $0x4000, $0x38;
	[tilespmem:$0x12800] =	vst v63  }
0x80: {  	_ =	swait.ge [sflag:s30], $0x4000  }
0x81: {  	[sflag:s30] =	ssyncset.done $0x0  }
0x82: {  	[sflag:s30] =	ssyncadd.s32 $0xFFFFC000  }
0x83: {  	_ =	swait.ge [sflag:s30], $0x4000  }
0x84: {  	[sflag:s30] =	ssyncset.done $0x0  }
0x85: {  	s0 =	simm.s32 $0x1300;
	[sflag:s30] =	ssyncadd.s32 $0xFFFFC000  }
0x86: {  	[tilespmem:s22], [sflag:$0x1] =	stream.indirect.gather [hbm4b:s2+s21], $0x80, s0, s21, $0xb8;
	[tilespmem:$0x12800] =	vst v63  }
0x87: {  	s7 =	simm.s32 $0x2700  }
0x88: {  	[tilespmem:s23], [sflag:$0x1] =	stream.indirect.gather [hbm4b:s4+s21], $0x80, s7, s21, $0xb8;
	[tilespmem:$0x12800] =	vst v63  }
0x89: {  	_ =	swait.ge [sflag:s28], $0x4000  }
0x8a: {  	[sflag:s28] =	ssyncset.done $0x0  }
0x8b: {  	[sflag:s28] =	ssyncadd.s32 $0xFFFFC000  }
0x8c: {  	_ =	swait.ge [sflag:s28], $0x4000  }
0x8d: {  	[sflag:s28] =	ssyncset.done $0x0  }
0x8e: {  	[sflag:s28] =	ssyncadd.s32 $0xFFFFC000  }
0x8f: {  	[hbm4b:s11+s3] =	stream.linear.scatter [tilespmem:s22], [sflag:$0x3], $0x4000, $0x38;
	[tilespmem:$0x12800] =	vst v63  }
0x90: {  	_ = 	snop  }
0x91: {  	[hbm4b:s12+s3] =	stream.linear.scatter [tilespmem:s23], [sflag:$0x3], $0x4000, $0x38;
	[tilespmem:$0x12800] =	vst v63  }
0x92: {  	_ =	swait.ge [sflag:s30], $0x4000  }
0x93: {  	[sflag:s30] =	ssyncset.done $0x0  }
0x94: {  	[sflag:s30] =	ssyncadd.s32 $0xFFFFC000  }
0x95: {  	_ =	swait.ge [sflag:s30], $0x4000  }
0x96: {  	[sflag:s30] =	ssyncset.done $0x0  }
0x97: {  	[sflag:s30] =	ssyncadd.s32 $0xFFFFC000  }
0x98: {  	_ =	swait.ge [sflag:s31], $0x4000  }
0x99: {  	[sflag:s31] =	ssyncset.done $0x0  }
0x9a: {  	[sflag:s31] =	ssyncadd.s32 $0xFFFFC000  }
0x9b: {  	_ =	swait.ge [sflag:s31], $0x4000  }
0x9c: {  	[sflag:s31] =	ssyncset.done $0x0  }
0x9d: {  	s8 =	simm.s32 $0x1380;
	[sflag:s31] =	ssyncadd.s32 $0xFFFFC000  }
0x9e: {  	[tilespmem:s22], [sflag:$0x1] =	stream.indirect.gather [hbm4b:s2+s25], $0x80, s8, s25, $0xb8;
	[tilespmem:$0x12800] =	vst v63  }
0x9f: {  	s9 =	simm.s32 $0x2780  }
0xa0: {  	[tilespmem:s23], [sflag:$0x1] =	stream.indirect.gather [hbm4b:s4+s25], $0x80, s9, s25, $0xb8;
	[tilespmem:$0x12800] =	vst v63  }
0xa1: {  	_ =	swait.ge [sflag:s28], $0x400  }
0xa2: {  	[sflag:s28] =	ssyncset.done $0x0  }
0xa3: {  	[sflag:s28] =	ssyncadd.s32 $0xFFFFFC00  }
0xa4: {  	_ =	swait.ge [sflag:s28], $0x400  }
0xa5: {  	[sflag:s28] =	ssyncset.done $0x0  }
0xa6: {  	[sflag:s28] =	ssyncadd.s32 $0xFFFFFC00  }
0xa7: {  	[hbm4b:s13+s3] =	stream.linear.scatter [tilespmem:s22], [sflag:$0x5], $0x400, $0x38;
	[tilespmem:$0x12800] =	vst v63  }
0xa8: {  	s1 =	sadd.s32 $0x1, s1;
	_ =	swait.ge [sflag:s19], $0x400  }
0xa9: {  	p0 =	sne.s32 s1, s15;
	[sflag:s19] =	ssyncset.done $0x0  }
.Ltmp1:
0xaa: {  	[sflag:s19] =	ssyncadd.s32 $0xFFFFFC00;
	(pc) =	sbr.rel @p0 .LBB2_1-.Ltmp1, $4  }
0xab: {  	[hbm4b:s14+s3] =	stream.linear.scatter [tilespmem:s23], [sflag:$0x5], $0x400, $0x38;
	[tilespmem:$0x12800] =	vst v63  }
0xac: {  	_ =	swait.ge [sflag:s19], $0x400  }
0xad: {  	[sflag:s19] =	ssyncset.done $0x0  }
0xae: {  	[sflag:s19] =	ssyncadd.s32 $0xFFFFFC00  }
0xaf: {  	_ =	sfence.sel $0x180000  }
0xb0: {  	[bflag:$0x0] =	sbarrier.arrive $0xFFFF  }
0xb1: {  	_ =	strace $0x90000047  }
0xb2: {  	s0 =	stileid.u32;
	[bflag:$0x2] =	sbarrier.arrive $0xFFFF  }
0xb3: {  	p0 =	sne.s32 s0, $0x0;
	s0 =	rddreg [dreg:$0x2]  }
0xb4: {  	s0 =	sadd.s32 @!p0 $0x100000, s0  }
0xb5: {  	[sflag:s0] =	ssyncadd.tile.s32 @!p0 $0x1;
	_ =	shalt  }
.Lfunc_end2:
_tile_overlayer_lowered:
.L_overlay_start_2:
0xb6: {  	(tag) =	ssettag $0x2  }
0xb7: {  	s0 =	rddreg [dreg:$0x0];
	s2 =	stileid.u32  }
0xb8: {  	s1 =	rddreg [dreg:$0x1];
	p0 =	sne.s32 s2, $0x0  }
0xb9: {  	s3 =	rddreg [dreg:$0x2];
	[bflag:$0x3] =	sbarrier.arrive $0xFFFF;
	s2 =	simm.s32 @!p0 $0x1C05  }
0xba: {  	[timem:s3], [sflag:s2] =	dma.local @!p0 [hbm:s0], s1  }
0xbb: {  	s0 =	simm.s32 @!p0 $0x5  }
0xbc: {  	_ =	swait.ge @!p0 [sflag:s0], s1  }
0xbd: {  	s1 =	ssub.s32 @!p0 $0x0, s1;
	[sflag:s0] =	ssyncset.done @!p0 $0x0  }
0xbe: {  	[sflag:s0] =	ssyncadd.s32 @!p0 s1  }
0xbf: {  	[bflag:$0x3] =	sbarrier.arrive $0xFFFF  }
0xc0: {  	_ =	shalt  }

// kernel: kernel.16.cloned.1.call-start
scs
__scs_entry_jumppad:
0x0: {  	(pc) =	sbr.rel $0x88, $3  }
0x1: {  	(tag) =	ssettag $0x0;
	lr =	simm.s32 $0x1  }
0x2: {  	[smem:$0x3F87] =	sst lr;
	_ =	strace $0xD0000000  }
0x3: {  	_ = 	snop  }
0x4: {  	_ = 	snop  }
0x5: {  	_ = 	snop  }
0x6: {  	_ = 	snop  }
0x7: {  	_ = 	snop  }
__scs_overlays_trampoline_lowered:
0x8: {  	[smem:$0x3F96] =	sst s0  }
0x9: {  	[smem:$0x3F97] =	sst s1  }
0xa: {  	[smem:$0x3F98] =	sst s2  }
0xb: {  	[smem:$0x3F99] =	sst s3  }
0xc: {  	[smem:$0x3F9A] =	sst s4  }
0xd: {  	[smem:$0x3F9B] =	sst s5  }
0xe: {  	[smem:$0x3F9C] =	sst s6  }
0xf: {  	[smem:$0x3F9D] =	sst s7  }
0x10: {  	[smem:$0x3F9E] =	sst s8  }
0x11: {  	[smem:$0x3F9F] =	sst s9;
	s0 =	simm.s32 @!p0 $0x0  }
0x12: {  	s1 =	sld [smem:$0x3F85];
	s0 =	simm.s32 @p0 $0x1  }
0x13: {  	[smem:$0x3FA0] =	sst s0;
	s0 =	simm.s32 @!p1 $0x0  }
0x14: {  	s2 =	sld [smem:$0x3F84];
	s0 =	simm.s32 @p1 $0x1  }
0x15: {  	[smem:$0x3FA1] =	sst s0;
	s0 =	simm.s32 @!p2 $0x0  }
0x16: {  	s3 =	sld [smem:$0x3FDB];
	s0 =	simm.s32 @p2 $0x1  }
0x17: {  	s4 =	simm.s32 $0x1BF5;
	[smem:$0x3FA3] =	sst s0  }
0x18: {  	s0 =	sld [smem:$0x3F86];
	_ =	swait.ge [sflag:s4], $0x0  }
0x19: {  	s7 =	sld [smem:$0x3F87]  }
0x1a: {  	s8 =	sadd.s32 $0xFFFFE003, lr  }
0x1b: {  	s9 =	sadd.s32 $0xFFFFFEF7, lr;
	s5 =	simm.s32 $0xFFFFFFFF;
	p2 =	slt.u32 s8, $0xFFFFF086  }
0x1c: {  	p1 =	slt.u32 s9, $0xF7A;
	s5 =	simm.s32 @!p2 $0x0  }
0x1d: {  	s5 =	simm.s32 @p1 $0x1;
	p0 =	seq.s32 s7, s2  }
0x1e: {  	s7 =	smul.u32 @!p0 $0xF7A, s2;
	p2 =	seq.s32 @!p0 s5, $0x0  }
0x1f: {  	s9 =	smul.u32 $0xF7A, s1;
	s8 =	simm.s32 @!p0 $0x1BF5;
	p2 =	por !p2, p0  }
0x20: {  	[sflag:s8] =	ssyncset.s32 @!p0 $0xFFFFF086;
	s6 =	sadd.s32 @!p0 s3, s7;
	s7 =	simm.s32 @!p0 $0x108  }
0x21: {  	s3 =	sadd.s32 s3, s9;
	s6 =	sadd.s32 @!p0 $0x88, s6;
	s7 =	simm.s32 @p2 $0x1082  }
0x22: {  	[simem:s7], [sflag:s8] =	dma.local @!p0 [hbm:s6], $0xF7A  }
0x23: {  	s9 =	sor.u32 $0xD0000000, s2;
	s6 =	simm.s32 $0x108;
	_ =	swait.ge @!p0 [sflag:s8], $0x0  }
0x24: {  	s3 =	sadd.s32 $0x88, s3;
	s6 =	simm.s32 @!p1 $0x1082;
	[sflag:s4] =	ssyncset.s32 $0xFFFFF086  }
0x25: {  	[simem:s6], [sflag:s4] =	dma.local [hbm:s3], $0xF7A  }
0x26: {  	[smem:$0x3F87] =	sst s1;
	(tag) =	ssettag s2;
	_ =	strace s9  }
0x27: {  	s1 =	sld [smem:$0x3F97]  }
0x28: {  	s2 =	sld [smem:$0x3F98]  }
0x29: {  	s4 =	sld [smem:$0x3F9A]  }
0x2a: {  	p0 =	seq.s32 s5, $0x0;
	s5 =	sld [smem:$0x3F9B]  }
0x2b: {  	s6 =	sld [smem:$0x3F9C]  }
0x2c: {  	s7 =	sld [smem:$0x3F9D]  }
0x2d: {  	s3 =	simm.s32 $0x108;
	s8 =	sld [smem:$0x3F9E]  }
0x2e: {  	s3 =	simm.s32 @!p0 $0x1082;
	s9 =	sld [smem:$0x3F9F]  }
0x2f: {  	lr =	sadd.s32 s0, s3;
	s0 =	sld [smem:$0x3F96]  }
0x30: {  	s3 =	sld [smem:$0x3F99]  }
0x31: {  	[smem:$0x3FA2] =	sst s10  }
0x32: {  	s10 =	sld [smem:$0x3FA0];
	_ =	sdelay $0x3  }
0x33: {  	p0 =	seq.s32 s10, $0x1;
	s10 =	sld [smem:$0x3FA2];
	_ =	sdelay $0x3  }
0x34: {  	[smem:$0x3FA2] =	sst s10  }
0x35: {  	s10 =	sld [smem:$0x3FA1];
	_ =	sdelay $0x3  }
0x36: {  	p1 =	seq.s32 s10, $0x1;
	s10 =	sld [smem:$0x3FA2];
	_ =	sdelay $0x3  }
0x37: {  	[smem:$0x3FA2] =	sst s10  }
0x38: {  	s10 =	sld [smem:$0x3FA3]  }
0x39: {  	_ = 	snop;
	(pc) =	sbr.ind lr, $3  }
0x3a: {  	_ = 	snop  }
0x3b: {  	_ = 	snop  }
0x3c: {  	p2 =	seq.s32 s10, $0x1;
	s10 =	sld [smem:$0x3FA2]  }
0x3d: {  	_ =	shalt  }
0x3e: {  	_ =	shalt  }
0x3f: {  	_ =	shalt  }
0x40: {  	_ =	shalt  }
0x41: {  	_ =	shalt  }
0x42: {  	_ =	shalt  }
0x43: {  	_ =	shalt  }
0x44: {  	_ =	shalt  }
0x45: {  	_ =	shalt  }
0x46: {  	_ =	shalt  }
0x47: {  	_ =	shalt  }
0x48: {  	_ =	shalt  }
0x49: {  	_ =	shalt  }
0x4a: {  	_ =	shalt  }
0x4b: {  	_ =	shalt  }
0x4c: {  	_ =	shalt  }
0x4d: {  	_ =	shalt  }
0x4e: {  	_ =	shalt  }
0x4f: {  	_ =	shalt  }
0x50: {  	_ =	shalt  }
0x51: {  	_ =	shalt  }
0x52: {  	_ =	shalt  }
0x53: {  	_ =	shalt  }
0x54: {  	_ =	shalt  }
0x55: {  	_ =	shalt  }
0x56: {  	_ =	shalt  }
0x57: {  	_ =	shalt  }
0x58: {  	_ =	shalt  }
0x59: {  	_ =	shalt  }
0x5a: {  	_ =	shalt  }
0x5b: {  	_ =	shalt  }
0x5c: {  	_ =	shalt  }
0x5d: {  	_ =	shalt  }
0x5e: {  	_ =	shalt  }
0x5f: {  	_ =	shalt  }
0x60: {  	_ =	shalt  }
0x61: {  	_ =	shalt  }
0x62: {  	_ =	shalt  }
0x63: {  	_ =	shalt  }
0x64: {  	_ =	shalt  }
0x65: {  	_ =	shalt  }
0x66: {  	_ =	shalt  }
0x67: {  	_ =	shalt  }
0x68: {  	_ =	shalt  }
0x69: {  	_ =	shalt  }
0x6a: {  	_ =	shalt  }
0x6b: {  	_ =	shalt  }
0x6c: {  	_ =	shalt  }
0x6d: {  	_ =	shalt  }
0x6e: {  	_ =	shalt  }
0x6f: {  	_ =	shalt  }
0x70: {  	_ =	shalt  }
0x71: {  	_ =	shalt  }
0x72: {  	_ =	shalt  }
0x73: {  	_ =	shalt  }
0x74: {  	_ =	shalt  }
0x75: {  	_ =	shalt  }
0x76: {  	_ =	shalt  }
0x77: {  	_ =	shalt  }
0x78: {  	_ =	shalt  }
0x79: {  	_ =	shalt  }
0x7a: {  	_ =	shalt  }
0x7b: {  	_ =	shalt  }
0x7c: {  	_ =	shalt  }
0x7d: {  	_ =	shalt  }
0x7e: {  	_ =	shalt  }
0x7f: {  	_ =	shalt  }
0x80: {  	_ =	shalt  }
0x81: {  	_ =	shalt  }
0x82: {  	_ =	shalt  }
0x83: {  	_ =	shalt  }
0x84: {  	_ =	shalt  }
0x85: {  	_ =	shalt  }
0x86: {  	_ =	shalt  }
0x87: {  	_ =	shalt  }
.Lfunc_end0:
.L_simem_size_0:
called_computation.1_lowered:
.L_overlay_start_0:
0x88: {  	s2 =	sld [smem:$0x3FD9]  }
0x89: {  	s3 =	sld [smem:$0x3FFE];
	_ =	sdelay $0x1  }
0x8a: {  	s1 =	srdreg.scid  }
0x8b: {  	s0 =	sand.u32 $0x1, s1  }
0x8c: {  	s14 =	sshll.u32 s0, $0xA;
	s2 =	sadd.s32 s3, s2  }
0x8d: {  	s2 =	sadd.s32 s2, s14  }
0x8e: {  	[smem:$0x3FAE] =	sst s2  }
0x8f: {  	_ = 	snop  }
0x90: {  	s2 =	sld [smem:$0x3FD0];
	_ =	sdelay $0x2  }
0x91: {  	s15 =	simm.s32 $0xA;
	s4 =	simm.s32 $0x10  }
0x92: {  	[smem:s4], [sflag:s15] =	dma.local [hbm:s2], $0x1  }
0x93: {  	_ =	swait.eq [sflag:s15], $0x1  }
0x94: {  	[sflag:s15] =	ssyncset.done $0x0  }
0x95: {  	[sflag:s15] =	ssyncadd.s32 $0xFFFFFFFF  }
0x96: {  	s16 =	sld [smem:$0x11];
	(tm) =	ssettm $0x1  }
0x97: {  	s17 =	sld [smem:$0x3FFB];
	_ =	sdelay $0x3  }
0x98: {  	_ =	strace s17  }
0x99: {  	s3 =	sld [smem:$0x3FFC];
	_ =	sdelay $0x3  }
0x9a: {  	_ =	strace s3  }
0x9b: {  	s3 =	sld [smem:$0x3FFD];
	_ =	sdelay $0x3  }
0x9c: {  	_ =	strace s3  }
0x9d: {  	_ =	strace $0x8FFFFFFF  }
0x9e: {  	s18 =	sld [smem:$0x3FDB];
	_ =	sdelay $0x1  }
0x9f: {  	s19 =	simm.s32 $_scs_section_size  }
0xa0: {  	s5 =	simm.s32 $_size__tile_overlayer_lowered;
	s6 =	simm.s32 $_tile_overlayer_lowered  }
0xa1: {  	s22 =	simm.s32 $0x1BFF;
	s21 =	sshll.u32 s6, $0x1;
	s3 =	sadd.s32 s19, s18  }
0xa2: {  	s7 =	simm.s32 $0x0;
	s20 =	sshll.u32 s5, $0x1;
	s5 =	sadd.s32 s21, s3  }
0xa3: {  	[timem:s7], [sflag:s22] =	dma.local [hbm:s5], s20  }
0xa4: {  	_ =	swait.ge [sflag:s22], s20  }
0xa5: {  	s4 =	ssub.s32 $0x0, s20;
	[sflag:s22] =	ssyncset.done $0x0  }
0xa6: {  	[sflag:s22] =	ssyncadd.s32 s4;
	_ =	sdelay $0x1  }
0xa7: {  	s23 =	simm.s32 $0x1B8B  }
0xa8: {  	_ =	swait.ge [sflag:s23], $0x1  }
0xa9: {  	[sflag:s23] =	ssyncset.done $0x0  }
0xaa: {  	s25 =	simm.s32 $0x1B8E;
	s24 =	sld [smem:$0x3FFE];
	[sflag:s23] =	ssyncadd.s32 $0xFFFFFFFF  }
0xab: {  	s26 =	simm.s32 $execute0_lowered;
	[smem:$0x3FD2] =	sst s25  }
0xac: {  	s5 =	sshll.u32 s26, $0x1;
	_ =	strace $0x80000049;
	[dreg:$0x1] =	wrdreg $0xFFFFFFFF  }
0xad: {  	s28 =	simm.s32 $_size_execute0_lowered;
	s3 =	sadd.s32 s3, s5;
	[dreg:$0x0] =	wrdreg $0x0  }
0xae: {  	s5 =	sshll.u32 s28, $0x1;
	[dreg:$0x2] =	wrdreg s3  }
0xaf: {  	[dreg:$0x3] =	wrdreg s5  }
0xb0: {  	[dreg:$0x4] =	wrdreg $0xC0  }
0xb1: {  	_ =	task [dreg:s7], $0x5FFFF  }
0xb2: {  	[dreg:$0x1] =	wrdreg $0xFFFFFFFF  }
0xb3: {  	[dreg:$0x0] =	wrdreg $0x60  }
0xb4: {  	[dreg:$0x2] =	wrdreg s16  }
0xb5: {  	[dreg:$0x3] =	wrdreg s24  }
0xb6: {  	[dreg:$0x4] =	wrdreg $0x81000  }
0xb7: {  	[dreg:$0x5] =	wrdreg $0x9  }
0xb8: {  	_ =	task.clear_ibuf [dreg:s7], $0x6FFFF;
	_ =	strace $0x90000049  }
0xb9: {  	s29 =	simm.s32 $0x9;
	_ =	strace $0x8000004B  }
0xba: {  	_ =	swait.ge [sflag:s29], $0x1  }
0xbb: {  	[sflag:s29] =	ssyncadd.s32 $0xFFFFFFFF  }
0xbc: {  	_ =	strace $0x9000004B  }
0xbd: {  	_ =	sfence  }
0xbe: {  	s30 =	sld [smem:$0x0];
	_ =	sdelay $0x2  }
0xbf: {  	s31 =	sshll.u32 s1, $0xD;
	s1 =	sshrl.u32 s1, $0x2  }
0xc0: {  	s3 =	sand.u32 $0x4000, s31;
	s1 =	sadd.s32 s1, s30  }
0xc1: {  	s0 =	sor.u32 s3, s0;
	s1 =	sshll.u32 s1, $0x11  }
0xc2: {  	s0 =	sor.u32 s1, s0  }
0xc3: {  	s0 =	sadd.s32 $0x8F2B, s0  }
0xc4: {  	[sflag:s0] =	ssyncadd.remote.s32 $0x1  }
0xc5: {  	_ =	sfence.sel $0xFFFF  }
0xc6: {  	[dreg:$0x0] =	wrdreg $0xFFFFFFFF;
	(pc) =	sbr.abs _section_cstart, $3  }
0xc7: {  	[dreg:$0x1] =	wrdreg $0xFFFFFFFF  }
0xc8: {  	_ =	task.clear_ibuf [dreg:s7], $0x2FFFF;
	_ =	strace $0x9FFFFFFF  }
0xc9: {  	(tm) =	ssettm $0x7FFFFFFF  }
tec
execute0_lowered:
.L_overlay_start_1:
0x0: {  	(tag) =	ssettag $0x1  }
0x1: {  	s1 =	rddreg [dreg:$0x0]  }
0x2: {  	s0 =	rddreg [dreg:$0x1]  }
0x3: {  	s2 =	rddreg [dreg:$0x2];
	s4 =	simm.s32 $0x0;
	s5 =	srdreg.scid  }
0x4: {  	s3 =	stileid.u32;
	s28 =	simm.s32 $0x2;
	s29 =	simm.s32 $0x3  }
0x5: {  	s30 =	simm.s32 $0x4;
	s31 =	simm.s32 $0x5;
	[smem:$0x7FF] =	sst s4  }
0x6: {  	s7 =	sand.u32 $0x1, s5;
	s8 =	smul.u32 $0x4E000, s3;
	s12 =	sadd.s32 $0x6000, s0  }
0x7: {  	s5 =	sadd.s32 $0x10000, s0;
	s0 =	sadd.s32 $0x12800, s0;
	s20 =	sadd.s32 $0x124800, s2  }
0x8: {  	s16 =	sshll.u32 s3, $0x4;
	s17 =	sshll.u32 s3, $0xF;
	s11 =	sshll.u32 s3, $0x7  }
0x9: {  	p0 =	seq.s32 s3, $0xF;
	p1 =	sgt.u32 s3, $0x1;
	_ =	strace $0x8000004A  }
0xa: {  	s6 =	ssub.s32 $0x2, s7;
	s14 =	sshll.u32 s7, $0xA;
	s18 =	sor.u32 $0x800, s11  }
0xb: {  	s7 =	sshll.u32 s7, $0x7;
	s22 =	sor.u32 $0x27000, s11;
	[dreg:$0x4] =	wrdreg s20  }
0xc: {  	s20 =	sshrl.u32 @p0 s20, $0x3;
	s9 =	sshrl.u32 s6, $0x1;
	s15 =	sshrl.u32 s8, $0x2  }
0xd: {  	s8 =	sadd.s32 s12, s16;
	s19 =	sor.u32 s14, s17;
	s16 =	sshll.u32 s18, $0x8  }
0xe: {  	s7 =	sadd.s32 s7, s0;
	s17 =	sshll.u32 s22, $0x8;
	s24 =	sshrl.u32 s22, $0x3  }
0xf: {  	s22 =	simm.s32 $0x800;
	s13 =	ssub.s32 s6, s9;
	s6 =	sadd.s32 s15, s2  }
0x10: {  	s10 =	sshrl.u32 s19, $0x3;
	s15 =	sshrl.u32 s18, $0x3;
	s21 =	sor.u32 s14, s16  }
0x11: {  	s18 =	smul.u32 $0x27000, s3;
	s7 =	sadd.s32 $0x49200, s7;
	s23 =	sor.u32 s14, s17  }
0x12: {  	s26 =	sor.u32 $0x180000, s19;
	s17 =	sadd.s32 $0x300, s8;
	s19 =	sor.u32 $0x100000, s19  }
0x13: {  	s9 =	sadd.s32 s1, s10;
	s10 =	sadd.s32 s12, s15;
	s15 =	sshrl.u32 s21, $0x3  }
0x14: {  	[dreg:$0x5] =	wrdreg s7;
	s7 =	sshrl.u32 s23, $0x3;
	s12 =	sadd.s32 s12, s24  }
0x15: {  	s16 =	smax.u32 s13, $0x1;
	s21 =	simm.s32 $0x400;
	s23 =	simm.s32 $0x80  }
.Ltmp0:
0x16: {  	s24 =	simm.s32 $0x4080;
	s14 =	sor.u32 s14, s18;
	(pc) =	sbr.rel .LBB2_1-.Ltmp0, $4  }
0x17: {  	[dreg:$0x6] =	wrdreg s12;
	s7 =	sadd.s32 s1, s7;
	s25 =	sshrl.u32 s14, $0x3  }
0x18: {  	s11 =	sadd.s32 s1, s15;
	[dreg:$0x7] =	wrdreg s7;
	s0 =	sadd.s32 s0, s25  }
0x19: {  	s7 =	simm.s32 $0x0;
	[dreg:$0x8] =	wrdreg s0;
	s0 =	sshrl.u32 s26, $0x3  }
0x1a: {  	s25 =	simm.s32 $0x4100;
	s26 =	simm.s32 $0x1;
	s18 =	sadd.s32 s0, s1  }
.LBB2_7:
0x1b: {  	s0 =	rddreg [dreg:$0x4]  }
0x1c: {  	s3 =	rddreg [dreg:$0x5];
	s12 =	simm.s32 $0x8  }
0x1d: {  	s13 =	simm.s32 $0x100;
	s14 =	simm.s32 $0x1FC5;
	s0 =	sshrl.u32 s0, $0x3  }
0x1e: {  	[hbm:s3@s13], [sflag:s14] =	dma.strided [spmem:s0@s23], $0x2800, s12, $0x10   }
0x1f: {  	_ =	swait.ge [sflag:s31], $0x2800  }
0x20: {  	[sflag:s31] =	ssyncset.done $0x0  }
0x21: {  	[sflag:s31] =	ssyncadd.s32 $0xFFFFD800  }
.LBB2_8:
0x22: {  	s7 =	sadd.s32 $0x1, s7  }
0x23: {  	p2 =	sne.s32 s7, s16  }
.Ltmp1:
0x24: {  	_ = 	snop;
	(pc) =	sbr.rel @!p2 .LBB2_9-.Ltmp1, $1  }
0x25: {  	_ =	sdelay $0x3  }
.LBB2_1:
0x26: {  	s0 =	simm.s32 @p0 $0x1FC5  }
0x27: {  	[spmem:s20], [sflag:s0] =	dma.local @p0 [hbm:s5], $0x2800  }
0x28: {  	s0 =	simm.s32 @p0 $0x5  }
0x29: {  	s3 =	stileid.u32;
	_ =	swait.ge @p0 [sflag:s0], $0x2800  }
0x2a: {  	s13 =	sshll.u32 @!p0 s3, $0x6;
	[sflag:s0] =	ssyncset.done @p0 $0x0  }
0x2b: {  	[sflag:s0] =	ssyncadd.s32 @p0 $0xFFFFD800;
	s0 =	sor.u32 @!p0 $0x1C05, s13;
	s13 =	sshrl.u32 @!p0 s6, $0x3  }
0x2c: {  	[spmem:s13], [sflag:s0] =	dma.local @!p0 [hbm:s5], $0x2700  }
0x2d: {  	s0 =	simm.s32 @!p0 $0x5  }
0x2e: {  	_ =	swait.ge @!p0 [sflag:s0], $0x2700  }
0x2f: {  	[sflag:s0] =	ssyncset.done @!p0 $0x0  }
0x30: {  	[sflag:s0] =	ssyncadd.s32 @!p0 $0xFFFFD900  }
0x31: {  	[bflag:$0x0] =	sbarrier.arrive $0xFFFF  }
0x32: {  	[tilespmem:s4], [sflag:$0x1] =	stream.linear.gather [hbm4b:s8+s4], $0x80, $0x38;
	[tilespmem:$0x1B980] =	vst v63  }
0x33: {  	_ = 	snop  }
0x34: {  	[tilespmem:s23], [sflag:$0x1] =	stream.strided.gather [hbm4b:s9+s21], $0x4000, s22, s21, $0x38;
	[tilespmem:$0x1B980] =	vst v63  }
0x35: {  	_ = 	snop  }
0x36: {  	[tilespmem:s24], [sflag:$0x2] =	stream.linear.gather [hbm4b:s10+s4], $0x80, $0x38;
	[tilespmem:$0x1B980] =	vst v63  }
0x37: {  	_ = 	snop  }
0x38: {  	[tilespmem:s25], [sflag:$0x2] =	stream.strided.gather [hbm4b:s11+s21], $0x4000, s22, s21, $0x38;
	[tilespmem:$0x1B980] =	vst v63  }
0x39: {  	_ =	swait.ge [sflag:s26], $0x80  }
0x3a: {  	[sflag:s26] =	ssyncset.done $0x0  }
0x3b: {  	[sflag:s26] =	ssyncadd.s32 $0xFFFFFF80  }
0x3c: {  	_ =	swait.ge [sflag:s26], $0x4000  }
0x3d: {  	[sflag:s26] =	ssyncset.done $0x0  }
0x3e: {  	[sflag:s26] =	ssyncadd.s32 $0xFFFFC000  }
0x3f: {  	[spmem:s2] =	stream.indirect.scatter.add.f32 [tilespmem:s23], [sflag:$0x3], $0x80, s4, s23, $0xb8;
	[tilespmem:$0x1B980] =	vst v63  }
0x40: {  	_ =	swait.ge [sflag:s28], $0x80  }
0x41: {  	[sflag:s28] =	ssyncset.done $0x0  }
0x42: {  	[sflag:s28] =	ssyncadd.s32 $0xFFFFFF80  }
0x43: {  	_ =	swait.ge [sflag:s28], $0x4000  }
0x44: {  	[sflag:s28] =	ssyncset.done $0x0  }
0x45: {  	[sflag:s28] =	ssyncadd.s32 $0xFFFFC000  }
0x46: {  	[spmem:s2] =	stream.indirect.scatter.add.f32 [tilespmem:s25], [sflag:$0x4], $0x80, s24, s23, $0xb8;
	[tilespmem:$0x1B980] =	vst v63  }
0x47: {  	_ =	swait.ge [sflag:s29], $0x4000  }
0x48: {  	[sflag:s29] =	ssyncset.done $0x0  }
0x49: {  	s12 =	sshrl.u32 s19, $0x3;
	s3 =	sadd.s32 $0xFFFFFF00, s17;
	[sflag:s29] =	ssyncadd.s32 $0xFFFFC000  }
0x4a: {  	[tilespmem:s4], [sflag:$0x1] =	stream.linear.gather [hbm4b:s3+s4], $0x80, $0x38;
	[tilespmem:$0x1B980] =	vst v63  }
0x4b: {  	s14 =	sadd.s32 s1, s12  }
0x4c: {  	[tilespmem:s23], [sflag:$0x1] =	stream.strided.gather [hbm4b:s14+s21], $0x4000, s22, s21, $0x38;
	[tilespmem:$0x1B980] =	vst v63  }
0x4d: {  	_ =	swait.ge [sflag:s30], $0x4000  }
0x4e: {  	[sflag:s30] =	ssyncset.done $0x0  }
0x4f: {  	[sflag:s30] =	ssyncadd.s32 $0xFFFFC000  }
0x50: {  	[tilespmem:s24], [sflag:$0x2] =	stream.linear.gather [hbm4b:s17+s4], $0x80, $0x38;
	[tilespmem:$0x1B980] =	vst v63  }
0x51: {  	s15 =	sadd.s32 $0x0, s18  }
0x52: {  	[tilespmem:s25], [sflag:$0x2] =	stream.strided.gather [hbm4b:s15+s21], $0x4000, s22, s21, $0x38;
	[tilespmem:$0x1B980] =	vst v63  }
0x53: {  	_ =	swait.ge [sflag:s26], $0x80  }
0x54: {  	[sflag:s26] =	ssyncset.done $0x0  }
0x55: {  	[sflag:s26] =	ssyncadd.s32 $0xFFFFFF80  }
0x56: {  	_ =	swait.ge [sflag:s26], $0x4000  }
0x57: {  	[sflag:s26] =	ssyncset.done $0x0  }
0x58: {  	[sflag:s26] =	ssyncadd.s32 $0xFFFFC000  }
0x59: {  	[spmem:s2] =	stream.indirect.scatter.add.f32 [tilespmem:s23], [sflag:$0x3], $0x80, s4, s23, $0xb8;
	[tilespmem:$0x1B980] =	vst v63  }
0x5a: {  	_ =	swait.ge [sflag:s28], $0x80  }
0x5b: {  	[sflag:s28] =	ssyncset.done $0x0  }
0x5c: {  	[sflag:s28] =	ssyncadd.s32 $0xFFFFFF80  }
0x5d: {  	_ =	swait.ge [sflag:s28], $0x4000  }
0x5e: {  	s13 =	simm.s32 $0x20000;
	[sflag:s28] =	ssyncset.done $0x0  }
0x5f: {  	s0 =	sadd.s32 $0x100000, s19;
	s14 =	sadd.s32 $0x200, s17;
	[sflag:s28] =	ssyncadd.s32 $0xFFFFC000  }
.LBB2_2:
0x60: {  	[spmem:s2] =	stream.indirect.scatter.add.f32 [tilespmem:s25], [sflag:$0x4], $0x80, s24, s23, $0xb8;
	[tilespmem:$0x1B980] =	vst v63  }
0x61: {  	s12 =	smov.u32 s13  }
0x62: {  	p2 =	sne.s32 s13, $0x4A0000;
	s13 =	sadd.s32 $0x20000, s13;
	_ =	swait.ge [sflag:s29], $0x4000  }
0x63: {  	[sflag:s29] =	ssyncset.done $0x0  }
0x64: {  	s15 =	sadd.s32 $0xFFFFFF00, s14;
	s3 =	sshrl.u32 s0, $0x3;
	[sflag:s29] =	ssyncadd.s32 $0xFFFFC000  }
0x65: {  	[tilespmem:s4], [sflag:$0x1] =	stream.linear.gather [hbm4b:s15+s4], $0x80, $0x38;
	[tilespmem:$0x1B980] =	vst v63  }
0x66: {  	s3 =	sadd.s32 s1, s3  }
0x67: {  	[tilespmem:s23], [sflag:$0x1] =	stream.strided.gather [hbm4b:s3+s21], $0x4000, s22, s21, $0x38;
	[tilespmem:$0x1B980] =	vst v63  }
0x68: {  	_ =	swait.ge [sflag:s30], $0x4000  }
0x69: {  	[sflag:s30] =	ssyncset.done $0x0  }
0x6a: {  	[sflag:s30] =	ssyncadd.s32 $0xFFFFC000  }
0x6b: {  	[tilespmem:s24], [sflag:$0x2] =	stream.linear.gather [hbm4b:s14+s4], $0x80, $0x38;
	[tilespmem:$0x1B980] =	vst v63  }
0x6c: {  	s3 =	sadd.s32 s12, s18  }
0x6d: {  	[tilespmem:s25], [sflag:$0x2] =	stream.strided.gather [hbm4b:s3+s21], $0x4000, s22, s21, $0x38;
	[tilespmem:$0x1B980] =	vst v63  }
0x6e: {  	_ =	swait.ge [sflag:s26], $0x80  }
0x6f: {  	[sflag:s26] =	ssyncset.done $0x0  }
0x70: {  	[sflag:s26] =	ssyncadd.s32 $0xFFFFFF80  }
0x71: {  	_ =	swait.ge [sflag:s26], $0x4000  }
0x72: {  	[sflag:s26] =	ssyncset.done $0x0  }
0x73: {  	[sflag:s26] =	ssyncadd.s32 $0xFFFFC000  }
0x74: {  	[spmem:s2] =	stream.indirect.scatter.add.f32 [tilespmem:s23], [sflag:$0x3], $0x80, s4, s23, $0xb8;
	[tilespmem:$0x1B980] =	vst v63  }
0x75: {  	_ =	swait.ge [sflag:s28], $0x80  }
.Ltmp2:
0x76: {  	[sflag:s28] =	ssyncset.done $0x0;
	(pc) =	sbr.rel @p2 .LBB2_2-.Ltmp2, $4  }
0x77: {  	[sflag:s28] =	ssyncadd.s32 $0xFFFFFF80  }
0x78: {  	_ =	swait.ge [sflag:s28], $0x4000  }
0x79: {  	[sflag:s28] =	ssyncset.done $0x0  }
0x7a: {  	s0 =	sadd.s32 $0x100000, s0;
	s14 =	sadd.s32 $0x200, s14;
	[sflag:s28] =	ssyncadd.s32 $0xFFFFC000  }
0x7b: {  	[spmem:s2] =	stream.indirect.scatter.add.f32 [tilespmem:s25], [sflag:$0x4], $0x80, s24, s23, $0xb8;
	[tilespmem:$0x1B980] =	vst v63  }
0x7c: {  	_ =	swait.ge [sflag:s29], $0x4000  }
.Ltmp3:
0x7d: {  	[sflag:s29] =	ssyncset.done $0x0;
	(pc) =	sbr.rel @p1 .LBB2_5-.Ltmp3, $4  }
0x7e: {  	[sflag:s29] =	ssyncadd.s32 $0xFFFFC000  }
0x7f: {  	_ =	swait.ge [sflag:s30], $0x4000  }
0x80: {  	[sflag:s30] =	ssyncset.done $0x0  }
0x81: {  	[sflag:s30] =	ssyncadd.s32 $0xFFFFC000  }
0x82: {  	s0 =	rddreg [dreg:$0x6]  }
0x83: {  	[tilespmem:s4], [sflag:$0x5] =	stream.linear.gather [hbm4b:s0+s4], $0x80, $0x38;
	[tilespmem:$0x1B980] =	vst v63  }
0x84: {  	_ =	swait.ge [sflag:s31], $0x80  }
0x85: {  	[sflag:s31] =	ssyncset.done $0x0  }
0x86: {  	s15 =	rddreg [dreg:$0x7];
	[sflag:s31] =	ssyncadd.s32 $0xFFFFFF80  }
0x87: {  	[tilespmem:s23], [sflag:$0x5] =	stream.strided.gather [hbm4b:s15+s21], $0x4000, s22, s21, $0x38;
	[tilespmem:$0x1B980] =	vst v63  }
0x88: {  	_ =	swait.ge [sflag:s31], $0x4000  }
0x89: {  	[sflag:s31] =	ssyncset.done $0x0  }
0x8a: {  	[sflag:s31] =	ssyncadd.s32 $0xFFFFC000  }
0x8b: {  	[spmem:s2] =	stream.indirect.scatter.add.f32 [tilespmem:s23], [sflag:$0x5], $0x80, s4, s23, $0xb8;
	[tilespmem:$0x1B980] =	vst v63  }
.Ltmp4:
0x8c: {  	_ =	swait.ge [sflag:s31], $0x4000;
	(pc) =	sbr.rel .LBB2_6-.Ltmp4, $3  }
0x8d: {  	[sflag:s31] =	ssyncset.done $0x0  }
0x8e: {  	[sflag:s31] =	ssyncadd.s32 $0xFFFFC000  }
0x8f: {  	[bflag:$0x0] =	sbarrier.arrive $0xFFFF;
	_ =	sdelay $0x1  }
.LBB2_5:
.Ltmp5:
0x90: {  	(pc) =	sbr.rel @p0 .LBB2_7-.Ltmp5, $2  }
0x91: {  	_ =	sdelay $0x1  }
0x92: {  	[bflag:$0x0] =	sbarrier.arrive $0xFFFF;
	_ =	sdelay $0x1  }
.LBB2_6:
0x93: {  	s0 =	stileid.u32;
	s3 =	sshrl.u32 s6, $0x3  }
0x94: {  	s12 =	rddreg [dreg:$0x8];
	s13 =	simm.s32 $0x8;
	s0 =	sshll.u32 s0, $0x6  }
.Ltmp6:
0x95: {  	s14 =	simm.s32 $0x100;
	s0 =	sor.u32 $0x1C05, s0;
	(pc) =	sbr.rel .LBB2_8-.Ltmp6, $4  }
0x96: {  	[hbm:s12@s14], [sflag:s0] =	dma.strided [spmem:s3@s23], $0x2700, s13, $0x10   }
0x97: {  	_ =	swait.ge [sflag:s31], $0x2700  }
0x98: {  	[sflag:s31] =	ssyncset.done $0x0  }
0x99: {  	[sflag:s31] =	ssyncadd.s32 $0xFFFFD900  }
.LBB2_9:
0x9a: {  	_ =	sfence.sel $0x180000  }
0x9b: {  	[bflag:$0x0] =	sbarrier.arrive $0xFFFF  }
0x9c: {  	_ =	strace $0x9000004A  }
0x9d: {  	s0 =	stileid.u32;
	[bflag:$0x2] =	sbarrier.arrive $0xFFFF  }
0x9e: {  	p0 =	sne.s32 s0, $0x0;
	s0 =	rddreg [dreg:$0x3]  }
0x9f: {  	s0 =	sadd.s32 @!p0 $0x100000, s0  }
0xa0: {  	[sflag:s0] =	ssyncadd.tile.s32 @!p0 $0x1;
	_ =	shalt  }
.Lfunc_end2:
_tile_overlayer_lowered:
.L_overlay_start_2:
0xa1: {  	(tag) =	ssettag $0x2  }
0xa2: {  	s0 =	rddreg [dreg:$0x0];
	s2 =	stileid.u32  }
0xa3: {  	s1 =	rddreg [dreg:$0x1];
	p0 =	sne.s32 s2, $0x0  }
0xa4: {  	s3 =	rddreg [dreg:$0x2];
	[bflag:$0x3] =	sbarrier.arrive $0xFFFF;
	s2 =	simm.s32 @!p0 $0x1C05  }
0xa5: {  	[timem:s3], [sflag:s2] =	dma.local @!p0 [hbm:s0], s1  }
0xa6: {  	s0 =	simm.s32 @!p0 $0x5  }
0xa7: {  	_ =	swait.ge @!p0 [sflag:s0], s1  }
0xa8: {  	s1 =	ssub.s32 @!p0 $0x0, s1;
	[sflag:s0] =	ssyncset.done @!p0 $0x0  }
0xa9: {  	[sflag:s0] =	ssyncadd.s32 @!p0 s1  }
0xaa: {  	[bflag:$0x3] =	sbarrier.arrive $0xFFFF  }
0xab: {  	_ =	shalt  }

// kernel: kernel.19.cloned.1.call-start
scs
__scs_entry_jumppad:
0x0: {  	(pc) =	sbr.rel $0x88, $3  }
0x1: {  	(tag) =	ssettag $0x0;
	lr =	simm.s32 $0x1  }
0x2: {  	[smem:$0x3F87] =	sst lr;
	_ =	strace $0xD0000000  }
0x3: {  	_ = 	snop  }
0x4: {  	_ = 	snop  }
0x5: {  	_ = 	snop  }
0x6: {  	_ = 	snop  }
0x7: {  	_ = 	snop  }
__scs_overlays_trampoline_lowered:
0x8: {  	[smem:$0x3F96] =	sst s0  }
0x9: {  	[smem:$0x3F97] =	sst s1  }
0xa: {  	[smem:$0x3F98] =	sst s2  }
0xb: {  	[smem:$0x3F99] =	sst s3  }
0xc: {  	[smem:$0x3F9A] =	sst s4  }
0xd: {  	[smem:$0x3F9B] =	sst s5  }
0xe: {  	[smem:$0x3F9C] =	sst s6  }
0xf: {  	[smem:$0x3F9D] =	sst s7  }
0x10: {  	[smem:$0x3F9E] =	sst s8  }
0x11: {  	[smem:$0x3F9F] =	sst s9;
	s0 =	simm.s32 @!p0 $0x0  }
0x12: {  	s1 =	sld [smem:$0x3F85];
	s0 =	simm.s32 @p0 $0x1  }
0x13: {  	[smem:$0x3FA0] =	sst s0;
	s0 =	simm.s32 @!p1 $0x0  }
0x14: {  	s2 =	sld [smem:$0x3F84];
	s0 =	simm.s32 @p1 $0x1  }
0x15: {  	[smem:$0x3FA1] =	sst s0;
	s0 =	simm.s32 @!p2 $0x0  }
0x16: {  	s3 =	sld [smem:$0x3FDB];
	s0 =	simm.s32 @p2 $0x1  }
0x17: {  	s4 =	simm.s32 $0x1BF5;
	[smem:$0x3FA3] =	sst s0  }
0x18: {  	s0 =	sld [smem:$0x3F86];
	_ =	swait.ge [sflag:s4], $0x0  }
0x19: {  	s7 =	sld [smem:$0x3F87]  }
0x1a: {  	s8 =	sadd.s32 $0xFFFFE003, lr  }
0x1b: {  	s9 =	sadd.s32 $0xFFFFFEF7, lr;
	s5 =	simm.s32 $0xFFFFFFFF;
	p2 =	slt.u32 s8, $0xFFFFF086  }
0x1c: {  	p1 =	slt.u32 s9, $0xF7A;
	s5 =	simm.s32 @!p2 $0x0  }
0x1d: {  	s5 =	simm.s32 @p1 $0x1;
	p0 =	seq.s32 s7, s2  }
0x1e: {  	s7 =	smul.u32 @!p0 $0xF7A, s2;
	p2 =	seq.s32 @!p0 s5, $0x0  }
0x1f: {  	s9 =	smul.u32 $0xF7A, s1;
	s8 =	simm.s32 @!p0 $0x1BF5;
	p2 =	por !p2, p0  }
0x20: {  	[sflag:s8] =	ssyncset.s32 @!p0 $0xFFFFF086;
	s6 =	sadd.s32 @!p0 s3, s7;
	s7 =	simm.s32 @!p0 $0x108  }
0x21: {  	s3 =	sadd.s32 s3, s9;
	s6 =	sadd.s32 @!p0 $0x88, s6;
	s7 =	simm.s32 @p2 $0x1082  }
0x22: {  	[simem:s7], [sflag:s8] =	dma.local @!p0 [hbm:s6], $0xF7A  }
0x23: {  	s9 =	sor.u32 $0xD0000000, s2;
	s6 =	simm.s32 $0x108;
	_ =	swait.ge @!p0 [sflag:s8], $0x0  }
0x24: {  	s3 =	sadd.s32 $0x88, s3;
	s6 =	simm.s32 @!p1 $0x1082;
	[sflag:s4] =	ssyncset.s32 $0xFFFFF086  }
0x25: {  	[simem:s6], [sflag:s4] =	dma.local [hbm:s3], $0xF7A  }
0x26: {  	[smem:$0x3F87] =	sst s1;
	(tag) =	ssettag s2;
	_ =	strace s9  }
0x27: {  	s1 =	sld [smem:$0x3F97]  }
0x28: {  	s2 =	sld [smem:$0x3F98]  }
0x29: {  	s4 =	sld [smem:$0x3F9A]  }
0x2a: {  	p0 =	seq.s32 s5, $0x0;
	s5 =	sld [smem:$0x3F9B]  }
0x2b: {  	s6 =	sld [smem:$0x3F9C]  }
0x2c: {  	s7 =	sld [smem:$0x3F9D]  }
0x2d: {  	s3 =	simm.s32 $0x108;
	s8 =	sld [smem:$0x3F9E]  }
0x2e: {  	s3 =	simm.s32 @!p0 $0x1082;
	s9 =	sld [smem:$0x3F9F]  }
0x2f: {  	lr =	sadd.s32 s0, s3;
	s0 =	sld [smem:$0x3F96]  }
0x30: {  	s3 =	sld [smem:$0x3F99]  }
0x31: {  	[smem:$0x3FA2] =	sst s10  }
0x32: {  	s10 =	sld [smem:$0x3FA0];
	_ =	sdelay $0x3  }
0x33: {  	p0 =	seq.s32 s10, $0x1;
	s10 =	sld [smem:$0x3FA2];
	_ =	sdelay $0x3  }
0x34: {  	[smem:$0x3FA2] =	sst s10  }
0x35: {  	s10 =	sld [smem:$0x3FA1];
	_ =	sdelay $0x3  }
0x36: {  	p1 =	seq.s32 s10, $0x1;
	s10 =	sld [smem:$0x3FA2];
	_ =	sdelay $0x3  }
0x37: {  	[smem:$0x3FA2] =	sst s10  }
0x38: {  	s10 =	sld [smem:$0x3FA3]  }
0x39: {  	_ = 	snop;
	(pc) =	sbr.ind lr, $3  }
0x3a: {  	_ = 	snop  }
0x3b: {  	_ = 	snop  }
0x3c: {  	p2 =	seq.s32 s10, $0x1;
	s10 =	sld [smem:$0x3FA2]  }
0x3d: {  	_ =	shalt  }
0x3e: {  	_ =	shalt  }
0x3f: {  	_ =	shalt  }
0x40: {  	_ =	shalt  }
0x41: {  	_ =	shalt  }
0x42: {  	_ =	shalt  }
0x43: {  	_ =	shalt  }
0x44: {  	_ =	shalt  }
0x45: {  	_ =	shalt  }
0x46: {  	_ =	shalt  }
0x47: {  	_ =	shalt  }
0x48: {  	_ =	shalt  }
0x49: {  	_ =	shalt  }
0x4a: {  	_ =	shalt  }
0x4b: {  	_ =	shalt  }
0x4c: {  	_ =	shalt  }
0x4d: {  	_ =	shalt  }
0x4e: {  	_ =	shalt  }
0x4f: {  	_ =	shalt  }
0x50: {  	_ =	shalt  }
0x51: {  	_ =	shalt  }
0x52: {  	_ =	shalt  }
0x53: {  	_ =	shalt  }
0x54: {  	_ =	shalt  }
0x55: {  	_ =	shalt  }
0x56: {  	_ =	shalt  }
0x57: {  	_ =	shalt  }
0x58: {  	_ =	shalt  }
0x59: {  	_ =	shalt  }
0x5a: {  	_ =	shalt  }
0x5b: {  	_ =	shalt  }
0x5c: {  	_ =	shalt  }
0x5d: {  	_ =	shalt  }
0x5e: {  	_ =	shalt  }
0x5f: {  	_ =	shalt  }
0x60: {  	_ =	shalt  }
0x61: {  	_ =	shalt  }
0x62: {  	_ =	shalt  }
0x63: {  	_ =	shalt  }
0x64: {  	_ =	shalt  }
0x65: {  	_ =	shalt  }
0x66: {  	_ =	shalt  }
0x67: {  	_ =	shalt  }
0x68: {  	_ =	shalt  }
0x69: {  	_ =	shalt  }
0x6a: {  	_ =	shalt  }
0x6b: {  	_ =	shalt  }
0x6c: {  	_ =	shalt  }
0x6d: {  	_ =	shalt  }
0x6e: {  	_ =	shalt  }
0x6f: {  	_ =	shalt  }
0x70: {  	_ =	shalt  }
0x71: {  	_ =	shalt  }
0x72: {  	_ =	shalt  }
0x73: {  	_ =	shalt  }
0x74: {  	_ =	shalt  }
0x75: {  	_ =	shalt  }
0x76: {  	_ =	shalt  }
0x77: {  	_ =	shalt  }
0x78: {  	_ =	shalt  }
0x79: {  	_ =	shalt  }
0x7a: {  	_ =	shalt  }
0x7b: {  	_ =	shalt  }
0x7c: {  	_ =	shalt  }
0x7d: {  	_ =	shalt  }
0x7e: {  	_ =	shalt  }
0x7f: {  	_ =	shalt  }
0x80: {  	_ =	shalt  }
0x81: {  	_ =	shalt  }
0x82: {  	_ =	shalt  }
0x83: {  	_ =	shalt  }
0x84: {  	_ =	shalt  }
0x85: {  	_ =	shalt  }
0x86: {  	_ =	shalt  }
0x87: {  	_ =	shalt  }
.Lfunc_end0:
.L_simem_size_0:
called_computation.2_lowered:
.L_overlay_start_0:
0x88: {  	s2 =	sld [smem:$0x3FD9]  }
0x89: {  	s3 =	sld [smem:$0x3FFE];
	_ =	sdelay $0x1  }
0x8a: {  	s1 =	srdreg.scid  }
0x8b: {  	s0 =	sand.u32 $0x1, s1  }
0x8c: {  	s16 =	sshll.u32 s0, $0xA;
	s2 =	sadd.s32 s3, s2  }
0x8d: {  	s2 =	sadd.s32 s2, s16  }
0x8e: {  	[smem:$0x3FAE] =	sst s2  }
0x8f: {  	_ = 	snop  }
0x90: {  	(tm) =	ssettm $0x1  }
0x91: {  	s17 =	sld [smem:$0x3FFB];
	_ =	sdelay $0x3  }
0x92: {  	_ =	strace s17  }
0x93: {  	s2 =	sld [smem:$0x3FFC];
	_ =	sdelay $0x3  }
0x94: {  	_ =	strace s2  }
0x95: {  	s2 =	sld [smem:$0x3FFD];
	_ =	sdelay $0x3  }
0x96: {  	_ =	strace s2  }
0x97: {  	_ =	strace $0x8FFFFFFF  }
0x98: {  	s18 =	sld [smem:$0x3FDB];
	_ =	sdelay $0x1  }
0x99: {  	s19 =	simm.s32 $_scs_section_size  }
0x9a: {  	s4 =	simm.s32 $_size__tile_overlayer_lowered;
	s5 =	simm.s32 $_tile_overlayer_lowered  }
0x9b: {  	s22 =	simm.s32 $0x1BFF;
	s21 =	sshll.u32 s5, $0x1;
	s2 =	sadd.s32 s19, s18  }
0x9c: {  	s6 =	simm.s32 $0x0;
	s20 =	sshll.u32 s4, $0x1;
	s4 =	sadd.s32 s21, s2  }
0x9d: {  	[timem:s6], [sflag:s22] =	dma.local [hbm:s4], s20  }
0x9e: {  	_ =	swait.ge [sflag:s22], s20  }
0x9f: {  	s3 =	ssub.s32 $0x0, s20;
	[sflag:s22] =	ssyncset.done $0x0  }
0xa0: {  	[sflag:s22] =	ssyncadd.s32 s3;
	_ =	sdelay $0x1  }
0xa1: {  	s23 =	simm.s32 $0x1B8B  }
0xa2: {  	_ =	swait.ge [sflag:s23], $0x1  }
0xa3: {  	[sflag:s23] =	ssyncset.done $0x0  }
0xa4: {  	s25 =	simm.s32 $0x1B8E;
	s24 =	sld [smem:$0x3FFE];
	[sflag:s23] =	ssyncadd.s32 $0xFFFFFFFF  }
0xa5: {  	s26 =	simm.s32 $execute0_lowered;
	[smem:$0x3FD2] =	sst s25  }
0xa6: {  	s4 =	sshll.u32 s26, $0x1;
	_ =	strace $0x8000004C;
	[dreg:$0x1] =	wrdreg $0xFFFFFFFF  }
0xa7: {  	s28 =	simm.s32 $_size_execute0_lowered;
	s2 =	sadd.s32 s2, s4;
	[dreg:$0x0] =	wrdreg $0x0  }
0xa8: {  	s4 =	sshll.u32 s28, $0x1;
	[dreg:$0x2] =	wrdreg s2  }
0xa9: {  	[dreg:$0x3] =	wrdreg s4  }
0xaa: {  	[dreg:$0x4] =	wrdreg $0xC0  }
0xab: {  	_ =	task [dreg:s6], $0x5FFFF  }
0xac: {  	[dreg:$0x1] =	wrdreg $0xFFFFFFFF  }
0xad: {  	[dreg:$0x0] =	wrdreg $0x60  }
0xae: {  	[dreg:$0x2] =	wrdreg s24  }
0xaf: {  	[dreg:$0x3] =	wrdreg $0x9  }
0xb0: {  	_ =	task.clear_ibuf [dreg:s6], $0x4FFFF;
	_ =	strace $0x9000004C  }
0xb1: {  	s29 =	simm.s32 $0x9;
	_ =	strace $0x8000004E  }
0xb2: {  	_ =	swait.ge [sflag:s29], $0x1  }
0xb3: {  	[sflag:s29] =	ssyncadd.s32 $0xFFFFFFFF  }
0xb4: {  	_ =	strace $0x9000004E  }
0xb5: {  	_ =	sfence  }
0xb6: {  	s30 =	sld [smem:$0x0];
	_ =	sdelay $0x2  }
0xb7: {  	s31 =	sshll.u32 s1, $0xD;
	s1 =	sshrl.u32 s1, $0x2  }
0xb8: {  	s3 =	sand.u32 $0x4000, s31;
	s1 =	sadd.s32 s1, s30  }
0xb9: {  	s0 =	sor.u32 s3, s0;
	s1 =	sshll.u32 s1, $0x11  }
0xba: {  	s0 =	sor.u32 s1, s0  }
0xbb: {  	s0 =	sadd.s32 $0x8F2B, s0  }
0xbc: {  	[sflag:s0] =	ssyncadd.remote.s32 $0x1  }
0xbd: {  	_ =	sfence.sel $0xFFFF  }
0xbe: {  	[dreg:$0x0] =	wrdreg $0xFFFFFFFF;
	(pc) =	sbr.abs _section_cstart, $3  }
0xbf: {  	[dreg:$0x1] =	wrdreg $0xFFFFFFFF  }
0xc0: {  	_ =	task.clear_ibuf [dreg:s6], $0x2FFFF;
	_ =	strace $0x9FFFFFFF  }
0xc1: {  	(tm) =	ssettm $0x7FFFFFFF  }
tec
execute0_lowered:
.L_overlay_start_1:
0x0: {  	(tag) =	ssettag $0x1  }
0x1: {  	s0 =	srdreg.scid  }
0x2: {  	s13 =	stileid.u32;
	s1 =	rddreg [dreg:$0x0];
	s2 =	simm.s32 $0x0  }
0x3: {  	s19 =	simm.s32 $0x5;
	s20 =	simm.s32 $0x1400;
	s28 =	simm.s32 $0x1  }
0x4: {  	s29 =	simm.s32 $0x2;
	s30 =	simm.s32 $0x3;
	s31 =	simm.s32 $0x4  }
0x5: {  	s0 =	sand.u32 $0x1, s0;
	s3 =	sshll.u32 s13, $0x1;
	s26 =	smul.u32 $0x27100, s13  }
0x6: {  	[smem:$0x7FF] =	sst s2;
	s5 =	sor.u32 s0, s3;
	s16 =	smul.u32 $0x13880, s0  }
0x7: {  	s4 =	sadd.s32 $0x39A00, s1;
	s17 =	sadd.s32 $0x60C00, s1;
	s6 =	smul.u32 $0x1388, s5  }
0x8: {  	_ =	strace $0x8000004D;
	s7 =	ssub.s32 $0x2, s0;
	s8 =	smul.u32 $0x13880, s5  }
0x9: {  	s3 =	sadd.s32 $0x12800, s1;
	s9 =	sshrl.u32 s7, $0x1;
	s5 =	smul.u32 $0x9C400, s5  }
0xa: {  	s7 =	ssub.s32 s7, s9;
	s6 =	sshrl.u32 s6, $0x3;
	s22 =	sadd.s32 s17, s8  }
0xb: {  	s5 =	sshrl.u32 s5, $0x3;
	s15 =	smax.u32 s7, $0x1;
	s6 =	sadd.s32 s6, s1  }
0xc: {  	s1 =	sadd.s32 $0x2D1C00, s1;
	[dreg:$0x4] =	wrdreg s22;
	s24 =	sadd.s32 $0x800, s5  }
0xd: {  	s12 =	sadd.s32 $0x13000, s5;
	s5 =	sadd.s32 $0x13800, s5;
	s22 =	simm.s32 $0x2800  }
0xe: {  	s21 =	sadd.s32 $0xB000, s6;
	s6 =	sadd.s32 $0x6000, s6;
	s23 =	sadd.s32 s1, s8  }
0xf: {  	s25 =	sadd.s32 s17, s24;
	s10 =	sadd.s32 s1, s24;
	s11 =	sadd.s32 s17, s12  }
0x10: {  	s12 =	sadd.s32 s1, s12;
	s13 =	sadd.s32 s17, s5;
	[dreg:$0x2] =	wrdreg s21  }
0x11: {  	s14 =	sadd.s32 s1, s5;
	s17 =	sadd.s32 s26, s17;
	[dreg:$0x3] =	wrdreg s6  }
0x12: {  	s18 =	sadd.s32 s26, s1;
	s24 =	simm.s32 $0xA800;
	[dreg:$0x5] =	wrdreg s23  }
0x13: {  	s26 =	simm.s32 $0xE800;
	s1 =	simm.s32 $0x0;
	[dreg:$0x6] =	wrdreg s25  }
0x14: {  	s21 =	simm.s32 $0x80;
	s23 =	simm.s32 $0x6800;
	s25 =	simm.s32 $0x8  }
.LBB2_1:
0x15: {  	s0 =	rddreg [dreg:$0x2]  }
0x16: {  	[tilespmem:s2], [sflag:$0x5] =	stream.linear.gather [hbm4b:s0+s2], $0x1388, $0x38;
	[tilespmem:$0x12800] =	vst v63  }
0x17: {  	_ =	swait.ge [sflag:s19], $0x1388  }
0x18: {  	[sflag:s19] =	ssyncset.done $0x0  }
0x19: {  	s9 =	rddreg [dreg:$0x3];
	[sflag:s19] =	ssyncadd.s32 $0xFFFFEC78  }
0x1a: {  	[tilespmem:s20], [sflag:$0x5] =	stream.linear.gather [hbm4b:s9+s2], $0x1388, $0x38;
	[tilespmem:$0x12800] =	vst v63  }
0x1b: {  	_ =	swait.ge [sflag:s19], $0x1388  }
0x1c: {  	[sflag:s19] =	ssyncset.done $0x0  }
0x1d: {  	[sflag:s19] =	ssyncadd.s32 $0xFFFFEC78  }
0x1e: {  	[tilespmem:s22], [sflag:$0x1] =	stream.indirect.gather [hbm4b:s3+s21], $0x80, s2, s21, $0xb8;
	[tilespmem:$0x12800] =	vst v63  }
0x1f: {  	_ = 	snop  }
0x20: {  	[tilespmem:s23], [sflag:$0x1] =	stream.indirect.gather [hbm4b:s4+s21], $0x80, s20, s21, $0xb8;
	[tilespmem:$0x12800] =	vst v63  }
0x21: {  	_ = 	snop  }
0x22: {  	[tilespmem:s24], [sflag:$0x2] =	stream.indirect.gather [hbm4b:s3+s21], $0x80, s21, s21, $0xb8;
	[tilespmem:$0x12800] =	vst v63  }
0x23: {  	s5 =	simm.s32 $0x1480  }
0x24: {  	[tilespmem:s26], [sflag:$0x2] =	stream.indirect.gather [hbm4b:s4+s21], $0x80, s5, s21, $0xb8;
	[tilespmem:$0x12800] =	vst v63  }
0x25: {  	_ =	swait.ge [sflag:s28], $0x4000  }
0x26: {  	[sflag:s28] =	ssyncset.done $0x0  }
0x27: {  	[sflag:s28] =	ssyncadd.s32 $0xFFFFC000  }
0x28: {  	_ =	swait.ge [sflag:s28], $0x4000  }
0x29: {  	[sflag:s28] =	ssyncset.done $0x0  }
0x2a: {  	s6 =	rddreg [dreg:$0x4];
	[sflag:s28] =	ssyncadd.s32 $0xFFFFC000  }
0x2b: {  	[hbm4b:s6+s2] =	stream.linear.scatter [tilespmem:s22], [sflag:$0x3], $0x4000, $0x38;
	[tilespmem:$0x12800] =	vst v63  }
0x2c: {  	s7 =	rddreg [dreg:$0x5]  }
0x2d: {  	[hbm4b:s7+s2] =	stream.linear.scatter [tilespmem:s23], [sflag:$0x3], $0x4000, $0x38;
	[tilespmem:$0x12800] =	vst v63  }
0x2e: {  	_ =	swait.ge [sflag:s29], $0x4000  }
0x2f: {  	[sflag:s29] =	ssyncset.done $0x0  }
0x30: {  	[sflag:s29] =	ssyncadd.s32 $0xFFFFC000  }
0x31: {  	_ =	swait.ge [sflag:s29], $0x4000  }
0x32: {  	[sflag:s29] =	ssyncset.done $0x0  }
0x33: {  	s8 =	rddreg [dreg:$0x6];
	[sflag:s29] =	ssyncadd.s32 $0xFFFFC000  }
0x34: {  	[hbm4b:s8+s2] =	stream.linear.scatter [tilespmem:s24], [sflag:$0x4], $0x4000, $0x38;
	[tilespmem:$0x12800] =	vst v63  }
0x35: {  	_ = 	snop  }
0x36: {  	[hbm4b:s10+s2] =	stream.linear.scatter [tilespmem:s26], [sflag:$0x4], $0x4000, $0x38;
	[tilespmem:$0x12800] =	vst v63  }
0x37: {  	_ =	swait.ge [sflag:s30], $0x4000  }
0x38: {  	[sflag:s30] =	ssyncset.done $0x0  }
0x39: {  	[sflag:s30] =	ssyncadd.s32 $0xFFFFC000  }
0x3a: {  	_ =	swait.ge [sflag:s30], $0x4000  }
0x3b: {  	[sflag:s30] =	ssyncset.done $0x0  }
0x3c: {  	s9 =	simm.s32 $0x100;
	[sflag:s30] =	ssyncadd.s32 $0xFFFFC000  }
0x3d: {  	[tilespmem:s22], [sflag:$0x1] =	stream.indirect.gather [hbm4b:s3+s21], $0x80, s9, s21, $0xb8;
	[tilespmem:$0x12800] =	vst v63  }
0x3e: {  	s5 =	simm.s32 $0x1500  }
0x3f: {  	[tilespmem:s23], [sflag:$0x1] =	stream.indirect.gather [hbm4b:s4+s21], $0x80, s5, s21, $0xb8;
	[tilespmem:$0x12800] =	vst v63  }
0x40: {  	_ =	swait.ge [sflag:s31], $0x4000  }
0x41: {  	[sflag:s31] =	ssyncset.done $0x0  }
0x42: {  	[sflag:s31] =	ssyncadd.s32 $0xFFFFC000  }
0x43: {  	_ =	swait.ge [sflag:s31], $0x4000  }
0x44: {  	[sflag:s31] =	ssyncset.done $0x0  }
0x45: {  	s6 =	simm.s32 $0x180;
	[sflag:s31] =	ssyncadd.s32 $0xFFFFC000  }
0x46: {  	[tilespmem:s24], [sflag:$0x2] =	stream.indirect.gather [hbm4b:s3+s21], $0x80, s6, s21, $0xb8;
	[tilespmem:$0x12800] =	vst v63  }
0x47: {  	s7 =	simm.s32 $0x1580  }
0x48: {  	[tilespmem:s26], [sflag:$0x2] =	stream.indirect.gather [hbm4b:s4+s21], $0x80, s7, s21, $0xb8;
	[tilespmem:$0x12800] =	vst v63  }
0x49: {  	_ =	swait.ge [sflag:s28], $0x4000  }
0x4a: {  	[sflag:s28] =	ssyncset.done $0x0  }
0x4b: {  	[sflag:s28] =	ssyncadd.s32 $0xFFFFC000  }
0x4c: {  	_ =	swait.ge [sflag:s28], $0x4000  }
0x4d: {  	s8 =	sadd.s32 s17, s16;
	[sflag:s28] =	ssyncset.done $0x0  }
0x4e: {  	s5 =	sadd.s32 $0x1000, s8;
	s6 =	sadd.s32 s18, s16;
	[sflag:s28] =	ssyncadd.s32 $0xFFFFC000  }
0x4f: {  	[hbm4b:s5+s2] =	stream.linear.scatter [tilespmem:s22], [sflag:$0x3], $0x4000, $0x38;
	[tilespmem:$0x12800] =	vst v63  }
0x50: {  	s9 =	sadd.s32 $0x1000, s6  }
0x51: {  	[hbm4b:s9+s2] =	stream.linear.scatter [tilespmem:s23], [sflag:$0x3], $0x4000, $0x38;
	[tilespmem:$0x12800] =	vst v63  }
0x52: {  	_ =	swait.ge [sflag:s29], $0x4000  }
0x53: {  	[sflag:s29] =	ssyncset.done $0x0  }
0x54: {  	[sflag:s29] =	ssyncadd.s32 $0xFFFFC000  }
0x55: {  	_ =	swait.ge [sflag:s29], $0x4000  }
0x56: {  	[sflag:s29] =	ssyncset.done $0x0  }
0x57: {  	s0 =	sadd.s32 $0x1800, s8;
	s7 =	sadd.s32 $0x1800, s6;
	[sflag:s29] =	ssyncadd.s32 $0xFFFFC000  }
0x58: {  	[hbm4b:s0+s2] =	stream.linear.scatter [tilespmem:s24], [sflag:$0x4], $0x4000, $0x38;
	[tilespmem:$0x12800] =	vst v63  }
0x59: {  	s6 =	sadd.s32 $0x1000, s18;
	s5 =	sadd.s32 $0x1000, s17;
	s0 =	simm.s32 $0x400  }
.LBB2_2:
0x5a: {  	[hbm4b:s7+s2] =	stream.linear.scatter [tilespmem:s26], [sflag:$0x4], $0x4000, $0x38;
	[tilespmem:$0x12800] =	vst v63  }
0x5b: {  	s7 =	smov.u32 s0  }
0x5c: {  	p0 =	sne.s32 s0, $0x4400;
	s0 =	sadd.s32 $0x400, s0;
	_ =	swait.ge [sflag:s30], $0x4000  }
0x5d: {  	[sflag:s30] =	ssyncset.done $0x0  }
0x5e: {  	[sflag:s30] =	ssyncadd.s32 $0xFFFFC000  }
0x5f: {  	_ =	swait.ge [sflag:s30], $0x4000  }
0x60: {  	s7 =	sshra.s32 s7, $0x2;
	[sflag:s30] =	ssyncset.done $0x0  }
0x61: {  	s8 =	sadd.s32 $0x100, s7;
	[sflag:s30] =	ssyncadd.s32 $0xFFFFC000  }
0x62: {  	[tilespmem:s22], [sflag:$0x1] =	stream.indirect.gather [hbm4b:s3+s21], $0x80, s8, s21, $0xb8;
	[tilespmem:$0x12800] =	vst v63  }
0x63: {  	s8 =	sadd.s32 $0x1500, s7  }
0x64: {  	[tilespmem:s23], [sflag:$0x1] =	stream.indirect.gather [hbm4b:s4+s21], $0x80, s8, s21, $0xb8;
	[tilespmem:$0x12800] =	vst v63  }
0x65: {  	_ =	swait.ge [sflag:s31], $0x4000  }
0x66: {  	[sflag:s31] =	ssyncset.done $0x0  }
0x67: {  	[sflag:s31] =	ssyncadd.s32 $0xFFFFC000  }
0x68: {  	_ =	swait.ge [sflag:s31], $0x4000  }
0x69: {  	[sflag:s31] =	ssyncset.done $0x0  }
0x6a: {  	s8 =	sadd.s32 $0x180, s7;
	[sflag:s31] =	ssyncadd.s32 $0xFFFFC000  }
0x6b: {  	[tilespmem:s24], [sflag:$0x2] =	stream.indirect.gather [hbm4b:s3+s21], $0x80, s8, s21, $0xb8;
	[tilespmem:$0x12800] =	vst v63  }
0x6c: {  	s7 =	sadd.s32 $0x1580, s7  }
0x6d: {  	[tilespmem:s26], [sflag:$0x2] =	stream.indirect.gather [hbm4b:s4+s21], $0x80, s7, s21, $0xb8;
	[tilespmem:$0x12800] =	vst v63  }
0x6e: {  	_ =	swait.ge [sflag:s28], $0x4000  }
0x6f: {  	[sflag:s28] =	ssyncset.done $0x0  }
0x70: {  	[sflag:s28] =	ssyncadd.s32 $0xFFFFC000  }
0x71: {  	_ =	swait.ge [sflag:s28], $0x4000  }
0x72: {  	s7 =	sadd.s32 s5, s16;
	[sflag:s28] =	ssyncset.done $0x0  }
0x73: {  	s9 =	sadd.s32 s6, s16;
	s8 =	sadd.s32 $0x1000, s7;
	[sflag:s28] =	ssyncadd.s32 $0xFFFFC000  }
0x74: {  	[hbm4b:s8+s2] =	stream.linear.scatter [tilespmem:s22], [sflag:$0x3], $0x4000, $0x38;
	[tilespmem:$0x12800] =	vst v63  }
0x75: {  	s8 =	sadd.s32 $0x1000, s9  }
0x76: {  	[hbm4b:s8+s2] =	stream.linear.scatter [tilespmem:s23], [sflag:$0x3], $0x4000, $0x38;
	[tilespmem:$0x12800] =	vst v63  }
0x77: {  	_ =	swait.ge [sflag:s29], $0x4000  }
0x78: {  	[sflag:s29] =	ssyncset.done $0x0  }
0x79: {  	[sflag:s29] =	ssyncadd.s32 $0xFFFFC000  }
.Ltmp0:
0x7a: {  	_ =	swait.ge [sflag:s29], $0x4000;
	(pc) =	sbr.rel @p0 .LBB2_2-.Ltmp0, $4  }
0x7b: {  	[sflag:s29] =	ssyncset.done $0x0  }
0x7c: {  	s7 =	sadd.s32 $0x1800, s7;
	[sflag:s29] =	ssyncadd.s32 $0xFFFFC000  }
0x7d: {  	[hbm4b:s7+s2] =	stream.linear.scatter [tilespmem:s24], [sflag:$0x4], $0x4000, $0x38;
	[tilespmem:$0x12800] =	vst v63  }
0x7e: {  	s6 =	sadd.s32 $0x1000, s6;
	s5 =	sadd.s32 $0x1000, s5;
	s7 =	sadd.s32 $0x1800, s9  }
0x7f: {  	[hbm4b:s7+s2] =	stream.linear.scatter [tilespmem:s26], [sflag:$0x4], $0x4000, $0x38;
	[tilespmem:$0x12800] =	vst v63  }
0x80: {  	_ =	swait.ge [sflag:s30], $0x4000  }
0x81: {  	[sflag:s30] =	ssyncset.done $0x0  }
0x82: {  	[sflag:s30] =	ssyncadd.s32 $0xFFFFC000  }
0x83: {  	_ =	swait.ge [sflag:s30], $0x4000  }
0x84: {  	[sflag:s30] =	ssyncset.done $0x0  }
0x85: {  	s0 =	simm.s32 $0x1300;
	[sflag:s30] =	ssyncadd.s32 $0xFFFFC000  }
0x86: {  	[tilespmem:s22], [sflag:$0x1] =	stream.indirect.gather [hbm4b:s3+s21], $0x80, s0, s21, $0xb8;
	[tilespmem:$0x12800] =	vst v63  }
0x87: {  	s7 =	simm.s32 $0x2700  }
0x88: {  	[tilespmem:s23], [sflag:$0x1] =	stream.indirect.gather [hbm4b:s4+s21], $0x80, s7, s21, $0xb8;
	[tilespmem:$0x12800] =	vst v63  }
0x89: {  	_ =	swait.ge [sflag:s28], $0x4000  }
0x8a: {  	[sflag:s28] =	ssyncset.done $0x0  }
0x8b: {  	[sflag:s28] =	ssyncadd.s32 $0xFFFFC000  }
0x8c: {  	_ =	swait.ge [sflag:s28], $0x4000  }
0x8d: {  	[sflag:s28] =	ssyncset.done $0x0  }
0x8e: {  	[sflag:s28] =	ssyncadd.s32 $0xFFFFC000  }
0x8f: {  	[hbm4b:s11+s2] =	stream.linear.scatter [tilespmem:s22], [sflag:$0x3], $0x4000, $0x38;
	[tilespmem:$0x12800] =	vst v63  }
0x90: {  	_ = 	snop  }
0x91: {  	[hbm4b:s12+s2] =	stream.linear.scatter [tilespmem:s23], [sflag:$0x3], $0x4000, $0x38;
	[tilespmem:$0x12800] =	vst v63  }
0x92: {  	_ =	swait.ge [sflag:s30], $0x4000  }
0x93: {  	[sflag:s30] =	ssyncset.done $0x0  }
0x94: {  	[sflag:s30] =	ssyncadd.s32 $0xFFFFC000  }
0x95: {  	_ =	swait.ge [sflag:s30], $0x4000  }
0x96: {  	[sflag:s30] =	ssyncset.done $0x0  }
0x97: {  	[sflag:s30] =	ssyncadd.s32 $0xFFFFC000  }
0x98: {  	_ =	swait.ge [sflag:s31], $0x4000  }
0x99: {  	[sflag:s31] =	ssyncset.done $0x0  }
0x9a: {  	[sflag:s31] =	ssyncadd.s32 $0xFFFFC000  }
0x9b: {  	_ =	swait.ge [sflag:s31], $0x4000  }
0x9c: {  	[sflag:s31] =	ssyncset.done $0x0  }
0x9d: {  	s8 =	simm.s32 $0x1380;
	[sflag:s31] =	ssyncadd.s32 $0xFFFFC000  }
0x9e: {  	[tilespmem:s22], [sflag:$0x1] =	stream.indirect.gather [hbm4b:s3+s25], $0x80, s8, s25, $0xb8;
	[tilespmem:$0x12800] =	vst v63  }
0x9f: {  	s9 =	simm.s32 $0x2780  }
0xa0: {  	[tilespmem:s23], [sflag:$0x1] =	stream.indirect.gather [hbm4b:s4+s25], $0x80, s9, s25, $0xb8;
	[tilespmem:$0x12800] =	vst v63  }
0xa1: {  	_ =	swait.ge [sflag:s28], $0x400  }
0xa2: {  	[sflag:s28] =	ssyncset.done $0x0  }
0xa3: {  	[sflag:s28] =	ssyncadd.s32 $0xFFFFFC00  }
0xa4: {  	_ =	swait.ge [sflag:s28], $0x400  }
0xa5: {  	[sflag:s28] =	ssyncset.done $0x0  }
0xa6: {  	[sflag:s28] =	ssyncadd.s32 $0xFFFFFC00  }
0xa7: {  	[hbm4b:s13+s2] =	stream.linear.scatter [tilespmem:s22], [sflag:$0x5], $0x400, $0x38;
	[tilespmem:$0x12800] =	vst v63  }
0xa8: {  	s1 =	sadd.s32 $0x1, s1;
	_ =	swait.ge [sflag:s19], $0x400  }
0xa9: {  	p0 =	sne.s32 s1, s15;
	[sflag:s19] =	ssyncset.done $0x0  }
.Ltmp1:
0xaa: {  	[sflag:s19] =	ssyncadd.s32 $0xFFFFFC00;
	(pc) =	sbr.rel @p0 .LBB2_1-.Ltmp1, $4  }
0xab: {  	[hbm4b:s14+s2] =	stream.linear.scatter [tilespmem:s23], [sflag:$0x5], $0x400, $0x38;
	[tilespmem:$0x12800] =	vst v63  }
0xac: {  	_ =	swait.ge [sflag:s19], $0x400  }
0xad: {  	[sflag:s19] =	ssyncset.done $0x0  }
0xae: {  	[sflag:s19] =	ssyncadd.s32 $0xFFFFFC00  }
0xaf: {  	_ =	sfence.sel $0x180000  }
0xb0: {  	[bflag:$0x0] =	sbarrier.arrive $0xFFFF  }
0xb1: {  	_ =	strace $0x9000004D  }
0xb2: {  	s0 =	stileid.u32;
	[bflag:$0x2] =	sbarrier.arrive $0xFFFF  }
0xb3: {  	p0 =	sne.s32 s0, $0x0;
	s0 =	rddreg [dreg:$0x1]  }
0xb4: {  	s0 =	sadd.s32 @!p0 $0x100000, s0  }
0xb5: {  	[sflag:s0] =	ssyncadd.tile.s32 @!p0 $0x1;
	_ =	shalt  }
.Lfunc_end2:
_tile_overlayer_lowered:
.L_overlay_start_2:
0xb6: {  	(tag) =	ssettag $0x2  }
0xb7: {  	s0 =	rddreg [dreg:$0x0];
	s2 =	stileid.u32  }
0xb8: {  	s1 =	rddreg [dreg:$0x1];
	p0 =	sne.s32 s2, $0x0  }
0xb9: {  	s3 =	rddreg [dreg:$0x2];
	[bflag:$0x3] =	sbarrier.arrive $0xFFFF;
	s2 =	simm.s32 @!p0 $0x1C05  }
0xba: {  	[timem:s3], [sflag:s2] =	dma.local @!p0 [hbm:s0], s1  }
0xbb: {  	s0 =	simm.s32 @!p0 $0x5  }
0xbc: {  	_ =	swait.ge @!p0 [sflag:s0], s1  }
0xbd: {  	s1 =	ssub.s32 @!p0 $0x0, s1;
	[sflag:s0] =	ssyncset.done @!p0 $0x0  }
0xbe: {  	[sflag:s0] =	ssyncadd.s32 @!p0 s1  }
0xbf: {  	[bflag:$0x3] =	sbarrier.arrive $0xFFFF  }
0xc0: {  	_ =	shalt  }

// kernel: kernel.22.cloned.1.call-start
scs
__scs_entry_jumppad:
0x0: {  	(pc) =	sbr.rel $0x88, $3  }
0x1: {  	(tag) =	ssettag $0x0;
	lr =	simm.s32 $0x1  }
0x2: {  	[smem:$0x3F87] =	sst lr;
	_ =	strace $0xD0000000  }
0x3: {  	_ = 	snop  }
0x4: {  	_ = 	snop  }
0x5: {  	_ = 	snop  }
0x6: {  	_ = 	snop  }
0x7: {  	_ = 	snop  }
__scs_overlays_trampoline_lowered:
0x8: {  	[smem:$0x3F96] =	sst s0  }
0x9: {  	[smem:$0x3F97] =	sst s1  }
0xa: {  	[smem:$0x3F98] =	sst s2  }
0xb: {  	[smem:$0x3F99] =	sst s3  }
0xc: {  	[smem:$0x3F9A] =	sst s4  }
0xd: {  	[smem:$0x3F9B] =	sst s5  }
0xe: {  	[smem:$0x3F9C] =	sst s6  }
0xf: {  	[smem:$0x3F9D] =	sst s7  }
0x10: {  	[smem:$0x3F9E] =	sst s8  }
0x11: {  	[smem:$0x3F9F] =	sst s9;
	s0 =	simm.s32 @!p0 $0x0  }
0x12: {  	s1 =	sld [smem:$0x3F85];
	s0 =	simm.s32 @p0 $0x1  }
0x13: {  	[smem:$0x3FA0] =	sst s0;
	s0 =	simm.s32 @!p1 $0x0  }
0x14: {  	s2 =	sld [smem:$0x3F84];
	s0 =	simm.s32 @p1 $0x1  }
0x15: {  	[smem:$0x3FA1] =	sst s0;
	s0 =	simm.s32 @!p2 $0x0  }
0x16: {  	s3 =	sld [smem:$0x3FDB];
	s0 =	simm.s32 @p2 $0x1  }
0x17: {  	s4 =	simm.s32 $0x1BF5;
	[smem:$0x3FA3] =	sst s0  }
0x18: {  	s0 =	sld [smem:$0x3F86];
	_ =	swait.ge [sflag:s4], $0x0  }
0x19: {  	s7 =	sld [smem:$0x3F87]  }
0x1a: {  	s8 =	sadd.s32 $0xFFFFE003, lr  }
0x1b: {  	s9 =	sadd.s32 $0xFFFFFEF7, lr;
	s5 =	simm.s32 $0xFFFFFFFF;
	p2 =	slt.u32 s8, $0xFFFFF086  }
0x1c: {  	p1 =	slt.u32 s9, $0xF7A;
	s5 =	simm.s32 @!p2 $0x0  }
0x1d: {  	s5 =	simm.s32 @p1 $0x1;
	p0 =	seq.s32 s7, s2  }
0x1e: {  	s7 =	smul.u32 @!p0 $0xF7A, s2;
	p2 =	seq.s32 @!p0 s5, $0x0  }
0x1f: {  	s9 =	smul.u32 $0xF7A, s1;
	s8 =	simm.s32 @!p0 $0x1BF5;
	p2 =	por !p2, p0  }
0x20: {  	[sflag:s8] =	ssyncset.s32 @!p0 $0xFFFFF086;
	s6 =	sadd.s32 @!p0 s3, s7;
	s7 =	simm.s32 @!p0 $0x108  }
0x21: {  	s3 =	sadd.s32 s3, s9;
	s6 =	sadd.s32 @!p0 $0x88, s6;
	s7 =	simm.s32 @p2 $0x1082  }
0x22: {  	[simem:s7], [sflag:s8] =	dma.local @!p0 [hbm:s6], $0xF7A  }
0x23: {  	s9 =	sor.u32 $0xD0000000, s2;
	s6 =	simm.s32 $0x108;
	_ =	swait.ge @!p0 [sflag:s8], $0x0  }
0x24: {  	s3 =	sadd.s32 $0x88, s3;
	s6 =	simm.s32 @!p1 $0x1082;
	[sflag:s4] =	ssyncset.s32 $0xFFFFF086  }
0x25: {  	[simem:s6], [sflag:s4] =	dma.local [hbm:s3], $0xF7A  }
0x26: {  	[smem:$0x3F87] =	sst s1;
	(tag) =	ssettag s2;
	_ =	strace s9  }
0x27: {  	s1 =	sld [smem:$0x3F97]  }
0x28: {  	s2 =	sld [smem:$0x3F98]  }
0x29: {  	s4 =	sld [smem:$0x3F9A]  }
0x2a: {  	p0 =	seq.s32 s5, $0x0;
	s5 =	sld [smem:$0x3F9B]  }
0x2b: {  	s6 =	sld [smem:$0x3F9C]  }
0x2c: {  	s7 =	sld [smem:$0x3F9D]  }
0x2d: {  	s3 =	simm.s32 $0x108;
	s8 =	sld [smem:$0x3F9E]  }
0x2e: {  	s3 =	simm.s32 @!p0 $0x1082;
	s9 =	sld [smem:$0x3F9F]  }
0x2f: {  	lr =	sadd.s32 s0, s3;
	s0 =	sld [smem:$0x3F96]  }
0x30: {  	s3 =	sld [smem:$0x3F99]  }
0x31: {  	[smem:$0x3FA2] =	sst s10  }
0x32: {  	s10 =	sld [smem:$0x3FA0];
	_ =	sdelay $0x3  }
0x33: {  	p0 =	seq.s32 s10, $0x1;
	s10 =	sld [smem:$0x3FA2];
	_ =	sdelay $0x3  }
0x34: {  	[smem:$0x3FA2] =	sst s10  }
0x35: {  	s10 =	sld [smem:$0x3FA1];
	_ =	sdelay $0x3  }
0x36: {  	p1 =	seq.s32 s10, $0x1;
	s10 =	sld [smem:$0x3FA2];
	_ =	sdelay $0x3  }
0x37: {  	[smem:$0x3FA2] =	sst s10  }
0x38: {  	s10 =	sld [smem:$0x3FA3]  }
0x39: {  	_ = 	snop;
	(pc) =	sbr.ind lr, $3  }
0x3a: {  	_ = 	snop  }
0x3b: {  	_ = 	snop  }
0x3c: {  	p2 =	seq.s32 s10, $0x1;
	s10 =	sld [smem:$0x3FA2]  }
0x3d: {  	_ =	shalt  }
0x3e: {  	_ =	shalt  }
0x3f: {  	_ =	shalt  }
0x40: {  	_ =	shalt  }
0x41: {  	_ =	shalt  }
0x42: {  	_ =	shalt  }
0x43: {  	_ =	shalt  }
0x44: {  	_ =	shalt  }
0x45: {  	_ =	shalt  }
0x46: {  	_ =	shalt  }
0x47: {  	_ =	shalt  }
0x48: {  	_ =	shalt  }
0x49: {  	_ =	shalt  }
0x4a: {  	_ =	shalt  }
0x4b: {  	_ =	shalt  }
0x4c: {  	_ =	shalt  }
0x4d: {  	_ =	shalt  }
0x4e: {  	_ =	shalt  }
0x4f: {  	_ =	shalt  }
0x50: {  	_ =	shalt  }
0x51: {  	_ =	shalt  }
0x52: {  	_ =	shalt  }
0x53: {  	_ =	shalt  }
0x54: {  	_ =	shalt  }
0x55: {  	_ =	shalt  }
0x56: {  	_ =	shalt  }
0x57: {  	_ =	shalt  }
0x58: {  	_ =	shalt  }
0x59: {  	_ =	shalt  }
0x5a: {  	_ =	shalt  }
0x5b: {  	_ =	shalt  }
0x5c: {  	_ =	shalt  }
0x5d: {  	_ =	shalt  }
0x5e: {  	_ =	shalt  }
0x5f: {  	_ =	shalt  }
0x60: {  	_ =	shalt  }
0x61: {  	_ =	shalt  }
0x62: {  	_ =	shalt  }
0x63: {  	_ =	shalt  }
0x64: {  	_ =	shalt  }
0x65: {  	_ =	shalt  }
0x66: {  	_ =	shalt  }
0x67: {  	_ =	shalt  }
0x68: {  	_ =	shalt  }
0x69: {  	_ =	shalt  }
0x6a: {  	_ =	shalt  }
0x6b: {  	_ =	shalt  }
0x6c: {  	_ =	shalt  }
0x6d: {  	_ =	shalt  }
0x6e: {  	_ =	shalt  }
0x6f: {  	_ =	shalt  }
0x70: {  	_ =	shalt  }
0x71: {  	_ =	shalt  }
0x72: {  	_ =	shalt  }
0x73: {  	_ =	shalt  }
0x74: {  	_ =	shalt  }
0x75: {  	_ =	shalt  }
0x76: {  	_ =	shalt  }
0x77: {  	_ =	shalt  }
0x78: {  	_ =	shalt  }
0x79: {  	_ =	shalt  }
0x7a: {  	_ =	shalt  }
0x7b: {  	_ =	shalt  }
0x7c: {  	_ =	shalt  }
0x7d: {  	_ =	shalt  }
0x7e: {  	_ =	shalt  }
0x7f: {  	_ =	shalt  }
0x80: {  	_ =	shalt  }
0x81: {  	_ =	shalt  }
0x82: {  	_ =	shalt  }
0x83: {  	_ =	shalt  }
0x84: {  	_ =	shalt  }
0x85: {  	_ =	shalt  }
0x86: {  	_ =	shalt  }
0x87: {  	_ =	shalt  }
.Lfunc_end0:
.L_simem_size_0:
called_computation.3_lowered:
.L_overlay_start_0:
0x88: {  	s2 =	sld [smem:$0x3FD9]  }
0x89: {  	s3 =	sld [smem:$0x3FFE];
	_ =	sdelay $0x1  }
0x8a: {  	s1 =	srdreg.scid  }
0x8b: {  	s0 =	sand.u32 $0x1, s1  }
0x8c: {  	s14 =	sshll.u32 s0, $0xA;
	s2 =	sadd.s32 s3, s2  }
0x8d: {  	s2 =	sadd.s32 s2, s14  }
0x8e: {  	[smem:$0x3FAE] =	sst s2  }
0x8f: {  	_ = 	snop  }
0x90: {  	s2 =	sld [smem:$0x3FD0];
	_ =	sdelay $0x2  }
0x91: {  	s15 =	simm.s32 $0xA;
	s4 =	simm.s32 $0x10  }
0x92: {  	[smem:s4], [sflag:s15] =	dma.local [hbm:s2], $0x1  }
0x93: {  	_ =	swait.eq [sflag:s15], $0x1  }
0x94: {  	[sflag:s15] =	ssyncset.done $0x0  }
0x95: {  	[sflag:s15] =	ssyncadd.s32 $0xFFFFFFFF  }
0x96: {  	s16 =	sld [smem:$0x11];
	(tm) =	ssettm $0x1  }
0x97: {  	s17 =	sld [smem:$0x3FFB];
	_ =	sdelay $0x3  }
0x98: {  	_ =	strace s17  }
0x99: {  	s3 =	sld [smem:$0x3FFC];
	_ =	sdelay $0x3  }
0x9a: {  	_ =	strace s3  }
0x9b: {  	s3 =	sld [smem:$0x3FFD];
	_ =	sdelay $0x3  }
0x9c: {  	_ =	strace s3  }
0x9d: {  	_ =	strace $0x8FFFFFFF  }
0x9e: {  	s18 =	sld [smem:$0x3FDB];
	_ =	sdelay $0x1  }
0x9f: {  	s19 =	simm.s32 $_scs_section_size  }
0xa0: {  	s5 =	simm.s32 $_size__tile_overlayer_lowered;
	s6 =	simm.s32 $_tile_overlayer_lowered  }
0xa1: {  	s22 =	simm.s32 $0x1BFF;
	s21 =	sshll.u32 s6, $0x1;
	s3 =	sadd.s32 s19, s18  }
0xa2: {  	s7 =	simm.s32 $0x0;
	s20 =	sshll.u32 s5, $0x1;
	s5 =	sadd.s32 s21, s3  }
0xa3: {  	[timem:s7], [sflag:s22] =	dma.local [hbm:s5], s20  }
0xa4: {  	_ =	swait.ge [sflag:s22], s20  }
0xa5: {  	s4 =	ssub.s32 $0x0, s20;
	[sflag:s22] =	ssyncset.done $0x0  }
0xa6: {  	[sflag:s22] =	ssyncadd.s32 s4;
	_ =	sdelay $0x1  }
0xa7: {  	s23 =	simm.s32 $0x1B8B  }
0xa8: {  	_ =	swait.ge [sflag:s23], $0x1  }
0xa9: {  	[sflag:s23] =	ssyncset.done $0x0  }
0xaa: {  	s25 =	simm.s32 $0x1B8E;
	s24 =	sld [smem:$0x3FFE];
	[sflag:s23] =	ssyncadd.s32 $0xFFFFFFFF  }
0xab: {  	s26 =	simm.s32 $execute0_lowered;
	[smem:$0x3FD2] =	sst s25  }
0xac: {  	s5 =	sshll.u32 s26, $0x1;
	_ =	strace $0x8000004F;
	[dreg:$0x1] =	wrdreg $0xFFFFFFFF  }
0xad: {  	s28 =	simm.s32 $_size_execute0_lowered;
	s3 =	sadd.s32 s3, s5;
	[dreg:$0x0] =	wrdreg $0x0  }
0xae: {  	s5 =	sshll.u32 s28, $0x1;
	[dreg:$0x2] =	wrdreg s3  }
0xaf: {  	[dreg:$0x3] =	wrdreg s5  }
0xb0: {  	[dreg:$0x4] =	wrdreg $0xC0  }
0xb1: {  	_ =	task [dreg:s7], $0x5FFFF  }
0xb2: {  	[dreg:$0x1] =	wrdreg $0xFFFFFFFF  }
0xb3: {  	[dreg:$0x0] =	wrdreg $0x60  }
0xb4: {  	[dreg:$0x2] =	wrdreg s24  }
0xb5: {  	[dreg:$0x3] =	wrdreg s16  }
0xb6: {  	[dreg:$0x4] =	wrdreg $0x81000  }
0xb7: {  	[dreg:$0x5] =	wrdreg $0x9  }
0xb8: {  	_ =	task.clear_ibuf [dreg:s7], $0x6FFFF;
	_ =	strace $0x9000004F  }
0xb9: {  	s29 =	simm.s32 $0x9;
	_ =	strace $0x80000051  }
0xba: {  	_ =	swait.ge [sflag:s29], $0x1  }
0xbb: {  	[sflag:s29] =	ssyncadd.s32 $0xFFFFFFFF  }
0xbc: {  	_ =	strace $0x90000051  }
0xbd: {  	_ =	sfence  }
0xbe: {  	s30 =	sld [smem:$0x0];
	_ =	sdelay $0x2  }
0xbf: {  	s31 =	sshll.u32 s1, $0xD;
	s1 =	sshrl.u32 s1, $0x2  }
0xc0: {  	s3 =	sand.u32 $0x4000, s31;
	s1 =	sadd.s32 s1, s30  }
0xc1: {  	s0 =	sor.u32 s3, s0;
	s1 =	sshll.u32 s1, $0x11  }
0xc2: {  	s0 =	sor.u32 s1, s0  }
0xc3: {  	s0 =	sadd.s32 $0x8F2B, s0  }
0xc4: {  	[sflag:s0] =	ssyncadd.remote.s32 $0x1  }
0xc5: {  	_ =	sfence.sel $0xFFFF  }
0xc6: {  	[dreg:$0x0] =	wrdreg $0xFFFFFFFF;
	(pc) =	sbr.abs _section_cstart, $3  }
0xc7: {  	[dreg:$0x1] =	wrdreg $0xFFFFFFFF  }
0xc8: {  	_ =	task.clear_ibuf [dreg:s7], $0x2FFFF;
	_ =	strace $0x9FFFFFFF  }
0xc9: {  	(tm) =	ssettm $0x7FFFFFFF  }
tec
execute0_lowered:
.L_overlay_start_1:
0x0: {  	(tag) =	ssettag $0x1  }
0x1: {  	s0 =	rddreg [dreg:$0x0]  }
0x2: {  	s7 =	rddreg [dreg:$0x1]  }
0x3: {  	s1 =	rddreg [dreg:$0x2];
	s3 =	simm.s32 $0x0;
	s4 =	srdreg.scid  }
0x4: {  	s2 =	stileid.u32;
	s28 =	simm.s32 $0x2;
	s29 =	simm.s32 $0x3  }
0x5: {  	s30 =	simm.s32 $0x4;
	s31 =	simm.s32 $0x5;
	[smem:$0x7FF] =	sst s3  }
0x6: {  	s11 =	sand.u32 $0x1, s4;
	s8 =	smul.u32 $0x4E000, s2;
	s4 =	sadd.s32 $0x542C00, s0  }
0x7: {  	s12 =	sadd.s32 $0x6000, s0;
	s5 =	sadd.s32 $0x10000, s0;
	s20 =	sadd.s32 $0x124800, s1  }
0x8: {  	s15 =	sshll.u32 s2, $0x4;
	s16 =	sshll.u32 s2, $0xF;
	p0 =	seq.s32 s2, $0xF  }
0x9: {  	p1 =	sgt.u32 s2, $0x1;
	_ =	strace $0x80000050;
	s6 =	ssub.s32 $0x2, s11  }
0xa: {  	s13 =	sshll.u32 s11, $0xA;
	s11 =	sshll.u32 s11, $0x7;
	[dreg:$0x4] =	wrdreg s20  }
0xb: {  	s20 =	sshrl.u32 @p0 s20, $0x3;
	s9 =	sshrl.u32 s6, $0x1;
	s14 =	sshrl.u32 s8, $0x2  }
0xc: {  	s8 =	sadd.s32 s12, s15;
	s19 =	sor.u32 s13, s16;
	s21 =	sadd.s32 s11, s7  }
0xd: {  	s26 =	ssub.s32 s6, s9;
	s6 =	sadd.s32 s14, s1;
	s14 =	sshll.u32 s2, $0x7  }
0xe: {  	s10 =	sshrl.u32 s19, $0x3;
	s22 =	sadd.s32 $0x49200, s21;
	s21 =	simm.s32 $0x400  }
0xf: {  	s17 =	sor.u32 $0x800, s14;
	s9 =	sadd.s32 s4, s10;
	s14 =	sor.u32 $0x27000, s14  }
0x10: {  	[dreg:$0x5] =	wrdreg s22;
	s22 =	simm.s32 $0x800;
	s15 =	sshrl.u32 s17, $0x3  }
0x11: {  	s16 =	sshll.u32 s17, $0x8;
	s17 =	sshll.u32 s14, $0x8;
	s14 =	sshrl.u32 s14, $0x3  }
0x12: {  	s10 =	sadd.s32 s12, s15;
	s18 =	sor.u32 s13, s16;
	s23 =	sor.u32 s13, s17  }
0x13: {  	s12 =	sadd.s32 s12, s14;
	s16 =	smax.u32 s26, $0x1;
	s26 =	sor.u32 $0x180000, s19  }
0x14: {  	s17 =	sadd.s32 $0x300, s8;
	s19 =	sor.u32 $0x100000, s19;
	s15 =	sshrl.u32 s18, $0x3  }
0x15: {  	s18 =	smul.u32 $0x27000, s2;
	[dreg:$0x6] =	wrdreg s12;
	s0 =	sshrl.u32 s26, $0x3  }
.Ltmp0:
0x16: {  	s26 =	simm.s32 $0x1;
	s11 =	sadd.s32 s4, s15;
	(pc) =	sbr.rel .LBB2_1-.Ltmp0, $4  }
0x17: {  	s15 =	sshrl.u32 s23, $0x3;
	s23 =	simm.s32 $0x80;
	s13 =	sor.u32 s13, s18  }
0x18: {  	s24 =	sadd.s32 s4, s15;
	s18 =	sadd.s32 s0, s4;
	s25 =	sshrl.u32 s13, $0x3  }
0x19: {  	[dreg:$0x7] =	wrdreg s24;
	s24 =	simm.s32 $0x4080;
	s7 =	sadd.s32 s7, s25  }
0x1a: {  	s25 =	simm.s32 $0x4100;
	[dreg:$0x8] =	wrdreg s7;
	s7 =	simm.s32 $0x0  }
.LBB2_7:
0x1b: {  	s0 =	rddreg [dreg:$0x4]  }
0x1c: {  	s2 =	rddreg [dreg:$0x5];
	s12 =	simm.s32 $0x8  }
0x1d: {  	s13 =	simm.s32 $0x100;
	s14 =	simm.s32 $0x1FC5;
	s0 =	sshrl.u32 s0, $0x3  }
0x1e: {  	[hbm:s2@s13], [sflag:s14] =	dma.strided [spmem:s0@s23], $0x2800, s12, $0x10   }
0x1f: {  	_ =	swait.ge [sflag:s31], $0x2800  }
0x20: {  	[sflag:s31] =	ssyncset.done $0x0  }
0x21: {  	[sflag:s31] =	ssyncadd.s32 $0xFFFFD800  }
.LBB2_8:
0x22: {  	s7 =	sadd.s32 $0x1, s7  }
0x23: {  	p2 =	sne.s32 s7, s16  }
.Ltmp1:
0x24: {  	_ = 	snop;
	(pc) =	sbr.rel @!p2 .LBB2_9-.Ltmp1, $1  }
0x25: {  	_ =	sdelay $0x3  }
.LBB2_1:
0x26: {  	s0 =	simm.s32 @p0 $0x1FC5  }
0x27: {  	[spmem:s20], [sflag:s0] =	dma.local @p0 [hbm:s5], $0x2800  }
0x28: {  	s0 =	simm.s32 @p0 $0x5  }
0x29: {  	s2 =	stileid.u32;
	_ =	swait.ge @p0 [sflag:s0], $0x2800  }
0x2a: {  	s13 =	sshll.u32 @!p0 s2, $0x6;
	[sflag:s0] =	ssyncset.done @p0 $0x0  }
0x2b: {  	[sflag:s0] =	ssyncadd.s32 @p0 $0xFFFFD800;
	s0 =	sor.u32 @!p0 $0x1C05, s13;
	s13 =	sshrl.u32 @!p0 s6, $0x3  }
0x2c: {  	[spmem:s13], [sflag:s0] =	dma.local @!p0 [hbm:s5], $0x2700  }
0x2d: {  	s0 =	simm.s32 @!p0 $0x5  }
0x2e: {  	_ =	swait.ge @!p0 [sflag:s0], $0x2700  }
0x2f: {  	[sflag:s0] =	ssyncset.done @!p0 $0x0  }
0x30: {  	[sflag:s0] =	ssyncadd.s32 @!p0 $0xFFFFD900  }
0x31: {  	[bflag:$0x0] =	sbarrier.arrive $0xFFFF  }
0x32: {  	[tilespmem:s3], [sflag:$0x1] =	stream.linear.gather [hbm4b:s8+s3], $0x80, $0x38;
	[tilespmem:$0x1B980] =	vst v63  }
0x33: {  	_ = 	snop  }
0x34: {  	[tilespmem:s23], [sflag:$0x1] =	stream.strided.gather [hbm4b:s9+s21], $0x4000, s22, s21, $0x38;
	[tilespmem:$0x1B980] =	vst v63  }
0x35: {  	_ = 	snop  }
0x36: {  	[tilespmem:s24], [sflag:$0x2] =	stream.linear.gather [hbm4b:s10+s3], $0x80, $0x38;
	[tilespmem:$0x1B980] =	vst v63  }
0x37: {  	_ = 	snop  }
0x38: {  	[tilespmem:s25], [sflag:$0x2] =	stream.strided.gather [hbm4b:s11+s21], $0x4000, s22, s21, $0x38;
	[tilespmem:$0x1B980] =	vst v63  }
0x39: {  	_ =	swait.ge [sflag:s26], $0x80  }
0x3a: {  	[sflag:s26] =	ssyncset.done $0x0  }
0x3b: {  	[sflag:s26] =	ssyncadd.s32 $0xFFFFFF80  }
0x3c: {  	_ =	swait.ge [sflag:s26], $0x4000  }
0x3d: {  	[sflag:s26] =	ssyncset.done $0x0  }
0x3e: {  	[sflag:s26] =	ssyncadd.s32 $0xFFFFC000  }
0x3f: {  	[spmem:s1] =	stream.indirect.scatter.add.f32 [tilespmem:s23], [sflag:$0x3], $0x80, s3, s23, $0xb8;
	[tilespmem:$0x1B980] =	vst v63  }
0x40: {  	_ =	swait.ge [sflag:s28], $0x80  }
0x41: {  	[sflag:s28] =	ssyncset.done $0x0  }
0x42: {  	[sflag:s28] =	ssyncadd.s32 $0xFFFFFF80  }
0x43: {  	_ =	swait.ge [sflag:s28], $0x4000  }
0x44: {  	[sflag:s28] =	ssyncset.done $0x0  }
0x45: {  	[sflag:s28] =	ssyncadd.s32 $0xFFFFC000  }
0x46: {  	[spmem:s1] =	stream.indirect.scatter.add.f32 [tilespmem:s25], [sflag:$0x4], $0x80, s24, s23, $0xb8;
	[tilespmem:$0x1B980] =	vst v63  }
0x47: {  	_ =	swait.ge [sflag:s29], $0x4000  }
0x48: {  	[sflag:s29] =	ssyncset.done $0x0  }
0x49: {  	s12 =	sshrl.u32 s19, $0x3;
	s2 =	sadd.s32 $0xFFFFFF00, s17;
	[sflag:s29] =	ssyncadd.s32 $0xFFFFC000  }
0x4a: {  	[tilespmem:s3], [sflag:$0x1] =	stream.linear.gather [hbm4b:s2+s3], $0x80, $0x38;
	[tilespmem:$0x1B980] =	vst v63  }
0x4b: {  	s14 =	sadd.s32 s4, s12  }
0x4c: {  	[tilespmem:s23], [sflag:$0x1] =	stream.strided.gather [hbm4b:s14+s21], $0x4000, s22, s21, $0x38;
	[tilespmem:$0x1B980] =	vst v63  }
0x4d: {  	_ =	swait.ge [sflag:s30], $0x4000  }
0x4e: {  	[sflag:s30] =	ssyncset.done $0x0  }
0x4f: {  	[sflag:s30] =	ssyncadd.s32 $0xFFFFC000  }
0x50: {  	[tilespmem:s24], [sflag:$0x2] =	stream.linear.gather [hbm4b:s17+s3], $0x80, $0x38;
	[tilespmem:$0x1B980] =	vst v63  }
0x51: {  	s15 =	sadd.s32 $0x0, s18  }
0x52: {  	[tilespmem:s25], [sflag:$0x2] =	stream.strided.gather [hbm4b:s15+s21], $0x4000, s22, s21, $0x38;
	[tilespmem:$0x1B980] =	vst v63  }
0x53: {  	_ =	swait.ge [sflag:s26], $0x80  }
0x54: {  	[sflag:s26] =	ssyncset.done $0x0  }
0x55: {  	[sflag:s26] =	ssyncadd.s32 $0xFFFFFF80  }
0x56: {  	_ =	swait.ge [sflag:s26], $0x4000  }
0x57: {  	[sflag:s26] =	ssyncset.done $0x0  }
0x58: {  	[sflag:s26] =	ssyncadd.s32 $0xFFFFC000  }
0x59: {  	[spmem:s1] =	stream.indirect.scatter.add.f32 [tilespmem:s23], [sflag:$0x3], $0x80, s3, s23, $0xb8;
	[tilespmem:$0x1B980] =	vst v63  }
0x5a: {  	_ =	swait.ge [sflag:s28], $0x80  }
0x5b: {  	[sflag:s28] =	ssyncset.done $0x0  }
0x5c: {  	[sflag:s28] =	ssyncadd.s32 $0xFFFFFF80  }
0x5d: {  	_ =	swait.ge [sflag:s28], $0x4000  }
0x5e: {  	s13 =	simm.s32 $0x20000;
	[sflag:s28] =	ssyncset.done $0x0  }
0x5f: {  	s0 =	sadd.s32 $0x100000, s19;
	s14 =	sadd.s32 $0x200, s17;
	[sflag:s28] =	ssyncadd.s32 $0xFFFFC000  }
.LBB2_2:
0x60: {  	[spmem:s1] =	stream.indirect.scatter.add.f32 [tilespmem:s25], [sflag:$0x4], $0x80, s24, s23, $0xb8;
	[tilespmem:$0x1B980] =	vst v63  }
0x61: {  	s12 =	smov.u32 s13  }
0x62: {  	p2 =	sne.s32 s13, $0x4A0000;
	s13 =	sadd.s32 $0x20000, s13;
	_ =	swait.ge [sflag:s29], $0x4000  }
0x63: {  	[sflag:s29] =	ssyncset.done $0x0  }
0x64: {  	s15 =	sadd.s32 $0xFFFFFF00, s14;
	s2 =	sshrl.u32 s0, $0x3;
	[sflag:s29] =	ssyncadd.s32 $0xFFFFC000  }
0x65: {  	[tilespmem:s3], [sflag:$0x1] =	stream.linear.gather [hbm4b:s15+s3], $0x80, $0x38;
	[tilespmem:$0x1B980] =	vst v63  }
0x66: {  	s2 =	sadd.s32 s4, s2  }
0x67: {  	[tilespmem:s23], [sflag:$0x1] =	stream.strided.gather [hbm4b:s2+s21], $0x4000, s22, s21, $0x38;
	[tilespmem:$0x1B980] =	vst v63  }
0x68: {  	_ =	swait.ge [sflag:s30], $0x4000  }
0x69: {  	[sflag:s30] =	ssyncset.done $0x0  }
0x6a: {  	[sflag:s30] =	ssyncadd.s32 $0xFFFFC000  }
0x6b: {  	[tilespmem:s24], [sflag:$0x2] =	stream.linear.gather [hbm4b:s14+s3], $0x80, $0x38;
	[tilespmem:$0x1B980] =	vst v63  }
0x6c: {  	s2 =	sadd.s32 s12, s18  }
0x6d: {  	[tilespmem:s25], [sflag:$0x2] =	stream.strided.gather [hbm4b:s2+s21], $0x4000, s22, s21, $0x38;
	[tilespmem:$0x1B980] =	vst v63  }
0x6e: {  	_ =	swait.ge [sflag:s26], $0x80  }
0x6f: {  	[sflag:s26] =	ssyncset.done $0x0  }
0x70: {  	[sflag:s26] =	ssyncadd.s32 $0xFFFFFF80  }
0x71: {  	_ =	swait.ge [sflag:s26], $0x4000  }
0x72: {  	[sflag:s26] =	ssyncset.done $0x0  }
0x73: {  	[sflag:s26] =	ssyncadd.s32 $0xFFFFC000  }
0x74: {  	[spmem:s1] =	stream.indirect.scatter.add.f32 [tilespmem:s23], [sflag:$0x3], $0x80, s3, s23, $0xb8;
	[tilespmem:$0x1B980] =	vst v63  }
0x75: {  	_ =	swait.ge [sflag:s28], $0x80  }
.Ltmp2:
0x76: {  	[sflag:s28] =	ssyncset.done $0x0;
	(pc) =	sbr.rel @p2 .LBB2_2-.Ltmp2, $4  }
0x77: {  	[sflag:s28] =	ssyncadd.s32 $0xFFFFFF80  }
0x78: {  	_ =	swait.ge [sflag:s28], $0x4000  }
0x79: {  	[sflag:s28] =	ssyncset.done $0x0  }
0x7a: {  	s0 =	sadd.s32 $0x100000, s0;
	s14 =	sadd.s32 $0x200, s14;
	[sflag:s28] =	ssyncadd.s32 $0xFFFFC000  }
0x7b: {  	[spmem:s1] =	stream.indirect.scatter.add.f32 [tilespmem:s25], [sflag:$0x4], $0x80, s24, s23, $0xb8;
	[tilespmem:$0x1B980] =	vst v63  }
0x7c: {  	_ =	swait.ge [sflag:s29], $0x4000  }
.Ltmp3:
0x7d: {  	[sflag:s29] =	ssyncset.done $0x0;
	(pc) =	sbr.rel @p1 .LBB2_5-.Ltmp3, $4  }
0x7e: {  	[sflag:s29] =	ssyncadd.s32 $0xFFFFC000  }
0x7f: {  	_ =	swait.ge [sflag:s30], $0x4000  }
0x80: {  	[sflag:s30] =	ssyncset.done $0x0  }
0x81: {  	[sflag:s30] =	ssyncadd.s32 $0xFFFFC000  }
0x82: {  	s0 =	rddreg [dreg:$0x6]  }
0x83: {  	[tilespmem:s3], [sflag:$0x5] =	stream.linear.gather [hbm4b:s0+s3], $0x80, $0x38;
	[tilespmem:$0x1B980] =	vst v63  }
0x84: {  	_ =	swait.ge [sflag:s31], $0x80  }
0x85: {  	[sflag:s31] =	ssyncset.done $0x0  }
0x86: {  	s15 =	rddreg [dreg:$0x7];
	[sflag:s31] =	ssyncadd.s32 $0xFFFFFF80  }
0x87: {  	[tilespmem:s23], [sflag:$0x5] =	stream.strided.gather [hbm4b:s15+s21], $0x4000, s22, s21, $0x38;
	[tilespmem:$0x1B980] =	vst v63  }
0x88: {  	_ =	swait.ge [sflag:s31], $0x4000  }
0x89: {  	[sflag:s31] =	ssyncset.done $0x0  }
0x8a: {  	[sflag:s31] =	ssyncadd.s32 $0xFFFFC000  }
0x8b: {  	[spmem:s1] =	stream.indirect.scatter.add.f32 [tilespmem:s23], [sflag:$0x5], $0x80, s3, s23, $0xb8;
	[tilespmem:$0x1B980] =	vst v63  }
.Ltmp4:
0x8c: {  	_ =	swait.ge [sflag:s31], $0x4000;
	(pc) =	sbr.rel .LBB2_6-.Ltmp4, $3  }
0x8d: {  	[sflag:s31] =	ssyncset.done $0x0  }
0x8e: {  	[sflag:s31] =	ssyncadd.s32 $0xFFFFC000  }
0x8f: {  	[bflag:$0x0] =	sbarrier.arrive $0xFFFF;
	_ =	sdelay $0x1  }
.LBB2_5:
.Ltmp5:
0x90: {  	(pc) =	sbr.rel @p0 .LBB2_7-.Ltmp5, $2  }
0x91: {  	_ =	sdelay $0x1  }
0x92: {  	[bflag:$0x0] =	sbarrier.arrive $0xFFFF;
	_ =	sdelay $0x1  }
.LBB2_6:
0x93: {  	s0 =	stileid.u32;
	s2 =	sshrl.u32 s6, $0x3  }
0x94: {  	s12 =	rddreg [dreg:$0x8];
	s13 =	simm.s32 $0x8;
	s0 =	sshll.u32 s0, $0x6  }
.Ltmp6:
0x95: {  	s14 =	simm.s32 $0x100;
	s0 =	sor.u32 $0x1C05, s0;
	(pc) =	sbr.rel .LBB2_8-.Ltmp6, $4  }
0x96: {  	[hbm:s12@s14], [sflag:s0] =	dma.strided [spmem:s2@s23], $0x2700, s13, $0x10   }
0x97: {  	_ =	swait.ge [sflag:s31], $0x2700  }
0x98: {  	[sflag:s31] =	ssyncset.done $0x0  }
0x99: {  	[sflag:s31] =	ssyncadd.s32 $0xFFFFD900  }
.LBB2_9:
0x9a: {  	_ =	sfence.sel $0x180000  }
0x9b: {  	[bflag:$0x0] =	sbarrier.arrive $0xFFFF  }
0x9c: {  	_ =	strace $0x90000050  }
0x9d: {  	s0 =	stileid.u32;
	[bflag:$0x2] =	sbarrier.arrive $0xFFFF  }
0x9e: {  	p0 =	sne.s32 s0, $0x0;
	s0 =	rddreg [dreg:$0x3]  }
0x9f: {  	s0 =	sadd.s32 @!p0 $0x100000, s0  }
0xa0: {  	[sflag:s0] =	ssyncadd.tile.s32 @!p0 $0x1;
	_ =	shalt  }
.Lfunc_end2:
_tile_overlayer_lowered:
.L_overlay_start_2:
0xa1: {  	(tag) =	ssettag $0x2  }
0xa2: {  	s0 =	rddreg [dreg:$0x0];
	s2 =	stileid.u32  }
0xa3: {  	s1 =	rddreg [dreg:$0x1];
	p0 =	sne.s32 s2, $0x0  }
0xa4: {  	s3 =	rddreg [dreg:$0x2];
	[bflag:$0x3] =	sbarrier.arrive $0xFFFF;
	s2 =	simm.s32 @!p0 $0x1C05  }
0xa5: {  	[timem:s3], [sflag:s2] =	dma.local @!p0 [hbm:s0], s1  }
0xa6: {  	s0 =	simm.s32 @!p0 $0x5  }
0xa7: {  	_ =	swait.ge @!p0 [sflag:s0], s1  }
0xa8: {  	s1 =	ssub.s32 @!p0 $0x0, s1;
	[sflag:s0] =	ssyncset.done @!p0 $0x0  }
0xa9: {  	[sflag:s0] =	ssyncadd.s32 @!p0 s1  }
0xaa: {  	[bflag:$0x3] =	sbarrier.arrive $0xFFFF  }
0xab: {  	_ =	shalt  }

// kernel: kernel.25.cloned.1.call-start
scs
__scs_entry_jumppad:
0x0: {  	(pc) =	sbr.rel $0x88, $3  }
0x1: {  	(tag) =	ssettag $0x0;
	lr =	simm.s32 $0x1  }
0x2: {  	[smem:$0x3F87] =	sst lr;
	_ =	strace $0xD0000000  }
0x3: {  	_ = 	snop  }
0x4: {  	_ = 	snop  }
0x5: {  	_ = 	snop  }
0x6: {  	_ = 	snop  }
0x7: {  	_ = 	snop  }
__scs_overlays_trampoline_lowered:
0x8: {  	[smem:$0x3F96] =	sst s0  }
0x9: {  	[smem:$0x3F97] =	sst s1  }
0xa: {  	[smem:$0x3F98] =	sst s2  }
0xb: {  	[smem:$0x3F99] =	sst s3  }
0xc: {  	[smem:$0x3F9A] =	sst s4  }
0xd: {  	[smem:$0x3F9B] =	sst s5  }
0xe: {  	[smem:$0x3F9C] =	sst s6  }
0xf: {  	[smem:$0x3F9D] =	sst s7  }
0x10: {  	[smem:$0x3F9E] =	sst s8  }
0x11: {  	[smem:$0x3F9F] =	sst s9;
	s0 =	simm.s32 @!p0 $0x0  }
0x12: {  	s1 =	sld [smem:$0x3F85];
	s0 =	simm.s32 @p0 $0x1  }
0x13: {  	[smem:$0x3FA0] =	sst s0;
	s0 =	simm.s32 @!p1 $0x0  }
0x14: {  	s2 =	sld [smem:$0x3F84];
	s0 =	simm.s32 @p1 $0x1  }
0x15: {  	[smem:$0x3FA1] =	sst s0;
	s0 =	simm.s32 @!p2 $0x0  }
0x16: {  	s3 =	sld [smem:$0x3FDB];
	s0 =	simm.s32 @p2 $0x1  }
0x17: {  	s4 =	simm.s32 $0x1BF5;
	[smem:$0x3FA3] =	sst s0  }
0x18: {  	s0 =	sld [smem:$0x3F86];
	_ =	swait.ge [sflag:s4], $0x0  }
0x19: {  	s7 =	sld [smem:$0x3F87]  }
0x1a: {  	s8 =	sadd.s32 $0xFFFFE003, lr  }
0x1b: {  	s9 =	sadd.s32 $0xFFFFFEF7, lr;
	s5 =	simm.s32 $0xFFFFFFFF;
	p2 =	slt.u32 s8, $0xFFFFF086  }
0x1c: {  	p1 =	slt.u32 s9, $0xF7A;
	s5 =	simm.s32 @!p2 $0x0  }
0x1d: {  	s5 =	simm.s32 @p1 $0x1;
	p0 =	seq.s32 s7, s2  }
0x1e: {  	s7 =	smul.u32 @!p0 $0xF7A, s2;
	p2 =	seq.s32 @!p0 s5, $0x0  }
0x1f: {  	s9 =	smul.u32 $0xF7A, s1;
	s8 =	simm.s32 @!p0 $0x1BF5;
	p2 =	por !p2, p0  }
0x20: {  	[sflag:s8] =	ssyncset.s32 @!p0 $0xFFFFF086;
	s6 =	sadd.s32 @!p0 s3, s7;
	s7 =	simm.s32 @!p0 $0x108  }
0x21: {  	s3 =	sadd.s32 s3, s9;
	s6 =	sadd.s32 @!p0 $0x88, s6;
	s7 =	simm.s32 @p2 $0x1082  }
0x22: {  	[simem:s7], [sflag:s8] =	dma.local @!p0 [hbm:s6], $0xF7A  }
0x23: {  	s9 =	sor.u32 $0xD0000000, s2;
	s6 =	simm.s32 $0x108;
	_ =	swait.ge @!p0 [sflag:s8], $0x0  }
0x24: {  	s3 =	sadd.s32 $0x88, s3;
	s6 =	simm.s32 @!p1 $0x1082;
	[sflag:s4] =	ssyncset.s32 $0xFFFFF086  }
0x25: {  	[simem:s6], [sflag:s4] =	dma.local [hbm:s3], $0xF7A  }
0x26: {  	[smem:$0x3F87] =	sst s1;
	(tag) =	ssettag s2;
	_ =	strace s9  }
0x27: {  	s1 =	sld [smem:$0x3F97]  }
0x28: {  	s2 =	sld [smem:$0x3F98]  }
0x29: {  	s4 =	sld [smem:$0x3F9A]  }
0x2a: {  	p0 =	seq.s32 s5, $0x0;
	s5 =	sld [smem:$0x3F9B]  }
0x2b: {  	s6 =	sld [smem:$0x3F9C]  }
0x2c: {  	s7 =	sld [smem:$0x3F9D]  }
0x2d: {  	s3 =	simm.s32 $0x108;
	s8 =	sld [smem:$0x3F9E]  }
0x2e: {  	s3 =	simm.s32 @!p0 $0x1082;
	s9 =	sld [smem:$0x3F9F]  }
0x2f: {  	lr =	sadd.s32 s0, s3;
	s0 =	sld [smem:$0x3F96]  }
0x30: {  	s3 =	sld [smem:$0x3F99]  }
0x31: {  	[smem:$0x3FA2] =	sst s10  }
0x32: {  	s10 =	sld [smem:$0x3FA0];
	_ =	sdelay $0x3  }
0x33: {  	p0 =	seq.s32 s10, $0x1;
	s10 =	sld [smem:$0x3FA2];
	_ =	sdelay $0x3  }
0x34: {  	[smem:$0x3FA2] =	sst s10  }
0x35: {  	s10 =	sld [smem:$0x3FA1];
	_ =	sdelay $0x3  }
0x36: {  	p1 =	seq.s32 s10, $0x1;
	s10 =	sld [smem:$0x3FA2];
	_ =	sdelay $0x3  }
0x37: {  	[smem:$0x3FA2] =	sst s10  }
0x38: {  	s10 =	sld [smem:$0x3FA3]  }
0x39: {  	_ = 	snop;
	(pc) =	sbr.ind lr, $3  }
0x3a: {  	_ = 	snop  }
0x3b: {  	_ = 	snop  }
0x3c: {  	p2 =	seq.s32 s10, $0x1;
	s10 =	sld [smem:$0x3FA2]  }
0x3d: {  	_ =	shalt  }
0x3e: {  	_ =	shalt  }
0x3f: {  	_ =	shalt  }
0x40: {  	_ =	shalt  }
0x41: {  	_ =	shalt  }
0x42: {  	_ =	shalt  }
0x43: {  	_ =	shalt  }
0x44: {  	_ =	shalt  }
0x45: {  	_ =	shalt  }
0x46: {  	_ =	shalt  }
0x47: {  	_ =	shalt  }
0x48: {  	_ =	shalt  }
0x49: {  	_ =	shalt  }
0x4a: {  	_ =	shalt  }
0x4b: {  	_ =	shalt  }
0x4c: {  	_ =	shalt  }
0x4d: {  	_ =	shalt  }
0x4e: {  	_ =	shalt  }
0x4f: {  	_ =	shalt  }
0x50: {  	_ =	shalt  }
0x51: {  	_ =	shalt  }
0x52: {  	_ =	shalt  }
0x53: {  	_ =	shalt  }
0x54: {  	_ =	shalt  }
0x55: {  	_ =	shalt  }
0x56: {  	_ =	shalt  }
0x57: {  	_ =	shalt  }
0x58: {  	_ =	shalt  }
0x59: {  	_ =	shalt  }
0x5a: {  	_ =	shalt  }
0x5b: {  	_ =	shalt  }
0x5c: {  	_ =	shalt  }
0x5d: {  	_ =	shalt  }
0x5e: {  	_ =	shalt  }
0x5f: {  	_ =	shalt  }
0x60: {  	_ =	shalt  }
0x61: {  	_ =	shalt  }
0x62: {  	_ =	shalt  }
0x63: {  	_ =	shalt  }
0x64: {  	_ =	shalt  }
0x65: {  	_ =	shalt  }
0x66: {  	_ =	shalt  }
0x67: {  	_ =	shalt  }
0x68: {  	_ =	shalt  }
0x69: {  	_ =	shalt  }
0x6a: {  	_ =	shalt  }
0x6b: {  	_ =	shalt  }
0x6c: {  	_ =	shalt  }
0x6d: {  	_ =	shalt  }
0x6e: {  	_ =	shalt  }
0x6f: {  	_ =	shalt  }
0x70: {  	_ =	shalt  }
0x71: {  	_ =	shalt  }
0x72: {  	_ =	shalt  }
0x73: {  	_ =	shalt  }
0x74: {  	_ =	shalt  }
0x75: {  	_ =	shalt  }
0x76: {  	_ =	shalt  }
0x77: {  	_ =	shalt  }
0x78: {  	_ =	shalt  }
0x79: {  	_ =	shalt  }
0x7a: {  	_ =	shalt  }
0x7b: {  	_ =	shalt  }
0x7c: {  	_ =	shalt  }
0x7d: {  	_ =	shalt  }
0x7e: {  	_ =	shalt  }
0x7f: {  	_ =	shalt  }
0x80: {  	_ =	shalt  }
0x81: {  	_ =	shalt  }
0x82: {  	_ =	shalt  }
0x83: {  	_ =	shalt  }
0x84: {  	_ =	shalt  }
0x85: {  	_ =	shalt  }
0x86: {  	_ =	shalt  }
0x87: {  	_ =	shalt  }
.Lfunc_end0:
.L_simem_size_0:
called_computation.4_lowered:
.L_overlay_start_0:
0x88: {  	s2 =	sld [smem:$0x3FD9]  }
0x89: {  	s3 =	sld [smem:$0x3FFE];
	_ =	sdelay $0x1  }
0x8a: {  	s1 =	srdreg.scid  }
0x8b: {  	s0 =	sand.u32 $0x1, s1  }
0x8c: {  	s14 =	sshll.u32 s0, $0xA;
	s2 =	sadd.s32 s3, s2  }
0x8d: {  	s2 =	sadd.s32 s2, s14  }
0x8e: {  	[smem:$0x3FAE] =	sst s2  }
0x8f: {  	_ = 	snop  }
0x90: {  	s2 =	sld [smem:$0x3FD0];
	_ =	sdelay $0x2  }
0x91: {  	s15 =	simm.s32 $0xA;
	s4 =	simm.s32 $0x10  }
0x92: {  	[smem:s4], [sflag:s15] =	dma.local [hbm:s2], $0x1  }
0x93: {  	_ =	swait.eq [sflag:s15], $0x1  }
0x94: {  	[sflag:s15] =	ssyncset.done $0x0  }
0x95: {  	[sflag:s15] =	ssyncadd.s32 $0xFFFFFFFF  }
0x96: {  	s16 =	sld [smem:$0x11];
	(tm) =	ssettm $0x1  }
0x97: {  	s17 =	sld [smem:$0x3FFB];
	_ =	sdelay $0x3  }
0x98: {  	_ =	strace s17  }
0x99: {  	s3 =	sld [smem:$0x3FFC];
	_ =	sdelay $0x3  }
0x9a: {  	_ =	strace s3  }
0x9b: {  	s3 =	sld [smem:$0x3FFD];
	_ =	sdelay $0x3  }
0x9c: {  	_ =	strace s3  }
0x9d: {  	_ =	strace $0x8FFFFFFF  }
0x9e: {  	s18 =	sld [smem:$0x3FDB];
	_ =	sdelay $0x1  }
0x9f: {  	s19 =	simm.s32 $_scs_section_size  }
0xa0: {  	s5 =	simm.s32 $_size__tile_overlayer_lowered;
	s6 =	simm.s32 $_tile_overlayer_lowered  }
0xa1: {  	s22 =	simm.s32 $0x1BFF;
	s21 =	sshll.u32 s6, $0x1;
	s3 =	sadd.s32 s19, s18  }
0xa2: {  	s7 =	simm.s32 $0x0;
	s20 =	sshll.u32 s5, $0x1;
	s5 =	sadd.s32 s21, s3  }
0xa3: {  	[timem:s7], [sflag:s22] =	dma.local [hbm:s5], s20  }
0xa4: {  	_ =	swait.ge [sflag:s22], s20  }
0xa5: {  	s4 =	ssub.s32 $0x0, s20;
	[sflag:s22] =	ssyncset.done $0x0  }
0xa6: {  	[sflag:s22] =	ssyncadd.s32 s4;
	_ =	sdelay $0x1  }
0xa7: {  	s23 =	simm.s32 $0x1B8B  }
0xa8: {  	_ =	swait.ge [sflag:s23], $0x1  }
0xa9: {  	[sflag:s23] =	ssyncset.done $0x0  }
0xaa: {  	s25 =	simm.s32 $0x1B8E;
	s24 =	sld [smem:$0x3FFE];
	[sflag:s23] =	ssyncadd.s32 $0xFFFFFFFF  }
0xab: {  	s26 =	simm.s32 $execute0_lowered;
	[smem:$0x3FD2] =	sst s25  }
0xac: {  	s5 =	sshll.u32 s26, $0x1;
	_ =	strace $0x80000052;
	[dreg:$0x1] =	wrdreg $0xFFFFFFFF  }
0xad: {  	s28 =	simm.s32 $_size_execute0_lowered;
	s3 =	sadd.s32 s3, s5;
	[dreg:$0x0] =	wrdreg $0x0  }
0xae: {  	s5 =	sshll.u32 s28, $0x1;
	[dreg:$0x2] =	wrdreg s3  }
0xaf: {  	[dreg:$0x3] =	wrdreg s5  }
0xb0: {  	[dreg:$0x4] =	wrdreg $0xC0  }
0xb1: {  	_ =	task [dreg:s7], $0x5FFFF  }
0xb2: {  	[dreg:$0x1] =	wrdreg $0xFFFFFFFF  }
0xb3: {  	[dreg:$0x0] =	wrdreg $0x60  }
0xb4: {  	[dreg:$0x2] =	wrdreg s16  }
0xb5: {  	[dreg:$0x3] =	wrdreg s24  }
0xb6: {  	[dreg:$0x4] =	wrdreg $0x9  }
0xb7: {  	_ =	task.clear_ibuf [dreg:s7], $0x5FFFF;
	_ =	strace $0x90000052  }
0xb8: {  	s29 =	simm.s32 $0x9;
	_ =	strace $0x80000054  }
0xb9: {  	_ =	swait.ge [sflag:s29], $0x1  }
0xba: {  	[sflag:s29] =	ssyncadd.s32 $0xFFFFFFFF  }
0xbb: {  	_ =	strace $0x90000054  }
0xbc: {  	_ =	sfence  }
0xbd: {  	s30 =	sld [smem:$0x0];
	_ =	sdelay $0x2  }
0xbe: {  	s31 =	sshll.u32 s1, $0xD;
	s1 =	sshrl.u32 s1, $0x2  }
0xbf: {  	s3 =	sand.u32 $0x4000, s31;
	s1 =	sadd.s32 s1, s30  }
0xc0: {  	s0 =	sor.u32 s3, s0;
	s1 =	sshll.u32 s1, $0x11  }
0xc1: {  	s0 =	sor.u32 s1, s0  }
0xc2: {  	s0 =	sadd.s32 $0x8F2B, s0  }
0xc3: {  	[sflag:s0] =	ssyncadd.remote.s32 $0x1  }
0xc4: {  	_ =	sfence.sel $0xFFFF  }
0xc5: {  	[dreg:$0x0] =	wrdreg $0xFFFFFFFF;
	(pc) =	sbr.abs _section_cstart, $3  }
0xc6: {  	[dreg:$0x1] =	wrdreg $0xFFFFFFFF  }
0xc7: {  	_ =	task.clear_ibuf [dreg:s7], $0x2FFFF;
	_ =	strace $0x9FFFFFFF  }
0xc8: {  	(tm) =	ssettm $0x7FFFFFFF  }
0xc9: {  	_ =	shalt  }
tec
execute0_lowered:
.L_overlay_start_1:
0x0: {  	(tag) =	ssettag $0x1  }
0x1: {  	s0 =	srdreg.scid;
	s2 =	rddreg [dreg:$0x0]  }
0x2: {  	s13 =	stileid.u32;
	s5 =	rddreg [dreg:$0x1]  }
0x3: {  	s3 =	simm.s32 $0x0;
	s19 =	simm.s32 $0x5;
	s20 =	simm.s32 $0x1400  }
0x4: {  	s28 =	simm.s32 $0x1;
	s29 =	simm.s32 $0x2;
	s30 =	simm.s32 $0x3  }
0x5: {  	s0 =	sand.u32 $0x1, s0;
	s1 =	sshll.u32 s13, $0x1;
	s26 =	smul.u32 $0x27100, s13  }
0x6: {  	s31 =	simm.s32 $0x4;
	s1 =	sor.u32 s0, s1;
	s16 =	smul.u32 $0x13880, s0  }
0x7: {  	[smem:$0x7FF] =	sst s3;
	s4 =	sadd.s32 $0x10000, s5;
	s6 =	smul.u32 $0x1388, s1  }
0x8: {  	s17 =	sadd.s32 $0x37200, s5;
	s7 =	ssub.s32 $0x2, s0;
	s8 =	smul.u32 $0x13880, s1  }
0x9: {  	_ =	strace $0x80000053;
	s9 =	sshrl.u32 s7, $0x1;
	s1 =	smul.u32 $0x9C400, s1  }
0xa: {  	s7 =	ssub.s32 s7, s9;
	s6 =	sshrl.u32 s6, $0x3;
	s22 =	sadd.s32 s17, s8  }
0xb: {  	s1 =	sshrl.u32 s1, $0x3;
	s15 =	smax.u32 s7, $0x1;
	s6 =	sadd.s32 s6, s5  }
0xc: {  	s5 =	sadd.s32 $0x2A8200, s5;
	[dreg:$0x5] =	wrdreg s22;
	s24 =	sadd.s32 $0x800, s1  }
0xd: {  	s12 =	sadd.s32 $0x13000, s1;
	s1 =	sadd.s32 $0x13800, s1;
	s22 =	simm.s32 $0x2800  }
0xe: {  	s21 =	sadd.s32 $0xB000, s6;
	s6 =	sadd.s32 $0x6000, s6;
	s23 =	sadd.s32 s5, s8  }
0xf: {  	s25 =	sadd.s32 s17, s24;
	s10 =	sadd.s32 s5, s24;
	s11 =	sadd.s32 s17, s12  }
0x10: {  	s12 =	sadd.s32 s5, s12;
	s13 =	sadd.s32 s17, s1;
	[dreg:$0x3] =	wrdreg s21  }
0x11: {  	s14 =	sadd.s32 s5, s1;
	s17 =	sadd.s32 s26, s17;
	[dreg:$0x4] =	wrdreg s6  }
0x12: {  	s18 =	sadd.s32 s26, s5;
	s24 =	simm.s32 $0xA800;
	[dreg:$0x6] =	wrdreg s23  }
0x13: {  	s26 =	simm.s32 $0xE800;
	s1 =	simm.s32 $0x0;
	[dreg:$0x7] =	wrdreg s25  }
0x14: {  	s21 =	simm.s32 $0x80;
	s23 =	simm.s32 $0x6800;
	s25 =	simm.s32 $0x8  }
.LBB2_1:
0x15: {  	s0 =	rddreg [dreg:$0x3]  }
0x16: {  	[tilespmem:s3], [sflag:$0x5] =	stream.linear.gather [hbm4b:s0+s3], $0x1388, $0x38;
	[tilespmem:$0x12800] =	vst v63  }
0x17: {  	_ =	swait.ge [sflag:s19], $0x1388  }
0x18: {  	[sflag:s19] =	ssyncset.done $0x0  }
0x19: {  	s9 =	rddreg [dreg:$0x4];
	[sflag:s19] =	ssyncadd.s32 $0xFFFFEC78  }
0x1a: {  	[tilespmem:s20], [sflag:$0x5] =	stream.linear.gather [hbm4b:s9+s3], $0x1388, $0x38;
	[tilespmem:$0x12800] =	vst v63  }
0x1b: {  	_ =	swait.ge [sflag:s19], $0x1388  }
0x1c: {  	[sflag:s19] =	ssyncset.done $0x0  }
0x1d: {  	[sflag:s19] =	ssyncadd.s32 $0xFFFFEC78  }
0x1e: {  	[tilespmem:s22], [sflag:$0x1] =	stream.indirect.gather [hbm4b:s2+s21], $0x80, s3, s21, $0xb8;
	[tilespmem:$0x12800] =	vst v63  }
0x1f: {  	_ = 	snop  }
0x20: {  	[tilespmem:s23], [sflag:$0x1] =	stream.indirect.gather [hbm4b:s4+s21], $0x80, s20, s21, $0xb8;
	[tilespmem:$0x12800] =	vst v63  }
0x21: {  	_ = 	snop  }
0x22: {  	[tilespmem:s24], [sflag:$0x2] =	stream.indirect.gather [hbm4b:s2+s21], $0x80, s21, s21, $0xb8;
	[tilespmem:$0x12800] =	vst v63  }
0x23: {  	s5 =	simm.s32 $0x1480  }
0x24: {  	[tilespmem:s26], [sflag:$0x2] =	stream.indirect.gather [hbm4b:s4+s21], $0x80, s5, s21, $0xb8;
	[tilespmem:$0x12800] =	vst v63  }
0x25: {  	_ =	swait.ge [sflag:s28], $0x4000  }
0x26: {  	[sflag:s28] =	ssyncset.done $0x0  }
0x27: {  	[sflag:s28] =	ssyncadd.s32 $0xFFFFC000  }
0x28: {  	_ =	swait.ge [sflag:s28], $0x4000  }
0x29: {  	[sflag:s28] =	ssyncset.done $0x0  }
0x2a: {  	s6 =	rddreg [dreg:$0x5];
	[sflag:s28] =	ssyncadd.s32 $0xFFFFC000  }
0x2b: {  	[hbm4b:s6+s3] =	stream.linear.scatter [tilespmem:s22], [sflag:$0x3], $0x4000, $0x38;
	[tilespmem:$0x12800] =	vst v63  }
0x2c: {  	s7 =	rddreg [dreg:$0x6]  }
0x2d: {  	[hbm4b:s7+s3] =	stream.linear.scatter [tilespmem:s23], [sflag:$0x3], $0x4000, $0x38;
	[tilespmem:$0x12800] =	vst v63  }
0x2e: {  	_ =	swait.ge [sflag:s29], $0x4000  }
0x2f: {  	[sflag:s29] =	ssyncset.done $0x0  }
0x30: {  	[sflag:s29] =	ssyncadd.s32 $0xFFFFC000  }
0x31: {  	_ =	swait.ge [sflag:s29], $0x4000  }
0x32: {  	[sflag:s29] =	ssyncset.done $0x0  }
0x33: {  	s8 =	rddreg [dreg:$0x7];
	[sflag:s29] =	ssyncadd.s32 $0xFFFFC000  }
0x34: {  	[hbm4b:s8+s3] =	stream.linear.scatter [tilespmem:s24], [sflag:$0x4], $0x4000, $0x38;
	[tilespmem:$0x12800] =	vst v63  }
0x35: {  	_ = 	snop  }
0x36: {  	[hbm4b:s10+s3] =	stream.linear.scatter [tilespmem:s26], [sflag:$0x4], $0x4000, $0x38;
	[tilespmem:$0x12800] =	vst v63  }
0x37: {  	_ =	swait.ge [sflag:s30], $0x4000  }
0x38: {  	[sflag:s30] =	ssyncset.done $0x0  }
0x39: {  	[sflag:s30] =	ssyncadd.s32 $0xFFFFC000  }
0x3a: {  	_ =	swait.ge [sflag:s30], $0x4000  }
0x3b: {  	[sflag:s30] =	ssyncset.done $0x0  }
0x3c: {  	s9 =	simm.s32 $0x100;
	[sflag:s30] =	ssyncadd.s32 $0xFFFFC000  }
0x3d: {  	[tilespmem:s22], [sflag:$0x1] =	stream.indirect.gather [hbm4b:s2+s21], $0x80, s9, s21, $0xb8;
	[tilespmem:$0x12800] =	vst v63  }
0x3e: {  	s5 =	simm.s32 $0x1500  }
0x3f: {  	[tilespmem:s23], [sflag:$0x1] =	stream.indirect.gather [hbm4b:s4+s21], $0x80, s5, s21, $0xb8;
	[tilespmem:$0x12800] =	vst v63  }
0x40: {  	_ =	swait.ge [sflag:s31], $0x4000  }
0x41: {  	[sflag:s31] =	ssyncset.done $0x0  }
0x42: {  	[sflag:s31] =	ssyncadd.s32 $0xFFFFC000  }
0x43: {  	_ =	swait.ge [sflag:s31], $0x4000  }
0x44: {  	[sflag:s31] =	ssyncset.done $0x0  }
0x45: {  	s6 =	simm.s32 $0x180;
	[sflag:s31] =	ssyncadd.s32 $0xFFFFC000  }
0x46: {  	[tilespmem:s24], [sflag:$0x2] =	stream.indirect.gather [hbm4b:s2+s21], $0x80, s6, s21, $0xb8;
	[tilespmem:$0x12800] =	vst v63  }
0x47: {  	s7 =	simm.s32 $0x1580  }
0x48: {  	[tilespmem:s26], [sflag:$0x2] =	stream.indirect.gather [hbm4b:s4+s21], $0x80, s7, s21, $0xb8;
	[tilespmem:$0x12800] =	vst v63  }
0x49: {  	_ =	swait.ge [sflag:s28], $0x4000  }
0x4a: {  	[sflag:s28] =	ssyncset.done $0x0  }
0x4b: {  	[sflag:s28] =	ssyncadd.s32 $0xFFFFC000  }
0x4c: {  	_ =	swait.ge [sflag:s28], $0x4000  }
0x4d: {  	s8 =	sadd.s32 s17, s16;
	[sflag:s28] =	ssyncset.done $0x0  }
0x4e: {  	s5 =	sadd.s32 $0x1000, s8;
	s6 =	sadd.s32 s18, s16;
	[sflag:s28] =	ssyncadd.s32 $0xFFFFC000  }
0x4f: {  	[hbm4b:s5+s3] =	stream.linear.scatter [tilespmem:s22], [sflag:$0x3], $0x4000, $0x38;
	[tilespmem:$0x12800] =	vst v63  }
0x50: {  	s9 =	sadd.s32 $0x1000, s6  }
0x51: {  	[hbm4b:s9+s3] =	stream.linear.scatter [tilespmem:s23], [sflag:$0x3], $0x4000, $0x38;
	[tilespmem:$0x12800] =	vst v63  }
0x52: {  	_ =	swait.ge [sflag:s29], $0x4000  }
0x53: {  	[sflag:s29] =	ssyncset.done $0x0  }
0x54: {  	[sflag:s29] =	ssyncadd.s32 $0xFFFFC000  }
0x55: {  	_ =	swait.ge [sflag:s29], $0x4000  }
0x56: {  	[sflag:s29] =	ssyncset.done $0x0  }
0x57: {  	s0 =	sadd.s32 $0x1800, s8;
	s7 =	sadd.s32 $0x1800, s6;
	[sflag:s29] =	ssyncadd.s32 $0xFFFFC000  }
0x58: {  	[hbm4b:s0+s3] =	stream.linear.scatter [tilespmem:s24], [sflag:$0x4], $0x4000, $0x38;
	[tilespmem:$0x12800] =	vst v63  }
0x59: {  	s6 =	sadd.s32 $0x1000, s18;
	s5 =	sadd.s32 $0x1000, s17;
	s0 =	simm.s32 $0x400  }
.LBB2_2:
0x5a: {  	[hbm4b:s7+s3] =	stream.linear.scatter [tilespmem:s26], [sflag:$0x4], $0x4000, $0x38;
	[tilespmem:$0x12800] =	vst v63  }
0x5b: {  	s7 =	smov.u32 s0  }
0x5c: {  	p0 =	sne.s32 s0, $0x4400;
	s0 =	sadd.s32 $0x400, s0;
	_ =	swait.ge [sflag:s30], $0x4000  }
0x5d: {  	[sflag:s30] =	ssyncset.done $0x0  }
0x5e: {  	[sflag:s30] =	ssyncadd.s32 $0xFFFFC000  }
0x5f: {  	_ =	swait.ge [sflag:s30], $0x4000  }
0x60: {  	s7 =	sshra.s32 s7, $0x2;
	[sflag:s30] =	ssyncset.done $0x0  }
0x61: {  	s8 =	sadd.s32 $0x100, s7;
	[sflag:s30] =	ssyncadd.s32 $0xFFFFC000  }
0x62: {  	[tilespmem:s22], [sflag:$0x1] =	stream.indirect.gather [hbm4b:s2+s21], $0x80, s8, s21, $0xb8;
	[tilespmem:$0x12800] =	vst v63  }
0x63: {  	s8 =	sadd.s32 $0x1500, s7  }
0x64: {  	[tilespmem:s23], [sflag:$0x1] =	stream.indirect.gather [hbm4b:s4+s21], $0x80, s8, s21, $0xb8;
	[tilespmem:$0x12800] =	vst v63  }
0x65: {  	_ =	swait.ge [sflag:s31], $0x4000  }
0x66: {  	[sflag:s31] =	ssyncset.done $0x0  }
0x67: {  	[sflag:s31] =	ssyncadd.s32 $0xFFFFC000  }
0x68: {  	_ =	swait.ge [sflag:s31], $0x4000  }
0x69: {  	[sflag:s31] =	ssyncset.done $0x0  }
0x6a: {  	s8 =	sadd.s32 $0x180, s7;
	[sflag:s31] =	ssyncadd.s32 $0xFFFFC000  }
0x6b: {  	[tilespmem:s24], [sflag:$0x2] =	stream.indirect.gather [hbm4b:s2+s21], $0x80, s8, s21, $0xb8;
	[tilespmem:$0x12800] =	vst v63  }
0x6c: {  	s7 =	sadd.s32 $0x1580, s7  }
0x6d: {  	[tilespmem:s26], [sflag:$0x2] =	stream.indirect.gather [hbm4b:s4+s21], $0x80, s7, s21, $0xb8;
	[tilespmem:$0x12800] =	vst v63  }
0x6e: {  	_ =	swait.ge [sflag:s28], $0x4000  }
0x6f: {  	[sflag:s28] =	ssyncset.done $0x0  }
0x70: {  	[sflag:s28] =	ssyncadd.s32 $0xFFFFC000  }
0x71: {  	_ =	swait.ge [sflag:s28], $0x4000  }
0x72: {  	s7 =	sadd.s32 s5, s16;
	[sflag:s28] =	ssyncset.done $0x0  }
0x73: {  	s9 =	sadd.s32 s6, s16;
	s8 =	sadd.s32 $0x1000, s7;
	[sflag:s28] =	ssyncadd.s32 $0xFFFFC000  }
0x74: {  	[hbm4b:s8+s3] =	stream.linear.scatter [tilespmem:s22], [sflag:$0x3], $0x4000, $0x38;
	[tilespmem:$0x12800] =	vst v63  }
0x75: {  	s8 =	sadd.s32 $0x1000, s9  }
0x76: {  	[hbm4b:s8+s3] =	stream.linear.scatter [tilespmem:s23], [sflag:$0x3], $0x4000, $0x38;
	[tilespmem:$0x12800] =	vst v63  }
0x77: {  	_ =	swait.ge [sflag:s29], $0x4000  }
0x78: {  	[sflag:s29] =	ssyncset.done $0x0  }
0x79: {  	[sflag:s29] =	ssyncadd.s32 $0xFFFFC000  }
.Ltmp0:
0x7a: {  	_ =	swait.ge [sflag:s29], $0x4000;
	(pc) =	sbr.rel @p0 .LBB2_2-.Ltmp0, $4  }
0x7b: {  	[sflag:s29] =	ssyncset.done $0x0  }
0x7c: {  	s7 =	sadd.s32 $0x1800, s7;
	[sflag:s29] =	ssyncadd.s32 $0xFFFFC000  }
0x7d: {  	[hbm4b:s7+s3] =	stream.linear.scatter [tilespmem:s24], [sflag:$0x4], $0x4000, $0x38;
	[tilespmem:$0x12800] =	vst v63  }
0x7e: {  	s6 =	sadd.s32 $0x1000, s6;
	s5 =	sadd.s32 $0x1000, s5;
	s7 =	sadd.s32 $0x1800, s9  }
0x7f: {  	[hbm4b:s7+s3] =	stream.linear.scatter [tilespmem:s26], [sflag:$0x4], $0x4000, $0x38;
	[tilespmem:$0x12800] =	vst v63  }
0x80: {  	_ =	swait.ge [sflag:s30], $0x4000  }
0x81: {  	[sflag:s30] =	ssyncset.done $0x0  }
0x82: {  	[sflag:s30] =	ssyncadd.s32 $0xFFFFC000  }
0x83: {  	_ =	swait.ge [sflag:s30], $0x4000  }
0x84: {  	[sflag:s30] =	ssyncset.done $0x0  }
0x85: {  	s0 =	simm.s32 $0x1300;
	[sflag:s30] =	ssyncadd.s32 $0xFFFFC000  }
0x86: {  	[tilespmem:s22], [sflag:$0x1] =	stream.indirect.gather [hbm4b:s2+s21], $0x80, s0, s21, $0xb8;
	[tilespmem:$0x12800] =	vst v63  }
0x87: {  	s7 =	simm.s32 $0x2700  }
0x88: {  	[tilespmem:s23], [sflag:$0x1] =	stream.indirect.gather [hbm4b:s4+s21], $0x80, s7, s21, $0xb8;
	[tilespmem:$0x12800] =	vst v63  }
0x89: {  	_ =	swait.ge [sflag:s28], $0x4000  }
0x8a: {  	[sflag:s28] =	ssyncset.done $0x0  }
0x8b: {  	[sflag:s28] =	ssyncadd.s32 $0xFFFFC000  }
0x8c: {  	_ =	swait.ge [sflag:s28], $0x4000  }
0x8d: {  	[sflag:s28] =	ssyncset.done $0x0  }
0x8e: {  	[sflag:s28] =	ssyncadd.s32 $0xFFFFC000  }
0x8f: {  	[hbm4b:s11+s3] =	stream.linear.scatter [tilespmem:s22], [sflag:$0x3], $0x4000, $0x38;
	[tilespmem:$0x12800] =	vst v63  }
0x90: {  	_ = 	snop  }
0x91: {  	[hbm4b:s12+s3] =	stream.linear.scatter [tilespmem:s23], [sflag:$0x3], $0x4000, $0x38;
	[tilespmem:$0x12800] =	vst v63  }
0x92: {  	_ =	swait.ge [sflag:s30], $0x4000  }
0x93: {  	[sflag:s30] =	ssyncset.done $0x0  }
0x94: {  	[sflag:s30] =	ssyncadd.s32 $0xFFFFC000  }
0x95: {  	_ =	swait.ge [sflag:s30], $0x4000  }
0x96: {  	[sflag:s30] =	ssyncset.done $0x0  }
0x97: {  	[sflag:s30] =	ssyncadd.s32 $0xFFFFC000  }
0x98: {  	_ =	swait.ge [sflag:s31], $0x4000  }
0x99: {  	[sflag:s31] =	ssyncset.done $0x0  }
0x9a: {  	[sflag:s31] =	ssyncadd.s32 $0xFFFFC000  }
0x9b: {  	_ =	swait.ge [sflag:s31], $0x4000  }
0x9c: {  	[sflag:s31] =	ssyncset.done $0x0  }
0x9d: {  	s8 =	simm.s32 $0x1380;
	[sflag:s31] =	ssyncadd.s32 $0xFFFFC000  }
0x9e: {  	[tilespmem:s22], [sflag:$0x1] =	stream.indirect.gather [hbm4b:s2+s25], $0x80, s8, s25, $0xb8;
	[tilespmem:$0x12800] =	vst v63  }
0x9f: {  	s9 =	simm.s32 $0x2780  }
0xa0: {  	[tilespmem:s23], [sflag:$0x1] =	stream.indirect.gather [hbm4b:s4+s25], $0x80, s9, s25, $0xb8;
	[tilespmem:$0x12800] =	vst v63  }
0xa1: {  	_ =	swait.ge [sflag:s28], $0x400  }
0xa2: {  	[sflag:s28] =	ssyncset.done $0x0  }
0xa3: {  	[sflag:s28] =	ssyncadd.s32 $0xFFFFFC00  }
0xa4: {  	_ =	swait.ge [sflag:s28], $0x400  }
0xa5: {  	[sflag:s28] =	ssyncset.done $0x0  }
0xa6: {  	[sflag:s28] =	ssyncadd.s32 $0xFFFFFC00  }
0xa7: {  	[hbm4b:s13+s3] =	stream.linear.scatter [tilespmem:s22], [sflag:$0x5], $0x400, $0x38;
	[tilespmem:$0x12800] =	vst v63  }
0xa8: {  	s1 =	sadd.s32 $0x1, s1;
	_ =	swait.ge [sflag:s19], $0x400  }
0xa9: {  	p0 =	sne.s32 s1, s15;
	[sflag:s19] =	ssyncset.done $0x0  }
.Ltmp1:
0xaa: {  	[sflag:s19] =	ssyncadd.s32 $0xFFFFFC00;
	(pc) =	sbr.rel @p0 .LBB2_1-.Ltmp1, $4  }
0xab: {  	[hbm4b:s14+s3] =	stream.linear.scatter [tilespmem:s23], [sflag:$0x5], $0x400, $0x38;
	[tilespmem:$0x12800] =	vst v63  }
0xac: {  	_ =	swait.ge [sflag:s19], $0x400  }
0xad: {  	[sflag:s19] =	ssyncset.done $0x0  }
0xae: {  	[sflag:s19] =	ssyncadd.s32 $0xFFFFFC00  }
0xaf: {  	_ =	sfence.sel $0x180000  }
0xb0: {  	[bflag:$0x0] =	sbarrier.arrive $0xFFFF  }
0xb1: {  	_ =	strace $0x90000053  }
0xb2: {  	s0 =	stileid.u32;
	[bflag:$0x2] =	sbarrier.arrive $0xFFFF  }
0xb3: {  	p0 =	sne.s32 s0, $0x0;
	s0 =	rddreg [dreg:$0x2]  }
0xb4: {  	s0 =	sadd.s32 @!p0 $0x100000, s0  }
0xb5: {  	[sflag:s0] =	ssyncadd.tile.s32 @!p0 $0x1;
	_ =	shalt  }
.Lfunc_end2:
_tile_overlayer_lowered:
.L_overlay_start_2:
0xb6: {  	(tag) =	ssettag $0x2  }
0xb7: {  	s0 =	rddreg [dreg:$0x0];
	s2 =	stileid.u32  }
0xb8: {  	s1 =	rddreg [dreg:$0x1];
	p0 =	sne.s32 s2, $0x0  }
0xb9: {  	s3 =	rddreg [dreg:$0x2];
	[bflag:$0x3] =	sbarrier.arrive $0xFFFF;
	s2 =	simm.s32 @!p0 $0x1C05  }
0xba: {  	[timem:s3], [sflag:s2] =	dma.local @!p0 [hbm:s0], s1  }
0xbb: {  	s0 =	simm.s32 @!p0 $0x5  }
0xbc: {  	_ =	swait.ge @!p0 [sflag:s0], s1  }
0xbd: {  	s1 =	ssub.s32 @!p0 $0x0, s1;
	[sflag:s0] =	ssyncset.done @!p0 $0x0  }
0xbe: {  	[sflag:s0] =	ssyncadd.s32 @!p0 s1  }
0xbf: {  	[bflag:$0x3] =	sbarrier.arrive $0xFFFF  }
0xc0: {  	_ =	shalt  }

</sc_bundles>
